<compile_context>
chip_gen: v7x
topology: tpu7x:2x2x1
jax: 0.10.2.dev20260603
libtpu: 0.0.44.dev20260713+nightly
codegen_flags: <defaults>
</compile_context>

<pallas_src>
import functools

import jax
import jax.numpy as jnp
from jax import lax
from jax.experimental import pallas as pl
from jax.experimental.pallas import tpu as pltpu
from jax.experimental.pallas import tpu_sc as plsc

B = 4096
N = 2048
XROW = 3 * N
L = 16
G = N // L
UNROLL = 8
NBUF = 4


def _sc_call(x, pe0, pe1):
    info = plsc.get_sparse_core_info()
    nc, ns = info.num_cores, info.num_subcores
    nw = nc * ns
    rows_per_w = B // nw

    mesh = plsc.VectorSubcoreMesh(core_axis_name="c", subcore_axis_name="s")

    scratch = (
        [pltpu.VMEM((XROW,), jnp.float32) for _ in range(NBUF)]
        + [pltpu.VMEM((5, N), jnp.float32) for _ in range(NBUF)]
        + [pltpu.VMEM((N,), jnp.int32) for _ in range(NBUF)]
        + [pltpu.VMEM((N,), jnp.float32), pltpu.VMEM((N,), jnp.float32)]
        + [pltpu.SemaphoreType.DMA for _ in range(2 * NBUF)]
    )

    @functools.partial(
        pl.kernel,
        mesh=mesh,
        compiler_params=pltpu.CompilerParams(needs_layout_passes=False),
        out_type=[
            jax.ShapeDtypeStruct((5, B, N), jnp.float32),
            jax.ShapeDtypeStruct((B, N), jnp.int32),
        ],
        scratch_types=scratch,
    )
    def k(x_hbm, pe0_hbm, pe1_hbm, out_hbm, mask_hbm, *bufs):
        xin = bufs[0:NBUF]
        ob = bufs[NBUF:2 * NBUF]
        mb = bufs[2 * NBUF:3 * NBUF]
        pe0v, pe1v = bufs[3 * NBUF], bufs[3 * NBUF + 1]
        sin = bufs[3 * NBUF + 2:3 * NBUF + 2 + NBUF]
        sout = bufs[3 * NBUF + 2 + NBUF:]

        wid = lax.axis_index("s") * nc + lax.axis_index("c")
        r0 = wid * rows_per_w
        pltpu.sync_copy(pe0_hbm, pe0v)
        pltpu.sync_copy(pe1_hbm, pe1v)
        iota = lax.iota(jnp.int32, L)
        gidx = iota * 3
        zero = jnp.zeros((L,), jnp.float32)

        def issue_in(r, b):
            pltpu.async_copy(x_hbm.at[r], xin[b], sin[b])

        def wait_in(b):
            pltpu.make_async_copy(x_hbm.at[0], xin[b], sin[b]).wait()

        def issue_out(r, b):
            pltpu.async_copy(ob[b], out_hbm.at[:, r], sout[b])
            pltpu.async_copy(mb[b], mask_hbm.at[r], sout[b])

        def wait_out(r, b):
            pltpu.make_async_copy(ob[b], out_hbm.at[:, r], sout[b]).wait()
            pltpu.make_async_copy(mb[b], mask_hbm.at[r], sout[b]).wait()

        def compute(b):
            obuf = ob[b]
            mbuf = mb[b]
            xbuf = xin[b]

            def grp(gi, c):
                for u in range(UNROLL):
                    g = gi * UNROLL + u
                    i0 = gidx + g * (3 * L)
                    v0 = plsc.load_gather(xbuf, [i0])
                    v1 = plsc.load_gather(xbuf, [i0 + 1])
                    v2 = plsc.load_gather(xbuf, [i0 + 2])
                    p0 = pe0v[pl.ds(g * L, L)]
                    p1 = pe1v[pl.ds(g * L, L)]
                    m = v2 > 0.0
                    obuf[0, pl.ds(g * L, L)] = jnp.where(m, v0, zero)
                    obuf[1, pl.ds(g * L, L)] = jnp.where(m, v1, zero)
                    obuf[2, pl.ds(g * L, L)] = jnp.where(m, v2, zero)
                    obuf[3, pl.ds(g * L, L)] = jnp.where(m, p0, zero)
                    obuf[4, pl.ds(g * L, L)] = jnp.where(m, p1, zero)
                    mbuf[pl.ds(g * L, L)] = jnp.where(m, 1, 0)
                return c

            lax.fori_loop(0, G // UNROLL, grp, 0)

        for b in range(NBUF):
            issue_in(r0 + b, b)

        def ring_body(j, carry):
            for b in range(NBUF):
                i = NBUF * j + b
                r = r0 + i
                wait_in(b)

                @pl.when(j > 0)
                def _():
                    wait_out(r - NBUF, b)

                compute(b)
                issue_out(r, b)

                @pl.when(i + NBUF < rows_per_w)
                def _():
                    issue_in(r + NBUF, b)

            return carry

        lax.fori_loop(0, rows_per_w // NBUF, ring_body, 0)
        for b in range(NBUF):
            wait_out(r0 + rows_per_w - NBUF + b, b)

    return k(x, pe0, pe1)


def kernel(x, pe):
    pe0 = jnp.asarray(pe[:, 0])
    pe1 = jnp.asarray(pe[:, 1])
    out_p, mask_i = _sc_call(x, pe0, pe1)
    return jnp.moveaxis(out_p, 0, -1), mask_i.astype(bool)

# --- scband reference (transcript-rebuilt; emitter-appended) ---
"""Pipeline reference for scband-input-embedding-24910810317608 (READ-ONLY COPY).

The authoritative reference and input builder live on the scoring server;
editing this copy changes nothing except your own understanding.
"""

import jax, jax.numpy as jnp
import numpy as np
import math

MAX_LEN = 2048
PE_DIM = 2  # kind='cat' -> PositionalEncoding(2)

def _build_pe(max_len, d_model):
    position = jnp.arange(0, max_len, dtype=jnp.float32)[:, None]
    div_term = jnp.exp(jnp.arange(0, d_model, 2, dtype=jnp.float32) * (-math.log(10000.0) / d_model))
    pe = jnp.zeros((max_len, d_model), dtype=jnp.float32)
    pe = pe.at[:, 0::2].set(jnp.sin(position * div_term))
    pe = pe.at[:, 1::2].set(jnp.cos(position * div_term))
    return pe  # [max_len, d_model]

def setup_inputs(seed: int = 0) -> dict:
    key = jax.random.key(seed)
    kx, = jax.random.split(key, 1)
    x = jax.random.normal(kx, (4096, 6144), dtype=jnp.float32)
    pe = _build_pe(MAX_LEN, PE_DIM)
    return {"x": x, "pe": pe}

def reference(x, pe):
    # scene_disp=False branch: rearrange 'b (n d) -> b n d', d=3
    B = x.shape[0]
    n = x.shape[1] // 3
    out = x.reshape(B, n, 3)
    # generate_mask_keypoints: confidence channel > 0
    mask = out[:, :, -1] > 0  # [B, n] bool
    # confidence=True -> no conf_remover
    # PositionalEncoding kind='cat': pe [max_len,1,d] -> permute/repeat -> [B, max_len, d]; cat pe[:, :n]
    pe_b = jnp.broadcast_to(pe[None, :n, :], (B, n, pe.shape[-1]))
    out = jnp.concatenate([out, pe_b], axis=2)  # [B, n, 3+2]
    # out[condition] = 0 where condition = (mask == False): masked scatter-overwrite
    out = jnp.where(mask[:, :, None], out, jnp.zeros((), dtype=out.dtype))
    return out, mask

if __name__ == "__main__":
    import jax
    _d = setup_inputs()
    print(jax.jit(kernel)(*tuple(_d.values())))

</pallas_src>

<mosaic_0001>
#map = affine_map<(d0, d1) -> (0, 0)>
#map1 = affine_map<(d0, d1) -> (0)>
#map2 = affine_map<(d0, d1) -> (0, 0, 0)>
module attributes {stable_mosaic.version = 14 : i64} {
  func.func @k(%arg0: i32, %arg1: i32, %arg2: memref<4096x6144xf32, #tpu.memory_space<hbm>>, %arg3: memref<2048xf32, #tpu.memory_space<hbm>>, %arg4: memref<2048xf32, #tpu.memory_space<hbm>>, %arg5: memref<5x4096x2048xf32, #tpu.memory_space<hbm>>, %arg6: memref<4096x2048xi32, #tpu.memory_space<hbm>>, %arg7: memref<6144xf32, #tpu.memory_space<vmem>>, %arg8: memref<6144xf32, #tpu.memory_space<vmem>>, %arg9: memref<6144xf32, #tpu.memory_space<vmem>>, %arg10: memref<6144xf32, #tpu.memory_space<vmem>>, %arg11: memref<5x2048xf32, #tpu.memory_space<vmem>>, %arg12: memref<5x2048xf32, #tpu.memory_space<vmem>>, %arg13: memref<5x2048xf32, #tpu.memory_space<vmem>>, %arg14: memref<5x2048xf32, #tpu.memory_space<vmem>>, %arg15: memref<2048xi32, #tpu.memory_space<vmem>>, %arg16: memref<2048xi32, #tpu.memory_space<vmem>>, %arg17: memref<2048xi32, #tpu.memory_space<vmem>>, %arg18: memref<2048xi32, #tpu.memory_space<vmem>>, %arg19: memref<2048xf32, #tpu.memory_space<vmem>>, %arg20: memref<2048xf32, #tpu.memory_space<vmem>>, %arg21: memref<!tpu.dma_semaphore, #tpu.memory_space<semaphore_mem>>, %arg22: memref<!tpu.dma_semaphore, #tpu.memory_space<semaphore_mem>>, %arg23: memref<!tpu.dma_semaphore, #tpu.memory_space<semaphore_mem>>, %arg24: memref<!tpu.dma_semaphore, #tpu.memory_space<semaphore_mem>>, %arg25: memref<!tpu.dma_semaphore, #tpu.memory_space<semaphore_mem>>, %arg26: memref<!tpu.dma_semaphore, #tpu.memory_space<semaphore_mem>>, %arg27: memref<!tpu.dma_semaphore, #tpu.memory_space<semaphore_mem>>, %arg28: memref<!tpu.dma_semaphore, #tpu.memory_space<semaphore_mem>>) attributes {dimension_semantics = [#tpu.dimension_semantics<core_parallel>, #tpu.dimension_semantics<subcore_parallel>], iteration_bounds = array<i64: 2, 16>, scalar_prefetch = 0 : i64, scratch_operands = 22 : i64, tpu.core_type = #tpu.core_type<sc_vector_subcore>, window_params = [{transform_indices = #map}, {transform_indices = #map1}, {transform_indices = #map1}, {transform_indices = #map2}, {transform_indices = #map}]} {
    %mul3A = arith.constant 2 : i32
    %mul3A_0 = arith.muli %arg1, %mul3A : i32
    %add3A = arith.addi %mul3A_0, %arg0 : i32
    %mul3A_1 = arith.constant 128 : i32
    %mul3A_2 = arith.muli %add3A, %mul3A_1 : i32
    "tpu.region"() ({
      %run_scoped3A = tpu.sem_alloc : memref<!tpu.dma_semaphore, #tpu.memory_space<semaphore_mem>>
      tpu.enqueue_dma source(%arg3 : memref<2048xf32, #tpu.memory_space<hbm>>) target(%arg19 : memref<2048xf32, #tpu.memory_space<vmem>>) target_semaphore(%run_scoped3A : memref<!tpu.dma_semaphore, #tpu.memory_space<semaphore_mem>>)
      tpu.wait_dma2 semaphore(%run_scoped3A : memref<!tpu.dma_semaphore, #tpu.memory_space<semaphore_mem>>) src(%arg3 : memref<2048xf32, #tpu.memory_space<hbm>>) dst(%arg19 : memref<2048xf32, #tpu.memory_space<vmem>>)
      tpu.yield
    }) : () -> ()
    "tpu.region"() ({
      %run_scoped3A = tpu.sem_alloc : memref<!tpu.dma_semaphore, #tpu.memory_space<semaphore_mem>>
      tpu.enqueue_dma source(%arg4 : memref<2048xf32, #tpu.memory_space<hbm>>) target(%arg20 : memref<2048xf32, #tpu.memory_space<vmem>>) target_semaphore(%run_scoped3A : memref<!tpu.dma_semaphore, #tpu.memory_space<semaphore_mem>>)
      tpu.wait_dma2 semaphore(%run_scoped3A : memref<!tpu.dma_semaphore, #tpu.memory_space<semaphore_mem>>) src(%arg4 : memref<2048xf32, #tpu.memory_space<hbm>>) dst(%arg20 : memref<2048xf32, #tpu.memory_space<vmem>>)
      tpu.yield
    }) : () -> ()
    %iota3A = tpu.iota {dimensions = array<i32: 0>} : vector<16xi32>
    %mul3A_3 = arith.constant 3 : i32
    %mul3A_4 = vector.broadcast %mul3A_3 : i32 to vector<16xi32>
    %mul3A_5 = arith.muli %iota3A, %mul3A_4 : vector<16xi32>
    %broadcast_in_dim3A = arith.constant 0.000000e+00 : f32
    %broadcast_in_dim3A_6 = vector.broadcast %broadcast_in_dim3A : f32 to vector<16xf32>
    %add3A_7 = arith.constant 0 : i32
    %add3A_8 = arith.addi %mul3A_2, %add3A_7 : i32
    %dma_start3A = arith.constant 0 : i32
    %dma_start3A_9 = tpu.memref_slice %arg2[%add3A_8, %dma_start3A] : memref<4096x6144xf32, #tpu.memory_space<hbm>> -> memref<1x6144xf32, #tpu.memory_space<hbm>>
    %dma_start3A_10 = tpu.memref_squeeze %dma_start3A_9 : memref<1x6144xf32, #tpu.memory_space<hbm>> -> memref<6144xf32, #tpu.memory_space<hbm>>
    %dma_start3A_11 = arith.constant 0 : i32
    %dma_start3A_12 = tpu.memref_slice %arg2[%add3A_8, %dma_start3A_11] : memref<4096x6144xf32, #tpu.memory_space<hbm>> -> memref<1x6144xf32, #tpu.memory_space<hbm>>
    %dma_start3A_13 = tpu.memref_squeeze %dma_start3A_12 : memref<1x6144xf32, #tpu.memory_space<hbm>> -> memref<6144xf32, #tpu.memory_space<hbm>>
    tpu.enqueue_dma source(%dma_start3A_13 : memref<6144xf32, #tpu.memory_space<hbm>>) target(%arg7 : memref<6144xf32, #tpu.memory_space<vmem>>) target_semaphore(%arg21 : memref<!tpu.dma_semaphore, #tpu.memory_space<semaphore_mem>>)
    %add3A_14 = arith.constant 1 : i32
    %add3A_15 = arith.addi %mul3A_2, %add3A_14 : i32
    %dma_start3A_16 = arith.constant 0 : i32
    %dma_start3A_17 = tpu.memref_slice %arg2[%add3A_15, %dma_start3A_16] : memref<4096x6144xf32, #tpu.memory_space<hbm>> -> memref<1x6144xf32, #tpu.memory_space<hbm>>
    %dma_start3A_18 = tpu.memref_squeeze %dma_start3A_17 : memref<1x6144xf32, #tpu.memory_space<hbm>> -> memref<6144xf32, #tpu.memory_space<hbm>>
    %dma_start3A_19 = arith.constant 0 : i32
    %dma_start3A_20 = tpu.memref_slice %arg2[%add3A_15, %dma_start3A_19] : memref<4096x6144xf32, #tpu.memory_space<hbm>> -> memref<1x6144xf32, #tpu.memory_space<hbm>>
    %dma_start3A_21 = tpu.memref_squeeze %dma_start3A_20 : memref<1x6144xf32, #tpu.memory_space<hbm>> -> memref<6144xf32, #tpu.memory_space<hbm>>
    tpu.enqueue_dma source(%dma_start3A_21 : memref<6144xf32, #tpu.memory_space<hbm>>) target(%arg8 : memref<6144xf32, #tpu.memory_space<vmem>>) target_semaphore(%arg22 : memref<!tpu.dma_semaphore, #tpu.memory_space<semaphore_mem>>)
    %add3A_22 = arith.constant 2 : i32
    %add3A_23 = arith.addi %mul3A_2, %add3A_22 : i32
    %dma_start3A_24 = arith.constant 0 : i32
    %dma_start3A_25 = tpu.memref_slice %arg2[%add3A_23, %dma_start3A_24] : memref<4096x6144xf32, #tpu.memory_space<hbm>> -> memref<1x6144xf32, #tpu.memory_space<hbm>>
    %dma_start3A_26 = tpu.memref_squeeze %dma_start3A_25 : memref<1x6144xf32, #tpu.memory_space<hbm>> -> memref<6144xf32, #tpu.memory_space<hbm>>
    %dma_start3A_27 = arith.constant 0 : i32
    %dma_start3A_28 = tpu.memref_slice %arg2[%add3A_23, %dma_start3A_27] : memref<4096x6144xf32, #tpu.memory_space<hbm>> -> memref<1x6144xf32, #tpu.memory_space<hbm>>
    %dma_start3A_29 = tpu.memref_squeeze %dma_start3A_28 : memref<1x6144xf32, #tpu.memory_space<hbm>> -> memref<6144xf32, #tpu.memory_space<hbm>>
    tpu.enqueue_dma source(%dma_start3A_29 : memref<6144xf32, #tpu.memory_space<hbm>>) target(%arg9 : memref<6144xf32, #tpu.memory_space<vmem>>) target_semaphore(%arg23 : memref<!tpu.dma_semaphore, #tpu.memory_space<semaphore_mem>>)
    %add3A_30 = arith.constant 3 : i32
    %add3A_31 = arith.addi %mul3A_2, %add3A_30 : i32
    %dma_start3A_32 = arith.constant 0 : i32
    %dma_start3A_33 = tpu.memref_slice %arg2[%add3A_31, %dma_start3A_32] : memref<4096x6144xf32, #tpu.memory_space<hbm>> -> memref<1x6144xf32, #tpu.memory_space<hbm>>
    %dma_start3A_34 = tpu.memref_squeeze %dma_start3A_33 : memref<1x6144xf32, #tpu.memory_space<hbm>> -> memref<6144xf32, #tpu.memory_space<hbm>>
    %dma_start3A_35 = arith.constant 0 : i32
    %dma_start3A_36 = tpu.memref_slice %arg2[%add3A_31, %dma_start3A_35] : memref<4096x6144xf32, #tpu.memory_space<hbm>> -> memref<1x6144xf32, #tpu.memory_space<hbm>>
    %dma_start3A_37 = tpu.memref_squeeze %dma_start3A_36 : memref<1x6144xf32, #tpu.memory_space<hbm>> -> memref<6144xf32, #tpu.memory_space<hbm>>
    tpu.enqueue_dma source(%dma_start3A_37 : memref<6144xf32, #tpu.memory_space<hbm>>) target(%arg10 : memref<6144xf32, #tpu.memory_space<vmem>>) target_semaphore(%arg24 : memref<!tpu.dma_semaphore, #tpu.memory_space<semaphore_mem>>)
    %scan3A = arith.constant 0 : i32
    %scan3A_38 = arith.constant 0 : i32
    %scan3A_39 = arith.constant 32 : i32
    %scan3A_40 = arith.addi %scan3A_38, %scan3A_39 : i32
    %scan3A_41 = arith.constant 1 : i32
    scf.for %scan3A_121 = %scan3A_38 to %scan3A_40 step %scan3A_41  : i32 {
      %mul3A_122 = arith.constant 4 : i32
      %mul3A_123 = arith.muli %mul3A_122, %scan3A_121 : i32
      %add3A_124 = arith.constant 0 : i32
      %add3A_125 = arith.addi %mul3A_123, %add3A_124 : i32
      %add3A_126 = arith.addi %mul3A_2, %add3A_125 : i32
      %dma_wait3A_127 = arith.constant 0 : i32
      %dma_wait3A_128 = arith.constant 0 : i32
      %dma_wait3A_129 = tpu.memref_slice %arg2[%dma_wait3A_127, %dma_wait3A_128] : memref<4096x6144xf32, #tpu.memory_space<hbm>> -> memref<1x6144xf32, #tpu.memory_space<hbm>>
      %dma_wait3A_130 = tpu.memref_squeeze %dma_wait3A_129 : memref<1x6144xf32, #tpu.memory_space<hbm>> -> memref<6144xf32, #tpu.memory_space<hbm>>
      %dma_wait3A_131 = arith.constant 0 : i32
      %dma_wait3A_132 = tpu.memref_slice %arg2[%dma_wait3A_127, %dma_wait3A_131] : memref<4096x6144xf32, #tpu.memory_space<hbm>> -> memref<1x6144xf32, #tpu.memory_space<hbm>>
      %dma_wait3A_133 = tpu.memref_squeeze %dma_wait3A_132 : memref<1x6144xf32, #tpu.memory_space<hbm>> -> memref<6144xf32, #tpu.memory_space<hbm>>
      tpu.wait_dma2 semaphore(%arg21 : memref<!tpu.dma_semaphore, #tpu.memory_space<semaphore_mem>>) src(%dma_wait3A_133 : memref<6144xf32, #tpu.memory_space<hbm>>) dst(%arg7 : memref<6144xf32, #tpu.memory_space<vmem>>)
      %gt3A = arith.constant 0 : i32
      %gt3A_134 = arith.cmpi sgt, %scan3A_121, %gt3A : i32
      %convert_element_type3A = arith.extui %gt3A_134 : i1 to i32
      %cond3A = arith.constant 0 : i32
      %cond3A_135 = arith.cmpi ne, %convert_element_type3A, %cond3A : i32
      scf.if %cond3A_135 {
        %sub3A_294 = arith.constant 4 : i32
        %sub3A_295 = arith.subi %add3A_126, %sub3A_294 : i32
        %dma_wait3A_296 = arith.constant 0 : i32
        %dma_wait3A_297 = arith.constant 0 : i32
        %dma_wait3A_298 = tpu.memref_slice %arg5[%dma_wait3A_296, %sub3A_295, %dma_wait3A_297] : memref<5x4096x2048xf32, #tpu.memory_space<hbm>> -> memref<5x1x2048xf32, #tpu.memory_space<hbm>>
        %dma_wait3A_299 = tpu.memref_squeeze %dma_wait3A_298 : memref<5x1x2048xf32, #tpu.memory_space<hbm>> -> memref<5x2048xf32, #tpu.memory_space<hbm>>
        %dma_wait3A_300 = arith.constant 0 : i32
        %dma_wait3A_301 = arith.constant 0 : i32
        %dma_wait3A_302 = tpu.memref_slice %arg5[%dma_wait3A_300, %sub3A_295, %dma_wait3A_301] : memref<5x4096x2048xf32, #tpu.memory_space<hbm>> -> memref<5x1x2048xf32, #tpu.memory_space<hbm>>
        %dma_wait3A_303 = tpu.memref_squeeze %dma_wait3A_302 : memref<5x1x2048xf32, #tpu.memory_space<hbm>> -> memref<5x2048xf32, #tpu.memory_space<hbm>>
        tpu.wait_dma2 semaphore(%arg25 : memref<!tpu.dma_semaphore, #tpu.memory_space<semaphore_mem>>) src(%arg11 : memref<5x2048xf32, #tpu.memory_space<vmem>>) dst(%dma_wait3A_303 : memref<5x2048xf32, #tpu.memory_space<hbm>>)
        %dma_wait3A_304 = arith.constant 0 : i32
        %dma_wait3A_305 = tpu.memref_slice %arg6[%sub3A_295, %dma_wait3A_304] : memref<4096x2048xi32, #tpu.memory_space<hbm>> -> memref<1x2048xi32, #tpu.memory_space<hbm>>
        %dma_wait3A_306 = tpu.memref_squeeze %dma_wait3A_305 : memref<1x2048xi32, #tpu.memory_space<hbm>> -> memref<2048xi32, #tpu.memory_space<hbm>>
        %dma_wait3A_307 = arith.constant 0 : i32
        %dma_wait3A_308 = tpu.memref_slice %arg6[%sub3A_295, %dma_wait3A_307] : memref<4096x2048xi32, #tpu.memory_space<hbm>> -> memref<1x2048xi32, #tpu.memory_space<hbm>>
        %dma_wait3A_309 = tpu.memref_squeeze %dma_wait3A_308 : memref<1x2048xi32, #tpu.memory_space<hbm>> -> memref<2048xi32, #tpu.memory_space<hbm>>
        tpu.wait_dma2 semaphore(%arg25 : memref<!tpu.dma_semaphore, #tpu.memory_space<semaphore_mem>>) src(%arg15 : memref<2048xi32, #tpu.memory_space<vmem>>) dst(%dma_wait3A_309 : memref<2048xi32, #tpu.memory_space<hbm>>)
      } else {
      }
      %scan3A_136 = arith.constant 0 : i32
      %scan3A_137 = arith.constant 0 : i32
      %scan3A_138 = arith.constant 16 : i32
      %scan3A_139 = arith.addi %scan3A_137, %scan3A_138 : i32
      %scan3A_140 = arith.constant 1 : i32
      scf.for %scan3A_294 = %scan3A_137 to %scan3A_139 step %scan3A_140  : i32 {
        %mul3A_295 = arith.constant 8 : i32
        %mul3A_296 = arith.muli %scan3A_294, %mul3A_295 : i32
        %add3A_297 = arith.constant 0 : i32
        %add3A_298 = arith.addi %mul3A_296, %add3A_297 : i32
        %mul3A_299 = arith.constant 48 : i32
        %mul3A_300 = arith.muli %add3A_298, %mul3A_299 : i32
        %add3A_301 = vector.broadcast %mul3A_300 : i32 to vector<16xi32>
        %add3A_302 = arith.addi %mul3A_5, %add3A_301 : vector<16xi32>
        %gather3A = tpu.vector_load_idx %arg7[%add3A_302] : memref<6144xf32, #tpu.memory_space<vmem>>[vector<16xi32>], vector<16xf32>,
        %add3A_303 = arith.constant 1 : i32
        %add3A_304 = vector.broadcast %add3A_303 : i32 to vector<16xi32>
        %add3A_305 = arith.addi %add3A_302, %add3A_304 : vector<16xi32>
        %gather3A_306 = tpu.vector_load_idx %arg7[%add3A_305] : memref<6144xf32, #tpu.memory_space<vmem>>[vector<16xi32>], vector<16xf32>,
        %add3A_307 = arith.constant 2 : i32
        %add3A_308 = vector.broadcast %add3A_307 : i32 to vector<16xi32>
        %add3A_309 = arith.addi %add3A_302, %add3A_308 : vector<16xi32>
        %gather3A_310 = tpu.vector_load_idx %arg7[%add3A_309] : memref<6144xf32, #tpu.memory_space<vmem>>[vector<16xi32>], vector<16xf32>,
        %mul3A_311 = arith.constant 16 : i32
        %mul3A_312 = arith.muli %add3A_298, %mul3A_311 : i32
        %get3A = arith.index_cast %mul3A_312 : i32 to index
        %get3A_313 = tpu.vector_load %arg19[%get3A] {strides = array<i32>} : memref<2048xf32, #tpu.memory_space<vmem>>, vector<16xf32>,
        %mul3A_314 = arith.constant 16 : i32
        %mul3A_315 = arith.muli %add3A_298, %mul3A_314 : i32
        %get3A_316 = arith.index_cast %mul3A_315 : i32 to index
        %get3A_317 = tpu.vector_load %arg20[%get3A_316] {strides = array<i32>} : memref<2048xf32, #tpu.memory_space<vmem>>, vector<16xf32>,
        %gt3A_318 = arith.constant 0.000000e+00 : f32
        %gt3A_319 = vector.broadcast %gt3A_318 : f32 to vector<16xf32>
        %gt3A_320 = arith.cmpf ogt, %gather3A_310, %gt3A_319 : vector<16xf32>
        %select_n3A = arith.select %gt3A_320, %gather3A, %broadcast_in_dim3A_6 : vector<16xi1>, vector<16xf32>
        %mul3A_321 = arith.constant 16 : i32
        %mul3A_322 = arith.muli %add3A_298, %mul3A_321 : i32
        %swap3A = arith.constant 0 : i32
        %swap3A_323 = arith.index_cast %swap3A : i32 to index
        %swap3A_324 = arith.index_cast %mul3A_322 : i32 to index
        %swap3A_325 = tpu.vector_load %arg11[%swap3A_323, %swap3A_324] {strides = array<i32>} : memref<5x2048xf32, #tpu.memory_space<vmem>>, vector<16xf32>,
        tpu.vector_store %arg11[%swap3A_323, %swap3A_324], %select_n3A {strides = array<i32>} : memref<5x2048xf32, #tpu.memory_space<vmem>>, vector<16xf32>,
        %select_n3A_326 = arith.select %gt3A_320, %gather3A_306, %broadcast_in_dim3A_6 : vector<16xi1>, vector<16xf32>
        %mul3A_327 = arith.constant 16 : i32
        %mul3A_328 = arith.muli %add3A_298, %mul3A_327 : i32
        %swap3A_329 = arith.constant 1 : i32
        %swap3A_330 = arith.index_cast %swap3A_329 : i32 to index
        %swap3A_331 = arith.index_cast %mul3A_328 : i32 to index
        %swap3A_332 = tpu.vector_load %arg11[%swap3A_330, %swap3A_331] {strides = array<i32>} : memref<5x2048xf32, #tpu.memory_space<vmem>>, vector<16xf32>,
        tpu.vector_store %arg11[%swap3A_330, %swap3A_331], %select_n3A_326 {strides = array<i32>} : memref<5x2048xf32, #tpu.memory_space<vmem>>, vector<16xf32>,
        %select_n3A_333 = arith.select %gt3A_320, %gather3A_310, %broadcast_in_dim3A_6 : vector<16xi1>, vector<16xf32>
        %mul3A_334 = arith.constant 16 : i32
        %mul3A_335 = arith.muli %add3A_298, %mul3A_334 : i32
        %swap3A_336 = arith.constant 2 : i32
        %swap3A_337 = arith.index_cast %swap3A_336 : i32 to index
        %swap3A_338 = arith.index_cast %mul3A_335 : i32 to index
        %swap3A_339 = tpu.vector_load %arg11[%swap3A_337, %swap3A_338] {strides = array<i32>} : memref<5x2048xf32, #tpu.memory_space<vmem>>, vector<16xf32>,
        tpu.vector_store %arg11[%swap3A_337, %swap3A_338], %select_n3A_333 {strides = array<i32>} : memref<5x2048xf32, #tpu.memory_space<vmem>>, vector<16xf32>,
        %select_n3A_340 = arith.select %gt3A_320, %get3A_313, %broadcast_in_dim3A_6 : vector<16xi1>, vector<16xf32>
        %mul3A_341 = arith.constant 16 : i32
        %mul3A_342 = arith.muli %add3A_298, %mul3A_341 : i32
        %swap3A_343 = arith.constant 3 : i32
        %swap3A_344 = arith.index_cast %swap3A_343 : i32 to index
        %swap3A_345 = arith.index_cast %mul3A_342 : i32 to index
        %swap3A_346 = tpu.vector_load %arg11[%swap3A_344, %swap3A_345] {strides = array<i32>} : memref<5x2048xf32, #tpu.memory_space<vmem>>, vector<16xf32>,
        tpu.vector_store %arg11[%swap3A_344, %swap3A_345], %select_n3A_340 {strides = array<i32>} : memref<5x2048xf32, #tpu.memory_space<vmem>>, vector<16xf32>,
        %select_n3A_347 = arith.select %gt3A_320, %get3A_317, %broadcast_in_dim3A_6 : vector<16xi1>, vector<16xf32>
        %mul3A_348 = arith.constant 16 : i32
        %mul3A_349 = arith.muli %add3A_298, %mul3A_348 : i32
        %swap3A_350 = arith.constant 4 : i32
        %swap3A_351 = arith.index_cast %swap3A_350 : i32 to index
        %swap3A_352 = arith.index_cast %mul3A_349 : i32 to index
        %swap3A_353 = tpu.vector_load %arg11[%swap3A_351, %swap3A_352] {strides = array<i32>} : memref<5x2048xf32, #tpu.memory_space<vmem>>, vector<16xf32>,
        tpu.vector_store %arg11[%swap3A_351, %swap3A_352], %select_n3A_347 {strides = array<i32>} : memref<5x2048xf32, #tpu.memory_space<vmem>>, vector<16xf32>,
        %jit3A = arith.constant 1 : i32
        %jit3A_354 = arith.constant 0 : i32
        %broadcast_in_dim3A_355 = vector.broadcast %jit3A : i32 to vector<16xi32>
        %broadcast_in_dim3A_356 = vector.broadcast %jit3A_354 : i32 to vector<16xi32>
        %select_n3A_357 = arith.select %gt3A_320, %broadcast_in_dim3A_355, %broadcast_in_dim3A_356 : vector<16xi1>, vector<16xi32>
        %mul3A_358 = arith.constant 16 : i32
        %mul3A_359 = arith.muli %add3A_298, %mul3A_358 : i32
        %swap3A_360 = arith.index_cast %mul3A_359 : i32 to index
        %swap3A_361 = tpu.vector_load %arg15[%swap3A_360] {strides = array<i32>} : memref<2048xi32, #tpu.memory_space<vmem>>, vector<16xi32>,
        tpu.vector_store %arg15[%swap3A_360], %select_n3A_357 {strides = array<i32>} : memref<2048xi32, #tpu.memory_space<vmem>>, vector<16xi32>,
        %mul3A_362 = arith.constant 8 : i32
        %mul3A_363 = arith.muli %scan3A_294, %mul3A_362 : i32
        %add3A_364 = arith.constant 1 : i32
        %add3A_365 = arith.addi %mul3A_363, %add3A_364 : i32
        %mul3A_366 = arith.constant 48 : i32
        %mul3A_367 = arith.muli %add3A_365, %mul3A_366 : i32
        %add3A_368 = vector.broadcast %mul3A_367 : i32 to vector<16xi32>
        %add3A_369 = arith.addi %mul3A_5, %add3A_368 : vector<16xi32>
        %gather3A_370 = tpu.vector_load_idx %arg7[%add3A_369] : memref<6144xf32, #tpu.memory_space<vmem>>[vector<16xi32>], vector<16xf32>,
        %add3A_371 = arith.constant 1 : i32
        %add3A_372 = vector.broadcast %add3A_371 : i32 to vector<16xi32>
        %add3A_373 = arith.addi %add3A_369, %add3A_372 : vector<16xi32>
        %gather3A_374 = tpu.vector_load_idx %arg7[%add3A_373] : memref<6144xf32, #tpu.memory_space<vmem>>[vector<16xi32>], vector<16xf32>,
        %add3A_375 = arith.constant 2 : i32
        %add3A_376 = vector.broadcast %add3A_375 : i32 to vector<16xi32>
        %add3A_377 = arith.addi %add3A_369, %add3A_376 : vector<16xi32>
        %gather3A_378 = tpu.vector_load_idx %arg7[%add3A_377] : memref<6144xf32, #tpu.memory_space<vmem>>[vector<16xi32>], vector<16xf32>,
        %mul3A_379 = arith.constant 16 : i32
        %mul3A_380 = arith.muli %add3A_365, %mul3A_379 : i32
        %get3A_381 = arith.index_cast %mul3A_380 : i32 to index
        %get3A_382 = tpu.vector_load %arg19[%get3A_381] {strides = array<i32>} : memref<2048xf32, #tpu.memory_space<vmem>>, vector<16xf32>,
        %mul3A_383 = arith.constant 16 : i32
        %mul3A_384 = arith.muli %add3A_365, %mul3A_383 : i32
        %get3A_385 = arith.index_cast %mul3A_384 : i32 to index
        %get3A_386 = tpu.vector_load %arg20[%get3A_385] {strides = array<i32>} : memref<2048xf32, #tpu.memory_space<vmem>>, vector<16xf32>,
        %gt3A_387 = arith.constant 0.000000e+00 : f32
        %gt3A_388 = vector.broadcast %gt3A_387 : f32 to vector<16xf32>
        %gt3A_389 = arith.cmpf ogt, %gather3A_378, %gt3A_388 : vector<16xf32>
        %select_n3A_390 = arith.select %gt3A_389, %gather3A_370, %broadcast_in_dim3A_6 : vector<16xi1>, vector<16xf32>
        %mul3A_391 = arith.constant 16 : i32
        %mul3A_392 = arith.muli %add3A_365, %mul3A_391 : i32
        %swap3A_393 = arith.constant 0 : i32
        %swap3A_394 = arith.index_cast %swap3A_393 : i32 to index
        %swap3A_395 = arith.index_cast %mul3A_392 : i32 to index
        %swap3A_396 = tpu.vector_load %arg11[%swap3A_394, %swap3A_395] {strides = array<i32>} : memref<5x2048xf32, #tpu.memory_space<vmem>>, vector<16xf32>,
        tpu.vector_store %arg11[%swap3A_394, %swap3A_395], %select_n3A_390 {strides = array<i32>} : memref<5x2048xf32, #tpu.memory_space<vmem>>, vector<16xf32>,
        %select_n3A_397 = arith.select %gt3A_389, %gather3A_374, %broadcast_in_dim3A_6 : vector<16xi1>, vector<16xf32>
        %mul3A_398 = arith.constant 16 : i32
        %mul3A_399 = arith.muli %add3A_365, %mul3A_398 : i32
        %swap3A_400 = arith.constant 1 : i32
        %swap3A_401 = arith.index_cast %swap3A_400 : i32 to index
        %swap3A_402 = arith.index_cast %mul3A_399 : i32 to index
        %swap3A_403 = tpu.vector_load %arg11[%swap3A_401, %swap3A_402] {strides = array<i32>} : memref<5x2048xf32, #tpu.memory_space<vmem>>, vector<16xf32>,
        tpu.vector_store %arg11[%swap3A_401, %swap3A_402], %select_n3A_397 {strides = array<i32>} : memref<5x2048xf32, #tpu.memory_space<vmem>>, vector<16xf32>,
        %select_n3A_404 = arith.select %gt3A_389, %gather3A_378, %broadcast_in_dim3A_6 : vector<16xi1>, vector<16xf32>
        %mul3A_405 = arith.constant 16 : i32
        %mul3A_406 = arith.muli %add3A_365, %mul3A_405 : i32
        %swap3A_407 = arith.constant 2 : i32
        %swap3A_408 = arith.index_cast %swap3A_407 : i32 to index
        %swap3A_409 = arith.index_cast %mul3A_406 : i32 to index
        %swap3A_410 = tpu.vector_load %arg11[%swap3A_408, %swap3A_409] {strides = array<i32>} : memref<5x2048xf32, #tpu.memory_space<vmem>>, vector<16xf32>,
        tpu.vector_store %arg11[%swap3A_408, %swap3A_409], %select_n3A_404 {strides = array<i32>} : memref<5x2048xf32, #tpu.memory_space<vmem>>, vector<16xf32>,
        %select_n3A_411 = arith.select %gt3A_389, %get3A_382, %broadcast_in_dim3A_6 : vector<16xi1>, vector<16xf32>
        %mul3A_412 = arith.constant 16 : i32
        %mul3A_413 = arith.muli %add3A_365, %mul3A_412 : i32
        %swap3A_414 = arith.constant 3 : i32
        %swap3A_415 = arith.index_cast %swap3A_414 : i32 to index
        %swap3A_416 = arith.index_cast %mul3A_413 : i32 to index
        %swap3A_417 = tpu.vector_load %arg11[%swap3A_415, %swap3A_416] {strides = array<i32>} : memref<5x2048xf32, #tpu.memory_space<vmem>>, vector<16xf32>,
        tpu.vector_store %arg11[%swap3A_415, %swap3A_416], %select_n3A_411 {strides = array<i32>} : memref<5x2048xf32, #tpu.memory_space<vmem>>, vector<16xf32>,
        %select_n3A_418 = arith.select %gt3A_389, %get3A_386, %broadcast_in_dim3A_6 : vector<16xi1>, vector<16xf32>
        %mul3A_419 = arith.constant 16 : i32
        %mul3A_420 = arith.muli %add3A_365, %mul3A_419 : i32
        %swap3A_421 = arith.constant 4 : i32
        %swap3A_422 = arith.index_cast %swap3A_421 : i32 to index
        %swap3A_423 = arith.index_cast %mul3A_420 : i32 to index
        %swap3A_424 = tpu.vector_load %arg11[%swap3A_422, %swap3A_423] {strides = array<i32>} : memref<5x2048xf32, #tpu.memory_space<vmem>>, vector<16xf32>,
        tpu.vector_store %arg11[%swap3A_422, %swap3A_423], %select_n3A_418 {strides = array<i32>} : memref<5x2048xf32, #tpu.memory_space<vmem>>, vector<16xf32>,
        %jit3A_425 = arith.constant 1 : i32
        %jit3A_426 = arith.constant 0 : i32
        %broadcast_in_dim3A_427 = vector.broadcast %jit3A_425 : i32 to vector<16xi32>
        %broadcast_in_dim3A_428 = vector.broadcast %jit3A_426 : i32 to vector<16xi32>
        %select_n3A_429 = arith.select %gt3A_389, %broadcast_in_dim3A_427, %broadcast_in_dim3A_428 : vector<16xi1>, vector<16xi32>
        %mul3A_430 = arith.constant 16 : i32
        %mul3A_431 = arith.muli %add3A_365, %mul3A_430 : i32
        %swap3A_432 = arith.index_cast %mul3A_431 : i32 to index
        %swap3A_433 = tpu.vector_load %arg15[%swap3A_432] {strides = array<i32>} : memref<2048xi32, #tpu.memory_space<vmem>>, vector<16xi32>,
        tpu.vector_store %arg15[%swap3A_432], %select_n3A_429 {strides = array<i32>} : memref<2048xi32, #tpu.memory_space<vmem>>, vector<16xi32>,
        %mul3A_434 = arith.constant 8 : i32
        %mul3A_435 = arith.muli %scan3A_294, %mul3A_434 : i32
        %add3A_436 = arith.constant 2 : i32
        %add3A_437 = arith.addi %mul3A_435, %add3A_436 : i32
        %mul3A_438 = arith.constant 48 : i32
        %mul3A_439 = arith.muli %add3A_437, %mul3A_438 : i32
        %add3A_440 = vector.broadcast %mul3A_439 : i32 to vector<16xi32>
        %add3A_441 = arith.addi %mul3A_5, %add3A_440 : vector<16xi32>
        %gather3A_442 = tpu.vector_load_idx %arg7[%add3A_441] : memref<6144xf32, #tpu.memory_space<vmem>>[vector<16xi32>], vector<16xf32>,
        %add3A_443 = arith.constant 1 : i32
        %add3A_444 = vector.broadcast %add3A_443 : i32 to vector<16xi32>
        %add3A_445 = arith.addi %add3A_441, %add3A_444 : vector<16xi32>
        %gather3A_446 = tpu.vector_load_idx %arg7[%add3A_445] : memref<6144xf32, #tpu.memory_space<vmem>>[vector<16xi32>], vector<16xf32>,
        %add3A_447 = arith.constant 2 : i32
        %add3A_448 = vector.broadcast %add3A_447 : i32 to vector<16xi32>
        %add3A_449 = arith.addi %add3A_441, %add3A_448 : vector<16xi32>
        %gather3A_450 = tpu.vector_load_idx %arg7[%add3A_449] : memref<6144xf32, #tpu.memory_space<vmem>>[vector<16xi32>], vector<16xf32>,
        %mul3A_451 = arith.constant 16 : i32
        %mul3A_452 = arith.muli %add3A_437, %mul3A_451 : i32
        %get3A_453 = arith.index_cast %mul3A_452 : i32 to index
        %get3A_454 = tpu.vector_load %arg19[%get3A_453] {strides = array<i32>} : memref<2048xf32, #tpu.memory_space<vmem>>, vector<16xf32>,
        %mul3A_455 = arith.constant 16 : i32
        %mul3A_456 = arith.muli %add3A_437, %mul3A_455 : i32
        %get3A_457 = arith.index_cast %mul3A_456 : i32 to index
        %get3A_458 = tpu.vector_load %arg20[%get3A_457] {strides = array<i32>} : memref<2048xf32, #tpu.memory_space<vmem>>, vector<16xf32>,
        %gt3A_459 = arith.constant 0.000000e+00 : f32
        %gt3A_460 = vector.broadcast %gt3A_459 : f32 to vector<16xf32>
        %gt3A_461 = arith.cmpf ogt, %gather3A_450, %gt3A_460 : vector<16xf32>
        %select_n3A_462 = arith.select %gt3A_461, %gather3A_442, %broadcast_in_dim3A_6 : vector<16xi1>, vector<16xf32>
        %mul3A_463 = arith.constant 16 : i32
        %mul3A_464 = arith.muli %add3A_437, %mul3A_463 : i32
        %swap3A_465 = arith.constant 0 : i32
        %swap3A_466 = arith.index_cast %swap3A_465 : i32 to index
        %swap3A_467 = arith.index_cast %mul3A_464 : i32 to index
        %swap3A_468 = tpu.vector_load %arg11[%swap3A_466, %swap3A_467] {strides = array<i32>} : memref<5x2048xf32, #tpu.memory_space<vmem>>, vector<16xf32>,
        tpu.vector_store %arg11[%swap3A_466, %swap3A_467], %select_n3A_462 {strides = array<i32>} : memref<5x2048xf32, #tpu.memory_space<vmem>>, vector<16xf32>,
        %select_n3A_469 = arith.select %gt3A_461, %gather3A_446, %broadcast_in_dim3A_6 : vector<16xi1>, vector<16xf32>
        %mul3A_470 = arith.constant 16 : i32
        %mul3A_471 = arith.muli %add3A_437, %mul3A_470 : i32
        %swap3A_472 = arith.constant 1 : i32
        %swap3A_473 = arith.index_cast %swap3A_472 : i32 to index
        %swap3A_474 = arith.index_cast %mul3A_471 : i32 to index
        %swap3A_475 = tpu.vector_load %arg11[%swap3A_473, %swap3A_474] {strides = array<i32>} : memref<5x2048xf32, #tpu.memory_space<vmem>>, vector<16xf32>,
        tpu.vector_store %arg11[%swap3A_473, %swap3A_474], %select_n3A_469 {strides = array<i32>} : memref<5x2048xf32, #tpu.memory_space<vmem>>, vector<16xf32>,
        %select_n3A_476 = arith.select %gt3A_461, %gather3A_450, %broadcast_in_dim3A_6 : vector<16xi1>, vector<16xf32>
        %mul3A_477 = arith.constant 16 : i32
        %mul3A_478 = arith.muli %add3A_437, %mul3A_477 : i32
        %swap3A_479 = arith.constant 2 : i32
        %swap3A_480 = arith.index_cast %swap3A_479 : i32 to index
        %swap3A_481 = arith.index_cast %mul3A_478 : i32 to index
        %swap3A_482 = tpu.vector_load %arg11[%swap3A_480, %swap3A_481] {strides = array<i32>} : memref<5x2048xf32, #tpu.memory_space<vmem>>, vector<16xf32>,
        tpu.vector_store %arg11[%swap3A_480, %swap3A_481], %select_n3A_476 {strides = array<i32>} : memref<5x2048xf32, #tpu.memory_space<vmem>>, vector<16xf32>,
        %select_n3A_483 = arith.select %gt3A_461, %get3A_454, %broadcast_in_dim3A_6 : vector<16xi1>, vector<16xf32>
        %mul3A_484 = arith.constant 16 : i32
        %mul3A_485 = arith.muli %add3A_437, %mul3A_484 : i32
        %swap3A_486 = arith.constant 3 : i32
        %swap3A_487 = arith.index_cast %swap3A_486 : i32 to index
        %swap3A_488 = arith.index_cast %mul3A_485 : i32 to index
        %swap3A_489 = tpu.vector_load %arg11[%swap3A_487, %swap3A_488] {strides = array<i32>} : memref<5x2048xf32, #tpu.memory_space<vmem>>, vector<16xf32>,
        tpu.vector_store %arg11[%swap3A_487, %swap3A_488], %select_n3A_483 {strides = array<i32>} : memref<5x2048xf32, #tpu.memory_space<vmem>>, vector<16xf32>,
        %select_n3A_490 = arith.select %gt3A_461, %get3A_458, %broadcast_in_dim3A_6 : vector<16xi1>, vector<16xf32>
        %mul3A_491 = arith.constant 16 : i32
        %mul3A_492 = arith.muli %add3A_437, %mul3A_491 : i32
        %swap3A_493 = arith.constant 4 : i32
        %swap3A_494 = arith.index_cast %swap3A_493 : i32 to index
        %swap3A_495 = arith.index_cast %mul3A_492 : i32 to index
        %swap3A_496 = tpu.vector_load %arg11[%swap3A_494, %swap3A_495] {strides = array<i32>} : memref<5x2048xf32, #tpu.memory_space<vmem>>, vector<16xf32>,
        tpu.vector_store %arg11[%swap3A_494, %swap3A_495], %select_n3A_490 {strides = array<i32>} : memref<5x2048xf32, #tpu.memory_space<vmem>>, vector<16xf32>,
        %jit3A_497 = arith.constant 1 : i32
        %jit3A_498 = arith.constant 0 : i32
        %broadcast_in_dim3A_499 = vector.broadcast %jit3A_497 : i32 to vector<16xi32>
        %broadcast_in_dim3A_500 = vector.broadcast %jit3A_498 : i32 to vector<16xi32>
        %select_n3A_501 = arith.select %gt3A_461, %broadcast_in_dim3A_499, %broadcast_in_dim3A_500 : vector<16xi1>, vector<16xi32>
        %mul3A_502 = arith.constant 16 : i32
        %mul3A_503 = arith.muli %add3A_437, %mul3A_502 : i32
        %swap3A_504 = arith.index_cast %mul3A_503 : i32 to index
        %swap3A_505 = tpu.vector_load %arg15[%swap3A_504] {strides = array<i32>} : memref<2048xi32, #tpu.memory_space<vmem>>, vector<16xi32>,
        tpu.vector_store %arg15[%swap3A_504], %select_n3A_501 {strides = array<i32>} : memref<2048xi32, #tpu.memory_space<vmem>>, vector<16xi32>,
        %mul3A_506 = arith.constant 8 : i32
        %mul3A_507 = arith.muli %scan3A_294, %mul3A_506 : i32
        %add3A_508 = arith.constant 3 : i32
        %add3A_509 = arith.addi %mul3A_507, %add3A_508 : i32
        %mul3A_510 = arith.constant 48 : i32
        %mul3A_511 = arith.muli %add3A_509, %mul3A_510 : i32
        %add3A_512 = vector.broadcast %mul3A_511 : i32 to vector<16xi32>
        %add3A_513 = arith.addi %mul3A_5, %add3A_512 : vector<16xi32>
        %gather3A_514 = tpu.vector_load_idx %arg7[%add3A_513] : memref<6144xf32, #tpu.memory_space<vmem>>[vector<16xi32>], vector<16xf32>,
        %add3A_515 = arith.constant 1 : i32
        %add3A_516 = vector.broadcast %add3A_515 : i32 to vector<16xi32>
        %add3A_517 = arith.addi %add3A_513, %add3A_516 : vector<16xi32>
        %gather3A_518 = tpu.vector_load_idx %arg7[%add3A_517] : memref<6144xf32, #tpu.memory_space<vmem>>[vector<16xi32>], vector<16xf32>,
        %add3A_519 = arith.constant 2 : i32
        %add3A_520 = vector.broadcast %add3A_519 : i32 to vector<16xi32>
        %add3A_521 = arith.addi %add3A_513, %add3A_520 : vector<16xi32>
        %gather3A_522 = tpu.vector_load_idx %arg7[%add3A_521] : memref<6144xf32, #tpu.memory_space<vmem>>[vector<16xi32>], vector<16xf32>,
        %mul3A_523 = arith.constant 16 : i32
        %mul3A_524 = arith.muli %add3A_509, %mul3A_523 : i32
        %get3A_525 = arith.index_cast %mul3A_524 : i32 to index
        %get3A_526 = tpu.vector_load %arg19[%get3A_525] {strides = array<i32>} : memref<2048xf32, #tpu.memory_space<vmem>>, vector<16xf32>,
        %mul3A_527 = arith.constant 16 : i32
        %mul3A_528 = arith.muli %add3A_509, %mul3A_527 : i32
        %get3A_529 = arith.index_cast %mul3A_528 : i32 to index
        %get3A_530 = tpu.vector_load %arg20[%get3A_529] {strides = array<i32>} : memref<2048xf32, #tpu.memory_space<vmem>>, vector<16xf32>,
        %gt3A_531 = arith.constant 0.000000e+00 : f32
        %gt3A_532 = vector.broadcast %gt3A_531 : f32 to vector<16xf32>
        %gt3A_533 = arith.cmpf ogt, %gather3A_522, %gt3A_532 : vector<16xf32>
        %select_n3A_534 = arith.select %gt3A_533, %gather3A_514, %broadcast_in_dim3A_6 : vector<16xi1>, vector<16xf32>
        %mul3A_535 = arith.constant 16 : i32
        %mul3A_536 = arith.muli %add3A_509, %mul3A_535 : i32
        %swap3A_537 = arith.constant 0 : i32
        %swap3A_538 = arith.index_cast %swap3A_537 : i32 to index
        %swap3A_539 = arith.index_cast %mul3A_536 : i32 to index
        %swap3A_540 = tpu.vector_load %arg11[%swap3A_538, %swap3A_539] {strides = array<i32>} : memref<5x2048xf32, #tpu.memory_space<vmem>>, vector<16xf32>,
        tpu.vector_store %arg11[%swap3A_538, %swap3A_539], %select_n3A_534 {strides = array<i32>} : memref<5x2048xf32, #tpu.memory_space<vmem>>, vector<16xf32>,
        %select_n3A_541 = arith.select %gt3A_533, %gather3A_518, %broadcast_in_dim3A_6 : vector<16xi1>, vector<16xf32>
        %mul3A_542 = arith.constant 16 : i32
        %mul3A_543 = arith.muli %add3A_509, %mul3A_542 : i32
        %swap3A_544 = arith.constant 1 : i32
        %swap3A_545 = arith.index_cast %swap3A_544 : i32 to index
        %swap3A_546 = arith.index_cast %mul3A_543 : i32 to index
        %swap3A_547 = tpu.vector_load %arg11[%swap3A_545, %swap3A_546] {strides = array<i32>} : memref<5x2048xf32, #tpu.memory_space<vmem>>, vector<16xf32>,
        tpu.vector_store %arg11[%swap3A_545, %swap3A_546], %select_n3A_541 {strides = array<i32>} : memref<5x2048xf32, #tpu.memory_space<vmem>>, vector<16xf32>,
        %select_n3A_548 = arith.select %gt3A_533, %gather3A_522, %broadcast_in_dim3A_6 : vector<16xi1>, vector<16xf32>
        %mul3A_549 = arith.constant 16 : i32
        %mul3A_550 = arith.muli %add3A_509, %mul3A_549 : i32
        %swap3A_551 = arith.constant 2 : i32
        %swap3A_552 = arith.index_cast %swap3A_551 : i32 to index
        %swap3A_553 = arith.index_cast %mul3A_550 : i32 to index
        %swap3A_554 = tpu.vector_load %arg11[%swap3A_552, %swap3A_553] {strides = array<i32>} : memref<5x2048xf32, #tpu.memory_space<vmem>>, vector<16xf32>,
        tpu.vector_store %arg11[%swap3A_552, %swap3A_553], %select_n3A_548 {strides = array<i32>} : memref<5x2048xf32, #tpu.memory_space<vmem>>, vector<16xf32>,
        %select_n3A_555 = arith.select %gt3A_533, %get3A_526, %broadcast_in_dim3A_6 : vector<16xi1>, vector<16xf32>
        %mul3A_556 = arith.constant 16 : i32
        %mul3A_557 = arith.muli %add3A_509, %mul3A_556 : i32
        %swap3A_558 = arith.constant 3 : i32
        %swap3A_559 = arith.index_cast %swap3A_558 : i32 to index
        %swap3A_560 = arith.index_cast %mul3A_557 : i32 to index
        %swap3A_561 = tpu.vector_load %arg11[%swap3A_559, %swap3A_560] {strides = array<i32>} : memref<5x2048xf32, #tpu.memory_space<vmem>>, vector<16xf32>,
        tpu.vector_store %arg11[%swap3A_559, %swap3A_560], %select_n3A_555 {strides = array<i32>} : memref<5x2048xf32, #tpu.memory_space<vmem>>, vector<16xf32>,
        %select_n3A_562 = arith.select %gt3A_533, %get3A_530, %broadcast_in_dim3A_6 : vector<16xi1>, vector<16xf32>
        %mul3A_563 = arith.constant 16 : i32
        %mul3A_564 = arith.muli %add3A_509, %mul3A_563 : i32
        %swap3A_565 = arith.constant 4 : i32
        %swap3A_566 = arith.index_cast %swap3A_565 : i32 to index
        %swap3A_567 = arith.index_cast %mul3A_564 : i32 to index
        %swap3A_568 = tpu.vector_load %arg11[%swap3A_566, %swap3A_567] {strides = array<i32>} : memref<5x2048xf32, #tpu.memory_space<vmem>>, vector<16xf32>,
        tpu.vector_store %arg11[%swap3A_566, %swap3A_567], %select_n3A_562 {strides = array<i32>} : memref<5x2048xf32, #tpu.memory_space<vmem>>, vector<16xf32>,
        %jit3A_569 = arith.constant 1 : i32
        %jit3A_570 = arith.constant 0 : i32
        %broadcast_in_dim3A_571 = vector.broadcast %jit3A_569 : i32 to vector<16xi32>
        %broadcast_in_dim3A_572 = vector.broadcast %jit3A_570 : i32 to vector<16xi32>
        %select_n3A_573 = arith.select %gt3A_533, %broadcast_in_dim3A_571, %broadcast_in_dim3A_572 : vector<16xi1>, vector<16xi32>
        %mul3A_574 = arith.constant 16 : i32
        %mul3A_575 = arith.muli %add3A_509, %mul3A_574 : i32
        %swap3A_576 = arith.index_cast %mul3A_575 : i32 to index
        %swap3A_577 = tpu.vector_load %arg15[%swap3A_576] {strides = array<i32>} : memref<2048xi32, #tpu.memory_space<vmem>>, vector<16xi32>,
        tpu.vector_store %arg15[%swap3A_576], %select_n3A_573 {strides = array<i32>} : memref<2048xi32, #tpu.memory_space<vmem>>, vector<16xi32>,
        %mul3A_578 = arith.constant 8 : i32
        %mul3A_579 = arith.muli %scan3A_294, %mul3A_578 : i32
        %add3A_580 = arith.constant 4 : i32
        %add3A_581 = arith.addi %mul3A_579, %add3A_580 : i32
        %mul3A_582 = arith.constant 48 : i32
        %mul3A_583 = arith.muli %add3A_581, %mul3A_582 : i32
        %add3A_584 = vector.broadcast %mul3A_583 : i32 to vector<16xi32>
        %add3A_585 = arith.addi %mul3A_5, %add3A_584 : vector<16xi32>
        %gather3A_586 = tpu.vector_load_idx %arg7[%add3A_585] : memref<6144xf32, #tpu.memory_space<vmem>>[vector<16xi32>], vector<16xf32>,
        %add3A_587 = arith.constant 1 : i32
        %add3A_588 = vector.broadcast %add3A_587 : i32 to vector<16xi32>
        %add3A_589 = arith.addi %add3A_585, %add3A_588 : vector<16xi32>
        %gather3A_590 = tpu.vector_load_idx %arg7[%add3A_589] : memref<6144xf32, #tpu.memory_space<vmem>>[vector<16xi32>], vector<16xf32>,
        %add3A_591 = arith.constant 2 : i32
        %add3A_592 = vector.broadcast %add3A_591 : i32 to vector<16xi32>
        %add3A_593 = arith.addi %add3A_585, %add3A_592 : vector<16xi32>
        %gather3A_594 = tpu.vector_load_idx %arg7[%add3A_593] : memref<6144xf32, #tpu.memory_space<vmem>>[vector<16xi32>], vector<16xf32>,
        %mul3A_595 = arith.constant 16 : i32
        %mul3A_596 = arith.muli %add3A_581, %mul3A_595 : i32
        %get3A_597 = arith.index_cast %mul3A_596 : i32 to index
        %get3A_598 = tpu.vector_load %arg19[%get3A_597] {strides = array<i32>} : memref<2048xf32, #tpu.memory_space<vmem>>, vector<16xf32>,
        %mul3A_599 = arith.constant 16 : i32
        %mul3A_600 = arith.muli %add3A_581, %mul3A_599 : i32
        %get3A_601 = arith.index_cast %mul3A_600 : i32 to index
        %get3A_602 = tpu.vector_load %arg20[%get3A_601] {strides = array<i32>} : memref<2048xf32, #tpu.memory_space<vmem>>, vector<16xf32>,
        %gt3A_603 = arith.constant 0.000000e+00 : f32
        %gt3A_604 = vector.broadcast %gt3A_603 : f32 to vector<16xf32>
        %gt3A_605 = arith.cmpf ogt, %gather3A_594, %gt3A_604 : vector<16xf32>
        %select_n3A_606 = arith.select %gt3A_605, %gather3A_586, %broadcast_in_dim3A_6 : vector<16xi1>, vector<16xf32>
        %mul3A_607 = arith.constant 16 : i32
        %mul3A_608 = arith.muli %add3A_581, %mul3A_607 : i32
        %swap3A_609 = arith.constant 0 : i32
        %swap3A_610 = arith.index_cast %swap3A_609 : i32 to index
        %swap3A_611 = arith.index_cast %mul3A_608 : i32 to index
        %swap3A_612 = tpu.vector_load %arg11[%swap3A_610, %swap3A_611] {strides = array<i32>} : memref<5x2048xf32, #tpu.memory_space<vmem>>, vector<16xf32>,
        tpu.vector_store %arg11[%swap3A_610, %swap3A_611], %select_n3A_606 {strides = array<i32>} : memref<5x2048xf32, #tpu.memory_space<vmem>>, vector<16xf32>,
        %select_n3A_613 = arith.select %gt3A_605, %gather3A_590, %broadcast_in_dim3A_6 : vector<16xi1>, vector<16xf32>
        %mul3A_614 = arith.constant 16 : i32
        %mul3A_615 = arith.muli %add3A_581, %mul3A_614 : i32
        %swap3A_616 = arith.constant 1 : i32
        %swap3A_617 = arith.index_cast %swap3A_616 : i32 to index
        %swap3A_618 = arith.index_cast %mul3A_615 : i32 to index
        %swap3A_619 = tpu.vector_load %arg11[%swap3A_617, %swap3A_618] {strides = array<i32>} : memref<5x2048xf32, #tpu.memory_space<vmem>>, vector<16xf32>,
        tpu.vector_store %arg11[%swap3A_617, %swap3A_618], %select_n3A_613 {strides = array<i32>} : memref<5x2048xf32, #tpu.memory_space<vmem>>, vector<16xf32>,
        %select_n3A_620 = arith.select %gt3A_605, %gather3A_594, %broadcast_in_dim3A_6 : vector<16xi1>, vector<16xf32>
        %mul3A_621 = arith.constant 16 : i32
        %mul3A_622 = arith.muli %add3A_581, %mul3A_621 : i32
        %swap3A_623 = arith.constant 2 : i32
        %swap3A_624 = arith.index_cast %swap3A_623 : i32 to index
        %swap3A_625 = arith.index_cast %mul3A_622 : i32 to index
        %swap3A_626 = tpu.vector_load %arg11[%swap3A_624, %swap3A_625] {strides = array<i32>} : memref<5x2048xf32, #tpu.memory_space<vmem>>, vector<16xf32>,
        tpu.vector_store %arg11[%swap3A_624, %swap3A_625], %select_n3A_620 {strides = array<i32>} : memref<5x2048xf32, #tpu.memory_space<vmem>>, vector<16xf32>,
        %select_n3A_627 = arith.select %gt3A_605, %get3A_598, %broadcast_in_dim3A_6 : vector<16xi1>, vector<16xf32>
        %mul3A_628 = arith.constant 16 : i32
        %mul3A_629 = arith.muli %add3A_581, %mul3A_628 : i32
        %swap3A_630 = arith.constant 3 : i32
        %swap3A_631 = arith.index_cast %swap3A_630 : i32 to index
        %swap3A_632 = arith.index_cast %mul3A_629 : i32 to index
        %swap3A_633 = tpu.vector_load %arg11[%swap3A_631, %swap3A_632] {strides = array<i32>} : memref<5x2048xf32, #tpu.memory_space<vmem>>, vector<16xf32>,
        tpu.vector_store %arg11[%swap3A_631, %swap3A_632], %select_n3A_627 {strides = array<i32>} : memref<5x2048xf32, #tpu.memory_space<vmem>>, vector<16xf32>,
        %select_n3A_634 = arith.select %gt3A_605, %get3A_602, %broadcast_in_dim3A_6 : vector<16xi1>, vector<16xf32>
        %mul3A_635 = arith.constant 16 : i32
        %mul3A_636 = arith.muli %add3A_581, %mul3A_635 : i32
        %swap3A_637 = arith.constant 4 : i32
        %swap3A_638 = arith.index_cast %swap3A_637 : i32 to index
        %swap3A_639 = arith.index_cast %mul3A_636 : i32 to index
        %swap3A_640 = tpu.vector_load %arg11[%swap3A_638, %swap3A_639] {strides = array<i32>} : memref<5x2048xf32, #tpu.memory_space<vmem>>, vector<16xf32>,
        tpu.vector_store %arg11[%swap3A_638, %swap3A_639], %select_n3A_634 {strides = array<i32>} : memref<5x2048xf32, #tpu.memory_space<vmem>>, vector<16xf32>,
        %jit3A_641 = arith.constant 1 : i32
        %jit3A_642 = arith.constant 0 : i32
        %broadcast_in_dim3A_643 = vector.broadcast %jit3A_641 : i32 to vector<16xi32>
        %broadcast_in_dim3A_644 = vector.broadcast %jit3A_642 : i32 to vector<16xi32>
        %select_n3A_645 = arith.select %gt3A_605, %broadcast_in_dim3A_643, %broadcast_in_dim3A_644 : vector<16xi1>, vector<16xi32>
        %mul3A_646 = arith.constant 16 : i32
        %mul3A_647 = arith.muli %add3A_581, %mul3A_646 : i32
        %swap3A_648 = arith.index_cast %mul3A_647 : i32 to index
        %swap3A_649 = tpu.vector_load %arg15[%swap3A_648] {strides = array<i32>} : memref<2048xi32, #tpu.memory_space<vmem>>, vector<16xi32>,
        tpu.vector_store %arg15[%swap3A_648], %select_n3A_645 {strides = array<i32>} : memref<2048xi32, #tpu.memory_space<vmem>>, vector<16xi32>,
        %mul3A_650 = arith.constant 8 : i32
        %mul3A_651 = arith.muli %scan3A_294, %mul3A_650 : i32
        %add3A_652 = arith.constant 5 : i32
        %add3A_653 = arith.addi %mul3A_651, %add3A_652 : i32
        %mul3A_654 = arith.constant 48 : i32
        %mul3A_655 = arith.muli %add3A_653, %mul3A_654 : i32
        %add3A_656 = vector.broadcast %mul3A_655 : i32 to vector<16xi32>
        %add3A_657 = arith.addi %mul3A_5, %add3A_656 : vector<16xi32>
        %gather3A_658 = tpu.vector_load_idx %arg7[%add3A_657] : memref<6144xf32, #tpu.memory_space<vmem>>[vector<16xi32>], vector<16xf32>,
        %add3A_659 = arith.constant 1 : i32
        %add3A_660 = vector.broadcast %add3A_659 : i32 to vector<16xi32>
        %add3A_661 = arith.addi %add3A_657, %add3A_660 : vector<16xi32>
        %gather3A_662 = tpu.vector_load_idx %arg7[%add3A_661] : memref<6144xf32, #tpu.memory_space<vmem>>[vector<16xi32>], vector<16xf32>,
        %add3A_663 = arith.constant 2 : i32
        %add3A_664 = vector.broadcast %add3A_663 : i32 to vector<16xi32>
        %add3A_665 = arith.addi %add3A_657, %add3A_664 : vector<16xi32>
        %gather3A_666 = tpu.vector_load_idx %arg7[%add3A_665] : memref<6144xf32, #tpu.memory_space<vmem>>[vector<16xi32>], vector<16xf32>,
        %mul3A_667 = arith.constant 16 : i32
        %mul3A_668 = arith.muli %add3A_653, %mul3A_667 : i32
        %get3A_669 = arith.index_cast %mul3A_668 : i32 to index
        %get3A_670 = tpu.vector_load %arg19[%get3A_669] {strides = array<i32>} : memref<2048xf32, #tpu.memory_space<vmem>>, vector<16xf32>,
        %mul3A_671 = arith.constant 16 : i32
        %mul3A_672 = arith.muli %add3A_653, %mul3A_671 : i32
        %get3A_673 = arith.index_cast %mul3A_672 : i32 to index
        %get3A_674 = tpu.vector_load %arg20[%get3A_673] {strides = array<i32>} : memref<2048xf32, #tpu.memory_space<vmem>>, vector<16xf32>,
        %gt3A_675 = arith.constant 0.000000e+00 : f32
        %gt3A_676 = vector.broadcast %gt3A_675 : f32 to vector<16xf32>
        %gt3A_677 = arith.cmpf ogt, %gather3A_666, %gt3A_676 : vector<16xf32>
        %select_n3A_678 = arith.select %gt3A_677, %gather3A_658, %broadcast_in_dim3A_6 : vector<16xi1>, vector<16xf32>
        %mul3A_679 = arith.constant 16 : i32
        %mul3A_680 = arith.muli %add3A_653, %mul3A_679 : i32
        %swap3A_681 = arith.constant 0 : i32
        %swap3A_682 = arith.index_cast %swap3A_681 : i32 to index
        %swap3A_683 = arith.index_cast %mul3A_680 : i32 to index
        %swap3A_684 = tpu.vector_load %arg11[%swap3A_682, %swap3A_683] {strides = array<i32>} : memref<5x2048xf32, #tpu.memory_space<vmem>>, vector<16xf32>,
        tpu.vector_store %arg11[%swap3A_682, %swap3A_683], %select_n3A_678 {strides = array<i32>} : memref<5x2048xf32, #tpu.memory_space<vmem>>, vector<16xf32>,
        %select_n3A_685 = arith.select %gt3A_677, %gather3A_662, %broadcast_in_dim3A_6 : vector<16xi1>, vector<16xf32>
        %mul3A_686 = arith.constant 16 : i32
        %mul3A_687 = arith.muli %add3A_653, %mul3A_686 : i32
        %swap3A_688 = arith.constant 1 : i32
        %swap3A_689 = arith.index_cast %swap3A_688 : i32 to index
        %swap3A_690 = arith.index_cast %mul3A_687 : i32 to index
        %swap3A_691 = tpu.vector_load %arg11[%swap3A_689, %swap3A_690] {strides = array<i32>} : memref<5x2048xf32, #tpu.memory_space<vmem>>, vector<16xf32>,
        tpu.vector_store %arg11[%swap3A_689, %swap3A_690], %select_n3A_685 {strides = array<i32>} : memref<5x2048xf32, #tpu.memory_space<vmem>>, vector<16xf32>,
        %select_n3A_692 = arith.select %gt3A_677, %gather3A_666, %broadcast_in_dim3A_6 : vector<16xi1>, vector<16xf32>
        %mul3A_693 = arith.constant 16 : i32
        %mul3A_694 = arith.muli %add3A_653, %mul3A_693 : i32
        %swap3A_695 = arith.constant 2 : i32
        %swap3A_696 = arith.index_cast %swap3A_695 : i32 to index
        %swap3A_697 = arith.index_cast %mul3A_694 : i32 to index
        %swap3A_698 = tpu.vector_load %arg11[%swap3A_696, %swap3A_697] {strides = array<i32>} : memref<5x2048xf32, #tpu.memory_space<vmem>>, vector<16xf32>,
        tpu.vector_store %arg11[%swap3A_696, %swap3A_697], %select_n3A_692 {strides = array<i32>} : memref<5x2048xf32, #tpu.memory_space<vmem>>, vector<16xf32>,
        %select_n3A_699 = arith.select %gt3A_677, %get3A_670, %broadcast_in_dim3A_6 : vector<16xi1>, vector<16xf32>
        %mul3A_700 = arith.constant 16 : i32
        %mul3A_701 = arith.muli %add3A_653, %mul3A_700 : i32
        %swap3A_702 = arith.constant 3 : i32
        %swap3A_703 = arith.index_cast %swap3A_702 : i32 to index
        %swap3A_704 = arith.index_cast %mul3A_701 : i32 to index
        %swap3A_705 = tpu.vector_load %arg11[%swap3A_703, %swap3A_704] {strides = array<i32>} : memref<5x2048xf32, #tpu.memory_space<vmem>>, vector<16xf32>,
        tpu.vector_store %arg11[%swap3A_703, %swap3A_704], %select_n3A_699 {strides = array<i32>} : memref<5x2048xf32, #tpu.memory_space<vmem>>, vector<16xf32>,
        %select_n3A_706 = arith.select %gt3A_677, %get3A_674, %broadcast_in_dim3A_6 : vector<16xi1>, vector<16xf32>
        %mul3A_707 = arith.constant 16 : i32
        %mul3A_708 = arith.muli %add3A_653, %mul3A_707 : i32
        %swap3A_709 = arith.constant 4 : i32
        %swap3A_710 = arith.index_cast %swap3A_709 : i32 to index
        %swap3A_711 = arith.index_cast %mul3A_708 : i32 to index
        %swap3A_712 = tpu.vector_load %arg11[%swap3A_710, %swap3A_711] {strides = array<i32>} : memref<5x2048xf32, #tpu.memory_space<vmem>>, vector<16xf32>,
        tpu.vector_store %arg11[%swap3A_710, %swap3A_711], %select_n3A_706 {strides = array<i32>} : memref<5x2048xf32, #tpu.memory_space<vmem>>, vector<16xf32>,
        %jit3A_713 = arith.constant 1 : i32
        %jit3A_714 = arith.constant 0 : i32
        %broadcast_in_dim3A_715 = vector.broadcast %jit3A_713 : i32 to vector<16xi32>
        %broadcast_in_dim3A_716 = vector.broadcast %jit3A_714 : i32 to vector<16xi32>
        %select_n3A_717 = arith.select %gt3A_677, %broadcast_in_dim3A_715, %broadcast_in_dim3A_716 : vector<16xi1>, vector<16xi32>
        %mul3A_718 = arith.constant 16 : i32
        %mul3A_719 = arith.muli %add3A_653, %mul3A_718 : i32
        %swap3A_720 = arith.index_cast %mul3A_719 : i32 to index
        %swap3A_721 = tpu.vector_load %arg15[%swap3A_720] {strides = array<i32>} : memref<2048xi32, #tpu.memory_space<vmem>>, vector<16xi32>,
        tpu.vector_store %arg15[%swap3A_720], %select_n3A_717 {strides = array<i32>} : memref<2048xi32, #tpu.memory_space<vmem>>, vector<16xi32>,
        %mul3A_722 = arith.constant 8 : i32
        %mul3A_723 = arith.muli %scan3A_294, %mul3A_722 : i32
        %add3A_724 = arith.constant 6 : i32
        %add3A_725 = arith.addi %mul3A_723, %add3A_724 : i32
        %mul3A_726 = arith.constant 48 : i32
        %mul3A_727 = arith.muli %add3A_725, %mul3A_726 : i32
        %add3A_728 = vector.broadcast %mul3A_727 : i32 to vector<16xi32>
        %add3A_729 = arith.addi %mul3A_5, %add3A_728 : vector<16xi32>
        %gather3A_730 = tpu.vector_load_idx %arg7[%add3A_729] : memref<6144xf32, #tpu.memory_space<vmem>>[vector<16xi32>], vector<16xf32>,
        %add3A_731 = arith.constant 1 : i32
        %add3A_732 = vector.broadcast %add3A_731 : i32 to vector<16xi32>
        %add3A_733 = arith.addi %add3A_729, %add3A_732 : vector<16xi32>
        %gather3A_734 = tpu.vector_load_idx %arg7[%add3A_733] : memref<6144xf32, #tpu.memory_space<vmem>>[vector<16xi32>], vector<16xf32>,
        %add3A_735 = arith.constant 2 : i32
        %add3A_736 = vector.broadcast %add3A_735 : i32 to vector<16xi32>
        %add3A_737 = arith.addi %add3A_729, %add3A_736 : vector<16xi32>
        %gather3A_738 = tpu.vector_load_idx %arg7[%add3A_737] : memref<6144xf32, #tpu.memory_space<vmem>>[vector<16xi32>], vector<16xf32>,
        %mul3A_739 = arith.constant 16 : i32
        %mul3A_740 = arith.muli %add3A_725, %mul3A_739 : i32
        %get3A_741 = arith.index_cast %mul3A_740 : i32 to index
        %get3A_742 = tpu.vector_load %arg19[%get3A_741] {strides = array<i32>} : memref<2048xf32, #tpu.memory_space<vmem>>, vector<16xf32>,
        %mul3A_743 = arith.constant 16 : i32
        %mul3A_744 = arith.muli %add3A_725, %mul3A_743 : i32
        %get3A_745 = arith.index_cast %mul3A_744 : i32 to index
        %get3A_746 = tpu.vector_load %arg20[%get3A_745] {strides = array<i32>} : memref<2048xf32, #tpu.memory_space<vmem>>, vector<16xf32>,
        %gt3A_747 = arith.constant 0.000000e+00 : f32
        %gt3A_748 = vector.broadcast %gt3A_747 : f32 to vector<16xf32>
        %gt3A_749 = arith.cmpf ogt, %gather3A_738, %gt3A_748 : vector<16xf32>
        %select_n3A_750 = arith.select %gt3A_749, %gather3A_730, %broadcast_in_dim3A_6 : vector<16xi1>, vector<16xf32>
        %mul3A_751 = arith.constant 16 : i32
        %mul3A_752 = arith.muli %add3A_725, %mul3A_751 : i32
        %swap3A_753 = arith.constant 0 : i32
        %swap3A_754 = arith.index_cast %swap3A_753 : i32 to index
        %swap3A_755 = arith.index_cast %mul3A_752 : i32 to index
        %swap3A_756 = tpu.vector_load %arg11[%swap3A_754, %swap3A_755] {strides = array<i32>} : memref<5x2048xf32, #tpu.memory_space<vmem>>, vector<16xf32>,
        tpu.vector_store %arg11[%swap3A_754, %swap3A_755], %select_n3A_750 {strides = array<i32>} : memref<5x2048xf32, #tpu.memory_space<vmem>>, vector<16xf32>,
        %select_n3A_757 = arith.select %gt3A_749, %gather3A_734, %broadcast_in_dim3A_6 : vector<16xi1>, vector<16xf32>
        %mul3A_758 = arith.constant 16 : i32
        %mul3A_759 = arith.muli %add3A_725, %mul3A_758 : i32
        %swap3A_760 = arith.constant 1 : i32
        %swap3A_761 = arith.index_cast %swap3A_760 : i32 to index
        %swap3A_762 = arith.index_cast %mul3A_759 : i32 to index
        %swap3A_763 = tpu.vector_load %arg11[%swap3A_761, %swap3A_762] {strides = array<i32>} : memref<5x2048xf32, #tpu.memory_space<vmem>>, vector<16xf32>,
        tpu.vector_store %arg11[%swap3A_761, %swap3A_762], %select_n3A_757 {strides = array<i32>} : memref<5x2048xf32, #tpu.memory_space<vmem>>, vector<16xf32>,
        %select_n3A_764 = arith.select %gt3A_749, %gather3A_738, %broadcast_in_dim3A_6 : vector<16xi1>, vector<16xf32>
        %mul3A_765 = arith.constant 16 : i32
        %mul3A_766 = arith.muli %add3A_725, %mul3A_765 : i32
        %swap3A_767 = arith.constant 2 : i32
        %swap3A_768 = arith.index_cast %swap3A_767 : i32 to index
        %swap3A_769 = arith.index_cast %mul3A_766 : i32 to index
        %swap3A_770 = tpu.vector_load %arg11[%swap3A_768, %swap3A_769] {strides = array<i32>} : memref<5x2048xf32, #tpu.memory_space<vmem>>, vector<16xf32>,
        tpu.vector_store %arg11[%swap3A_768, %swap3A_769], %select_n3A_764 {strides = array<i32>} : memref<5x2048xf32, #tpu.memory_space<vmem>>, vector<16xf32>,
        %select_n3A_771 = arith.select %gt3A_749, %get3A_742, %broadcast_in_dim3A_6 : vector<16xi1>, vector<16xf32>
        %mul3A_772 = arith.constant 16 : i32
        %mul3A_773 = arith.muli %add3A_725, %mul3A_772 : i32
        %swap3A_774 = arith.constant 3 : i32
        %swap3A_775 = arith.index_cast %swap3A_774 : i32 to index
        %swap3A_776 = arith.index_cast %mul3A_773 : i32 to index
        %swap3A_777 = tpu.vector_load %arg11[%swap3A_775, %swap3A_776] {strides = array<i32>} : memref<5x2048xf32, #tpu.memory_space<vmem>>, vector<16xf32>,
        tpu.vector_store %arg11[%swap3A_775, %swap3A_776], %select_n3A_771 {strides = array<i32>} : memref<5x2048xf32, #tpu.memory_space<vmem>>, vector<16xf32>,
        %select_n3A_778 = arith.select %gt3A_749, %get3A_746, %broadcast_in_dim3A_6 : vector<16xi1>, vector<16xf32>
        %mul3A_779 = arith.constant 16 : i32
        %mul3A_780 = arith.muli %add3A_725, %mul3A_779 : i32
        %swap3A_781 = arith.constant 4 : i32
        %swap3A_782 = arith.index_cast %swap3A_781 : i32 to index
        %swap3A_783 = arith.index_cast %mul3A_780 : i32 to index
        %swap3A_784 = tpu.vector_load %arg11[%swap3A_782, %swap3A_783] {strides = array<i32>} : memref<5x2048xf32, #tpu.memory_space<vmem>>, vector<16xf32>,
        tpu.vector_store %arg11[%swap3A_782, %swap3A_783], %select_n3A_778 {strides = array<i32>} : memref<5x2048xf32, #tpu.memory_space<vmem>>, vector<16xf32>,
        %jit3A_785 = arith.constant 1 : i32
        %jit3A_786 = arith.constant 0 : i32
        %broadcast_in_dim3A_787 = vector.broadcast %jit3A_785 : i32 to vector<16xi32>
        %broadcast_in_dim3A_788 = vector.broadcast %jit3A_786 : i32 to vector<16xi32>
        %select_n3A_789 = arith.select %gt3A_749, %broadcast_in_dim3A_787, %broadcast_in_dim3A_788 : vector<16xi1>, vector<16xi32>
        %mul3A_790 = arith.constant 16 : i32
        %mul3A_791 = arith.muli %add3A_725, %mul3A_790 : i32
        %swap3A_792 = arith.index_cast %mul3A_791 : i32 to index
        %swap3A_793 = tpu.vector_load %arg15[%swap3A_792] {strides = array<i32>} : memref<2048xi32, #tpu.memory_space<vmem>>, vector<16xi32>,
        tpu.vector_store %arg15[%swap3A_792], %select_n3A_789 {strides = array<i32>} : memref<2048xi32, #tpu.memory_space<vmem>>, vector<16xi32>,
        %mul3A_794 = arith.constant 8 : i32
        %mul3A_795 = arith.muli %scan3A_294, %mul3A_794 : i32
        %add3A_796 = arith.constant 7 : i32
        %add3A_797 = arith.addi %mul3A_795, %add3A_796 : i32
        %mul3A_798 = arith.constant 48 : i32
        %mul3A_799 = arith.muli %add3A_797, %mul3A_798 : i32
        %add3A_800 = vector.broadcast %mul3A_799 : i32 to vector<16xi32>
        %add3A_801 = arith.addi %mul3A_5, %add3A_800 : vector<16xi32>
        %gather3A_802 = tpu.vector_load_idx %arg7[%add3A_801] : memref<6144xf32, #tpu.memory_space<vmem>>[vector<16xi32>], vector<16xf32>,
        %add3A_803 = arith.constant 1 : i32
        %add3A_804 = vector.broadcast %add3A_803 : i32 to vector<16xi32>
        %add3A_805 = arith.addi %add3A_801, %add3A_804 : vector<16xi32>
        %gather3A_806 = tpu.vector_load_idx %arg7[%add3A_805] : memref<6144xf32, #tpu.memory_space<vmem>>[vector<16xi32>], vector<16xf32>,
        %add3A_807 = arith.constant 2 : i32
        %add3A_808 = vector.broadcast %add3A_807 : i32 to vector<16xi32>
        %add3A_809 = arith.addi %add3A_801, %add3A_808 : vector<16xi32>
        %gather3A_810 = tpu.vector_load_idx %arg7[%add3A_809] : memref<6144xf32, #tpu.memory_space<vmem>>[vector<16xi32>], vector<16xf32>,
        %mul3A_811 = arith.constant 16 : i32
        %mul3A_812 = arith.muli %add3A_797, %mul3A_811 : i32
        %get3A_813 = arith.index_cast %mul3A_812 : i32 to index
        %get3A_814 = tpu.vector_load %arg19[%get3A_813] {strides = array<i32>} : memref<2048xf32, #tpu.memory_space<vmem>>, vector<16xf32>,
        %mul3A_815 = arith.constant 16 : i32
        %mul3A_816 = arith.muli %add3A_797, %mul3A_815 : i32
        %get3A_817 = arith.index_cast %mul3A_816 : i32 to index
        %get3A_818 = tpu.vector_load %arg20[%get3A_817] {strides = array<i32>} : memref<2048xf32, #tpu.memory_space<vmem>>, vector<16xf32>,
        %gt3A_819 = arith.constant 0.000000e+00 : f32
        %gt3A_820 = vector.broadcast %gt3A_819 : f32 to vector<16xf32>
        %gt3A_821 = arith.cmpf ogt, %gather3A_810, %gt3A_820 : vector<16xf32>
        %select_n3A_822 = arith.select %gt3A_821, %gather3A_802, %broadcast_in_dim3A_6 : vector<16xi1>, vector<16xf32>
        %mul3A_823 = arith.constant 16 : i32
        %mul3A_824 = arith.muli %add3A_797, %mul3A_823 : i32
        %swap3A_825 = arith.constant 0 : i32
        %swap3A_826 = arith.index_cast %swap3A_825 : i32 to index
        %swap3A_827 = arith.index_cast %mul3A_824 : i32 to index
        %swap3A_828 = tpu.vector_load %arg11[%swap3A_826, %swap3A_827] {strides = array<i32>} : memref<5x2048xf32, #tpu.memory_space<vmem>>, vector<16xf32>,
        tpu.vector_store %arg11[%swap3A_826, %swap3A_827], %select_n3A_822 {strides = array<i32>} : memref<5x2048xf32, #tpu.memory_space<vmem>>, vector<16xf32>,
        %select_n3A_829 = arith.select %gt3A_821, %gather3A_806, %broadcast_in_dim3A_6 : vector<16xi1>, vector<16xf32>
        %mul3A_830 = arith.constant 16 : i32
        %mul3A_831 = arith.muli %add3A_797, %mul3A_830 : i32
        %swap3A_832 = arith.constant 1 : i32
        %swap3A_833 = arith.index_cast %swap3A_832 : i32 to index
        %swap3A_834 = arith.index_cast %mul3A_831 : i32 to index
        %swap3A_835 = tpu.vector_load %arg11[%swap3A_833, %swap3A_834] {strides = array<i32>} : memref<5x2048xf32, #tpu.memory_space<vmem>>, vector<16xf32>,
        tpu.vector_store %arg11[%swap3A_833, %swap3A_834], %select_n3A_829 {strides = array<i32>} : memref<5x2048xf32, #tpu.memory_space<vmem>>, vector<16xf32>,
        %select_n3A_836 = arith.select %gt3A_821, %gather3A_810, %broadcast_in_dim3A_6 : vector<16xi1>, vector<16xf32>
        %mul3A_837 = arith.constant 16 : i32
        %mul3A_838 = arith.muli %add3A_797, %mul3A_837 : i32
        %swap3A_839 = arith.constant 2 : i32
        %swap3A_840 = arith.index_cast %swap3A_839 : i32 to index
        %swap3A_841 = arith.index_cast %mul3A_838 : i32 to index
        %swap3A_842 = tpu.vector_load %arg11[%swap3A_840, %swap3A_841] {strides = array<i32>} : memref<5x2048xf32, #tpu.memory_space<vmem>>, vector<16xf32>,
        tpu.vector_store %arg11[%swap3A_840, %swap3A_841], %select_n3A_836 {strides = array<i32>} : memref<5x2048xf32, #tpu.memory_space<vmem>>, vector<16xf32>,
        %select_n3A_843 = arith.select %gt3A_821, %get3A_814, %broadcast_in_dim3A_6 : vector<16xi1>, vector<16xf32>
        %mul3A_844 = arith.constant 16 : i32
        %mul3A_845 = arith.muli %add3A_797, %mul3A_844 : i32
        %swap3A_846 = arith.constant 3 : i32
        %swap3A_847 = arith.index_cast %swap3A_846 : i32 to index
        %swap3A_848 = arith.index_cast %mul3A_845 : i32 to index
        %swap3A_849 = tpu.vector_load %arg11[%swap3A_847, %swap3A_848] {strides = array<i32>} : memref<5x2048xf32, #tpu.memory_space<vmem>>, vector<16xf32>,
        tpu.vector_store %arg11[%swap3A_847, %swap3A_848], %select_n3A_843 {strides = array<i32>} : memref<5x2048xf32, #tpu.memory_space<vmem>>, vector<16xf32>,
        %select_n3A_850 = arith.select %gt3A_821, %get3A_818, %broadcast_in_dim3A_6 : vector<16xi1>, vector<16xf32>
        %mul3A_851 = arith.constant 16 : i32
        %mul3A_852 = arith.muli %add3A_797, %mul3A_851 : i32
        %swap3A_853 = arith.constant 4 : i32
        %swap3A_854 = arith.index_cast %swap3A_853 : i32 to index
        %swap3A_855 = arith.index_cast %mul3A_852 : i32 to index
        %swap3A_856 = tpu.vector_load %arg11[%swap3A_854, %swap3A_855] {strides = array<i32>} : memref<5x2048xf32, #tpu.memory_space<vmem>>, vector<16xf32>,
        tpu.vector_store %arg11[%swap3A_854, %swap3A_855], %select_n3A_850 {strides = array<i32>} : memref<5x2048xf32, #tpu.memory_space<vmem>>, vector<16xf32>,
        %jit3A_857 = arith.constant 1 : i32
        %jit3A_858 = arith.constant 0 : i32
        %broadcast_in_dim3A_859 = vector.broadcast %jit3A_857 : i32 to vector<16xi32>
        %broadcast_in_dim3A_860 = vector.broadcast %jit3A_858 : i32 to vector<16xi32>
        %select_n3A_861 = arith.select %gt3A_821, %broadcast_in_dim3A_859, %broadcast_in_dim3A_860 : vector<16xi1>, vector<16xi32>
        %mul3A_862 = arith.constant 16 : i32
        %mul3A_863 = arith.muli %add3A_797, %mul3A_862 : i32
        %swap3A_864 = arith.index_cast %mul3A_863 : i32 to index
        %swap3A_865 = tpu.vector_load %arg15[%swap3A_864] {strides = array<i32>} : memref<2048xi32, #tpu.memory_space<vmem>>, vector<16xi32>,
        tpu.vector_store %arg15[%swap3A_864], %select_n3A_861 {strides = array<i32>} : memref<2048xi32, #tpu.memory_space<vmem>>, vector<16xi32>,
      }
      %scan3A_141 = arith.constant 16 : i32
      %dma_start3A_142 = arith.constant 0 : i32
      %dma_start3A_143 = arith.constant 0 : i32
      %dma_start3A_144 = tpu.memref_slice %arg5[%dma_start3A_142, %add3A_126, %dma_start3A_143] : memref<5x4096x2048xf32, #tpu.memory_space<hbm>> -> memref<5x1x2048xf32, #tpu.memory_space<hbm>>
      %dma_start3A_145 = tpu.memref_squeeze %dma_start3A_144 : memref<5x1x2048xf32, #tpu.memory_space<hbm>> -> memref<5x2048xf32, #tpu.memory_space<hbm>>
      %dma_start3A_146 = arith.constant 0 : i32
      %dma_start3A_147 = arith.constant 0 : i32
      %dma_start3A_148 = tpu.memref_slice %arg5[%dma_start3A_146, %add3A_126, %dma_start3A_147] : memref<5x4096x2048xf32, #tpu.memory_space<hbm>> -> memref<5x1x2048xf32, #tpu.memory_space<hbm>>
      %dma_start3A_149 = tpu.memref_squeeze %dma_start3A_148 : memref<5x1x2048xf32, #tpu.memory_space<hbm>> -> memref<5x2048xf32, #tpu.memory_space<hbm>>
      tpu.enqueue_dma source(%arg11 : memref<5x2048xf32, #tpu.memory_space<vmem>>) target(%dma_start3A_149 : memref<5x2048xf32, #tpu.memory_space<hbm>>) target_semaphore(%arg25 : memref<!tpu.dma_semaphore, #tpu.memory_space<semaphore_mem>>)
      %dma_start3A_150 = arith.constant 0 : i32
      %dma_start3A_151 = tpu.memref_slice %arg6[%add3A_126, %dma_start3A_150] : memref<4096x2048xi32, #tpu.memory_space<hbm>> -> memref<1x2048xi32, #tpu.memory_space<hbm>>
      %dma_start3A_152 = tpu.memref_squeeze %dma_start3A_151 : memref<1x2048xi32, #tpu.memory_space<hbm>> -> memref<2048xi32, #tpu.memory_space<hbm>>
      %dma_start3A_153 = arith.constant 0 : i32
      %dma_start3A_154 = tpu.memref_slice %arg6[%add3A_126, %dma_start3A_153] : memref<4096x2048xi32, #tpu.memory_space<hbm>> -> memref<1x2048xi32, #tpu.memory_space<hbm>>
      %dma_start3A_155 = tpu.memref_squeeze %dma_start3A_154 : memref<1x2048xi32, #tpu.memory_space<hbm>> -> memref<2048xi32, #tpu.memory_space<hbm>>
      tpu.enqueue_dma source(%arg15 : memref<2048xi32, #tpu.memory_space<vmem>>) target(%dma_start3A_155 : memref<2048xi32, #tpu.memory_space<hbm>>) target_semaphore(%arg25 : memref<!tpu.dma_semaphore, #tpu.memory_space<semaphore_mem>>)
      %add3A_156 = arith.constant 4 : i32
      %add3A_157 = arith.addi %add3A_125, %add3A_156 : i32
      %lt3A = arith.constant 128 : i32
      %lt3A_158 = arith.cmpi slt, %add3A_157, %lt3A : i32
      %convert_element_type3A_159 = arith.extui %lt3A_158 : i1 to i32
      %cond3A_160 = arith.constant 0 : i32
      %cond3A_161 = arith.cmpi ne, %convert_element_type3A_159, %cond3A_160 : i32
      scf.if %cond3A_161 {
        %add3A_294 = arith.constant 4 : i32
        %add3A_295 = arith.addi %add3A_126, %add3A_294 : i32
        %dma_start3A_296 = arith.constant 0 : i32
        %dma_start3A_297 = tpu.memref_slice %arg2[%add3A_295, %dma_start3A_296] : memref<4096x6144xf32, #tpu.memory_space<hbm>> -> memref<1x6144xf32, #tpu.memory_space<hbm>>
        %dma_start3A_298 = tpu.memref_squeeze %dma_start3A_297 : memref<1x6144xf32, #tpu.memory_space<hbm>> -> memref<6144xf32, #tpu.memory_space<hbm>>
        %dma_start3A_299 = arith.constant 0 : i32
        %dma_start3A_300 = tpu.memref_slice %arg2[%add3A_295, %dma_start3A_299] : memref<4096x6144xf32, #tpu.memory_space<hbm>> -> memref<1x6144xf32, #tpu.memory_space<hbm>>
        %dma_start3A_301 = tpu.memref_squeeze %dma_start3A_300 : memref<1x6144xf32, #tpu.memory_space<hbm>> -> memref<6144xf32, #tpu.memory_space<hbm>>
        tpu.enqueue_dma source(%dma_start3A_301 : memref<6144xf32, #tpu.memory_space<hbm>>) target(%arg7 : memref<6144xf32, #tpu.memory_space<vmem>>) target_semaphore(%arg21 : memref<!tpu.dma_semaphore, #tpu.memory_space<semaphore_mem>>)
      } else {
      }
      %mul3A_162 = arith.constant 4 : i32
      %mul3A_163 = arith.muli %mul3A_162, %scan3A_121 : i32
      %add3A_164 = arith.constant 1 : i32
      %add3A_165 = arith.addi %mul3A_163, %add3A_164 : i32
      %add3A_166 = arith.addi %mul3A_2, %add3A_165 : i32
      %dma_wait3A_167 = arith.constant 0 : i32
      %dma_wait3A_168 = arith.constant 0 : i32
      %dma_wait3A_169 = tpu.memref_slice %arg2[%dma_wait3A_167, %dma_wait3A_168] : memref<4096x6144xf32, #tpu.memory_space<hbm>> -> memref<1x6144xf32, #tpu.memory_space<hbm>>
      %dma_wait3A_170 = tpu.memref_squeeze %dma_wait3A_169 : memref<1x6144xf32, #tpu.memory_space<hbm>> -> memref<6144xf32, #tpu.memory_space<hbm>>
      %dma_wait3A_171 = arith.constant 0 : i32
      %dma_wait3A_172 = tpu.memref_slice %arg2[%dma_wait3A_167, %dma_wait3A_171] : memref<4096x6144xf32, #tpu.memory_space<hbm>> -> memref<1x6144xf32, #tpu.memory_space<hbm>>
      %dma_wait3A_173 = tpu.memref_squeeze %dma_wait3A_172 : memref<1x6144xf32, #tpu.memory_space<hbm>> -> memref<6144xf32, #tpu.memory_space<hbm>>
      tpu.wait_dma2 semaphore(%arg22 : memref<!tpu.dma_semaphore, #tpu.memory_space<semaphore_mem>>) src(%dma_wait3A_173 : memref<6144xf32, #tpu.memory_space<hbm>>) dst(%arg8 : memref<6144xf32, #tpu.memory_space<vmem>>)
      %gt3A_174 = arith.constant 0 : i32
      %gt3A_175 = arith.cmpi sgt, %scan3A_121, %gt3A_174 : i32
      %convert_element_type3A_176 = arith.extui %gt3A_175 : i1 to i32
      %cond3A_177 = arith.constant 0 : i32
      %cond3A_178 = arith.cmpi ne, %convert_element_type3A_176, %cond3A_177 : i32
      scf.if %cond3A_178 {
        %sub3A_294 = arith.constant 4 : i32
        %sub3A_295 = arith.subi %add3A_166, %sub3A_294 : i32
        %dma_wait3A_296 = arith.constant 0 : i32
        %dma_wait3A_297 = arith.constant 0 : i32
        %dma_wait3A_298 = tpu.memref_slice %arg5[%dma_wait3A_296, %sub3A_295, %dma_wait3A_297] : memref<5x4096x2048xf32, #tpu.memory_space<hbm>> -> memref<5x1x2048xf32, #tpu.memory_space<hbm>>
        %dma_wait3A_299 = tpu.memref_squeeze %dma_wait3A_298 : memref<5x1x2048xf32, #tpu.memory_space<hbm>> -> memref<5x2048xf32, #tpu.memory_space<hbm>>
        %dma_wait3A_300 = arith.constant 0 : i32
        %dma_wait3A_301 = arith.constant 0 : i32
        %dma_wait3A_302 = tpu.memref_slice %arg5[%dma_wait3A_300, %sub3A_295, %dma_wait3A_301] : memref<5x4096x2048xf32, #tpu.memory_space<hbm>> -> memref<5x1x2048xf32, #tpu.memory_space<hbm>>
        %dma_wait3A_303 = tpu.memref_squeeze %dma_wait3A_302 : memref<5x1x2048xf32, #tpu.memory_space<hbm>> -> memref<5x2048xf32, #tpu.memory_space<hbm>>
        tpu.wait_dma2 semaphore(%arg26 : memref<!tpu.dma_semaphore, #tpu.memory_space<semaphore_mem>>) src(%arg12 : memref<5x2048xf32, #tpu.memory_space<vmem>>) dst(%dma_wait3A_303 : memref<5x2048xf32, #tpu.memory_space<hbm>>)
        %dma_wait3A_304 = arith.constant 0 : i32
        %dma_wait3A_305 = tpu.memref_slice %arg6[%sub3A_295, %dma_wait3A_304] : memref<4096x2048xi32, #tpu.memory_space<hbm>> -> memref<1x2048xi32, #tpu.memory_space<hbm>>
        %dma_wait3A_306 = tpu.memref_squeeze %dma_wait3A_305 : memref<1x2048xi32, #tpu.memory_space<hbm>> -> memref<2048xi32, #tpu.memory_space<hbm>>
        %dma_wait3A_307 = arith.constant 0 : i32
        %dma_wait3A_308 = tpu.memref_slice %arg6[%sub3A_295, %dma_wait3A_307] : memref<4096x2048xi32, #tpu.memory_space<hbm>> -> memref<1x2048xi32, #tpu.memory_space<hbm>>
        %dma_wait3A_309 = tpu.memref_squeeze %dma_wait3A_308 : memref<1x2048xi32, #tpu.memory_space<hbm>> -> memref<2048xi32, #tpu.memory_space<hbm>>
        tpu.wait_dma2 semaphore(%arg26 : memref<!tpu.dma_semaphore, #tpu.memory_space<semaphore_mem>>) src(%arg16 : memref<2048xi32, #tpu.memory_space<vmem>>) dst(%dma_wait3A_309 : memref<2048xi32, #tpu.memory_space<hbm>>)
      } else {
      }
      %scan3A_179 = arith.constant 0 : i32
      %scan3A_180 = arith.constant 0 : i32
      %scan3A_181 = arith.constant 16 : i32
      %scan3A_182 = arith.addi %scan3A_180, %scan3A_181 : i32
      %scan3A_183 = arith.constant 1 : i32
      scf.for %scan3A_294 = %scan3A_180 to %scan3A_182 step %scan3A_183  : i32 {
        %mul3A_295 = arith.constant 8 : i32
        %mul3A_296 = arith.muli %scan3A_294, %mul3A_295 : i32
        %add3A_297 = arith.constant 0 : i32
        %add3A_298 = arith.addi %mul3A_296, %add3A_297 : i32
        %mul3A_299 = arith.constant 48 : i32
        %mul3A_300 = arith.muli %add3A_298, %mul3A_299 : i32
        %add3A_301 = vector.broadcast %mul3A_300 : i32 to vector<16xi32>
        %add3A_302 = arith.addi %mul3A_5, %add3A_301 : vector<16xi32>
        %gather3A = tpu.vector_load_idx %arg8[%add3A_302] : memref<6144xf32, #tpu.memory_space<vmem>>[vector<16xi32>], vector<16xf32>,
        %add3A_303 = arith.constant 1 : i32
        %add3A_304 = vector.broadcast %add3A_303 : i32 to vector<16xi32>
        %add3A_305 = arith.addi %add3A_302, %add3A_304 : vector<16xi32>
        %gather3A_306 = tpu.vector_load_idx %arg8[%add3A_305] : memref<6144xf32, #tpu.memory_space<vmem>>[vector<16xi32>], vector<16xf32>,
        %add3A_307 = arith.constant 2 : i32
        %add3A_308 = vector.broadcast %add3A_307 : i32 to vector<16xi32>
        %add3A_309 = arith.addi %add3A_302, %add3A_308 : vector<16xi32>
        %gather3A_310 = tpu.vector_load_idx %arg8[%add3A_309] : memref<6144xf32, #tpu.memory_space<vmem>>[vector<16xi32>], vector<16xf32>,
        %mul3A_311 = arith.constant 16 : i32
        %mul3A_312 = arith.muli %add3A_298, %mul3A_311 : i32
        %get3A = arith.index_cast %mul3A_312 : i32 to index
        %get3A_313 = tpu.vector_load %arg19[%get3A] {strides = array<i32>} : memref<2048xf32, #tpu.memory_space<vmem>>, vector<16xf32>,
        %mul3A_314 = arith.constant 16 : i32
        %mul3A_315 = arith.muli %add3A_298, %mul3A_314 : i32
        %get3A_316 = arith.index_cast %mul3A_315 : i32 to index
        %get3A_317 = tpu.vector_load %arg20[%get3A_316] {strides = array<i32>} : memref<2048xf32, #tpu.memory_space<vmem>>, vector<16xf32>,
        %gt3A_318 = arith.constant 0.000000e+00 : f32
        %gt3A_319 = vector.broadcast %gt3A_318 : f32 to vector<16xf32>
        %gt3A_320 = arith.cmpf ogt, %gather3A_310, %gt3A_319 : vector<16xf32>
        %select_n3A = arith.select %gt3A_320, %gather3A, %broadcast_in_dim3A_6 : vector<16xi1>, vector<16xf32>
        %mul3A_321 = arith.constant 16 : i32
        %mul3A_322 = arith.muli %add3A_298, %mul3A_321 : i32
        %swap3A = arith.constant 0 : i32
        %swap3A_323 = arith.index_cast %swap3A : i32 to index
        %swap3A_324 = arith.index_cast %mul3A_322 : i32 to index
        %swap3A_325 = tpu.vector_load %arg12[%swap3A_323, %swap3A_324] {strides = array<i32>} : memref<5x2048xf32, #tpu.memory_space<vmem>>, vector<16xf32>,
        tpu.vector_store %arg12[%swap3A_323, %swap3A_324], %select_n3A {strides = array<i32>} : memref<5x2048xf32, #tpu.memory_space<vmem>>, vector<16xf32>,
        %select_n3A_326 = arith.select %gt3A_320, %gather3A_306, %broadcast_in_dim3A_6 : vector<16xi1>, vector<16xf32>
        %mul3A_327 = arith.constant 16 : i32
        %mul3A_328 = arith.muli %add3A_298, %mul3A_327 : i32
        %swap3A_329 = arith.constant 1 : i32
        %swap3A_330 = arith.index_cast %swap3A_329 : i32 to index
        %swap3A_331 = arith.index_cast %mul3A_328 : i32 to index
        %swap3A_332 = tpu.vector_load %arg12[%swap3A_330, %swap3A_331] {strides = array<i32>} : memref<5x2048xf32, #tpu.memory_space<vmem>>, vector<16xf32>,
        tpu.vector_store %arg12[%swap3A_330, %swap3A_331], %select_n3A_326 {strides = array<i32>} : memref<5x2048xf32, #tpu.memory_space<vmem>>, vector<16xf32>,
        %select_n3A_333 = arith.select %gt3A_320, %gather3A_310, %broadcast_in_dim3A_6 : vector<16xi1>, vector<16xf32>
        %mul3A_334 = arith.constant 16 : i32
        %mul3A_335 = arith.muli %add3A_298, %mul3A_334 : i32
        %swap3A_336 = arith.constant 2 : i32
        %swap3A_337 = arith.index_cast %swap3A_336 : i32 to index
        %swap3A_338 = arith.index_cast %mul3A_335 : i32 to index
        %swap3A_339 = tpu.vector_load %arg12[%swap3A_337, %swap3A_338] {strides = array<i32>} : memref<5x2048xf32, #tpu.memory_space<vmem>>, vector<16xf32>,
        tpu.vector_store %arg12[%swap3A_337, %swap3A_338], %select_n3A_333 {strides = array<i32>} : memref<5x2048xf32, #tpu.memory_space<vmem>>, vector<16xf32>,
        %select_n3A_340 = arith.select %gt3A_320, %get3A_313, %broadcast_in_dim3A_6 : vector<16xi1>, vector<16xf32>
        %mul3A_341 = arith.constant 16 : i32
        %mul3A_342 = arith.muli %add3A_298, %mul3A_341 : i32
        %swap3A_343 = arith.constant 3 : i32
        %swap3A_344 = arith.index_cast %swap3A_343 : i32 to index
        %swap3A_345 = arith.index_cast %mul3A_342 : i32 to index
        %swap3A_346 = tpu.vector_load %arg12[%swap3A_344, %swap3A_345] {strides = array<i32>} : memref<5x2048xf32, #tpu.memory_space<vmem>>, vector<16xf32>,
        tpu.vector_store %arg12[%swap3A_344, %swap3A_345], %select_n3A_340 {strides = array<i32>} : memref<5x2048xf32, #tpu.memory_space<vmem>>, vector<16xf32>,
        %select_n3A_347 = arith.select %gt3A_320, %get3A_317, %broadcast_in_dim3A_6 : vector<16xi1>, vector<16xf32>
        %mul3A_348 = arith.constant 16 : i32
        %mul3A_349 = arith.muli %add3A_298, %mul3A_348 : i32
        %swap3A_350 = arith.constant 4 : i32
        %swap3A_351 = arith.index_cast %swap3A_350 : i32 to index
        %swap3A_352 = arith.index_cast %mul3A_349 : i32 to index
        %swap3A_353 = tpu.vector_load %arg12[%swap3A_351, %swap3A_352] {strides = array<i32>} : memref<5x2048xf32, #tpu.memory_space<vmem>>, vector<16xf32>,
        tpu.vector_store %arg12[%swap3A_351, %swap3A_352], %select_n3A_347 {strides = array<i32>} : memref<5x2048xf32, #tpu.memory_space<vmem>>, vector<16xf32>,
        %jit3A = arith.constant 1 : i32
        %jit3A_354 = arith.constant 0 : i32
        %broadcast_in_dim3A_355 = vector.broadcast %jit3A : i32 to vector<16xi32>
        %broadcast_in_dim3A_356 = vector.broadcast %jit3A_354 : i32 to vector<16xi32>
        %select_n3A_357 = arith.select %gt3A_320, %broadcast_in_dim3A_355, %broadcast_in_dim3A_356 : vector<16xi1>, vector<16xi32>
        %mul3A_358 = arith.constant 16 : i32
        %mul3A_359 = arith.muli %add3A_298, %mul3A_358 : i32
        %swap3A_360 = arith.index_cast %mul3A_359 : i32 to index
        %swap3A_361 = tpu.vector_load %arg16[%swap3A_360] {strides = array<i32>} : memref<2048xi32, #tpu.memory_space<vmem>>, vector<16xi32>,
        tpu.vector_store %arg16[%swap3A_360], %select_n3A_357 {strides = array<i32>} : memref<2048xi32, #tpu.memory_space<vmem>>, vector<16xi32>,
        %mul3A_362 = arith.constant 8 : i32
        %mul3A_363 = arith.muli %scan3A_294, %mul3A_362 : i32
        %add3A_364 = arith.constant 1 : i32
        %add3A_365 = arith.addi %mul3A_363, %add3A_364 : i32
        %mul3A_366 = arith.constant 48 : i32
        %mul3A_367 = arith.muli %add3A_365, %mul3A_366 : i32
        %add3A_368 = vector.broadcast %mul3A_367 : i32 to vector<16xi32>
        %add3A_369 = arith.addi %mul3A_5, %add3A_368 : vector<16xi32>
        %gather3A_370 = tpu.vector_load_idx %arg8[%add3A_369] : memref<6144xf32, #tpu.memory_space<vmem>>[vector<16xi32>], vector<16xf32>,
        %add3A_371 = arith.constant 1 : i32
        %add3A_372 = vector.broadcast %add3A_371 : i32 to vector<16xi32>
        %add3A_373 = arith.addi %add3A_369, %add3A_372 : vector<16xi32>
        %gather3A_374 = tpu.vector_load_idx %arg8[%add3A_373] : memref<6144xf32, #tpu.memory_space<vmem>>[vector<16xi32>], vector<16xf32>,
        %add3A_375 = arith.constant 2 : i32
        %add3A_376 = vector.broadcast %add3A_375 : i32 to vector<16xi32>
        %add3A_377 = arith.addi %add3A_369, %add3A_376 : vector<16xi32>
        %gather3A_378 = tpu.vector_load_idx %arg8[%add3A_377] : memref<6144xf32, #tpu.memory_space<vmem>>[vector<16xi32>], vector<16xf32>,
        %mul3A_379 = arith.constant 16 : i32
        %mul3A_380 = arith.muli %add3A_365, %mul3A_379 : i32
        %get3A_381 = arith.index_cast %mul3A_380 : i32 to index
        %get3A_382 = tpu.vector_load %arg19[%get3A_381] {strides = array<i32>} : memref<2048xf32, #tpu.memory_space<vmem>>, vector<16xf32>,
        %mul3A_383 = arith.constant 16 : i32
        %mul3A_384 = arith.muli %add3A_365, %mul3A_383 : i32
        %get3A_385 = arith.index_cast %mul3A_384 : i32 to index
        %get3A_386 = tpu.vector_load %arg20[%get3A_385] {strides = array<i32>} : memref<2048xf32, #tpu.memory_space<vmem>>, vector<16xf32>,
        %gt3A_387 = arith.constant 0.000000e+00 : f32
        %gt3A_388 = vector.broadcast %gt3A_387 : f32 to vector<16xf32>
        %gt3A_389 = arith.cmpf ogt, %gather3A_378, %gt3A_388 : vector<16xf32>
        %select_n3A_390 = arith.select %gt3A_389, %gather3A_370, %broadcast_in_dim3A_6 : vector<16xi1>, vector<16xf32>
        %mul3A_391 = arith.constant 16 : i32
        %mul3A_392 = arith.muli %add3A_365, %mul3A_391 : i32
        %swap3A_393 = arith.constant 0 : i32
        %swap3A_394 = arith.index_cast %swap3A_393 : i32 to index
        %swap3A_395 = arith.index_cast %mul3A_392 : i32 to index
        %swap3A_396 = tpu.vector_load %arg12[%swap3A_394, %swap3A_395] {strides = array<i32>} : memref<5x2048xf32, #tpu.memory_space<vmem>>, vector<16xf32>,
        tpu.vector_store %arg12[%swap3A_394, %swap3A_395], %select_n3A_390 {strides = array<i32>} : memref<5x2048xf32, #tpu.memory_space<vmem>>, vector<16xf32>,
        %select_n3A_397 = arith.select %gt3A_389, %gather3A_374, %broadcast_in_dim3A_6 : vector<16xi1>, vector<16xf32>
        %mul3A_398 = arith.constant 16 : i32
        %mul3A_399 = arith.muli %add3A_365, %mul3A_398 : i32
        %swap3A_400 = arith.constant 1 : i32
        %swap3A_401 = arith.index_cast %swap3A_400 : i32 to index
        %swap3A_402 = arith.index_cast %mul3A_399 : i32 to index
        %swap3A_403 = tpu.vector_load %arg12[%swap3A_401, %swap3A_402] {strides = array<i32>} : memref<5x2048xf32, #tpu.memory_space<vmem>>, vector<16xf32>,
        tpu.vector_store %arg12[%swap3A_401, %swap3A_402], %select_n3A_397 {strides = array<i32>} : memref<5x2048xf32, #tpu.memory_space<vmem>>, vector<16xf32>,
        %select_n3A_404 = arith.select %gt3A_389, %gather3A_378, %broadcast_in_dim3A_6 : vector<16xi1>, vector<16xf32>
        %mul3A_405 = arith.constant 16 : i32
        %mul3A_406 = arith.muli %add3A_365, %mul3A_405 : i32
        %swap3A_407 = arith.constant 2 : i32
        %swap3A_408 = arith.index_cast %swap3A_407 : i32 to index
        %swap3A_409 = arith.index_cast %mul3A_406 : i32 to index
        %swap3A_410 = tpu.vector_load %arg12[%swap3A_408, %swap3A_409] {strides = array<i32>} : memref<5x2048xf32, #tpu.memory_space<vmem>>, vector<16xf32>,
        tpu.vector_store %arg12[%swap3A_408, %swap3A_409], %select_n3A_404 {strides = array<i32>} : memref<5x2048xf32, #tpu.memory_space<vmem>>, vector<16xf32>,
        %select_n3A_411 = arith.select %gt3A_389, %get3A_382, %broadcast_in_dim3A_6 : vector<16xi1>, vector<16xf32>
        %mul3A_412 = arith.constant 16 : i32
        %mul3A_413 = arith.muli %add3A_365, %mul3A_412 : i32
        %swap3A_414 = arith.constant 3 : i32
        %swap3A_415 = arith.index_cast %swap3A_414 : i32 to index
        %swap3A_416 = arith.index_cast %mul3A_413 : i32 to index
        %swap3A_417 = tpu.vector_load %arg12[%swap3A_415, %swap3A_416] {strides = array<i32>} : memref<5x2048xf32, #tpu.memory_space<vmem>>, vector<16xf32>,
        tpu.vector_store %arg12[%swap3A_415, %swap3A_416], %select_n3A_411 {strides = array<i32>} : memref<5x2048xf32, #tpu.memory_space<vmem>>, vector<16xf32>,
        %select_n3A_418 = arith.select %gt3A_389, %get3A_386, %broadcast_in_dim3A_6 : vector<16xi1>, vector<16xf32>
        %mul3A_419 = arith.constant 16 : i32
        %mul3A_420 = arith.muli %add3A_365, %mul3A_419 : i32
        %swap3A_421 = arith.constant 4 : i32
        %swap3A_422 = arith.index_cast %swap3A_421 : i32 to index
        %swap3A_423 = arith.index_cast %mul3A_420 : i32 to index
        %swap3A_424 = tpu.vector_load %arg12[%swap3A_422, %swap3A_423] {strides = array<i32>} : memref<5x2048xf32, #tpu.memory_space<vmem>>, vector<16xf32>,
        tpu.vector_store %arg12[%swap3A_422, %swap3A_423], %select_n3A_418 {strides = array<i32>} : memref<5x2048xf32, #tpu.memory_space<vmem>>, vector<16xf32>,
        %jit3A_425 = arith.constant 1 : i32
        %jit3A_426 = arith.constant 0 : i32
        %broadcast_in_dim3A_427 = vector.broadcast %jit3A_425 : i32 to vector<16xi32>
        %broadcast_in_dim3A_428 = vector.broadcast %jit3A_426 : i32 to vector<16xi32>
        %select_n3A_429 = arith.select %gt3A_389, %broadcast_in_dim3A_427, %broadcast_in_dim3A_428 : vector<16xi1>, vector<16xi32>
        %mul3A_430 = arith.constant 16 : i32
        %mul3A_431 = arith.muli %add3A_365, %mul3A_430 : i32
        %swap3A_432 = arith.index_cast %mul3A_431 : i32 to index
        %swap3A_433 = tpu.vector_load %arg16[%swap3A_432] {strides = array<i32>} : memref<2048xi32, #tpu.memory_space<vmem>>, vector<16xi32>,
        tpu.vector_store %arg16[%swap3A_432], %select_n3A_429 {strides = array<i32>} : memref<2048xi32, #tpu.memory_space<vmem>>, vector<16xi32>,
        %mul3A_434 = arith.constant 8 : i32
        %mul3A_435 = arith.muli %scan3A_294, %mul3A_434 : i32
        %add3A_436 = arith.constant 2 : i32
        %add3A_437 = arith.addi %mul3A_435, %add3A_436 : i32
        %mul3A_438 = arith.constant 48 : i32
        %mul3A_439 = arith.muli %add3A_437, %mul3A_438 : i32
        %add3A_440 = vector.broadcast %mul3A_439 : i32 to vector<16xi32>
        %add3A_441 = arith.addi %mul3A_5, %add3A_440 : vector<16xi32>
        %gather3A_442 = tpu.vector_load_idx %arg8[%add3A_441] : memref<6144xf32, #tpu.memory_space<vmem>>[vector<16xi32>], vector<16xf32>,
        %add3A_443 = arith.constant 1 : i32
        %add3A_444 = vector.broadcast %add3A_443 : i32 to vector<16xi32>
        %add3A_445 = arith.addi %add3A_441, %add3A_444 : vector<16xi32>
        %gather3A_446 = tpu.vector_load_idx %arg8[%add3A_445] : memref<6144xf32, #tpu.memory_space<vmem>>[vector<16xi32>], vector<16xf32>,
        %add3A_447 = arith.constant 2 : i32
        %add3A_448 = vector.broadcast %add3A_447 : i32 to vector<16xi32>
        %add3A_449 = arith.addi %add3A_441, %add3A_448 : vector<16xi32>
        %gather3A_450 = tpu.vector_load_idx %arg8[%add3A_449] : memref<6144xf32, #tpu.memory_space<vmem>>[vector<16xi32>], vector<16xf32>,
        %mul3A_451 = arith.constant 16 : i32
        %mul3A_452 = arith.muli %add3A_437, %mul3A_451 : i32
        %get3A_453 = arith.index_cast %mul3A_452 : i32 to index
        %get3A_454 = tpu.vector_load %arg19[%get3A_453] {strides = array<i32>} : memref<2048xf32, #tpu.memory_space<vmem>>, vector<16xf32>,
        %mul3A_455 = arith.constant 16 : i32
        %mul3A_456 = arith.muli %add3A_437, %mul3A_455 : i32
        %get3A_457 = arith.index_cast %mul3A_456 : i32 to index
        %get3A_458 = tpu.vector_load %arg20[%get3A_457] {strides = array<i32>} : memref<2048xf32, #tpu.memory_space<vmem>>, vector<16xf32>,
        %gt3A_459 = arith.constant 0.000000e+00 : f32
        %gt3A_460 = vector.broadcast %gt3A_459 : f32 to vector<16xf32>
        %gt3A_461 = arith.cmpf ogt, %gather3A_450, %gt3A_460 : vector<16xf32>
        %select_n3A_462 = arith.select %gt3A_461, %gather3A_442, %broadcast_in_dim3A_6 : vector<16xi1>, vector<16xf32>
        %mul3A_463 = arith.constant 16 : i32
        %mul3A_464 = arith.muli %add3A_437, %mul3A_463 : i32
        %swap3A_465 = arith.constant 0 : i32
        %swap3A_466 = arith.index_cast %swap3A_465 : i32 to index
        %swap3A_467 = arith.index_cast %mul3A_464 : i32 to index
        %swap3A_468 = tpu.vector_load %arg12[%swap3A_466, %swap3A_467] {strides = array<i32>} : memref<5x2048xf32, #tpu.memory_space<vmem>>, vector<16xf32>,
        tpu.vector_store %arg12[%swap3A_466, %swap3A_467], %select_n3A_462 {strides = array<i32>} : memref<5x2048xf32, #tpu.memory_space<vmem>>, vector<16xf32>,
        %select_n3A_469 = arith.select %gt3A_461, %gather3A_446, %broadcast_in_dim3A_6 : vector<16xi1>, vector<16xf32>
        %mul3A_470 = arith.constant 16 : i32
        %mul3A_471 = arith.muli %add3A_437, %mul3A_470 : i32
        %swap3A_472 = arith.constant 1 : i32
        %swap3A_473 = arith.index_cast %swap3A_472 : i32 to index
        %swap3A_474 = arith.index_cast %mul3A_471 : i32 to index
        %swap3A_475 = tpu.vector_load %arg12[%swap3A_473, %swap3A_474] {strides = array<i32>} : memref<5x2048xf32, #tpu.memory_space<vmem>>, vector<16xf32>,
        tpu.vector_store %arg12[%swap3A_473, %swap3A_474], %select_n3A_469 {strides = array<i32>} : memref<5x2048xf32, #tpu.memory_space<vmem>>, vector<16xf32>,
        %select_n3A_476 = arith.select %gt3A_461, %gather3A_450, %broadcast_in_dim3A_6 : vector<16xi1>, vector<16xf32>
        %mul3A_477 = arith.constant 16 : i32
        %mul3A_478 = arith.muli %add3A_437, %mul3A_477 : i32
        %swap3A_479 = arith.constant 2 : i32
        %swap3A_480 = arith.index_cast %swap3A_479 : i32 to index
        %swap3A_481 = arith.index_cast %mul3A_478 : i32 to index
        %swap3A_482 = tpu.vector_load %arg12[%swap3A_480, %swap3A_481] {strides = array<i32>} : memref<5x2048xf32, #tpu.memory_space<vmem>>, vector<16xf32>,
        tpu.vector_store %arg12[%swap3A_480, %swap3A_481], %select_n3A_476 {strides = array<i32>} : memref<5x2048xf32, #tpu.memory_space<vmem>>, vector<16xf32>,
        %select_n3A_483 = arith.select %gt3A_461, %get3A_454, %broadcast_in_dim3A_6 : vector<16xi1>, vector<16xf32>
        %mul3A_484 = arith.constant 16 : i32
        %mul3A_485 = arith.muli %add3A_437, %mul3A_484 : i32
        %swap3A_486 = arith.constant 3 : i32
        %swap3A_487 = arith.index_cast %swap3A_486 : i32 to index
        %swap3A_488 = arith.index_cast %mul3A_485 : i32 to index
        %swap3A_489 = tpu.vector_load %arg12[%swap3A_487, %swap3A_488] {strides = array<i32>} : memref<5x2048xf32, #tpu.memory_space<vmem>>, vector<16xf32>,
        tpu.vector_store %arg12[%swap3A_487, %swap3A_488], %select_n3A_483 {strides = array<i32>} : memref<5x2048xf32, #tpu.memory_space<vmem>>, vector<16xf32>,
        %select_n3A_490 = arith.select %gt3A_461, %get3A_458, %broadcast_in_dim3A_6 : vector<16xi1>, vector<16xf32>
        %mul3A_491 = arith.constant 16 : i32
        %mul3A_492 = arith.muli %add3A_437, %mul3A_491 : i32
        %swap3A_493 = arith.constant 4 : i32
        %swap3A_494 = arith.index_cast %swap3A_493 : i32 to index
        %swap3A_495 = arith.index_cast %mul3A_492 : i32 to index
        %swap3A_496 = tpu.vector_load %arg12[%swap3A_494, %swap3A_495] {strides = array<i32>} : memref<5x2048xf32, #tpu.memory_space<vmem>>, vector<16xf32>,
        tpu.vector_store %arg12[%swap3A_494, %swap3A_495], %select_n3A_490 {strides = array<i32>} : memref<5x2048xf32, #tpu.memory_space<vmem>>, vector<16xf32>,
        %jit3A_497 = arith.constant 1 : i32
        %jit3A_498 = arith.constant 0 : i32
        %broadcast_in_dim3A_499 = vector.broadcast %jit3A_497 : i32 to vector<16xi32>
        %broadcast_in_dim3A_500 = vector.broadcast %jit3A_498 : i32 to vector<16xi32>
        %select_n3A_501 = arith.select %gt3A_461, %broadcast_in_dim3A_499, %broadcast_in_dim3A_500 : vector<16xi1>, vector<16xi32>
        %mul3A_502 = arith.constant 16 : i32
        %mul3A_503 = arith.muli %add3A_437, %mul3A_502 : i32
        %swap3A_504 = arith.index_cast %mul3A_503 : i32 to index
        %swap3A_505 = tpu.vector_load %arg16[%swap3A_504] {strides = array<i32>} : memref<2048xi32, #tpu.memory_space<vmem>>, vector<16xi32>,
        tpu.vector_store %arg16[%swap3A_504], %select_n3A_501 {strides = array<i32>} : memref<2048xi32, #tpu.memory_space<vmem>>, vector<16xi32>,
        %mul3A_506 = arith.constant 8 : i32
        %mul3A_507 = arith.muli %scan3A_294, %mul3A_506 : i32
        %add3A_508 = arith.constant 3 : i32
        %add3A_509 = arith.addi %mul3A_507, %add3A_508 : i32
        %mul3A_510 = arith.constant 48 : i32
        %mul3A_511 = arith.muli %add3A_509, %mul3A_510 : i32
        %add3A_512 = vector.broadcast %mul3A_511 : i32 to vector<16xi32>
        %add3A_513 = arith.addi %mul3A_5, %add3A_512 : vector<16xi32>
        %gather3A_514 = tpu.vector_load_idx %arg8[%add3A_513] : memref<6144xf32, #tpu.memory_space<vmem>>[vector<16xi32>], vector<16xf32>,
        %add3A_515 = arith.constant 1 : i32
        %add3A_516 = vector.broadcast %add3A_515 : i32 to vector<16xi32>
        %add3A_517 = arith.addi %add3A_513, %add3A_516 : vector<16xi32>
        %gather3A_518 = tpu.vector_load_idx %arg8[%add3A_517] : memref<6144xf32, #tpu.memory_space<vmem>>[vector<16xi32>], vector<16xf32>,
        %add3A_519 = arith.constant 2 : i32
        %add3A_520 = vector.broadcast %add3A_519 : i32 to vector<16xi32>
        %add3A_521 = arith.addi %add3A_513, %add3A_520 : vector<16xi32>
        %gather3A_522 = tpu.vector_load_idx %arg8[%add3A_521] : memref<6144xf32, #tpu.memory_space<vmem>>[vector<16xi32>], vector<16xf32>,
        %mul3A_523 = arith.constant 16 : i32
        %mul3A_524 = arith.muli %add3A_509, %mul3A_523 : i32
        %get3A_525 = arith.index_cast %mul3A_524 : i32 to index
        %get3A_526 = tpu.vector_load %arg19[%get3A_525] {strides = array<i32>} : memref<2048xf32, #tpu.memory_space<vmem>>, vector<16xf32>,
        %mul3A_527 = arith.constant 16 : i32
        %mul3A_528 = arith.muli %add3A_509, %mul3A_527 : i32
        %get3A_529 = arith.index_cast %mul3A_528 : i32 to index
        %get3A_530 = tpu.vector_load %arg20[%get3A_529] {strides = array<i32>} : memref<2048xf32, #tpu.memory_space<vmem>>, vector<16xf32>,
        %gt3A_531 = arith.constant 0.000000e+00 : f32
        %gt3A_532 = vector.broadcast %gt3A_531 : f32 to vector<16xf32>
        %gt3A_533 = arith.cmpf ogt, %gather3A_522, %gt3A_532 : vector<16xf32>
        %select_n3A_534 = arith.select %gt3A_533, %gather3A_514, %broadcast_in_dim3A_6 : vector<16xi1>, vector<16xf32>
        %mul3A_535 = arith.constant 16 : i32
        %mul3A_536 = arith.muli %add3A_509, %mul3A_535 : i32
        %swap3A_537 = arith.constant 0 : i32
        %swap3A_538 = arith.index_cast %swap3A_537 : i32 to index
        %swap3A_539 = arith.index_cast %mul3A_536 : i32 to index
        %swap3A_540 = tpu.vector_load %arg12[%swap3A_538, %swap3A_539] {strides = array<i32>} : memref<5x2048xf32, #tpu.memory_space<vmem>>, vector<16xf32>,
        tpu.vector_store %arg12[%swap3A_538, %swap3A_539], %select_n3A_534 {strides = array<i32>} : memref<5x2048xf32, #tpu.memory_space<vmem>>, vector<16xf32>,
        %select_n3A_541 = arith.select %gt3A_533, %gather3A_518, %broadcast_in_dim3A_6 : vector<16xi1>, vector<16xf32>
        %mul3A_542 = arith.constant 16 : i32
        %mul3A_543 = arith.muli %add3A_509, %mul3A_542 : i32
        %swap3A_544 = arith.constant 1 : i32
        %swap3A_545 = arith.index_cast %swap3A_544 : i32 to index
        %swap3A_546 = arith.index_cast %mul3A_543 : i32 to index
        %swap3A_547 = tpu.vector_load %arg12[%swap3A_545, %swap3A_546] {strides = array<i32>} : memref<5x2048xf32, #tpu.memory_space<vmem>>, vector<16xf32>,
        tpu.vector_store %arg12[%swap3A_545, %swap3A_546], %select_n3A_541 {strides = array<i32>} : memref<5x2048xf32, #tpu.memory_space<vmem>>, vector<16xf32>,
        %select_n3A_548 = arith.select %gt3A_533, %gather3A_522, %broadcast_in_dim3A_6 : vector<16xi1>, vector<16xf32>
        %mul3A_549 = arith.constant 16 : i32
        %mul3A_550 = arith.muli %add3A_509, %mul3A_549 : i32
        %swap3A_551 = arith.constant 2 : i32
        %swap3A_552 = arith.index_cast %swap3A_551 : i32 to index
        %swap3A_553 = arith.index_cast %mul3A_550 : i32 to index
        %swap3A_554 = tpu.vector_load %arg12[%swap3A_552, %swap3A_553] {strides = array<i32>} : memref<5x2048xf32, #tpu.memory_space<vmem>>, vector<16xf32>,
        tpu.vector_store %arg12[%swap3A_552, %swap3A_553], %select_n3A_548 {strides = array<i32>} : memref<5x2048xf32, #tpu.memory_space<vmem>>, vector<16xf32>,
        %select_n3A_555 = arith.select %gt3A_533, %get3A_526, %broadcast_in_dim3A_6 : vector<16xi1>, vector<16xf32>
        %mul3A_556 = arith.constant 16 : i32
        %mul3A_557 = arith.muli %add3A_509, %mul3A_556 : i32
        %swap3A_558 = arith.constant 3 : i32
        %swap3A_559 = arith.index_cast %swap3A_558 : i32 to index
        %swap3A_560 = arith.index_cast %mul3A_557 : i32 to index
        %swap3A_561 = tpu.vector_load %arg12[%swap3A_559, %swap3A_560] {strides = array<i32>} : memref<5x2048xf32, #tpu.memory_space<vmem>>, vector<16xf32>,
        tpu.vector_store %arg12[%swap3A_559, %swap3A_560], %select_n3A_555 {strides = array<i32>} : memref<5x2048xf32, #tpu.memory_space<vmem>>, vector<16xf32>,
        %select_n3A_562 = arith.select %gt3A_533, %get3A_530, %broadcast_in_dim3A_6 : vector<16xi1>, vector<16xf32>
        %mul3A_563 = arith.constant 16 : i32
        %mul3A_564 = arith.muli %add3A_509, %mul3A_563 : i32
        %swap3A_565 = arith.constant 4 : i32
        %swap3A_566 = arith.index_cast %swap3A_565 : i32 to index
        %swap3A_567 = arith.index_cast %mul3A_564 : i32 to index
        %swap3A_568 = tpu.vector_load %arg12[%swap3A_566, %swap3A_567] {strides = array<i32>} : memref<5x2048xf32, #tpu.memory_space<vmem>>, vector<16xf32>,
        tpu.vector_store %arg12[%swap3A_566, %swap3A_567], %select_n3A_562 {strides = array<i32>} : memref<5x2048xf32, #tpu.memory_space<vmem>>, vector<16xf32>,
        %jit3A_569 = arith.constant 1 : i32
        %jit3A_570 = arith.constant 0 : i32
        %broadcast_in_dim3A_571 = vector.broadcast %jit3A_569 : i32 to vector<16xi32>
        %broadcast_in_dim3A_572 = vector.broadcast %jit3A_570 : i32 to vector<16xi32>
        %select_n3A_573 = arith.select %gt3A_533, %broadcast_in_dim3A_571, %broadcast_in_dim3A_572 : vector<16xi1>, vector<16xi32>
        %mul3A_574 = arith.constant 16 : i32
        %mul3A_575 = arith.muli %add3A_509, %mul3A_574 : i32
        %swap3A_576 = arith.index_cast %mul3A_575 : i32 to index
        %swap3A_577 = tpu.vector_load %arg16[%swap3A_576] {strides = array<i32>} : memref<2048xi32, #tpu.memory_space<vmem>>, vector<16xi32>,
        tpu.vector_store %arg16[%swap3A_576], %select_n3A_573 {strides = array<i32>} : memref<2048xi32, #tpu.memory_space<vmem>>, vector<16xi32>,
        %mul3A_578 = arith.constant 8 : i32
        %mul3A_579 = arith.muli %scan3A_294, %mul3A_578 : i32
        %add3A_580 = arith.constant 4 : i32
        %add3A_581 = arith.addi %mul3A_579, %add3A_580 : i32
        %mul3A_582 = arith.constant 48 : i32
        %mul3A_583 = arith.muli %add3A_581, %mul3A_582 : i32
        %add3A_584 = vector.broadcast %mul3A_583 : i32 to vector<16xi32>
        %add3A_585 = arith.addi %mul3A_5, %add3A_584 : vector<16xi32>
        %gather3A_586 = tpu.vector_load_idx %arg8[%add3A_585] : memref<6144xf32, #tpu.memory_space<vmem>>[vector<16xi32>], vector<16xf32>,
        %add3A_587 = arith.constant 1 : i32
        %add3A_588 = vector.broadcast %add3A_587 : i32 to vector<16xi32>
        %add3A_589 = arith.addi %add3A_585, %add3A_588 : vector<16xi32>
        %gather3A_590 = tpu.vector_load_idx %arg8[%add3A_589] : memref<6144xf32, #tpu.memory_space<vmem>>[vector<16xi32>], vector<16xf32>,
        %add3A_591 = arith.constant 2 : i32
        %add3A_592 = vector.broadcast %add3A_591 : i32 to vector<16xi32>
        %add3A_593 = arith.addi %add3A_585, %add3A_592 : vector<16xi32>
        %gather3A_594 = tpu.vector_load_idx %arg8[%add3A_593] : memref<6144xf32, #tpu.memory_space<vmem>>[vector<16xi32>], vector<16xf32>,
        %mul3A_595 = arith.constant 16 : i32
        %mul3A_596 = arith.muli %add3A_581, %mul3A_595 : i32
        %get3A_597 = arith.index_cast %mul3A_596 : i32 to index
        %get3A_598 = tpu.vector_load %arg19[%get3A_597] {strides = array<i32>} : memref<2048xf32, #tpu.memory_space<vmem>>, vector<16xf32>,
        %mul3A_599 = arith.constant 16 : i32
        %mul3A_600 = arith.muli %add3A_581, %mul3A_599 : i32
        %get3A_601 = arith.index_cast %mul3A_600 : i32 to index
        %get3A_602 = tpu.vector_load %arg20[%get3A_601] {strides = array<i32>} : memref<2048xf32, #tpu.memory_space<vmem>>, vector<16xf32>,
        %gt3A_603 = arith.constant 0.000000e+00 : f32
        %gt3A_604 = vector.broadcast %gt3A_603 : f32 to vector<16xf32>
        %gt3A_605 = arith.cmpf ogt, %gather3A_594, %gt3A_604 : vector<16xf32>
        %select_n3A_606 = arith.select %gt3A_605, %gather3A_586, %broadcast_in_dim3A_6 : vector<16xi1>, vector<16xf32>
        %mul3A_607 = arith.constant 16 : i32
        %mul3A_608 = arith.muli %add3A_581, %mul3A_607 : i32
        %swap3A_609 = arith.constant 0 : i32
        %swap3A_610 = arith.index_cast %swap3A_609 : i32 to index
        %swap3A_611 = arith.index_cast %mul3A_608 : i32 to index
        %swap3A_612 = tpu.vector_load %arg12[%swap3A_610, %swap3A_611] {strides = array<i32>} : memref<5x2048xf32, #tpu.memory_space<vmem>>, vector<16xf32>,
        tpu.vector_store %arg12[%swap3A_610, %swap3A_611], %select_n3A_606 {strides = array<i32>} : memref<5x2048xf32, #tpu.memory_space<vmem>>, vector<16xf32>,
        %select_n3A_613 = arith.select %gt3A_605, %gather3A_590, %broadcast_in_dim3A_6 : vector<16xi1>, vector<16xf32>
        %mul3A_614 = arith.constant 16 : i32
        %mul3A_615 = arith.muli %add3A_581, %mul3A_614 : i32
        %swap3A_616 = arith.constant 1 : i32
        %swap3A_617 = arith.index_cast %swap3A_616 : i32 to index
        %swap3A_618 = arith.index_cast %mul3A_615 : i32 to index
        %swap3A_619 = tpu.vector_load %arg12[%swap3A_617, %swap3A_618] {strides = array<i32>} : memref<5x2048xf32, #tpu.memory_space<vmem>>, vector<16xf32>,
        tpu.vector_store %arg12[%swap3A_617, %swap3A_618], %select_n3A_613 {strides = array<i32>} : memref<5x2048xf32, #tpu.memory_space<vmem>>, vector<16xf32>,
        %select_n3A_620 = arith.select %gt3A_605, %gather3A_594, %broadcast_in_dim3A_6 : vector<16xi1>, vector<16xf32>
        %mul3A_621 = arith.constant 16 : i32
        %mul3A_622 = arith.muli %add3A_581, %mul3A_621 : i32
        %swap3A_623 = arith.constant 2 : i32
        %swap3A_624 = arith.index_cast %swap3A_623 : i32 to index
        %swap3A_625 = arith.index_cast %mul3A_622 : i32 to index
        %swap3A_626 = tpu.vector_load %arg12[%swap3A_624, %swap3A_625] {strides = array<i32>} : memref<5x2048xf32, #tpu.memory_space<vmem>>, vector<16xf32>,
        tpu.vector_store %arg12[%swap3A_624, %swap3A_625], %select_n3A_620 {strides = array<i32>} : memref<5x2048xf32, #tpu.memory_space<vmem>>, vector<16xf32>,
        %select_n3A_627 = arith.select %gt3A_605, %get3A_598, %broadcast_in_dim3A_6 : vector<16xi1>, vector<16xf32>
        %mul3A_628 = arith.constant 16 : i32
        %mul3A_629 = arith.muli %add3A_581, %mul3A_628 : i32
        %swap3A_630 = arith.constant 3 : i32
        %swap3A_631 = arith.index_cast %swap3A_630 : i32 to index
        %swap3A_632 = arith.index_cast %mul3A_629 : i32 to index
        %swap3A_633 = tpu.vector_load %arg12[%swap3A_631, %swap3A_632] {strides = array<i32>} : memref<5x2048xf32, #tpu.memory_space<vmem>>, vector<16xf32>,
        tpu.vector_store %arg12[%swap3A_631, %swap3A_632], %select_n3A_627 {strides = array<i32>} : memref<5x2048xf32, #tpu.memory_space<vmem>>, vector<16xf32>,
        %select_n3A_634 = arith.select %gt3A_605, %get3A_602, %broadcast_in_dim3A_6 : vector<16xi1>, vector<16xf32>
        %mul3A_635 = arith.constant 16 : i32
        %mul3A_636 = arith.muli %add3A_581, %mul3A_635 : i32
        %swap3A_637 = arith.constant 4 : i32
        %swap3A_638 = arith.index_cast %swap3A_637 : i32 to index
        %swap3A_639 = arith.index_cast %mul3A_636 : i32 to index
        %swap3A_640 = tpu.vector_load %arg12[%swap3A_638, %swap3A_639] {strides = array<i32>} : memref<5x2048xf32, #tpu.memory_space<vmem>>, vector<16xf32>,
        tpu.vector_store %arg12[%swap3A_638, %swap3A_639], %select_n3A_634 {strides = array<i32>} : memref<5x2048xf32, #tpu.memory_space<vmem>>, vector<16xf32>,
        %jit3A_641 = arith.constant 1 : i32
        %jit3A_642 = arith.constant 0 : i32
        %broadcast_in_dim3A_643 = vector.broadcast %jit3A_641 : i32 to vector<16xi32>
        %broadcast_in_dim3A_644 = vector.broadcast %jit3A_642 : i32 to vector<16xi32>
        %select_n3A_645 = arith.select %gt3A_605, %broadcast_in_dim3A_643, %broadcast_in_dim3A_644 : vector<16xi1>, vector<16xi32>
        %mul3A_646 = arith.constant 16 : i32
        %mul3A_647 = arith.muli %add3A_581, %mul3A_646 : i32
        %swap3A_648 = arith.index_cast %mul3A_647 : i32 to index
        %swap3A_649 = tpu.vector_load %arg16[%swap3A_648] {strides = array<i32>} : memref<2048xi32, #tpu.memory_space<vmem>>, vector<16xi32>,
        tpu.vector_store %arg16[%swap3A_648], %select_n3A_645 {strides = array<i32>} : memref<2048xi32, #tpu.memory_space<vmem>>, vector<16xi32>,
        %mul3A_650 = arith.constant 8 : i32
        %mul3A_651 = arith.muli %scan3A_294, %mul3A_650 : i32
        %add3A_652 = arith.constant 5 : i32
        %add3A_653 = arith.addi %mul3A_651, %add3A_652 : i32
        %mul3A_654 = arith.constant 48 : i32
        %mul3A_655 = arith.muli %add3A_653, %mul3A_654 : i32
        %add3A_656 = vector.broadcast %mul3A_655 : i32 to vector<16xi32>
        %add3A_657 = arith.addi %mul3A_5, %add3A_656 : vector<16xi32>
        %gather3A_658 = tpu.vector_load_idx %arg8[%add3A_657] : memref<6144xf32, #tpu.memory_space<vmem>>[vector<16xi32>], vector<16xf32>,
        %add3A_659 = arith.constant 1 : i32
        %add3A_660 = vector.broadcast %add3A_659 : i32 to vector<16xi32>
        %add3A_661 = arith.addi %add3A_657, %add3A_660 : vector<16xi32>
        %gather3A_662 = tpu.vector_load_idx %arg8[%add3A_661] : memref<6144xf32, #tpu.memory_space<vmem>>[vector<16xi32>], vector<16xf32>,
        %add3A_663 = arith.constant 2 : i32
        %add3A_664 = vector.broadcast %add3A_663 : i32 to vector<16xi32>
        %add3A_665 = arith.addi %add3A_657, %add3A_664 : vector<16xi32>
        %gather3A_666 = tpu.vector_load_idx %arg8[%add3A_665] : memref<6144xf32, #tpu.memory_space<vmem>>[vector<16xi32>], vector<16xf32>,
        %mul3A_667 = arith.constant 16 : i32
        %mul3A_668 = arith.muli %add3A_653, %mul3A_667 : i32
        %get3A_669 = arith.index_cast %mul3A_668 : i32 to index
        %get3A_670 = tpu.vector_load %arg19[%get3A_669] {strides = array<i32>} : memref<2048xf32, #tpu.memory_space<vmem>>, vector<16xf32>,
        %mul3A_671 = arith.constant 16 : i32
        %mul3A_672 = arith.muli %add3A_653, %mul3A_671 : i32
        %get3A_673 = arith.index_cast %mul3A_672 : i32 to index
        %get3A_674 = tpu.vector_load %arg20[%get3A_673] {strides = array<i32>} : memref<2048xf32, #tpu.memory_space<vmem>>, vector<16xf32>,
        %gt3A_675 = arith.constant 0.000000e+00 : f32
        %gt3A_676 = vector.broadcast %gt3A_675 : f32 to vector<16xf32>
        %gt3A_677 = arith.cmpf ogt, %gather3A_666, %gt3A_676 : vector<16xf32>
        %select_n3A_678 = arith.select %gt3A_677, %gather3A_658, %broadcast_in_dim3A_6 : vector<16xi1>, vector<16xf32>
        %mul3A_679 = arith.constant 16 : i32
        %mul3A_680 = arith.muli %add3A_653, %mul3A_679 : i32
        %swap3A_681 = arith.constant 0 : i32
        %swap3A_682 = arith.index_cast %swap3A_681 : i32 to index
        %swap3A_683 = arith.index_cast %mul3A_680 : i32 to index
        %swap3A_684 = tpu.vector_load %arg12[%swap3A_682, %swap3A_683] {strides = array<i32>} : memref<5x2048xf32, #tpu.memory_space<vmem>>, vector<16xf32>,
        tpu.vector_store %arg12[%swap3A_682, %swap3A_683], %select_n3A_678 {strides = array<i32>} : memref<5x2048xf32, #tpu.memory_space<vmem>>, vector<16xf32>,
        %select_n3A_685 = arith.select %gt3A_677, %gather3A_662, %broadcast_in_dim3A_6 : vector<16xi1>, vector<16xf32>
        %mul3A_686 = arith.constant 16 : i32
        %mul3A_687 = arith.muli %add3A_653, %mul3A_686 : i32
        %swap3A_688 = arith.constant 1 : i32
        %swap3A_689 = arith.index_cast %swap3A_688 : i32 to index
        %swap3A_690 = arith.index_cast %mul3A_687 : i32 to index
        %swap3A_691 = tpu.vector_load %arg12[%swap3A_689, %swap3A_690] {strides = array<i32>} : memref<5x2048xf32, #tpu.memory_space<vmem>>, vector<16xf32>,
        tpu.vector_store %arg12[%swap3A_689, %swap3A_690], %select_n3A_685 {strides = array<i32>} : memref<5x2048xf32, #tpu.memory_space<vmem>>, vector<16xf32>,
        %select_n3A_692 = arith.select %gt3A_677, %gather3A_666, %broadcast_in_dim3A_6 : vector<16xi1>, vector<16xf32>
        %mul3A_693 = arith.constant 16 : i32
        %mul3A_694 = arith.muli %add3A_653, %mul3A_693 : i32
        %swap3A_695 = arith.constant 2 : i32
        %swap3A_696 = arith.index_cast %swap3A_695 : i32 to index
        %swap3A_697 = arith.index_cast %mul3A_694 : i32 to index
        %swap3A_698 = tpu.vector_load %arg12[%swap3A_696, %swap3A_697] {strides = array<i32>} : memref<5x2048xf32, #tpu.memory_space<vmem>>, vector<16xf32>,
        tpu.vector_store %arg12[%swap3A_696, %swap3A_697], %select_n3A_692 {strides = array<i32>} : memref<5x2048xf32, #tpu.memory_space<vmem>>, vector<16xf32>,
        %select_n3A_699 = arith.select %gt3A_677, %get3A_670, %broadcast_in_dim3A_6 : vector<16xi1>, vector<16xf32>
        %mul3A_700 = arith.constant 16 : i32
        %mul3A_701 = arith.muli %add3A_653, %mul3A_700 : i32
        %swap3A_702 = arith.constant 3 : i32
        %swap3A_703 = arith.index_cast %swap3A_702 : i32 to index
        %swap3A_704 = arith.index_cast %mul3A_701 : i32 to index
        %swap3A_705 = tpu.vector_load %arg12[%swap3A_703, %swap3A_704] {strides = array<i32>} : memref<5x2048xf32, #tpu.memory_space<vmem>>, vector<16xf32>,
        tpu.vector_store %arg12[%swap3A_703, %swap3A_704], %select_n3A_699 {strides = array<i32>} : memref<5x2048xf32, #tpu.memory_space<vmem>>, vector<16xf32>,
        %select_n3A_706 = arith.select %gt3A_677, %get3A_674, %broadcast_in_dim3A_6 : vector<16xi1>, vector<16xf32>
        %mul3A_707 = arith.constant 16 : i32
        %mul3A_708 = arith.muli %add3A_653, %mul3A_707 : i32
        %swap3A_709 = arith.constant 4 : i32
        %swap3A_710 = arith.index_cast %swap3A_709 : i32 to index
        %swap3A_711 = arith.index_cast %mul3A_708 : i32 to index
        %swap3A_712 = tpu.vector_load %arg12[%swap3A_710, %swap3A_711] {strides = array<i32>} : memref<5x2048xf32, #tpu.memory_space<vmem>>, vector<16xf32>,
        tpu.vector_store %arg12[%swap3A_710, %swap3A_711], %select_n3A_706 {strides = array<i32>} : memref<5x2048xf32, #tpu.memory_space<vmem>>, vector<16xf32>,
        %jit3A_713 = arith.constant 1 : i32
        %jit3A_714 = arith.constant 0 : i32
        %broadcast_in_dim3A_715 = vector.broadcast %jit3A_713 : i32 to vector<16xi32>
        %broadcast_in_dim3A_716 = vector.broadcast %jit3A_714 : i32 to vector<16xi32>
        %select_n3A_717 = arith.select %gt3A_677, %broadcast_in_dim3A_715, %broadcast_in_dim3A_716 : vector<16xi1>, vector<16xi32>
        %mul3A_718 = arith.constant 16 : i32
        %mul3A_719 = arith.muli %add3A_653, %mul3A_718 : i32
        %swap3A_720 = arith.index_cast %mul3A_719 : i32 to index
        %swap3A_721 = tpu.vector_load %arg16[%swap3A_720] {strides = array<i32>} : memref<2048xi32, #tpu.memory_space<vmem>>, vector<16xi32>,
        tpu.vector_store %arg16[%swap3A_720], %select_n3A_717 {strides = array<i32>} : memref<2048xi32, #tpu.memory_space<vmem>>, vector<16xi32>,
        %mul3A_722 = arith.constant 8 : i32
        %mul3A_723 = arith.muli %scan3A_294, %mul3A_722 : i32
        %add3A_724 = arith.constant 6 : i32
        %add3A_725 = arith.addi %mul3A_723, %add3A_724 : i32
        %mul3A_726 = arith.constant 48 : i32
        %mul3A_727 = arith.muli %add3A_725, %mul3A_726 : i32
        %add3A_728 = vector.broadcast %mul3A_727 : i32 to vector<16xi32>
        %add3A_729 = arith.addi %mul3A_5, %add3A_728 : vector<16xi32>
        %gather3A_730 = tpu.vector_load_idx %arg8[%add3A_729] : memref<6144xf32, #tpu.memory_space<vmem>>[vector<16xi32>], vector<16xf32>,
        %add3A_731 = arith.constant 1 : i32
        %add3A_732 = vector.broadcast %add3A_731 : i32 to vector<16xi32>
        %add3A_733 = arith.addi %add3A_729, %add3A_732 : vector<16xi32>
        %gather3A_734 = tpu.vector_load_idx %arg8[%add3A_733] : memref<6144xf32, #tpu.memory_space<vmem>>[vector<16xi32>], vector<16xf32>,
        %add3A_735 = arith.constant 2 : i32
        %add3A_736 = vector.broadcast %add3A_735 : i32 to vector<16xi32>
        %add3A_737 = arith.addi %add3A_729, %add3A_736 : vector<16xi32>
        %gather3A_738 = tpu.vector_load_idx %arg8[%add3A_737] : memref<6144xf32, #tpu.memory_space<vmem>>[vector<16xi32>], vector<16xf32>,
        %mul3A_739 = arith.constant 16 : i32
        %mul3A_740 = arith.muli %add3A_725, %mul3A_739 : i32
        %get3A_741 = arith.index_cast %mul3A_740 : i32 to index
        %get3A_742 = tpu.vector_load %arg19[%get3A_741] {strides = array<i32>} : memref<2048xf32, #tpu.memory_space<vmem>>, vector<16xf32>,
        %mul3A_743 = arith.constant 16 : i32
        %mul3A_744 = arith.muli %add3A_725, %mul3A_743 : i32
        %get3A_745 = arith.index_cast %mul3A_744 : i32 to index
        %get3A_746 = tpu.vector_load %arg20[%get3A_745] {strides = array<i32>} : memref<2048xf32, #tpu.memory_space<vmem>>, vector<16xf32>,
        %gt3A_747 = arith.constant 0.000000e+00 : f32
        %gt3A_748 = vector.broadcast %gt3A_747 : f32 to vector<16xf32>
        %gt3A_749 = arith.cmpf ogt, %gather3A_738, %gt3A_748 : vector<16xf32>
        %select_n3A_750 = arith.select %gt3A_749, %gather3A_730, %broadcast_in_dim3A_6 : vector<16xi1>, vector<16xf32>
        %mul3A_751 = arith.constant 16 : i32
        %mul3A_752 = arith.muli %add3A_725, %mul3A_751 : i32
        %swap3A_753 = arith.constant 0 : i32
        %swap3A_754 = arith.index_cast %swap3A_753 : i32 to index
        %swap3A_755 = arith.index_cast %mul3A_752 : i32 to index
        %swap3A_756 = tpu.vector_load %arg12[%swap3A_754, %swap3A_755] {strides = array<i32>} : memref<5x2048xf32, #tpu.memory_space<vmem>>, vector<16xf32>,
        tpu.vector_store %arg12[%swap3A_754, %swap3A_755], %select_n3A_750 {strides = array<i32>} : memref<5x2048xf32, #tpu.memory_space<vmem>>, vector<16xf32>,
        %select_n3A_757 = arith.select %gt3A_749, %gather3A_734, %broadcast_in_dim3A_6 : vector<16xi1>, vector<16xf32>
        %mul3A_758 = arith.constant 16 : i32
        %mul3A_759 = arith.muli %add3A_725, %mul3A_758 : i32
        %swap3A_760 = arith.constant 1 : i32
        %swap3A_761 = arith.index_cast %swap3A_760 : i32 to index
        %swap3A_762 = arith.index_cast %mul3A_759 : i32 to index
        %swap3A_763 = tpu.vector_load %arg12[%swap3A_761, %swap3A_762] {strides = array<i32>} : memref<5x2048xf32, #tpu.memory_space<vmem>>, vector<16xf32>,
        tpu.vector_store %arg12[%swap3A_761, %swap3A_762], %select_n3A_757 {strides = array<i32>} : memref<5x2048xf32, #tpu.memory_space<vmem>>, vector<16xf32>,
        %select_n3A_764 = arith.select %gt3A_749, %gather3A_738, %broadcast_in_dim3A_6 : vector<16xi1>, vector<16xf32>
        %mul3A_765 = arith.constant 16 : i32
        %mul3A_766 = arith.muli %add3A_725, %mul3A_765 : i32
        %swap3A_767 = arith.constant 2 : i32
        %swap3A_768 = arith.index_cast %swap3A_767 : i32 to index
        %swap3A_769 = arith.index_cast %mul3A_766 : i32 to index
        %swap3A_770 = tpu.vector_load %arg12[%swap3A_768, %swap3A_769] {strides = array<i32>} : memref<5x2048xf32, #tpu.memory_space<vmem>>, vector<16xf32>,
        tpu.vector_store %arg12[%swap3A_768, %swap3A_769], %select_n3A_764 {strides = array<i32>} : memref<5x2048xf32, #tpu.memory_space<vmem>>, vector<16xf32>,
        %select_n3A_771 = arith.select %gt3A_749, %get3A_742, %broadcast_in_dim3A_6 : vector<16xi1>, vector<16xf32>
        %mul3A_772 = arith.constant 16 : i32
        %mul3A_773 = arith.muli %add3A_725, %mul3A_772 : i32
        %swap3A_774 = arith.constant 3 : i32
        %swap3A_775 = arith.index_cast %swap3A_774 : i32 to index
        %swap3A_776 = arith.index_cast %mul3A_773 : i32 to index
        %swap3A_777 = tpu.vector_load %arg12[%swap3A_775, %swap3A_776] {strides = array<i32>} : memref<5x2048xf32, #tpu.memory_space<vmem>>, vector<16xf32>,
        tpu.vector_store %arg12[%swap3A_775, %swap3A_776], %select_n3A_771 {strides = array<i32>} : memref<5x2048xf32, #tpu.memory_space<vmem>>, vector<16xf32>,
        %select_n3A_778 = arith.select %gt3A_749, %get3A_746, %broadcast_in_dim3A_6 : vector<16xi1>, vector<16xf32>
        %mul3A_779 = arith.constant 16 : i32
        %mul3A_780 = arith.muli %add3A_725, %mul3A_779 : i32
        %swap3A_781 = arith.constant 4 : i32
        %swap3A_782 = arith.index_cast %swap3A_781 : i32 to index
        %swap3A_783 = arith.index_cast %mul3A_780 : i32 to index
        %swap3A_784 = tpu.vector_load %arg12[%swap3A_782, %swap3A_783] {strides = array<i32>} : memref<5x2048xf32, #tpu.memory_space<vmem>>, vector<16xf32>,
        tpu.vector_store %arg12[%swap3A_782, %swap3A_783], %select_n3A_778 {strides = array<i32>} : memref<5x2048xf32, #tpu.memory_space<vmem>>, vector<16xf32>,
        %jit3A_785 = arith.constant 1 : i32
        %jit3A_786 = arith.constant 0 : i32
        %broadcast_in_dim3A_787 = vector.broadcast %jit3A_785 : i32 to vector<16xi32>
        %broadcast_in_dim3A_788 = vector.broadcast %jit3A_786 : i32 to vector<16xi32>
        %select_n3A_789 = arith.select %gt3A_749, %broadcast_in_dim3A_787, %broadcast_in_dim3A_788 : vector<16xi1>, vector<16xi32>
        %mul3A_790 = arith.constant 16 : i32
        %mul3A_791 = arith.muli %add3A_725, %mul3A_790 : i32
        %swap3A_792 = arith.index_cast %mul3A_791 : i32 to index
        %swap3A_793 = tpu.vector_load %arg16[%swap3A_792] {strides = array<i32>} : memref<2048xi32, #tpu.memory_space<vmem>>, vector<16xi32>,
        tpu.vector_store %arg16[%swap3A_792], %select_n3A_789 {strides = array<i32>} : memref<2048xi32, #tpu.memory_space<vmem>>, vector<16xi32>,
        %mul3A_794 = arith.constant 8 : i32
        %mul3A_795 = arith.muli %scan3A_294, %mul3A_794 : i32
        %add3A_796 = arith.constant 7 : i32
        %add3A_797 = arith.addi %mul3A_795, %add3A_796 : i32
        %mul3A_798 = arith.constant 48 : i32
        %mul3A_799 = arith.muli %add3A_797, %mul3A_798 : i32
        %add3A_800 = vector.broadcast %mul3A_799 : i32 to vector<16xi32>
        %add3A_801 = arith.addi %mul3A_5, %add3A_800 : vector<16xi32>
        %gather3A_802 = tpu.vector_load_idx %arg8[%add3A_801] : memref<6144xf32, #tpu.memory_space<vmem>>[vector<16xi32>], vector<16xf32>,
        %add3A_803 = arith.constant 1 : i32
        %add3A_804 = vector.broadcast %add3A_803 : i32 to vector<16xi32>
        %add3A_805 = arith.addi %add3A_801, %add3A_804 : vector<16xi32>
        %gather3A_806 = tpu.vector_load_idx %arg8[%add3A_805] : memref<6144xf32, #tpu.memory_space<vmem>>[vector<16xi32>], vector<16xf32>,
        %add3A_807 = arith.constant 2 : i32
        %add3A_808 = vector.broadcast %add3A_807 : i32 to vector<16xi32>
        %add3A_809 = arith.addi %add3A_801, %add3A_808 : vector<16xi32>
        %gather3A_810 = tpu.vector_load_idx %arg8[%add3A_809] : memref<6144xf32, #tpu.memory_space<vmem>>[vector<16xi32>], vector<16xf32>,
        %mul3A_811 = arith.constant 16 : i32
        %mul3A_812 = arith.muli %add3A_797, %mul3A_811 : i32
        %get3A_813 = arith.index_cast %mul3A_812 : i32 to index
        %get3A_814 = tpu.vector_load %arg19[%get3A_813] {strides = array<i32>} : memref<2048xf32, #tpu.memory_space<vmem>>, vector<16xf32>,
        %mul3A_815 = arith.constant 16 : i32
        %mul3A_816 = arith.muli %add3A_797, %mul3A_815 : i32
        %get3A_817 = arith.index_cast %mul3A_816 : i32 to index
        %get3A_818 = tpu.vector_load %arg20[%get3A_817] {strides = array<i32>} : memref<2048xf32, #tpu.memory_space<vmem>>, vector<16xf32>,
        %gt3A_819 = arith.constant 0.000000e+00 : f32
        %gt3A_820 = vector.broadcast %gt3A_819 : f32 to vector<16xf32>
        %gt3A_821 = arith.cmpf ogt, %gather3A_810, %gt3A_820 : vector<16xf32>
        %select_n3A_822 = arith.select %gt3A_821, %gather3A_802, %broadcast_in_dim3A_6 : vector<16xi1>, vector<16xf32>
        %mul3A_823 = arith.constant 16 : i32
        %mul3A_824 = arith.muli %add3A_797, %mul3A_823 : i32
        %swap3A_825 = arith.constant 0 : i32
        %swap3A_826 = arith.index_cast %swap3A_825 : i32 to index
        %swap3A_827 = arith.index_cast %mul3A_824 : i32 to index
        %swap3A_828 = tpu.vector_load %arg12[%swap3A_826, %swap3A_827] {strides = array<i32>} : memref<5x2048xf32, #tpu.memory_space<vmem>>, vector<16xf32>,
        tpu.vector_store %arg12[%swap3A_826, %swap3A_827], %select_n3A_822 {strides = array<i32>} : memref<5x2048xf32, #tpu.memory_space<vmem>>, vector<16xf32>,
        %select_n3A_829 = arith.select %gt3A_821, %gather3A_806, %broadcast_in_dim3A_6 : vector<16xi1>, vector<16xf32>
        %mul3A_830 = arith.constant 16 : i32
        %mul3A_831 = arith.muli %add3A_797, %mul3A_830 : i32
        %swap3A_832 = arith.constant 1 : i32
        %swap3A_833 = arith.index_cast %swap3A_832 : i32 to index
        %swap3A_834 = arith.index_cast %mul3A_831 : i32 to index
        %swap3A_835 = tpu.vector_load %arg12[%swap3A_833, %swap3A_834] {strides = array<i32>} : memref<5x2048xf32, #tpu.memory_space<vmem>>, vector<16xf32>,
        tpu.vector_store %arg12[%swap3A_833, %swap3A_834], %select_n3A_829 {strides = array<i32>} : memref<5x2048xf32, #tpu.memory_space<vmem>>, vector<16xf32>,
        %select_n3A_836 = arith.select %gt3A_821, %gather3A_810, %broadcast_in_dim3A_6 : vector<16xi1>, vector<16xf32>
        %mul3A_837 = arith.constant 16 : i32
        %mul3A_838 = arith.muli %add3A_797, %mul3A_837 : i32
        %swap3A_839 = arith.constant 2 : i32
        %swap3A_840 = arith.index_cast %swap3A_839 : i32 to index
        %swap3A_841 = arith.index_cast %mul3A_838 : i32 to index
        %swap3A_842 = tpu.vector_load %arg12[%swap3A_840, %swap3A_841] {strides = array<i32>} : memref<5x2048xf32, #tpu.memory_space<vmem>>, vector<16xf32>,
        tpu.vector_store %arg12[%swap3A_840, %swap3A_841], %select_n3A_836 {strides = array<i32>} : memref<5x2048xf32, #tpu.memory_space<vmem>>, vector<16xf32>,
        %select_n3A_843 = arith.select %gt3A_821, %get3A_814, %broadcast_in_dim3A_6 : vector<16xi1>, vector<16xf32>
        %mul3A_844 = arith.constant 16 : i32
        %mul3A_845 = arith.muli %add3A_797, %mul3A_844 : i32
        %swap3A_846 = arith.constant 3 : i32
        %swap3A_847 = arith.index_cast %swap3A_846 : i32 to index
        %swap3A_848 = arith.index_cast %mul3A_845 : i32 to index
        %swap3A_849 = tpu.vector_load %arg12[%swap3A_847, %swap3A_848] {strides = array<i32>} : memref<5x2048xf32, #tpu.memory_space<vmem>>, vector<16xf32>,
        tpu.vector_store %arg12[%swap3A_847, %swap3A_848], %select_n3A_843 {strides = array<i32>} : memref<5x2048xf32, #tpu.memory_space<vmem>>, vector<16xf32>,
        %select_n3A_850 = arith.select %gt3A_821, %get3A_818, %broadcast_in_dim3A_6 : vector<16xi1>, vector<16xf32>
        %mul3A_851 = arith.constant 16 : i32
        %mul3A_852 = arith.muli %add3A_797, %mul3A_851 : i32
        %swap3A_853 = arith.constant 4 : i32
        %swap3A_854 = arith.index_cast %swap3A_853 : i32 to index
        %swap3A_855 = arith.index_cast %mul3A_852 : i32 to index
        %swap3A_856 = tpu.vector_load %arg12[%swap3A_854, %swap3A_855] {strides = array<i32>} : memref<5x2048xf32, #tpu.memory_space<vmem>>, vector<16xf32>,
        tpu.vector_store %arg12[%swap3A_854, %swap3A_855], %select_n3A_850 {strides = array<i32>} : memref<5x2048xf32, #tpu.memory_space<vmem>>, vector<16xf32>,
        %jit3A_857 = arith.constant 1 : i32
        %jit3A_858 = arith.constant 0 : i32
        %broadcast_in_dim3A_859 = vector.broadcast %jit3A_857 : i32 to vector<16xi32>
        %broadcast_in_dim3A_860 = vector.broadcast %jit3A_858 : i32 to vector<16xi32>
        %select_n3A_861 = arith.select %gt3A_821, %broadcast_in_dim3A_859, %broadcast_in_dim3A_860 : vector<16xi1>, vector<16xi32>
        %mul3A_862 = arith.constant 16 : i32
        %mul3A_863 = arith.muli %add3A_797, %mul3A_862 : i32
        %swap3A_864 = arith.index_cast %mul3A_863 : i32 to index
        %swap3A_865 = tpu.vector_load %arg16[%swap3A_864] {strides = array<i32>} : memref<2048xi32, #tpu.memory_space<vmem>>, vector<16xi32>,
        tpu.vector_store %arg16[%swap3A_864], %select_n3A_861 {strides = array<i32>} : memref<2048xi32, #tpu.memory_space<vmem>>, vector<16xi32>,
      }
      %scan3A_184 = arith.constant 16 : i32
      %dma_start3A_185 = arith.constant 0 : i32
      %dma_start3A_186 = arith.constant 0 : i32
      %dma_start3A_187 = tpu.memref_slice %arg5[%dma_start3A_185, %add3A_166, %dma_start3A_186] : memref<5x4096x2048xf32, #tpu.memory_space<hbm>> -> memref<5x1x2048xf32, #tpu.memory_space<hbm>>
      %dma_start3A_188 = tpu.memref_squeeze %dma_start3A_187 : memref<5x1x2048xf32, #tpu.memory_space<hbm>> -> memref<5x2048xf32, #tpu.memory_space<hbm>>
      %dma_start3A_189 = arith.constant 0 : i32
      %dma_start3A_190 = arith.constant 0 : i32
      %dma_start3A_191 = tpu.memref_slice %arg5[%dma_start3A_189, %add3A_166, %dma_start3A_190] : memref<5x4096x2048xf32, #tpu.memory_space<hbm>> -> memref<5x1x2048xf32, #tpu.memory_space<hbm>>
      %dma_start3A_192 = tpu.memref_squeeze %dma_start3A_191 : memref<5x1x2048xf32, #tpu.memory_space<hbm>> -> memref<5x2048xf32, #tpu.memory_space<hbm>>
      tpu.enqueue_dma source(%arg12 : memref<5x2048xf32, #tpu.memory_space<vmem>>) target(%dma_start3A_192 : memref<5x2048xf32, #tpu.memory_space<hbm>>) target_semaphore(%arg26 : memref<!tpu.dma_semaphore, #tpu.memory_space<semaphore_mem>>)
      %dma_start3A_193 = arith.constant 0 : i32
      %dma_start3A_194 = tpu.memref_slice %arg6[%add3A_166, %dma_start3A_193] : memref<4096x2048xi32, #tpu.memory_space<hbm>> -> memref<1x2048xi32, #tpu.memory_space<hbm>>
      %dma_start3A_195 = tpu.memref_squeeze %dma_start3A_194 : memref<1x2048xi32, #tpu.memory_space<hbm>> -> memref<2048xi32, #tpu.memory_space<hbm>>
      %dma_start3A_196 = arith.constant 0 : i32
      %dma_start3A_197 = tpu.memref_slice %arg6[%add3A_166, %dma_start3A_196] : memref<4096x2048xi32, #tpu.memory_space<hbm>> -> memref<1x2048xi32, #tpu.memory_space<hbm>>
      %dma_start3A_198 = tpu.memref_squeeze %dma_start3A_197 : memref<1x2048xi32, #tpu.memory_space<hbm>> -> memref<2048xi32, #tpu.memory_space<hbm>>
      tpu.enqueue_dma source(%arg16 : memref<2048xi32, #tpu.memory_space<vmem>>) target(%dma_start3A_198 : memref<2048xi32, #tpu.memory_space<hbm>>) target_semaphore(%arg26 : memref<!tpu.dma_semaphore, #tpu.memory_space<semaphore_mem>>)
      %add3A_199 = arith.constant 4 : i32
      %add3A_200 = arith.addi %add3A_165, %add3A_199 : i32
      %lt3A_201 = arith.constant 128 : i32
      %lt3A_202 = arith.cmpi slt, %add3A_200, %lt3A_201 : i32
      %convert_element_type3A_203 = arith.extui %lt3A_202 : i1 to i32
      %cond3A_204 = arith.constant 0 : i32
      %cond3A_205 = arith.cmpi ne, %convert_element_type3A_203, %cond3A_204 : i32
      scf.if %cond3A_205 {
        %add3A_294 = arith.constant 4 : i32
        %add3A_295 = arith.addi %add3A_166, %add3A_294 : i32
        %dma_start3A_296 = arith.constant 0 : i32
        %dma_start3A_297 = tpu.memref_slice %arg2[%add3A_295, %dma_start3A_296] : memref<4096x6144xf32, #tpu.memory_space<hbm>> -> memref<1x6144xf32, #tpu.memory_space<hbm>>
        %dma_start3A_298 = tpu.memref_squeeze %dma_start3A_297 : memref<1x6144xf32, #tpu.memory_space<hbm>> -> memref<6144xf32, #tpu.memory_space<hbm>>
        %dma_start3A_299 = arith.constant 0 : i32
        %dma_start3A_300 = tpu.memref_slice %arg2[%add3A_295, %dma_start3A_299] : memref<4096x6144xf32, #tpu.memory_space<hbm>> -> memref<1x6144xf32, #tpu.memory_space<hbm>>
        %dma_start3A_301 = tpu.memref_squeeze %dma_start3A_300 : memref<1x6144xf32, #tpu.memory_space<hbm>> -> memref<6144xf32, #tpu.memory_space<hbm>>
        tpu.enqueue_dma source(%dma_start3A_301 : memref<6144xf32, #tpu.memory_space<hbm>>) target(%arg8 : memref<6144xf32, #tpu.memory_space<vmem>>) target_semaphore(%arg22 : memref<!tpu.dma_semaphore, #tpu.memory_space<semaphore_mem>>)
      } else {
      }
      %mul3A_206 = arith.constant 4 : i32
      %mul3A_207 = arith.muli %mul3A_206, %scan3A_121 : i32
      %add3A_208 = arith.constant 2 : i32
      %add3A_209 = arith.addi %mul3A_207, %add3A_208 : i32
      %add3A_210 = arith.addi %mul3A_2, %add3A_209 : i32
      %dma_wait3A_211 = arith.constant 0 : i32
      %dma_wait3A_212 = arith.constant 0 : i32
      %dma_wait3A_213 = tpu.memref_slice %arg2[%dma_wait3A_211, %dma_wait3A_212] : memref<4096x6144xf32, #tpu.memory_space<hbm>> -> memref<1x6144xf32, #tpu.memory_space<hbm>>
      %dma_wait3A_214 = tpu.memref_squeeze %dma_wait3A_213 : memref<1x6144xf32, #tpu.memory_space<hbm>> -> memref<6144xf32, #tpu.memory_space<hbm>>
      %dma_wait3A_215 = arith.constant 0 : i32
      %dma_wait3A_216 = tpu.memref_slice %arg2[%dma_wait3A_211, %dma_wait3A_215] : memref<4096x6144xf32, #tpu.memory_space<hbm>> -> memref<1x6144xf32, #tpu.memory_space<hbm>>
      %dma_wait3A_217 = tpu.memref_squeeze %dma_wait3A_216 : memref<1x6144xf32, #tpu.memory_space<hbm>> -> memref<6144xf32, #tpu.memory_space<hbm>>
      tpu.wait_dma2 semaphore(%arg23 : memref<!tpu.dma_semaphore, #tpu.memory_space<semaphore_mem>>) src(%dma_wait3A_217 : memref<6144xf32, #tpu.memory_space<hbm>>) dst(%arg9 : memref<6144xf32, #tpu.memory_space<vmem>>)
      %gt3A_218 = arith.constant 0 : i32
      %gt3A_219 = arith.cmpi sgt, %scan3A_121, %gt3A_218 : i32
      %convert_element_type3A_220 = arith.extui %gt3A_219 : i1 to i32
      %cond3A_221 = arith.constant 0 : i32
      %cond3A_222 = arith.cmpi ne, %convert_element_type3A_220, %cond3A_221 : i32
      scf.if %cond3A_222 {
        %sub3A_294 = arith.constant 4 : i32
        %sub3A_295 = arith.subi %add3A_210, %sub3A_294 : i32
        %dma_wait3A_296 = arith.constant 0 : i32
        %dma_wait3A_297 = arith.constant 0 : i32
        %dma_wait3A_298 = tpu.memref_slice %arg5[%dma_wait3A_296, %sub3A_295, %dma_wait3A_297] : memref<5x4096x2048xf32, #tpu.memory_space<hbm>> -> memref<5x1x2048xf32, #tpu.memory_space<hbm>>
        %dma_wait3A_299 = tpu.memref_squeeze %dma_wait3A_298 : memref<5x1x2048xf32, #tpu.memory_space<hbm>> -> memref<5x2048xf32, #tpu.memory_space<hbm>>
        %dma_wait3A_300 = arith.constant 0 : i32
        %dma_wait3A_301 = arith.constant 0 : i32
        %dma_wait3A_302 = tpu.memref_slice %arg5[%dma_wait3A_300, %sub3A_295, %dma_wait3A_301] : memref<5x4096x2048xf32, #tpu.memory_space<hbm>> -> memref<5x1x2048xf32, #tpu.memory_space<hbm>>
        %dma_wait3A_303 = tpu.memref_squeeze %dma_wait3A_302 : memref<5x1x2048xf32, #tpu.memory_space<hbm>> -> memref<5x2048xf32, #tpu.memory_space<hbm>>
        tpu.wait_dma2 semaphore(%arg27 : memref<!tpu.dma_semaphore, #tpu.memory_space<semaphore_mem>>) src(%arg13 : memref<5x2048xf32, #tpu.memory_space<vmem>>) dst(%dma_wait3A_303 : memref<5x2048xf32, #tpu.memory_space<hbm>>)
        %dma_wait3A_304 = arith.constant 0 : i32
        %dma_wait3A_305 = tpu.memref_slice %arg6[%sub3A_295, %dma_wait3A_304] : memref<4096x2048xi32, #tpu.memory_space<hbm>> -> memref<1x2048xi32, #tpu.memory_space<hbm>>
        %dma_wait3A_306 = tpu.memref_squeeze %dma_wait3A_305 : memref<1x2048xi32, #tpu.memory_space<hbm>> -> memref<2048xi32, #tpu.memory_space<hbm>>
        %dma_wait3A_307 = arith.constant 0 : i32
        %dma_wait3A_308 = tpu.memref_slice %arg6[%sub3A_295, %dma_wait3A_307] : memref<4096x2048xi32, #tpu.memory_space<hbm>> -> memref<1x2048xi32, #tpu.memory_space<hbm>>
        %dma_wait3A_309 = tpu.memref_squeeze %dma_wait3A_308 : memref<1x2048xi32, #tpu.memory_space<hbm>> -> memref<2048xi32, #tpu.memory_space<hbm>>
        tpu.wait_dma2 semaphore(%arg27 : memref<!tpu.dma_semaphore, #tpu.memory_space<semaphore_mem>>) src(%arg17 : memref<2048xi32, #tpu.memory_space<vmem>>) dst(%dma_wait3A_309 : memref<2048xi32, #tpu.memory_space<hbm>>)
      } else {
      }
      %scan3A_223 = arith.constant 0 : i32
      %scan3A_224 = arith.constant 0 : i32
      %scan3A_225 = arith.constant 16 : i32
      %scan3A_226 = arith.addi %scan3A_224, %scan3A_225 : i32
      %scan3A_227 = arith.constant 1 : i32
      scf.for %scan3A_294 = %scan3A_224 to %scan3A_226 step %scan3A_227  : i32 {
        %mul3A_295 = arith.constant 8 : i32
        %mul3A_296 = arith.muli %scan3A_294, %mul3A_295 : i32
        %add3A_297 = arith.constant 0 : i32
        %add3A_298 = arith.addi %mul3A_296, %add3A_297 : i32
        %mul3A_299 = arith.constant 48 : i32
        %mul3A_300 = arith.muli %add3A_298, %mul3A_299 : i32
        %add3A_301 = vector.broadcast %mul3A_300 : i32 to vector<16xi32>
        %add3A_302 = arith.addi %mul3A_5, %add3A_301 : vector<16xi32>
        %gather3A = tpu.vector_load_idx %arg9[%add3A_302] : memref<6144xf32, #tpu.memory_space<vmem>>[vector<16xi32>], vector<16xf32>,
        %add3A_303 = arith.constant 1 : i32
        %add3A_304 = vector.broadcast %add3A_303 : i32 to vector<16xi32>
        %add3A_305 = arith.addi %add3A_302, %add3A_304 : vector<16xi32>
        %gather3A_306 = tpu.vector_load_idx %arg9[%add3A_305] : memref<6144xf32, #tpu.memory_space<vmem>>[vector<16xi32>], vector<16xf32>,
        %add3A_307 = arith.constant 2 : i32
        %add3A_308 = vector.broadcast %add3A_307 : i32 to vector<16xi32>
        %add3A_309 = arith.addi %add3A_302, %add3A_308 : vector<16xi32>
        %gather3A_310 = tpu.vector_load_idx %arg9[%add3A_309] : memref<6144xf32, #tpu.memory_space<vmem>>[vector<16xi32>], vector<16xf32>,
        %mul3A_311 = arith.constant 16 : i32
        %mul3A_312 = arith.muli %add3A_298, %mul3A_311 : i32
        %get3A = arith.index_cast %mul3A_312 : i32 to index
        %get3A_313 = tpu.vector_load %arg19[%get3A] {strides = array<i32>} : memref<2048xf32, #tpu.memory_space<vmem>>, vector<16xf32>,
        %mul3A_314 = arith.constant 16 : i32
        %mul3A_315 = arith.muli %add3A_298, %mul3A_314 : i32
        %get3A_316 = arith.index_cast %mul3A_315 : i32 to index
        %get3A_317 = tpu.vector_load %arg20[%get3A_316] {strides = array<i32>} : memref<2048xf32, #tpu.memory_space<vmem>>, vector<16xf32>,
        %gt3A_318 = arith.constant 0.000000e+00 : f32
        %gt3A_319 = vector.broadcast %gt3A_318 : f32 to vector<16xf32>
        %gt3A_320 = arith.cmpf ogt, %gather3A_310, %gt3A_319 : vector<16xf32>
        %select_n3A = arith.select %gt3A_320, %gather3A, %broadcast_in_dim3A_6 : vector<16xi1>, vector<16xf32>
        %mul3A_321 = arith.constant 16 : i32
        %mul3A_322 = arith.muli %add3A_298, %mul3A_321 : i32
        %swap3A = arith.constant 0 : i32
        %swap3A_323 = arith.index_cast %swap3A : i32 to index
        %swap3A_324 = arith.index_cast %mul3A_322 : i32 to index
        %swap3A_325 = tpu.vector_load %arg13[%swap3A_323, %swap3A_324] {strides = array<i32>} : memref<5x2048xf32, #tpu.memory_space<vmem>>, vector<16xf32>,
        tpu.vector_store %arg13[%swap3A_323, %swap3A_324], %select_n3A {strides = array<i32>} : memref<5x2048xf32, #tpu.memory_space<vmem>>, vector<16xf32>,
        %select_n3A_326 = arith.select %gt3A_320, %gather3A_306, %broadcast_in_dim3A_6 : vector<16xi1>, vector<16xf32>
        %mul3A_327 = arith.constant 16 : i32
        %mul3A_328 = arith.muli %add3A_298, %mul3A_327 : i32
        %swap3A_329 = arith.constant 1 : i32
        %swap3A_330 = arith.index_cast %swap3A_329 : i32 to index
        %swap3A_331 = arith.index_cast %mul3A_328 : i32 to index
        %swap3A_332 = tpu.vector_load %arg13[%swap3A_330, %swap3A_331] {strides = array<i32>} : memref<5x2048xf32, #tpu.memory_space<vmem>>, vector<16xf32>,
        tpu.vector_store %arg13[%swap3A_330, %swap3A_331], %select_n3A_326 {strides = array<i32>} : memref<5x2048xf32, #tpu.memory_space<vmem>>, vector<16xf32>,
        %select_n3A_333 = arith.select %gt3A_320, %gather3A_310, %broadcast_in_dim3A_6 : vector<16xi1>, vector<16xf32>
        %mul3A_334 = arith.constant 16 : i32
        %mul3A_335 = arith.muli %add3A_298, %mul3A_334 : i32
        %swap3A_336 = arith.constant 2 : i32
        %swap3A_337 = arith.index_cast %swap3A_336 : i32 to index
        %swap3A_338 = arith.index_cast %mul3A_335 : i32 to index
        %swap3A_339 = tpu.vector_load %arg13[%swap3A_337, %swap3A_338] {strides = array<i32>} : memref<5x2048xf32, #tpu.memory_space<vmem>>, vector<16xf32>,
        tpu.vector_store %arg13[%swap3A_337, %swap3A_338], %select_n3A_333 {strides = array<i32>} : memref<5x2048xf32, #tpu.memory_space<vmem>>, vector<16xf32>,
        %select_n3A_340 = arith.select %gt3A_320, %get3A_313, %broadcast_in_dim3A_6 : vector<16xi1>, vector<16xf32>
        %mul3A_341 = arith.constant 16 : i32
        %mul3A_342 = arith.muli %add3A_298, %mul3A_341 : i32
        %swap3A_343 = arith.constant 3 : i32
        %swap3A_344 = arith.index_cast %swap3A_343 : i32 to index
        %swap3A_345 = arith.index_cast %mul3A_342 : i32 to index
        %swap3A_346 = tpu.vector_load %arg13[%swap3A_344, %swap3A_345] {strides = array<i32>} : memref<5x2048xf32, #tpu.memory_space<vmem>>, vector<16xf32>,
        tpu.vector_store %arg13[%swap3A_344, %swap3A_345], %select_n3A_340 {strides = array<i32>} : memref<5x2048xf32, #tpu.memory_space<vmem>>, vector<16xf32>,
        %select_n3A_347 = arith.select %gt3A_320, %get3A_317, %broadcast_in_dim3A_6 : vector<16xi1>, vector<16xf32>
        %mul3A_348 = arith.constant 16 : i32
        %mul3A_349 = arith.muli %add3A_298, %mul3A_348 : i32
        %swap3A_350 = arith.constant 4 : i32
        %swap3A_351 = arith.index_cast %swap3A_350 : i32 to index
        %swap3A_352 = arith.index_cast %mul3A_349 : i32 to index
        %swap3A_353 = tpu.vector_load %arg13[%swap3A_351, %swap3A_352] {strides = array<i32>} : memref<5x2048xf32, #tpu.memory_space<vmem>>, vector<16xf32>,
        tpu.vector_store %arg13[%swap3A_351, %swap3A_352], %select_n3A_347 {strides = array<i32>} : memref<5x2048xf32, #tpu.memory_space<vmem>>, vector<16xf32>,
        %jit3A = arith.constant 1 : i32
        %jit3A_354 = arith.constant 0 : i32
        %broadcast_in_dim3A_355 = vector.broadcast %jit3A : i32 to vector<16xi32>
        %broadcast_in_dim3A_356 = vector.broadcast %jit3A_354 : i32 to vector<16xi32>
        %select_n3A_357 = arith.select %gt3A_320, %broadcast_in_dim3A_355, %broadcast_in_dim3A_356 : vector<16xi1>, vector<16xi32>
        %mul3A_358 = arith.constant 16 : i32
        %mul3A_359 = arith.muli %add3A_298, %mul3A_358 : i32
        %swap3A_360 = arith.index_cast %mul3A_359 : i32 to index
        %swap3A_361 = tpu.vector_load %arg17[%swap3A_360] {strides = array<i32>} : memref<2048xi32, #tpu.memory_space<vmem>>, vector<16xi32>,
        tpu.vector_store %arg17[%swap3A_360], %select_n3A_357 {strides = array<i32>} : memref<2048xi32, #tpu.memory_space<vmem>>, vector<16xi32>,
        %mul3A_362 = arith.constant 8 : i32
        %mul3A_363 = arith.muli %scan3A_294, %mul3A_362 : i32
        %add3A_364 = arith.constant 1 : i32
        %add3A_365 = arith.addi %mul3A_363, %add3A_364 : i32
        %mul3A_366 = arith.constant 48 : i32
        %mul3A_367 = arith.muli %add3A_365, %mul3A_366 : i32
        %add3A_368 = vector.broadcast %mul3A_367 : i32 to vector<16xi32>
        %add3A_369 = arith.addi %mul3A_5, %add3A_368 : vector<16xi32>
        %gather3A_370 = tpu.vector_load_idx %arg9[%add3A_369] : memref<6144xf32, #tpu.memory_space<vmem>>[vector<16xi32>], vector<16xf32>,
        %add3A_371 = arith.constant 1 : i32
        %add3A_372 = vector.broadcast %add3A_371 : i32 to vector<16xi32>
        %add3A_373 = arith.addi %add3A_369, %add3A_372 : vector<16xi32>
        %gather3A_374 = tpu.vector_load_idx %arg9[%add3A_373] : memref<6144xf32, #tpu.memory_space<vmem>>[vector<16xi32>], vector<16xf32>,
        %add3A_375 = arith.constant 2 : i32
        %add3A_376 = vector.broadcast %add3A_375 : i32 to vector<16xi32>
        %add3A_377 = arith.addi %add3A_369, %add3A_376 : vector<16xi32>
        %gather3A_378 = tpu.vector_load_idx %arg9[%add3A_377] : memref<6144xf32, #tpu.memory_space<vmem>>[vector<16xi32>], vector<16xf32>,
        %mul3A_379 = arith.constant 16 : i32
        %mul3A_380 = arith.muli %add3A_365, %mul3A_379 : i32
        %get3A_381 = arith.index_cast %mul3A_380 : i32 to index
        %get3A_382 = tpu.vector_load %arg19[%get3A_381] {strides = array<i32>} : memref<2048xf32, #tpu.memory_space<vmem>>, vector<16xf32>,
        %mul3A_383 = arith.constant 16 : i32
        %mul3A_384 = arith.muli %add3A_365, %mul3A_383 : i32
        %get3A_385 = arith.index_cast %mul3A_384 : i32 to index
        %get3A_386 = tpu.vector_load %arg20[%get3A_385] {strides = array<i32>} : memref<2048xf32, #tpu.memory_space<vmem>>, vector<16xf32>,
        %gt3A_387 = arith.constant 0.000000e+00 : f32
        %gt3A_388 = vector.broadcast %gt3A_387 : f32 to vector<16xf32>
        %gt3A_389 = arith.cmpf ogt, %gather3A_378, %gt3A_388 : vector<16xf32>
        %select_n3A_390 = arith.select %gt3A_389, %gather3A_370, %broadcast_in_dim3A_6 : vector<16xi1>, vector<16xf32>
        %mul3A_391 = arith.constant 16 : i32
        %mul3A_392 = arith.muli %add3A_365, %mul3A_391 : i32
        %swap3A_393 = arith.constant 0 : i32
        %swap3A_394 = arith.index_cast %swap3A_393 : i32 to index
        %swap3A_395 = arith.index_cast %mul3A_392 : i32 to index
        %swap3A_396 = tpu.vector_load %arg13[%swap3A_394, %swap3A_395] {strides = array<i32>} : memref<5x2048xf32, #tpu.memory_space<vmem>>, vector<16xf32>,
        tpu.vector_store %arg13[%swap3A_394, %swap3A_395], %select_n3A_390 {strides = array<i32>} : memref<5x2048xf32, #tpu.memory_space<vmem>>, vector<16xf32>,
        %select_n3A_397 = arith.select %gt3A_389, %gather3A_374, %broadcast_in_dim3A_6 : vector<16xi1>, vector<16xf32>
        %mul3A_398 = arith.constant 16 : i32
        %mul3A_399 = arith.muli %add3A_365, %mul3A_398 : i32
        %swap3A_400 = arith.constant 1 : i32
        %swap3A_401 = arith.index_cast %swap3A_400 : i32 to index
        %swap3A_402 = arith.index_cast %mul3A_399 : i32 to index
        %swap3A_403 = tpu.vector_load %arg13[%swap3A_401, %swap3A_402] {strides = array<i32>} : memref<5x2048xf32, #tpu.memory_space<vmem>>, vector<16xf32>,
        tpu.vector_store %arg13[%swap3A_401, %swap3A_402], %select_n3A_397 {strides = array<i32>} : memref<5x2048xf32, #tpu.memory_space<vmem>>, vector<16xf32>,
        %select_n3A_404 = arith.select %gt3A_389, %gather3A_378, %broadcast_in_dim3A_6 : vector<16xi1>, vector<16xf32>
        %mul3A_405 = arith.constant 16 : i32
        %mul3A_406 = arith.muli %add3A_365, %mul3A_405 : i32
        %swap3A_407 = arith.constant 2 : i32
        %swap3A_408 = arith.index_cast %swap3A_407 : i32 to index
        %swap3A_409 = arith.index_cast %mul3A_406 : i32 to index
        %swap3A_410 = tpu.vector_load %arg13[%swap3A_408, %swap3A_409] {strides = array<i32>} : memref<5x2048xf32, #tpu.memory_space<vmem>>, vector<16xf32>,
        tpu.vector_store %arg13[%swap3A_408, %swap3A_409], %select_n3A_404 {strides = array<i32>} : memref<5x2048xf32, #tpu.memory_space<vmem>>, vector<16xf32>,
        %select_n3A_411 = arith.select %gt3A_389, %get3A_382, %broadcast_in_dim3A_6 : vector<16xi1>, vector<16xf32>
        %mul3A_412 = arith.constant 16 : i32
        %mul3A_413 = arith.muli %add3A_365, %mul3A_412 : i32
        %swap3A_414 = arith.constant 3 : i32
        %swap3A_415 = arith.index_cast %swap3A_414 : i32 to index
        %swap3A_416 = arith.index_cast %mul3A_413 : i32 to index
        %swap3A_417 = tpu.vector_load %arg13[%swap3A_415, %swap3A_416] {strides = array<i32>} : memref<5x2048xf32, #tpu.memory_space<vmem>>, vector<16xf32>,
        tpu.vector_store %arg13[%swap3A_415, %swap3A_416], %select_n3A_411 {strides = array<i32>} : memref<5x2048xf32, #tpu.memory_space<vmem>>, vector<16xf32>,
        %select_n3A_418 = arith.select %gt3A_389, %get3A_386, %broadcast_in_dim3A_6 : vector<16xi1>, vector<16xf32>
        %mul3A_419 = arith.constant 16 : i32
        %mul3A_420 = arith.muli %add3A_365, %mul3A_419 : i32
        %swap3A_421 = arith.constant 4 : i32
        %swap3A_422 = arith.index_cast %swap3A_421 : i32 to index
        %swap3A_423 = arith.index_cast %mul3A_420 : i32 to index
        %swap3A_424 = tpu.vector_load %arg13[%swap3A_422, %swap3A_423] {strides = array<i32>} : memref<5x2048xf32, #tpu.memory_space<vmem>>, vector<16xf32>,
        tpu.vector_store %arg13[%swap3A_422, %swap3A_423], %select_n3A_418 {strides = array<i32>} : memref<5x2048xf32, #tpu.memory_space<vmem>>, vector<16xf32>,
        %jit3A_425 = arith.constant 1 : i32
        %jit3A_426 = arith.constant 0 : i32
        %broadcast_in_dim3A_427 = vector.broadcast %jit3A_425 : i32 to vector<16xi32>
        %broadcast_in_dim3A_428 = vector.broadcast %jit3A_426 : i32 to vector<16xi32>
        %select_n3A_429 = arith.select %gt3A_389, %broadcast_in_dim3A_427, %broadcast_in_dim3A_428 : vector<16xi1>, vector<16xi32>
        %mul3A_430 = arith.constant 16 : i32
        %mul3A_431 = arith.muli %add3A_365, %mul3A_430 : i32
        %swap3A_432 = arith.index_cast %mul3A_431 : i32 to index
        %swap3A_433 = tpu.vector_load %arg17[%swap3A_432] {strides = array<i32>} : memref<2048xi32, #tpu.memory_space<vmem>>, vector<16xi32>,
        tpu.vector_store %arg17[%swap3A_432], %select_n3A_429 {strides = array<i32>} : memref<2048xi32, #tpu.memory_space<vmem>>, vector<16xi32>,
        %mul3A_434 = arith.constant 8 : i32
        %mul3A_435 = arith.muli %scan3A_294, %mul3A_434 : i32
        %add3A_436 = arith.constant 2 : i32
        %add3A_437 = arith.addi %mul3A_435, %add3A_436 : i32
        %mul3A_438 = arith.constant 48 : i32
        %mul3A_439 = arith.muli %add3A_437, %mul3A_438 : i32
        %add3A_440 = vector.broadcast %mul3A_439 : i32 to vector<16xi32>
        %add3A_441 = arith.addi %mul3A_5, %add3A_440 : vector<16xi32>
        %gather3A_442 = tpu.vector_load_idx %arg9[%add3A_441] : memref<6144xf32, #tpu.memory_space<vmem>>[vector<16xi32>], vector<16xf32>,
        %add3A_443 = arith.constant 1 : i32
        %add3A_444 = vector.broadcast %add3A_443 : i32 to vector<16xi32>
        %add3A_445 = arith.addi %add3A_441, %add3A_444 : vector<16xi32>
        %gather3A_446 = tpu.vector_load_idx %arg9[%add3A_445] : memref<6144xf32, #tpu.memory_space<vmem>>[vector<16xi32>], vector<16xf32>,
        %add3A_447 = arith.constant 2 : i32
        %add3A_448 = vector.broadcast %add3A_447 : i32 to vector<16xi32>
        %add3A_449 = arith.addi %add3A_441, %add3A_448 : vector<16xi32>
        %gather3A_450 = tpu.vector_load_idx %arg9[%add3A_449] : memref<6144xf32, #tpu.memory_space<vmem>>[vector<16xi32>], vector<16xf32>,
        %mul3A_451 = arith.constant 16 : i32
        %mul3A_452 = arith.muli %add3A_437, %mul3A_451 : i32
        %get3A_453 = arith.index_cast %mul3A_452 : i32 to index
        %get3A_454 = tpu.vector_load %arg19[%get3A_453] {strides = array<i32>} : memref<2048xf32, #tpu.memory_space<vmem>>, vector<16xf32>,
        %mul3A_455 = arith.constant 16 : i32
        %mul3A_456 = arith.muli %add3A_437, %mul3A_455 : i32
        %get3A_457 = arith.index_cast %mul3A_456 : i32 to index
        %get3A_458 = tpu.vector_load %arg20[%get3A_457] {strides = array<i32>} : memref<2048xf32, #tpu.memory_space<vmem>>, vector<16xf32>,
        %gt3A_459 = arith.constant 0.000000e+00 : f32
        %gt3A_460 = vector.broadcast %gt3A_459 : f32 to vector<16xf32>
        %gt3A_461 = arith.cmpf ogt, %gather3A_450, %gt3A_460 : vector<16xf32>
        %select_n3A_462 = arith.select %gt3A_461, %gather3A_442, %broadcast_in_dim3A_6 : vector<16xi1>, vector<16xf32>
        %mul3A_463 = arith.constant 16 : i32
        %mul3A_464 = arith.muli %add3A_437, %mul3A_463 : i32
        %swap3A_465 = arith.constant 0 : i32
        %swap3A_466 = arith.index_cast %swap3A_465 : i32 to index
        %swap3A_467 = arith.index_cast %mul3A_464 : i32 to index
        %swap3A_468 = tpu.vector_load %arg13[%swap3A_466, %swap3A_467] {strides = array<i32>} : memref<5x2048xf32, #tpu.memory_space<vmem>>, vector<16xf32>,
        tpu.vector_store %arg13[%swap3A_466, %swap3A_467], %select_n3A_462 {strides = array<i32>} : memref<5x2048xf32, #tpu.memory_space<vmem>>, vector<16xf32>,
        %select_n3A_469 = arith.select %gt3A_461, %gather3A_446, %broadcast_in_dim3A_6 : vector<16xi1>, vector<16xf32>
        %mul3A_470 = arith.constant 16 : i32
        %mul3A_471 = arith.muli %add3A_437, %mul3A_470 : i32
        %swap3A_472 = arith.constant 1 : i32
        %swap3A_473 = arith.index_cast %swap3A_472 : i32 to index
        %swap3A_474 = arith.index_cast %mul3A_471 : i32 to index
        %swap3A_475 = tpu.vector_load %arg13[%swap3A_473, %swap3A_474] {strides = array<i32>} : memref<5x2048xf32, #tpu.memory_space<vmem>>, vector<16xf32>,
        tpu.vector_store %arg13[%swap3A_473, %swap3A_474], %select_n3A_469 {strides = array<i32>} : memref<5x2048xf32, #tpu.memory_space<vmem>>, vector<16xf32>,
        %select_n3A_476 = arith.select %gt3A_461, %gather3A_450, %broadcast_in_dim3A_6 : vector<16xi1>, vector<16xf32>
        %mul3A_477 = arith.constant 16 : i32
        %mul3A_478 = arith.muli %add3A_437, %mul3A_477 : i32
        %swap3A_479 = arith.constant 2 : i32
        %swap3A_480 = arith.index_cast %swap3A_479 : i32 to index
        %swap3A_481 = arith.index_cast %mul3A_478 : i32 to index
        %swap3A_482 = tpu.vector_load %arg13[%swap3A_480, %swap3A_481] {strides = array<i32>} : memref<5x2048xf32, #tpu.memory_space<vmem>>, vector<16xf32>,
        tpu.vector_store %arg13[%swap3A_480, %swap3A_481], %select_n3A_476 {strides = array<i32>} : memref<5x2048xf32, #tpu.memory_space<vmem>>, vector<16xf32>,
        %select_n3A_483 = arith.select %gt3A_461, %get3A_454, %broadcast_in_dim3A_6 : vector<16xi1>, vector<16xf32>
        %mul3A_484 = arith.constant 16 : i32
        %mul3A_485 = arith.muli %add3A_437, %mul3A_484 : i32
        %swap3A_486 = arith.constant 3 : i32
        %swap3A_487 = arith.index_cast %swap3A_486 : i32 to index
        %swap3A_488 = arith.index_cast %mul3A_485 : i32 to index
        %swap3A_489 = tpu.vector_load %arg13[%swap3A_487, %swap3A_488] {strides = array<i32>} : memref<5x2048xf32, #tpu.memory_space<vmem>>, vector<16xf32>,
        tpu.vector_store %arg13[%swap3A_487, %swap3A_488], %select_n3A_483 {strides = array<i32>} : memref<5x2048xf32, #tpu.memory_space<vmem>>, vector<16xf32>,
        %select_n3A_490 = arith.select %gt3A_461, %get3A_458, %broadcast_in_dim3A_6 : vector<16xi1>, vector<16xf32>
        %mul3A_491 = arith.constant 16 : i32
        %mul3A_492 = arith.muli %add3A_437, %mul3A_491 : i32
        %swap3A_493 = arith.constant 4 : i32
        %swap3A_494 = arith.index_cast %swap3A_493 : i32 to index
        %swap3A_495 = arith.index_cast %mul3A_492 : i32 to index
        %swap3A_496 = tpu.vector_load %arg13[%swap3A_494, %swap3A_495] {strides = array<i32>} : memref<5x2048xf32, #tpu.memory_space<vmem>>, vector<16xf32>,
        tpu.vector_store %arg13[%swap3A_494, %swap3A_495], %select_n3A_490 {strides = array<i32>} : memref<5x2048xf32, #tpu.memory_space<vmem>>, vector<16xf32>,
        %jit3A_497 = arith.constant 1 : i32
        %jit3A_498 = arith.constant 0 : i32
        %broadcast_in_dim3A_499 = vector.broadcast %jit3A_497 : i32 to vector<16xi32>
        %broadcast_in_dim3A_500 = vector.broadcast %jit3A_498 : i32 to vector<16xi32>
        %select_n3A_501 = arith.select %gt3A_461, %broadcast_in_dim3A_499, %broadcast_in_dim3A_500 : vector<16xi1>, vector<16xi32>
        %mul3A_502 = arith.constant 16 : i32
        %mul3A_503 = arith.muli %add3A_437, %mul3A_502 : i32
        %swap3A_504 = arith.index_cast %mul3A_503 : i32 to index
        %swap3A_505 = tpu.vector_load %arg17[%swap3A_504] {strides = array<i32>} : memref<2048xi32, #tpu.memory_space<vmem>>, vector<16xi32>,
        tpu.vector_store %arg17[%swap3A_504], %select_n3A_501 {strides = array<i32>} : memref<2048xi32, #tpu.memory_space<vmem>>, vector<16xi32>,
        %mul3A_506 = arith.constant 8 : i32
        %mul3A_507 = arith.muli %scan3A_294, %mul3A_506 : i32
        %add3A_508 = arith.constant 3 : i32
        %add3A_509 = arith.addi %mul3A_507, %add3A_508 : i32
        %mul3A_510 = arith.constant 48 : i32
        %mul3A_511 = arith.muli %add3A_509, %mul3A_510 : i32
        %add3A_512 = vector.broadcast %mul3A_511 : i32 to vector<16xi32>
        %add3A_513 = arith.addi %mul3A_5, %add3A_512 : vector<16xi32>
        %gather3A_514 = tpu.vector_load_idx %arg9[%add3A_513] : memref<6144xf32, #tpu.memory_space<vmem>>[vector<16xi32>], vector<16xf32>,
        %add3A_515 = arith.constant 1 : i32
        %add3A_516 = vector.broadcast %add3A_515 : i32 to vector<16xi32>
        %add3A_517 = arith.addi %add3A_513, %add3A_516 : vector<16xi32>
        %gather3A_518 = tpu.vector_load_idx %arg9[%add3A_517] : memref<6144xf32, #tpu.memory_space<vmem>>[vector<16xi32>], vector<16xf32>,
        %add3A_519 = arith.constant 2 : i32
        %add3A_520 = vector.broadcast %add3A_519 : i32 to vector<16xi32>
        %add3A_521 = arith.addi %add3A_513, %add3A_520 : vector<16xi32>
        %gather3A_522 = tpu.vector_load_idx %arg9[%add3A_521] : memref<6144xf32, #tpu.memory_space<vmem>>[vector<16xi32>], vector<16xf32>,
        %mul3A_523 = arith.constant 16 : i32
        %mul3A_524 = arith.muli %add3A_509, %mul3A_523 : i32
        %get3A_525 = arith.index_cast %mul3A_524 : i32 to index
        %get3A_526 = tpu.vector_load %arg19[%get3A_525] {strides = array<i32>} : memref<2048xf32, #tpu.memory_space<vmem>>, vector<16xf32>,
        %mul3A_527 = arith.constant 16 : i32
        %mul3A_528 = arith.muli %add3A_509, %mul3A_527 : i32
        %get3A_529 = arith.index_cast %mul3A_528 : i32 to index
        %get3A_530 = tpu.vector_load %arg20[%get3A_529] {strides = array<i32>} : memref<2048xf32, #tpu.memory_space<vmem>>, vector<16xf32>,
        %gt3A_531 = arith.constant 0.000000e+00 : f32
        %gt3A_532 = vector.broadcast %gt3A_531 : f32 to vector<16xf32>
        %gt3A_533 = arith.cmpf ogt, %gather3A_522, %gt3A_532 : vector<16xf32>
        %select_n3A_534 = arith.select %gt3A_533, %gather3A_514, %broadcast_in_dim3A_6 : vector<16xi1>, vector<16xf32>
        %mul3A_535 = arith.constant 16 : i32
        %mul3A_536 = arith.muli %add3A_509, %mul3A_535 : i32
        %swap3A_537 = arith.constant 0 : i32
        %swap3A_538 = arith.index_cast %swap3A_537 : i32 to index
        %swap3A_539 = arith.index_cast %mul3A_536 : i32 to index
        %swap3A_540 = tpu.vector_load %arg13[%swap3A_538, %swap3A_539] {strides = array<i32>} : memref<5x2048xf32, #tpu.memory_space<vmem>>, vector<16xf32>,
        tpu.vector_store %arg13[%swap3A_538, %swap3A_539], %select_n3A_534 {strides = array<i32>} : memref<5x2048xf32, #tpu.memory_space<vmem>>, vector<16xf32>,
        %select_n3A_541 = arith.select %gt3A_533, %gather3A_518, %broadcast_in_dim3A_6 : vector<16xi1>, vector<16xf32>
        %mul3A_542 = arith.constant 16 : i32
        %mul3A_543 = arith.muli %add3A_509, %mul3A_542 : i32
        %swap3A_544 = arith.constant 1 : i32
        %swap3A_545 = arith.index_cast %swap3A_544 : i32 to index
        %swap3A_546 = arith.index_cast %mul3A_543 : i32 to index
        %swap3A_547 = tpu.vector_load %arg13[%swap3A_545, %swap3A_546] {strides = array<i32>} : memref<5x2048xf32, #tpu.memory_space<vmem>>, vector<16xf32>,
        tpu.vector_store %arg13[%swap3A_545, %swap3A_546], %select_n3A_541 {strides = array<i32>} : memref<5x2048xf32, #tpu.memory_space<vmem>>, vector<16xf32>,
        %select_n3A_548 = arith.select %gt3A_533, %gather3A_522, %broadcast_in_dim3A_6 : vector<16xi1>, vector<16xf32>
        %mul3A_549 = arith.constant 16 : i32
        %mul3A_550 = arith.muli %add3A_509, %mul3A_549 : i32
        %swap3A_551 = arith.constant 2 : i32
        %swap3A_552 = arith.index_cast %swap3A_551 : i32 to index
        %swap3A_553 = arith.index_cast %mul3A_550 : i32 to index
        %swap3A_554 = tpu.vector_load %arg13[%swap3A_552, %swap3A_553] {strides = array<i32>} : memref<5x2048xf32, #tpu.memory_space<vmem>>, vector<16xf32>,
        tpu.vector_store %arg13[%swap3A_552, %swap3A_553], %select_n3A_548 {strides = array<i32>} : memref<5x2048xf32, #tpu.memory_space<vmem>>, vector<16xf32>,
        %select_n3A_555 = arith.select %gt3A_533, %get3A_526, %broadcast_in_dim3A_6 : vector<16xi1>, vector<16xf32>
        %mul3A_556 = arith.constant 16 : i32
        %mul3A_557 = arith.muli %add3A_509, %mul3A_556 : i32
        %swap3A_558 = arith.constant 3 : i32
        %swap3A_559 = arith.index_cast %swap3A_558 : i32 to index
        %swap3A_560 = arith.index_cast %mul3A_557 : i32 to index
        %swap3A_561 = tpu.vector_load %arg13[%swap3A_559, %swap3A_560] {strides = array<i32>} : memref<5x2048xf32, #tpu.memory_space<vmem>>, vector<16xf32>,
        tpu.vector_store %arg13[%swap3A_559, %swap3A_560], %select_n3A_555 {strides = array<i32>} : memref<5x2048xf32, #tpu.memory_space<vmem>>, vector<16xf32>,
        %select_n3A_562 = arith.select %gt3A_533, %get3A_530, %broadcast_in_dim3A_6 : vector<16xi1>, vector<16xf32>
        %mul3A_563 = arith.constant 16 : i32
        %mul3A_564 = arith.muli %add3A_509, %mul3A_563 : i32
        %swap3A_565 = arith.constant 4 : i32
        %swap3A_566 = arith.index_cast %swap3A_565 : i32 to index
        %swap3A_567 = arith.index_cast %mul3A_564 : i32 to index
        %swap3A_568 = tpu.vector_load %arg13[%swap3A_566, %swap3A_567] {strides = array<i32>} : memref<5x2048xf32, #tpu.memory_space<vmem>>, vector<16xf32>,
        tpu.vector_store %arg13[%swap3A_566, %swap3A_567], %select_n3A_562 {strides = array<i32>} : memref<5x2048xf32, #tpu.memory_space<vmem>>, vector<16xf32>,
        %jit3A_569 = arith.constant 1 : i32
        %jit3A_570 = arith.constant 0 : i32
        %broadcast_in_dim3A_571 = vector.broadcast %jit3A_569 : i32 to vector<16xi32>
        %broadcast_in_dim3A_572 = vector.broadcast %jit3A_570 : i32 to vector<16xi32>
        %select_n3A_573 = arith.select %gt3A_533, %broadcast_in_dim3A_571, %broadcast_in_dim3A_572 : vector<16xi1>, vector<16xi32>
        %mul3A_574 = arith.constant 16 : i32
        %mul3A_575 = arith.muli %add3A_509, %mul3A_574 : i32
        %swap3A_576 = arith.index_cast %mul3A_575 : i32 to index
        %swap3A_577 = tpu.vector_load %arg17[%swap3A_576] {strides = array<i32>} : memref<2048xi32, #tpu.memory_space<vmem>>, vector<16xi32>,
        tpu.vector_store %arg17[%swap3A_576], %select_n3A_573 {strides = array<i32>} : memref<2048xi32, #tpu.memory_space<vmem>>, vector<16xi32>,
        %mul3A_578 = arith.constant 8 : i32
        %mul3A_579 = arith.muli %scan3A_294, %mul3A_578 : i32
        %add3A_580 = arith.constant 4 : i32
        %add3A_581 = arith.addi %mul3A_579, %add3A_580 : i32
        %mul3A_582 = arith.constant 48 : i32
        %mul3A_583 = arith.muli %add3A_581, %mul3A_582 : i32
        %add3A_584 = vector.broadcast %mul3A_583 : i32 to vector<16xi32>
        %add3A_585 = arith.addi %mul3A_5, %add3A_584 : vector<16xi32>
        %gather3A_586 = tpu.vector_load_idx %arg9[%add3A_585] : memref<6144xf32, #tpu.memory_space<vmem>>[vector<16xi32>], vector<16xf32>,
        %add3A_587 = arith.constant 1 : i32
        %add3A_588 = vector.broadcast %add3A_587 : i32 to vector<16xi32>
        %add3A_589 = arith.addi %add3A_585, %add3A_588 : vector<16xi32>
        %gather3A_590 = tpu.vector_load_idx %arg9[%add3A_589] : memref<6144xf32, #tpu.memory_space<vmem>>[vector<16xi32>], vector<16xf32>,
        %add3A_591 = arith.constant 2 : i32
        %add3A_592 = vector.broadcast %add3A_591 : i32 to vector<16xi32>
        %add3A_593 = arith.addi %add3A_585, %add3A_592 : vector<16xi32>
        %gather3A_594 = tpu.vector_load_idx %arg9[%add3A_593] : memref<6144xf32, #tpu.memory_space<vmem>>[vector<16xi32>], vector<16xf32>,
        %mul3A_595 = arith.constant 16 : i32
        %mul3A_596 = arith.muli %add3A_581, %mul3A_595 : i32
        %get3A_597 = arith.index_cast %mul3A_596 : i32 to index
        %get3A_598 = tpu.vector_load %arg19[%get3A_597] {strides = array<i32>} : memref<2048xf32, #tpu.memory_space<vmem>>, vector<16xf32>,
        %mul3A_599 = arith.constant 16 : i32
        %mul3A_600 = arith.muli %add3A_581, %mul3A_599 : i32
        %get3A_601 = arith.index_cast %mul3A_600 : i32 to index
        %get3A_602 = tpu.vector_load %arg20[%get3A_601] {strides = array<i32>} : memref<2048xf32, #tpu.memory_space<vmem>>, vector<16xf32>,
        %gt3A_603 = arith.constant 0.000000e+00 : f32
        %gt3A_604 = vector.broadcast %gt3A_603 : f32 to vector<16xf32>
        %gt3A_605 = arith.cmpf ogt, %gather3A_594, %gt3A_604 : vector<16xf32>
        %select_n3A_606 = arith.select %gt3A_605, %gather3A_586, %broadcast_in_dim3A_6 : vector<16xi1>, vector<16xf32>
        %mul3A_607 = arith.constant 16 : i32
        %mul3A_608 = arith.muli %add3A_581, %mul3A_607 : i32
        %swap3A_609 = arith.constant 0 : i32
        %swap3A_610 = arith.index_cast %swap3A_609 : i32 to index
        %swap3A_611 = arith.index_cast %mul3A_608 : i32 to index
        %swap3A_612 = tpu.vector_load %arg13[%swap3A_610, %swap3A_611] {strides = array<i32>} : memref<5x2048xf32, #tpu.memory_space<vmem>>, vector<16xf32>,
        tpu.vector_store %arg13[%swap3A_610, %swap3A_611], %select_n3A_606 {strides = array<i32>} : memref<5x2048xf32, #tpu.memory_space<vmem>>, vector<16xf32>,
        %select_n3A_613 = arith.select %gt3A_605, %gather3A_590, %broadcast_in_dim3A_6 : vector<16xi1>, vector<16xf32>
        %mul3A_614 = arith.constant 16 : i32
        %mul3A_615 = arith.muli %add3A_581, %mul3A_614 : i32
        %swap3A_616 = arith.constant 1 : i32
        %swap3A_617 = arith.index_cast %swap3A_616 : i32 to index
        %swap3A_618 = arith.index_cast %mul3A_615 : i32 to index
        %swap3A_619 = tpu.vector_load %arg13[%swap3A_617, %swap3A_618] {strides = array<i32>} : memref<5x2048xf32, #tpu.memory_space<vmem>>, vector<16xf32>,
        tpu.vector_store %arg13[%swap3A_617, %swap3A_618], %select_n3A_613 {strides = array<i32>} : memref<5x2048xf32, #tpu.memory_space<vmem>>, vector<16xf32>,
        %select_n3A_620 = arith.select %gt3A_605, %gather3A_594, %broadcast_in_dim3A_6 : vector<16xi1>, vector<16xf32>
        %mul3A_621 = arith.constant 16 : i32
        %mul3A_622 = arith.muli %add3A_581, %mul3A_621 : i32
        %swap3A_623 = arith.constant 2 : i32
        %swap3A_624 = arith.index_cast %swap3A_623 : i32 to index
        %swap3A_625 = arith.index_cast %mul3A_622 : i32 to index
        %swap3A_626 = tpu.vector_load %arg13[%swap3A_624, %swap3A_625] {strides = array<i32>} : memref<5x2048xf32, #tpu.memory_space<vmem>>, vector<16xf32>,
        tpu.vector_store %arg13[%swap3A_624, %swap3A_625], %select_n3A_620 {strides = array<i32>} : memref<5x2048xf32, #tpu.memory_space<vmem>>, vector<16xf32>,
        %select_n3A_627 = arith.select %gt3A_605, %get3A_598, %broadcast_in_dim3A_6 : vector<16xi1>, vector<16xf32>
        %mul3A_628 = arith.constant 16 : i32
        %mul3A_629 = arith.muli %add3A_581, %mul3A_628 : i32
        %swap3A_630 = arith.constant 3 : i32
        %swap3A_631 = arith.index_cast %swap3A_630 : i32 to index
        %swap3A_632 = arith.index_cast %mul3A_629 : i32 to index
        %swap3A_633 = tpu.vector_load %arg13[%swap3A_631, %swap3A_632] {strides = array<i32>} : memref<5x2048xf32, #tpu.memory_space<vmem>>, vector<16xf32>,
        tpu.vector_store %arg13[%swap3A_631, %swap3A_632], %select_n3A_627 {strides = array<i32>} : memref<5x2048xf32, #tpu.memory_space<vmem>>, vector<16xf32>,
        %select_n3A_634 = arith.select %gt3A_605, %get3A_602, %broadcast_in_dim3A_6 : vector<16xi1>, vector<16xf32>
        %mul3A_635 = arith.constant 16 : i32
        %mul3A_636 = arith.muli %add3A_581, %mul3A_635 : i32
        %swap3A_637 = arith.constant 4 : i32
        %swap3A_638 = arith.index_cast %swap3A_637 : i32 to index
        %swap3A_639 = arith.index_cast %mul3A_636 : i32 to index
        %swap3A_640 = tpu.vector_load %arg13[%swap3A_638, %swap3A_639] {strides = array<i32>} : memref<5x2048xf32, #tpu.memory_space<vmem>>, vector<16xf32>,
        tpu.vector_store %arg13[%swap3A_638, %swap3A_639], %select_n3A_634 {strides = array<i32>} : memref<5x2048xf32, #tpu.memory_space<vmem>>, vector<16xf32>,
        %jit3A_641 = arith.constant 1 : i32
        %jit3A_642 = arith.constant 0 : i32
        %broadcast_in_dim3A_643 = vector.broadcast %jit3A_641 : i32 to vector<16xi32>
        %broadcast_in_dim3A_644 = vector.broadcast %jit3A_642 : i32 to vector<16xi32>
        %select_n3A_645 = arith.select %gt3A_605, %broadcast_in_dim3A_643, %broadcast_in_dim3A_644 : vector<16xi1>, vector<16xi32>
        %mul3A_646 = arith.constant 16 : i32
        %mul3A_647 = arith.muli %add3A_581, %mul3A_646 : i32
        %swap3A_648 = arith.index_cast %mul3A_647 : i32 to index
        %swap3A_649 = tpu.vector_load %arg17[%swap3A_648] {strides = array<i32>} : memref<2048xi32, #tpu.memory_space<vmem>>, vector<16xi32>,
        tpu.vector_store %arg17[%swap3A_648], %select_n3A_645 {strides = array<i32>} : memref<2048xi32, #tpu.memory_space<vmem>>, vector<16xi32>,
        %mul3A_650 = arith.constant 8 : i32
        %mul3A_651 = arith.muli %scan3A_294, %mul3A_650 : i32
        %add3A_652 = arith.constant 5 : i32
        %add3A_653 = arith.addi %mul3A_651, %add3A_652 : i32
        %mul3A_654 = arith.constant 48 : i32
        %mul3A_655 = arith.muli %add3A_653, %mul3A_654 : i32
        %add3A_656 = vector.broadcast %mul3A_655 : i32 to vector<16xi32>
        %add3A_657 = arith.addi %mul3A_5, %add3A_656 : vector<16xi32>
        %gather3A_658 = tpu.vector_load_idx %arg9[%add3A_657] : memref<6144xf32, #tpu.memory_space<vmem>>[vector<16xi32>], vector<16xf32>,
        %add3A_659 = arith.constant 1 : i32
        %add3A_660 = vector.broadcast %add3A_659 : i32 to vector<16xi32>
        %add3A_661 = arith.addi %add3A_657, %add3A_660 : vector<16xi32>
        %gather3A_662 = tpu.vector_load_idx %arg9[%add3A_661] : memref<6144xf32, #tpu.memory_space<vmem>>[vector<16xi32>], vector<16xf32>,
        %add3A_663 = arith.constant 2 : i32
        %add3A_664 = vector.broadcast %add3A_663 : i32 to vector<16xi32>
        %add3A_665 = arith.addi %add3A_657, %add3A_664 : vector<16xi32>
        %gather3A_666 = tpu.vector_load_idx %arg9[%add3A_665] : memref<6144xf32, #tpu.memory_space<vmem>>[vector<16xi32>], vector<16xf32>,
        %mul3A_667 = arith.constant 16 : i32
        %mul3A_668 = arith.muli %add3A_653, %mul3A_667 : i32
        %get3A_669 = arith.index_cast %mul3A_668 : i32 to index
        %get3A_670 = tpu.vector_load %arg19[%get3A_669] {strides = array<i32>} : memref<2048xf32, #tpu.memory_space<vmem>>, vector<16xf32>,
        %mul3A_671 = arith.constant 16 : i32
        %mul3A_672 = arith.muli %add3A_653, %mul3A_671 : i32
        %get3A_673 = arith.index_cast %mul3A_672 : i32 to index
        %get3A_674 = tpu.vector_load %arg20[%get3A_673] {strides = array<i32>} : memref<2048xf32, #tpu.memory_space<vmem>>, vector<16xf32>,
        %gt3A_675 = arith.constant 0.000000e+00 : f32
        %gt3A_676 = vector.broadcast %gt3A_675 : f32 to vector<16xf32>
        %gt3A_677 = arith.cmpf ogt, %gather3A_666, %gt3A_676 : vector<16xf32>
        %select_n3A_678 = arith.select %gt3A_677, %gather3A_658, %broadcast_in_dim3A_6 : vector<16xi1>, vector<16xf32>
        %mul3A_679 = arith.constant 16 : i32
        %mul3A_680 = arith.muli %add3A_653, %mul3A_679 : i32
        %swap3A_681 = arith.constant 0 : i32
        %swap3A_682 = arith.index_cast %swap3A_681 : i32 to index
        %swap3A_683 = arith.index_cast %mul3A_680 : i32 to index
        %swap3A_684 = tpu.vector_load %arg13[%swap3A_682, %swap3A_683] {strides = array<i32>} : memref<5x2048xf32, #tpu.memory_space<vmem>>, vector<16xf32>,
        tpu.vector_store %arg13[%swap3A_682, %swap3A_683], %select_n3A_678 {strides = array<i32>} : memref<5x2048xf32, #tpu.memory_space<vmem>>, vector<16xf32>,
        %select_n3A_685 = arith.select %gt3A_677, %gather3A_662, %broadcast_in_dim3A_6 : vector<16xi1>, vector<16xf32>
        %mul3A_686 = arith.constant 16 : i32
        %mul3A_687 = arith.muli %add3A_653, %mul3A_686 : i32
        %swap3A_688 = arith.constant 1 : i32
        %swap3A_689 = arith.index_cast %swap3A_688 : i32 to index
        %swap3A_690 = arith.index_cast %mul3A_687 : i32 to index
        %swap3A_691 = tpu.vector_load %arg13[%swap3A_689, %swap3A_690] {strides = array<i32>} : memref<5x2048xf32, #tpu.memory_space<vmem>>, vector<16xf32>,
        tpu.vector_store %arg13[%swap3A_689, %swap3A_690], %select_n3A_685 {strides = array<i32>} : memref<5x2048xf32, #tpu.memory_space<vmem>>, vector<16xf32>,
        %select_n3A_692 = arith.select %gt3A_677, %gather3A_666, %broadcast_in_dim3A_6 : vector<16xi1>, vector<16xf32>
        %mul3A_693 = arith.constant 16 : i32
        %mul3A_694 = arith.muli %add3A_653, %mul3A_693 : i32
        %swap3A_695 = arith.constant 2 : i32
        %swap3A_696 = arith.index_cast %swap3A_695 : i32 to index
        %swap3A_697 = arith.index_cast %mul3A_694 : i32 to index
        %swap3A_698 = tpu.vector_load %arg13[%swap3A_696, %swap3A_697] {strides = array<i32>} : memref<5x2048xf32, #tpu.memory_space<vmem>>, vector<16xf32>,
        tpu.vector_store %arg13[%swap3A_696, %swap3A_697], %select_n3A_692 {strides = array<i32>} : memref<5x2048xf32, #tpu.memory_space<vmem>>, vector<16xf32>,
        %select_n3A_699 = arith.select %gt3A_677, %get3A_670, %broadcast_in_dim3A_6 : vector<16xi1>, vector<16xf32>
        %mul3A_700 = arith.constant 16 : i32
        %mul3A_701 = arith.muli %add3A_653, %mul3A_700 : i32
        %swap3A_702 = arith.constant 3 : i32
        %swap3A_703 = arith.index_cast %swap3A_702 : i32 to index
        %swap3A_704 = arith.index_cast %mul3A_701 : i32 to index
        %swap3A_705 = tpu.vector_load %arg13[%swap3A_703, %swap3A_704] {strides = array<i32>} : memref<5x2048xf32, #tpu.memory_space<vmem>>, vector<16xf32>,
        tpu.vector_store %arg13[%swap3A_703, %swap3A_704], %select_n3A_699 {strides = array<i32>} : memref<5x2048xf32, #tpu.memory_space<vmem>>, vector<16xf32>,
        %select_n3A_706 = arith.select %gt3A_677, %get3A_674, %broadcast_in_dim3A_6 : vector<16xi1>, vector<16xf32>
        %mul3A_707 = arith.constant 16 : i32
        %mul3A_708 = arith.muli %add3A_653, %mul3A_707 : i32
        %swap3A_709 = arith.constant 4 : i32
        %swap3A_710 = arith.index_cast %swap3A_709 : i32 to index
        %swap3A_711 = arith.index_cast %mul3A_708 : i32 to index
        %swap3A_712 = tpu.vector_load %arg13[%swap3A_710, %swap3A_711] {strides = array<i32>} : memref<5x2048xf32, #tpu.memory_space<vmem>>, vector<16xf32>,
        tpu.vector_store %arg13[%swap3A_710, %swap3A_711], %select_n3A_706 {strides = array<i32>} : memref<5x2048xf32, #tpu.memory_space<vmem>>, vector<16xf32>,
        %jit3A_713 = arith.constant 1 : i32
        %jit3A_714 = arith.constant 0 : i32
        %broadcast_in_dim3A_715 = vector.broadcast %jit3A_713 : i32 to vector<16xi32>
        %broadcast_in_dim3A_716 = vector.broadcast %jit3A_714 : i32 to vector<16xi32>
        %select_n3A_717 = arith.select %gt3A_677, %broadcast_in_dim3A_715, %broadcast_in_dim3A_716 : vector<16xi1>, vector<16xi32>
        %mul3A_718 = arith.constant 16 : i32
        %mul3A_719 = arith.muli %add3A_653, %mul3A_718 : i32
        %swap3A_720 = arith.index_cast %mul3A_719 : i32 to index
        %swap3A_721 = tpu.vector_load %arg17[%swap3A_720] {strides = array<i32>} : memref<2048xi32, #tpu.memory_space<vmem>>, vector<16xi32>,
        tpu.vector_store %arg17[%swap3A_720], %select_n3A_717 {strides = array<i32>} : memref<2048xi32, #tpu.memory_space<vmem>>, vector<16xi32>,
        %mul3A_722 = arith.constant 8 : i32
        %mul3A_723 = arith.muli %scan3A_294, %mul3A_722 : i32
        %add3A_724 = arith.constant 6 : i32
        %add3A_725 = arith.addi %mul3A_723, %add3A_724 : i32
        %mul3A_726 = arith.constant 48 : i32
        %mul3A_727 = arith.muli %add3A_725, %mul3A_726 : i32
        %add3A_728 = vector.broadcast %mul3A_727 : i32 to vector<16xi32>
        %add3A_729 = arith.addi %mul3A_5, %add3A_728 : vector<16xi32>
        %gather3A_730 = tpu.vector_load_idx %arg9[%add3A_729] : memref<6144xf32, #tpu.memory_space<vmem>>[vector<16xi32>], vector<16xf32>,
        %add3A_731 = arith.constant 1 : i32
        %add3A_732 = vector.broadcast %add3A_731 : i32 to vector<16xi32>
        %add3A_733 = arith.addi %add3A_729, %add3A_732 : vector<16xi32>
        %gather3A_734 = tpu.vector_load_idx %arg9[%add3A_733] : memref<6144xf32, #tpu.memory_space<vmem>>[vector<16xi32>], vector<16xf32>,
        %add3A_735 = arith.constant 2 : i32
        %add3A_736 = vector.broadcast %add3A_735 : i32 to vector<16xi32>
        %add3A_737 = arith.addi %add3A_729, %add3A_736 : vector<16xi32>
        %gather3A_738 = tpu.vector_load_idx %arg9[%add3A_737] : memref<6144xf32, #tpu.memory_space<vmem>>[vector<16xi32>], vector<16xf32>,
        %mul3A_739 = arith.constant 16 : i32
        %mul3A_740 = arith.muli %add3A_725, %mul3A_739 : i32
        %get3A_741 = arith.index_cast %mul3A_740 : i32 to index
        %get3A_742 = tpu.vector_load %arg19[%get3A_741] {strides = array<i32>} : memref<2048xf32, #tpu.memory_space<vmem>>, vector<16xf32>,
        %mul3A_743 = arith.constant 16 : i32
        %mul3A_744 = arith.muli %add3A_725, %mul3A_743 : i32
        %get3A_745 = arith.index_cast %mul3A_744 : i32 to index
        %get3A_746 = tpu.vector_load %arg20[%get3A_745] {strides = array<i32>} : memref<2048xf32, #tpu.memory_space<vmem>>, vector<16xf32>,
        %gt3A_747 = arith.constant 0.000000e+00 : f32
        %gt3A_748 = vector.broadcast %gt3A_747 : f32 to vector<16xf32>
        %gt3A_749 = arith.cmpf ogt, %gather3A_738, %gt3A_748 : vector<16xf32>
        %select_n3A_750 = arith.select %gt3A_749, %gather3A_730, %broadcast_in_dim3A_6 : vector<16xi1>, vector<16xf32>
        %mul3A_751 = arith.constant 16 : i32
        %mul3A_752 = arith.muli %add3A_725, %mul3A_751 : i32
        %swap3A_753 = arith.constant 0 : i32
        %swap3A_754 = arith.index_cast %swap3A_753 : i32 to index
        %swap3A_755 = arith.index_cast %mul3A_752 : i32 to index
        %swap3A_756 = tpu.vector_load %arg13[%swap3A_754, %swap3A_755] {strides = array<i32>} : memref<5x2048xf32, #tpu.memory_space<vmem>>, vector<16xf32>,
        tpu.vector_store %arg13[%swap3A_754, %swap3A_755], %select_n3A_750 {strides = array<i32>} : memref<5x2048xf32, #tpu.memory_space<vmem>>, vector<16xf32>,
        %select_n3A_757 = arith.select %gt3A_749, %gather3A_734, %broadcast_in_dim3A_6 : vector<16xi1>, vector<16xf32>
        %mul3A_758 = arith.constant 16 : i32
        %mul3A_759 = arith.muli %add3A_725, %mul3A_758 : i32
        %swap3A_760 = arith.constant 1 : i32
        %swap3A_761 = arith.index_cast %swap3A_760 : i32 to index
        %swap3A_762 = arith.index_cast %mul3A_759 : i32 to index
        %swap3A_763 = tpu.vector_load %arg13[%swap3A_761, %swap3A_762] {strides = array<i32>} : memref<5x2048xf32, #tpu.memory_space<vmem>>, vector<16xf32>,
        tpu.vector_store %arg13[%swap3A_761, %swap3A_762], %select_n3A_757 {strides = array<i32>} : memref<5x2048xf32, #tpu.memory_space<vmem>>, vector<16xf32>,
        %select_n3A_764 = arith.select %gt3A_749, %gather3A_738, %broadcast_in_dim3A_6 : vector<16xi1>, vector<16xf32>
        %mul3A_765 = arith.constant 16 : i32
        %mul3A_766 = arith.muli %add3A_725, %mul3A_765 : i32
        %swap3A_767 = arith.constant 2 : i32
        %swap3A_768 = arith.index_cast %swap3A_767 : i32 to index
        %swap3A_769 = arith.index_cast %mul3A_766 : i32 to index
        %swap3A_770 = tpu.vector_load %arg13[%swap3A_768, %swap3A_769] {strides = array<i32>} : memref<5x2048xf32, #tpu.memory_space<vmem>>, vector<16xf32>,
        tpu.vector_store %arg13[%swap3A_768, %swap3A_769], %select_n3A_764 {strides = array<i32>} : memref<5x2048xf32, #tpu.memory_space<vmem>>, vector<16xf32>,
        %select_n3A_771 = arith.select %gt3A_749, %get3A_742, %broadcast_in_dim3A_6 : vector<16xi1>, vector<16xf32>
        %mul3A_772 = arith.constant 16 : i32
        %mul3A_773 = arith.muli %add3A_725, %mul3A_772 : i32
        %swap3A_774 = arith.constant 3 : i32
        %swap3A_775 = arith.index_cast %swap3A_774 : i32 to index
        %swap3A_776 = arith.index_cast %mul3A_773 : i32 to index
        %swap3A_777 = tpu.vector_load %arg13[%swap3A_775, %swap3A_776] {strides = array<i32>} : memref<5x2048xf32, #tpu.memory_space<vmem>>, vector<16xf32>,
        tpu.vector_store %arg13[%swap3A_775, %swap3A_776], %select_n3A_771 {strides = array<i32>} : memref<5x2048xf32, #tpu.memory_space<vmem>>, vector<16xf32>,
        %select_n3A_778 = arith.select %gt3A_749, %get3A_746, %broadcast_in_dim3A_6 : vector<16xi1>, vector<16xf32>
        %mul3A_779 = arith.constant 16 : i32
        %mul3A_780 = arith.muli %add3A_725, %mul3A_779 : i32
        %swap3A_781 = arith.constant 4 : i32
        %swap3A_782 = arith.index_cast %swap3A_781 : i32 to index
        %swap3A_783 = arith.index_cast %mul3A_780 : i32 to index
        %swap3A_784 = tpu.vector_load %arg13[%swap3A_782, %swap3A_783] {strides = array<i32>} : memref<5x2048xf32, #tpu.memory_space<vmem>>, vector<16xf32>,
        tpu.vector_store %arg13[%swap3A_782, %swap3A_783], %select_n3A_778 {strides = array<i32>} : memref<5x2048xf32, #tpu.memory_space<vmem>>, vector<16xf32>,
        %jit3A_785 = arith.constant 1 : i32
        %jit3A_786 = arith.constant 0 : i32
        %broadcast_in_dim3A_787 = vector.broadcast %jit3A_785 : i32 to vector<16xi32>
        %broadcast_in_dim3A_788 = vector.broadcast %jit3A_786 : i32 to vector<16xi32>
        %select_n3A_789 = arith.select %gt3A_749, %broadcast_in_dim3A_787, %broadcast_in_dim3A_788 : vector<16xi1>, vector<16xi32>
        %mul3A_790 = arith.constant 16 : i32
        %mul3A_791 = arith.muli %add3A_725, %mul3A_790 : i32
        %swap3A_792 = arith.index_cast %mul3A_791 : i32 to index
        %swap3A_793 = tpu.vector_load %arg17[%swap3A_792] {strides = array<i32>} : memref<2048xi32, #tpu.memory_space<vmem>>, vector<16xi32>,
        tpu.vector_store %arg17[%swap3A_792], %select_n3A_789 {strides = array<i32>} : memref<2048xi32, #tpu.memory_space<vmem>>, vector<16xi32>,
        %mul3A_794 = arith.constant 8 : i32
        %mul3A_795 = arith.muli %scan3A_294, %mul3A_794 : i32
        %add3A_796 = arith.constant 7 : i32
        %add3A_797 = arith.addi %mul3A_795, %add3A_796 : i32
        %mul3A_798 = arith.constant 48 : i32
        %mul3A_799 = arith.muli %add3A_797, %mul3A_798 : i32
        %add3A_800 = vector.broadcast %mul3A_799 : i32 to vector<16xi32>
        %add3A_801 = arith.addi %mul3A_5, %add3A_800 : vector<16xi32>
        %gather3A_802 = tpu.vector_load_idx %arg9[%add3A_801] : memref<6144xf32, #tpu.memory_space<vmem>>[vector<16xi32>], vector<16xf32>,
        %add3A_803 = arith.constant 1 : i32
        %add3A_804 = vector.broadcast %add3A_803 : i32 to vector<16xi32>
        %add3A_805 = arith.addi %add3A_801, %add3A_804 : vector<16xi32>
        %gather3A_806 = tpu.vector_load_idx %arg9[%add3A_805] : memref<6144xf32, #tpu.memory_space<vmem>>[vector<16xi32>], vector<16xf32>,
        %add3A_807 = arith.constant 2 : i32
        %add3A_808 = vector.broadcast %add3A_807 : i32 to vector<16xi32>
        %add3A_809 = arith.addi %add3A_801, %add3A_808 : vector<16xi32>
        %gather3A_810 = tpu.vector_load_idx %arg9[%add3A_809] : memref<6144xf32, #tpu.memory_space<vmem>>[vector<16xi32>], vector<16xf32>,
        %mul3A_811 = arith.constant 16 : i32
        %mul3A_812 = arith.muli %add3A_797, %mul3A_811 : i32
        %get3A_813 = arith.index_cast %mul3A_812 : i32 to index
        %get3A_814 = tpu.vector_load %arg19[%get3A_813] {strides = array<i32>} : memref<2048xf32, #tpu.memory_space<vmem>>, vector<16xf32>,
        %mul3A_815 = arith.constant 16 : i32
        %mul3A_816 = arith.muli %add3A_797, %mul3A_815 : i32
        %get3A_817 = arith.index_cast %mul3A_816 : i32 to index
        %get3A_818 = tpu.vector_load %arg20[%get3A_817] {strides = array<i32>} : memref<2048xf32, #tpu.memory_space<vmem>>, vector<16xf32>,
        %gt3A_819 = arith.constant 0.000000e+00 : f32
        %gt3A_820 = vector.broadcast %gt3A_819 : f32 to vector<16xf32>
        %gt3A_821 = arith.cmpf ogt, %gather3A_810, %gt3A_820 : vector<16xf32>
        %select_n3A_822 = arith.select %gt3A_821, %gather3A_802, %broadcast_in_dim3A_6 : vector<16xi1>, vector<16xf32>
        %mul3A_823 = arith.constant 16 : i32
        %mul3A_824 = arith.muli %add3A_797, %mul3A_823 : i32
        %swap3A_825 = arith.constant 0 : i32
        %swap3A_826 = arith.index_cast %swap3A_825 : i32 to index
        %swap3A_827 = arith.index_cast %mul3A_824 : i32 to index
        %swap3A_828 = tpu.vector_load %arg13[%swap3A_826, %swap3A_827] {strides = array<i32>} : memref<5x2048xf32, #tpu.memory_space<vmem>>, vector<16xf32>,
        tpu.vector_store %arg13[%swap3A_826, %swap3A_827], %select_n3A_822 {strides = array<i32>} : memref<5x2048xf32, #tpu.memory_space<vmem>>, vector<16xf32>,
        %select_n3A_829 = arith.select %gt3A_821, %gather3A_806, %broadcast_in_dim3A_6 : vector<16xi1>, vector<16xf32>
        %mul3A_830 = arith.constant 16 : i32
        %mul3A_831 = arith.muli %add3A_797, %mul3A_830 : i32
        %swap3A_832 = arith.constant 1 : i32
        %swap3A_833 = arith.index_cast %swap3A_832 : i32 to index
        %swap3A_834 = arith.index_cast %mul3A_831 : i32 to index
        %swap3A_835 = tpu.vector_load %arg13[%swap3A_833, %swap3A_834] {strides = array<i32>} : memref<5x2048xf32, #tpu.memory_space<vmem>>, vector<16xf32>,
        tpu.vector_store %arg13[%swap3A_833, %swap3A_834], %select_n3A_829 {strides = array<i32>} : memref<5x2048xf32, #tpu.memory_space<vmem>>, vector<16xf32>,
        %select_n3A_836 = arith.select %gt3A_821, %gather3A_810, %broadcast_in_dim3A_6 : vector<16xi1>, vector<16xf32>
        %mul3A_837 = arith.constant 16 : i32
        %mul3A_838 = arith.muli %add3A_797, %mul3A_837 : i32
        %swap3A_839 = arith.constant 2 : i32
        %swap3A_840 = arith.index_cast %swap3A_839 : i32 to index
        %swap3A_841 = arith.index_cast %mul3A_838 : i32 to index
        %swap3A_842 = tpu.vector_load %arg13[%swap3A_840, %swap3A_841] {strides = array<i32>} : memref<5x2048xf32, #tpu.memory_space<vmem>>, vector<16xf32>,
        tpu.vector_store %arg13[%swap3A_840, %swap3A_841], %select_n3A_836 {strides = array<i32>} : memref<5x2048xf32, #tpu.memory_space<vmem>>, vector<16xf32>,
        %select_n3A_843 = arith.select %gt3A_821, %get3A_814, %broadcast_in_dim3A_6 : vector<16xi1>, vector<16xf32>
        %mul3A_844 = arith.constant 16 : i32
        %mul3A_845 = arith.muli %add3A_797, %mul3A_844 : i32
        %swap3A_846 = arith.constant 3 : i32
        %swap3A_847 = arith.index_cast %swap3A_846 : i32 to index
        %swap3A_848 = arith.index_cast %mul3A_845 : i32 to index
        %swap3A_849 = tpu.vector_load %arg13[%swap3A_847, %swap3A_848] {strides = array<i32>} : memref<5x2048xf32, #tpu.memory_space<vmem>>, vector<16xf32>,
        tpu.vector_store %arg13[%swap3A_847, %swap3A_848], %select_n3A_843 {strides = array<i32>} : memref<5x2048xf32, #tpu.memory_space<vmem>>, vector<16xf32>,
        %select_n3A_850 = arith.select %gt3A_821, %get3A_818, %broadcast_in_dim3A_6 : vector<16xi1>, vector<16xf32>
        %mul3A_851 = arith.constant 16 : i32
        %mul3A_852 = arith.muli %add3A_797, %mul3A_851 : i32
        %swap3A_853 = arith.constant 4 : i32
        %swap3A_854 = arith.index_cast %swap3A_853 : i32 to index
        %swap3A_855 = arith.index_cast %mul3A_852 : i32 to index
        %swap3A_856 = tpu.vector_load %arg13[%swap3A_854, %swap3A_855] {strides = array<i32>} : memref<5x2048xf32, #tpu.memory_space<vmem>>, vector<16xf32>,
        tpu.vector_store %arg13[%swap3A_854, %swap3A_855], %select_n3A_850 {strides = array<i32>} : memref<5x2048xf32, #tpu.memory_space<vmem>>, vector<16xf32>,
        %jit3A_857 = arith.constant 1 : i32
        %jit3A_858 = arith.constant 0 : i32
        %broadcast_in_dim3A_859 = vector.broadcast %jit3A_857 : i32 to vector<16xi32>
        %broadcast_in_dim3A_860 = vector.broadcast %jit3A_858 : i32 to vector<16xi32>
        %select_n3A_861 = arith.select %gt3A_821, %broadcast_in_dim3A_859, %broadcast_in_dim3A_860 : vector<16xi1>, vector<16xi32>
        %mul3A_862 = arith.constant 16 : i32
        %mul3A_863 = arith.muli %add3A_797, %mul3A_862 : i32
        %swap3A_864 = arith.index_cast %mul3A_863 : i32 to index
        %swap3A_865 = tpu.vector_load %arg17[%swap3A_864] {strides = array<i32>} : memref<2048xi32, #tpu.memory_space<vmem>>, vector<16xi32>,
        tpu.vector_store %arg17[%swap3A_864], %select_n3A_861 {strides = array<i32>} : memref<2048xi32, #tpu.memory_space<vmem>>, vector<16xi32>,
      }
      %scan3A_228 = arith.constant 16 : i32
      %dma_start3A_229 = arith.constant 0 : i32
      %dma_start3A_230 = arith.constant 0 : i32
      %dma_start3A_231 = tpu.memref_slice %arg5[%dma_start3A_229, %add3A_210, %dma_start3A_230] : memref<5x4096x2048xf32, #tpu.memory_space<hbm>> -> memref<5x1x2048xf32, #tpu.memory_space<hbm>>
      %dma_start3A_232 = tpu.memref_squeeze %dma_start3A_231 : memref<5x1x2048xf32, #tpu.memory_space<hbm>> -> memref<5x2048xf32, #tpu.memory_space<hbm>>
      %dma_start3A_233 = arith.constant 0 : i32
      %dma_start3A_234 = arith.constant 0 : i32
      %dma_start3A_235 = tpu.memref_slice %arg5[%dma_start3A_233, %add3A_210, %dma_start3A_234] : memref<5x4096x2048xf32, #tpu.memory_space<hbm>> -> memref<5x1x2048xf32, #tpu.memory_space<hbm>>
      %dma_start3A_236 = tpu.memref_squeeze %dma_start3A_235 : memref<5x1x2048xf32, #tpu.memory_space<hbm>> -> memref<5x2048xf32, #tpu.memory_space<hbm>>
      tpu.enqueue_dma source(%arg13 : memref<5x2048xf32, #tpu.memory_space<vmem>>) target(%dma_start3A_236 : memref<5x2048xf32, #tpu.memory_space<hbm>>) target_semaphore(%arg27 : memref<!tpu.dma_semaphore, #tpu.memory_space<semaphore_mem>>)
      %dma_start3A_237 = arith.constant 0 : i32
      %dma_start3A_238 = tpu.memref_slice %arg6[%add3A_210, %dma_start3A_237] : memref<4096x2048xi32, #tpu.memory_space<hbm>> -> memref<1x2048xi32, #tpu.memory_space<hbm>>
      %dma_start3A_239 = tpu.memref_squeeze %dma_start3A_238 : memref<1x2048xi32, #tpu.memory_space<hbm>> -> memref<2048xi32, #tpu.memory_space<hbm>>
      %dma_start3A_240 = arith.constant 0 : i32
      %dma_start3A_241 = tpu.memref_slice %arg6[%add3A_210, %dma_start3A_240] : memref<4096x2048xi32, #tpu.memory_space<hbm>> -> memref<1x2048xi32, #tpu.memory_space<hbm>>
      %dma_start3A_242 = tpu.memref_squeeze %dma_start3A_241 : memref<1x2048xi32, #tpu.memory_space<hbm>> -> memref<2048xi32, #tpu.memory_space<hbm>>
      tpu.enqueue_dma source(%arg17 : memref<2048xi32, #tpu.memory_space<vmem>>) target(%dma_start3A_242 : memref<2048xi32, #tpu.memory_space<hbm>>) target_semaphore(%arg27 : memref<!tpu.dma_semaphore, #tpu.memory_space<semaphore_mem>>)
      %add3A_243 = arith.constant 4 : i32
      %add3A_244 = arith.addi %add3A_209, %add3A_243 : i32
      %lt3A_245 = arith.constant 128 : i32
      %lt3A_246 = arith.cmpi slt, %add3A_244, %lt3A_245 : i32
      %convert_element_type3A_247 = arith.extui %lt3A_246 : i1 to i32
      %cond3A_248 = arith.constant 0 : i32
      %cond3A_249 = arith.cmpi ne, %convert_element_type3A_247, %cond3A_248 : i32
      scf.if %cond3A_249 {
        %add3A_294 = arith.constant 4 : i32
        %add3A_295 = arith.addi %add3A_210, %add3A_294 : i32
        %dma_start3A_296 = arith.constant 0 : i32
        %dma_start3A_297 = tpu.memref_slice %arg2[%add3A_295, %dma_start3A_296] : memref<4096x6144xf32, #tpu.memory_space<hbm>> -> memref<1x6144xf32, #tpu.memory_space<hbm>>
        %dma_start3A_298 = tpu.memref_squeeze %dma_start3A_297 : memref<1x6144xf32, #tpu.memory_space<hbm>> -> memref<6144xf32, #tpu.memory_space<hbm>>
        %dma_start3A_299 = arith.constant 0 : i32
        %dma_start3A_300 = tpu.memref_slice %arg2[%add3A_295, %dma_start3A_299] : memref<4096x6144xf32, #tpu.memory_space<hbm>> -> memref<1x6144xf32, #tpu.memory_space<hbm>>
        %dma_start3A_301 = tpu.memref_squeeze %dma_start3A_300 : memref<1x6144xf32, #tpu.memory_space<hbm>> -> memref<6144xf32, #tpu.memory_space<hbm>>
        tpu.enqueue_dma source(%dma_start3A_301 : memref<6144xf32, #tpu.memory_space<hbm>>) target(%arg9 : memref<6144xf32, #tpu.memory_space<vmem>>) target_semaphore(%arg23 : memref<!tpu.dma_semaphore, #tpu.memory_space<semaphore_mem>>)
      } else {
      }
      %mul3A_250 = arith.constant 4 : i32
      %mul3A_251 = arith.muli %mul3A_250, %scan3A_121 : i32
      %add3A_252 = arith.constant 3 : i32
      %add3A_253 = arith.addi %mul3A_251, %add3A_252 : i32
      %add3A_254 = arith.addi %mul3A_2, %add3A_253 : i32
      %dma_wait3A_255 = arith.constant 0 : i32
      %dma_wait3A_256 = arith.constant 0 : i32
      %dma_wait3A_257 = tpu.memref_slice %arg2[%dma_wait3A_255, %dma_wait3A_256] : memref<4096x6144xf32, #tpu.memory_space<hbm>> -> memref<1x6144xf32, #tpu.memory_space<hbm>>
      %dma_wait3A_258 = tpu.memref_squeeze %dma_wait3A_257 : memref<1x6144xf32, #tpu.memory_space<hbm>> -> memref<6144xf32, #tpu.memory_space<hbm>>
      %dma_wait3A_259 = arith.constant 0 : i32
      %dma_wait3A_260 = tpu.memref_slice %arg2[%dma_wait3A_255, %dma_wait3A_259] : memref<4096x6144xf32, #tpu.memory_space<hbm>> -> memref<1x6144xf32, #tpu.memory_space<hbm>>
      %dma_wait3A_261 = tpu.memref_squeeze %dma_wait3A_260 : memref<1x6144xf32, #tpu.memory_space<hbm>> -> memref<6144xf32, #tpu.memory_space<hbm>>
      tpu.wait_dma2 semaphore(%arg24 : memref<!tpu.dma_semaphore, #tpu.memory_space<semaphore_mem>>) src(%dma_wait3A_261 : memref<6144xf32, #tpu.memory_space<hbm>>) dst(%arg10 : memref<6144xf32, #tpu.memory_space<vmem>>)
      %gt3A_262 = arith.constant 0 : i32
      %gt3A_263 = arith.cmpi sgt, %scan3A_121, %gt3A_262 : i32
      %convert_element_type3A_264 = arith.extui %gt3A_263 : i1 to i32
      %cond3A_265 = arith.constant 0 : i32
      %cond3A_266 = arith.cmpi ne, %convert_element_type3A_264, %cond3A_265 : i32
      scf.if %cond3A_266 {
        %sub3A_294 = arith.constant 4 : i32
        %sub3A_295 = arith.subi %add3A_254, %sub3A_294 : i32
        %dma_wait3A_296 = arith.constant 0 : i32
        %dma_wait3A_297 = arith.constant 0 : i32
        %dma_wait3A_298 = tpu.memref_slice %arg5[%dma_wait3A_296, %sub3A_295, %dma_wait3A_297] : memref<5x4096x2048xf32, #tpu.memory_space<hbm>> -> memref<5x1x2048xf32, #tpu.memory_space<hbm>>
        %dma_wait3A_299 = tpu.memref_squeeze %dma_wait3A_298 : memref<5x1x2048xf32, #tpu.memory_space<hbm>> -> memref<5x2048xf32, #tpu.memory_space<hbm>>
        %dma_wait3A_300 = arith.constant 0 : i32
        %dma_wait3A_301 = arith.constant 0 : i32
        %dma_wait3A_302 = tpu.memref_slice %arg5[%dma_wait3A_300, %sub3A_295, %dma_wait3A_301] : memref<5x4096x2048xf32, #tpu.memory_space<hbm>> -> memref<5x1x2048xf32, #tpu.memory_space<hbm>>
        %dma_wait3A_303 = tpu.memref_squeeze %dma_wait3A_302 : memref<5x1x2048xf32, #tpu.memory_space<hbm>> -> memref<5x2048xf32, #tpu.memory_space<hbm>>
        tpu.wait_dma2 semaphore(%arg28 : memref<!tpu.dma_semaphore, #tpu.memory_space<semaphore_mem>>) src(%arg14 : memref<5x2048xf32, #tpu.memory_space<vmem>>) dst(%dma_wait3A_303 : memref<5x2048xf32, #tpu.memory_space<hbm>>)
        %dma_wait3A_304 = arith.constant 0 : i32
        %dma_wait3A_305 = tpu.memref_slice %arg6[%sub3A_295, %dma_wait3A_304] : memref<4096x2048xi32, #tpu.memory_space<hbm>> -> memref<1x2048xi32, #tpu.memory_space<hbm>>
        %dma_wait3A_306 = tpu.memref_squeeze %dma_wait3A_305 : memref<1x2048xi32, #tpu.memory_space<hbm>> -> memref<2048xi32, #tpu.memory_space<hbm>>
        %dma_wait3A_307 = arith.constant 0 : i32
        %dma_wait3A_308 = tpu.memref_slice %arg6[%sub3A_295, %dma_wait3A_307] : memref<4096x2048xi32, #tpu.memory_space<hbm>> -> memref<1x2048xi32, #tpu.memory_space<hbm>>
        %dma_wait3A_309 = tpu.memref_squeeze %dma_wait3A_308 : memref<1x2048xi32, #tpu.memory_space<hbm>> -> memref<2048xi32, #tpu.memory_space<hbm>>
        tpu.wait_dma2 semaphore(%arg28 : memref<!tpu.dma_semaphore, #tpu.memory_space<semaphore_mem>>) src(%arg18 : memref<2048xi32, #tpu.memory_space<vmem>>) dst(%dma_wait3A_309 : memref<2048xi32, #tpu.memory_space<hbm>>)
      } else {
      }
      %scan3A_267 = arith.constant 0 : i32
      %scan3A_268 = arith.constant 0 : i32
      %scan3A_269 = arith.constant 16 : i32
      %scan3A_270 = arith.addi %scan3A_268, %scan3A_269 : i32
      %scan3A_271 = arith.constant 1 : i32
      scf.for %scan3A_294 = %scan3A_268 to %scan3A_270 step %scan3A_271  : i32 {
        %mul3A_295 = arith.constant 8 : i32
        %mul3A_296 = arith.muli %scan3A_294, %mul3A_295 : i32
        %add3A_297 = arith.constant 0 : i32
        %add3A_298 = arith.addi %mul3A_296, %add3A_297 : i32
        %mul3A_299 = arith.constant 48 : i32
        %mul3A_300 = arith.muli %add3A_298, %mul3A_299 : i32
        %add3A_301 = vector.broadcast %mul3A_300 : i32 to vector<16xi32>
        %add3A_302 = arith.addi %mul3A_5, %add3A_301 : vector<16xi32>
        %gather3A = tpu.vector_load_idx %arg10[%add3A_302] : memref<6144xf32, #tpu.memory_space<vmem>>[vector<16xi32>], vector<16xf32>,
        %add3A_303 = arith.constant 1 : i32
        %add3A_304 = vector.broadcast %add3A_303 : i32 to vector<16xi32>
        %add3A_305 = arith.addi %add3A_302, %add3A_304 : vector<16xi32>
        %gather3A_306 = tpu.vector_load_idx %arg10[%add3A_305] : memref<6144xf32, #tpu.memory_space<vmem>>[vector<16xi32>], vector<16xf32>,
        %add3A_307 = arith.constant 2 : i32
        %add3A_308 = vector.broadcast %add3A_307 : i32 to vector<16xi32>
        %add3A_309 = arith.addi %add3A_302, %add3A_308 : vector<16xi32>
        %gather3A_310 = tpu.vector_load_idx %arg10[%add3A_309] : memref<6144xf32, #tpu.memory_space<vmem>>[vector<16xi32>], vector<16xf32>,
        %mul3A_311 = arith.constant 16 : i32
        %mul3A_312 = arith.muli %add3A_298, %mul3A_311 : i32
        %get3A = arith.index_cast %mul3A_312 : i32 to index
        %get3A_313 = tpu.vector_load %arg19[%get3A] {strides = array<i32>} : memref<2048xf32, #tpu.memory_space<vmem>>, vector<16xf32>,
        %mul3A_314 = arith.constant 16 : i32
        %mul3A_315 = arith.muli %add3A_298, %mul3A_314 : i32
        %get3A_316 = arith.index_cast %mul3A_315 : i32 to index
        %get3A_317 = tpu.vector_load %arg20[%get3A_316] {strides = array<i32>} : memref<2048xf32, #tpu.memory_space<vmem>>, vector<16xf32>,
        %gt3A_318 = arith.constant 0.000000e+00 : f32
        %gt3A_319 = vector.broadcast %gt3A_318 : f32 to vector<16xf32>
        %gt3A_320 = arith.cmpf ogt, %gather3A_310, %gt3A_319 : vector<16xf32>
        %select_n3A = arith.select %gt3A_320, %gather3A, %broadcast_in_dim3A_6 : vector<16xi1>, vector<16xf32>
        %mul3A_321 = arith.constant 16 : i32
        %mul3A_322 = arith.muli %add3A_298, %mul3A_321 : i32
        %swap3A = arith.constant 0 : i32
        %swap3A_323 = arith.index_cast %swap3A : i32 to index
        %swap3A_324 = arith.index_cast %mul3A_322 : i32 to index
        %swap3A_325 = tpu.vector_load %arg14[%swap3A_323, %swap3A_324] {strides = array<i32>} : memref<5x2048xf32, #tpu.memory_space<vmem>>, vector<16xf32>,
        tpu.vector_store %arg14[%swap3A_323, %swap3A_324], %select_n3A {strides = array<i32>} : memref<5x2048xf32, #tpu.memory_space<vmem>>, vector<16xf32>,
        %select_n3A_326 = arith.select %gt3A_320, %gather3A_306, %broadcast_in_dim3A_6 : vector<16xi1>, vector<16xf32>
        %mul3A_327 = arith.constant 16 : i32
        %mul3A_328 = arith.muli %add3A_298, %mul3A_327 : i32
        %swap3A_329 = arith.constant 1 : i32
        %swap3A_330 = arith.index_cast %swap3A_329 : i32 to index
        %swap3A_331 = arith.index_cast %mul3A_328 : i32 to index
        %swap3A_332 = tpu.vector_load %arg14[%swap3A_330, %swap3A_331] {strides = array<i32>} : memref<5x2048xf32, #tpu.memory_space<vmem>>, vector<16xf32>,
        tpu.vector_store %arg14[%swap3A_330, %swap3A_331], %select_n3A_326 {strides = array<i32>} : memref<5x2048xf32, #tpu.memory_space<vmem>>, vector<16xf32>,
        %select_n3A_333 = arith.select %gt3A_320, %gather3A_310, %broadcast_in_dim3A_6 : vector<16xi1>, vector<16xf32>
        %mul3A_334 = arith.constant 16 : i32
        %mul3A_335 = arith.muli %add3A_298, %mul3A_334 : i32
        %swap3A_336 = arith.constant 2 : i32
        %swap3A_337 = arith.index_cast %swap3A_336 : i32 to index
        %swap3A_338 = arith.index_cast %mul3A_335 : i32 to index
        %swap3A_339 = tpu.vector_load %arg14[%swap3A_337, %swap3A_338] {strides = array<i32>} : memref<5x2048xf32, #tpu.memory_space<vmem>>, vector<16xf32>,
        tpu.vector_store %arg14[%swap3A_337, %swap3A_338], %select_n3A_333 {strides = array<i32>} : memref<5x2048xf32, #tpu.memory_space<vmem>>, vector<16xf32>,
        %select_n3A_340 = arith.select %gt3A_320, %get3A_313, %broadcast_in_dim3A_6 : vector<16xi1>, vector<16xf32>
        %mul3A_341 = arith.constant 16 : i32
        %mul3A_342 = arith.muli %add3A_298, %mul3A_341 : i32
        %swap3A_343 = arith.constant 3 : i32
        %swap3A_344 = arith.index_cast %swap3A_343 : i32 to index
        %swap3A_345 = arith.index_cast %mul3A_342 : i32 to index
        %swap3A_346 = tpu.vector_load %arg14[%swap3A_344, %swap3A_345] {strides = array<i32>} : memref<5x2048xf32, #tpu.memory_space<vmem>>, vector<16xf32>,
        tpu.vector_store %arg14[%swap3A_344, %swap3A_345], %select_n3A_340 {strides = array<i32>} : memref<5x2048xf32, #tpu.memory_space<vmem>>, vector<16xf32>,
        %select_n3A_347 = arith.select %gt3A_320, %get3A_317, %broadcast_in_dim3A_6 : vector<16xi1>, vector<16xf32>
        %mul3A_348 = arith.constant 16 : i32
        %mul3A_349 = arith.muli %add3A_298, %mul3A_348 : i32
        %swap3A_350 = arith.constant 4 : i32
        %swap3A_351 = arith.index_cast %swap3A_350 : i32 to index
        %swap3A_352 = arith.index_cast %mul3A_349 : i32 to index
        %swap3A_353 = tpu.vector_load %arg14[%swap3A_351, %swap3A_352] {strides = array<i32>} : memref<5x2048xf32, #tpu.memory_space<vmem>>, vector<16xf32>,
        tpu.vector_store %arg14[%swap3A_351, %swap3A_352], %select_n3A_347 {strides = array<i32>} : memref<5x2048xf32, #tpu.memory_space<vmem>>, vector<16xf32>,
        %jit3A = arith.constant 1 : i32
        %jit3A_354 = arith.constant 0 : i32
        %broadcast_in_dim3A_355 = vector.broadcast %jit3A : i32 to vector<16xi32>
        %broadcast_in_dim3A_356 = vector.broadcast %jit3A_354 : i32 to vector<16xi32>
        %select_n3A_357 = arith.select %gt3A_320, %broadcast_in_dim3A_355, %broadcast_in_dim3A_356 : vector<16xi1>, vector<16xi32>
        %mul3A_358 = arith.constant 16 : i32
        %mul3A_359 = arith.muli %add3A_298, %mul3A_358 : i32
        %swap3A_360 = arith.index_cast %mul3A_359 : i32 to index
        %swap3A_361 = tpu.vector_load %arg18[%swap3A_360] {strides = array<i32>} : memref<2048xi32, #tpu.memory_space<vmem>>, vector<16xi32>,
        tpu.vector_store %arg18[%swap3A_360], %select_n3A_357 {strides = array<i32>} : memref<2048xi32, #tpu.memory_space<vmem>>, vector<16xi32>,
        %mul3A_362 = arith.constant 8 : i32
        %mul3A_363 = arith.muli %scan3A_294, %mul3A_362 : i32
        %add3A_364 = arith.constant 1 : i32
        %add3A_365 = arith.addi %mul3A_363, %add3A_364 : i32
        %mul3A_366 = arith.constant 48 : i32
        %mul3A_367 = arith.muli %add3A_365, %mul3A_366 : i32
        %add3A_368 = vector.broadcast %mul3A_367 : i32 to vector<16xi32>
        %add3A_369 = arith.addi %mul3A_5, %add3A_368 : vector<16xi32>
        %gather3A_370 = tpu.vector_load_idx %arg10[%add3A_369] : memref<6144xf32, #tpu.memory_space<vmem>>[vector<16xi32>], vector<16xf32>,
        %add3A_371 = arith.constant 1 : i32
        %add3A_372 = vector.broadcast %add3A_371 : i32 to vector<16xi32>
        %add3A_373 = arith.addi %add3A_369, %add3A_372 : vector<16xi32>
        %gather3A_374 = tpu.vector_load_idx %arg10[%add3A_373] : memref<6144xf32, #tpu.memory_space<vmem>>[vector<16xi32>], vector<16xf32>,
        %add3A_375 = arith.constant 2 : i32
        %add3A_376 = vector.broadcast %add3A_375 : i32 to vector<16xi32>
        %add3A_377 = arith.addi %add3A_369, %add3A_376 : vector<16xi32>
        %gather3A_378 = tpu.vector_load_idx %arg10[%add3A_377] : memref<6144xf32, #tpu.memory_space<vmem>>[vector<16xi32>], vector<16xf32>,
        %mul3A_379 = arith.constant 16 : i32
        %mul3A_380 = arith.muli %add3A_365, %mul3A_379 : i32
        %get3A_381 = arith.index_cast %mul3A_380 : i32 to index
        %get3A_382 = tpu.vector_load %arg19[%get3A_381] {strides = array<i32>} : memref<2048xf32, #tpu.memory_space<vmem>>, vector<16xf32>,
        %mul3A_383 = arith.constant 16 : i32
        %mul3A_384 = arith.muli %add3A_365, %mul3A_383 : i32
        %get3A_385 = arith.index_cast %mul3A_384 : i32 to index
        %get3A_386 = tpu.vector_load %arg20[%get3A_385] {strides = array<i32>} : memref<2048xf32, #tpu.memory_space<vmem>>, vector<16xf32>,
        %gt3A_387 = arith.constant 0.000000e+00 : f32
        %gt3A_388 = vector.broadcast %gt3A_387 : f32 to vector<16xf32>
        %gt3A_389 = arith.cmpf ogt, %gather3A_378, %gt3A_388 : vector<16xf32>
        %select_n3A_390 = arith.select %gt3A_389, %gather3A_370, %broadcast_in_dim3A_6 : vector<16xi1>, vector<16xf32>
        %mul3A_391 = arith.constant 16 : i32
        %mul3A_392 = arith.muli %add3A_365, %mul3A_391 : i32
        %swap3A_393 = arith.constant 0 : i32
        %swap3A_394 = arith.index_cast %swap3A_393 : i32 to index
        %swap3A_395 = arith.index_cast %mul3A_392 : i32 to index
        %swap3A_396 = tpu.vector_load %arg14[%swap3A_394, %swap3A_395] {strides = array<i32>} : memref<5x2048xf32, #tpu.memory_space<vmem>>, vector<16xf32>,
        tpu.vector_store %arg14[%swap3A_394, %swap3A_395], %select_n3A_390 {strides = array<i32>} : memref<5x2048xf32, #tpu.memory_space<vmem>>, vector<16xf32>,
        %select_n3A_397 = arith.select %gt3A_389, %gather3A_374, %broadcast_in_dim3A_6 : vector<16xi1>, vector<16xf32>
        %mul3A_398 = arith.constant 16 : i32
        %mul3A_399 = arith.muli %add3A_365, %mul3A_398 : i32
        %swap3A_400 = arith.constant 1 : i32
        %swap3A_401 = arith.index_cast %swap3A_400 : i32 to index
        %swap3A_402 = arith.index_cast %mul3A_399 : i32 to index
        %swap3A_403 = tpu.vector_load %arg14[%swap3A_401, %swap3A_402] {strides = array<i32>} : memref<5x2048xf32, #tpu.memory_space<vmem>>, vector<16xf32>,
        tpu.vector_store %arg14[%swap3A_401, %swap3A_402], %select_n3A_397 {strides = array<i32>} : memref<5x2048xf32, #tpu.memory_space<vmem>>, vector<16xf32>,
        %select_n3A_404 = arith.select %gt3A_389, %gather3A_378, %broadcast_in_dim3A_6 : vector<16xi1>, vector<16xf32>
        %mul3A_405 = arith.constant 16 : i32
        %mul3A_406 = arith.muli %add3A_365, %mul3A_405 : i32
        %swap3A_407 = arith.constant 2 : i32
        %swap3A_408 = arith.index_cast %swap3A_407 : i32 to index
        %swap3A_409 = arith.index_cast %mul3A_406 : i32 to index
        %swap3A_410 = tpu.vector_load %arg14[%swap3A_408, %swap3A_409] {strides = array<i32>} : memref<5x2048xf32, #tpu.memory_space<vmem>>, vector<16xf32>,
        tpu.vector_store %arg14[%swap3A_408, %swap3A_409], %select_n3A_404 {strides = array<i32>} : memref<5x2048xf32, #tpu.memory_space<vmem>>, vector<16xf32>,
        %select_n3A_411 = arith.select %gt3A_389, %get3A_382, %broadcast_in_dim3A_6 : vector<16xi1>, vector<16xf32>
        %mul3A_412 = arith.constant 16 : i32
        %mul3A_413 = arith.muli %add3A_365, %mul3A_412 : i32
        %swap3A_414 = arith.constant 3 : i32
        %swap3A_415 = arith.index_cast %swap3A_414 : i32 to index
        %swap3A_416 = arith.index_cast %mul3A_413 : i32 to index
        %swap3A_417 = tpu.vector_load %arg14[%swap3A_415, %swap3A_416] {strides = array<i32>} : memref<5x2048xf32, #tpu.memory_space<vmem>>, vector<16xf32>,
        tpu.vector_store %arg14[%swap3A_415, %swap3A_416], %select_n3A_411 {strides = array<i32>} : memref<5x2048xf32, #tpu.memory_space<vmem>>, vector<16xf32>,
        %select_n3A_418 = arith.select %gt3A_389, %get3A_386, %broadcast_in_dim3A_6 : vector<16xi1>, vector<16xf32>
        %mul3A_419 = arith.constant 16 : i32
        %mul3A_420 = arith.muli %add3A_365, %mul3A_419 : i32
        %swap3A_421 = arith.constant 4 : i32
        %swap3A_422 = arith.index_cast %swap3A_421 : i32 to index
        %swap3A_423 = arith.index_cast %mul3A_420 : i32 to index
        %swap3A_424 = tpu.vector_load %arg14[%swap3A_422, %swap3A_423] {strides = array<i32>} : memref<5x2048xf32, #tpu.memory_space<vmem>>, vector<16xf32>,
        tpu.vector_store %arg14[%swap3A_422, %swap3A_423], %select_n3A_418 {strides = array<i32>} : memref<5x2048xf32, #tpu.memory_space<vmem>>, vector<16xf32>,
        %jit3A_425 = arith.constant 1 : i32
        %jit3A_426 = arith.constant 0 : i32
        %broadcast_in_dim3A_427 = vector.broadcast %jit3A_425 : i32 to vector<16xi32>
        %broadcast_in_dim3A_428 = vector.broadcast %jit3A_426 : i32 to vector<16xi32>
        %select_n3A_429 = arith.select %gt3A_389, %broadcast_in_dim3A_427, %broadcast_in_dim3A_428 : vector<16xi1>, vector<16xi32>
        %mul3A_430 = arith.constant 16 : i32
        %mul3A_431 = arith.muli %add3A_365, %mul3A_430 : i32
        %swap3A_432 = arith.index_cast %mul3A_431 : i32 to index
        %swap3A_433 = tpu.vector_load %arg18[%swap3A_432] {strides = array<i32>} : memref<2048xi32, #tpu.memory_space<vmem>>, vector<16xi32>,
        tpu.vector_store %arg18[%swap3A_432], %select_n3A_429 {strides = array<i32>} : memref<2048xi32, #tpu.memory_space<vmem>>, vector<16xi32>,
        %mul3A_434 = arith.constant 8 : i32
        %mul3A_435 = arith.muli %scan3A_294, %mul3A_434 : i32
        %add3A_436 = arith.constant 2 : i32
        %add3A_437 = arith.addi %mul3A_435, %add3A_436 : i32
        %mul3A_438 = arith.constant 48 : i32
        %mul3A_439 = arith.muli %add3A_437, %mul3A_438 : i32
        %add3A_440 = vector.broadcast %mul3A_439 : i32 to vector<16xi32>
        %add3A_441 = arith.addi %mul3A_5, %add3A_440 : vector<16xi32>
        %gather3A_442 = tpu.vector_load_idx %arg10[%add3A_441] : memref<6144xf32, #tpu.memory_space<vmem>>[vector<16xi32>], vector<16xf32>,
        %add3A_443 = arith.constant 1 : i32
        %add3A_444 = vector.broadcast %add3A_443 : i32 to vector<16xi32>
        %add3A_445 = arith.addi %add3A_441, %add3A_444 : vector<16xi32>
        %gather3A_446 = tpu.vector_load_idx %arg10[%add3A_445] : memref<6144xf32, #tpu.memory_space<vmem>>[vector<16xi32>], vector<16xf32>,
        %add3A_447 = arith.constant 2 : i32
        %add3A_448 = vector.broadcast %add3A_447 : i32 to vector<16xi32>
        %add3A_449 = arith.addi %add3A_441, %add3A_448 : vector<16xi32>
        %gather3A_450 = tpu.vector_load_idx %arg10[%add3A_449] : memref<6144xf32, #tpu.memory_space<vmem>>[vector<16xi32>], vector<16xf32>,
        %mul3A_451 = arith.constant 16 : i32
        %mul3A_452 = arith.muli %add3A_437, %mul3A_451 : i32
        %get3A_453 = arith.index_cast %mul3A_452 : i32 to index
        %get3A_454 = tpu.vector_load %arg19[%get3A_453] {strides = array<i32>} : memref<2048xf32, #tpu.memory_space<vmem>>, vector<16xf32>,
        %mul3A_455 = arith.constant 16 : i32
        %mul3A_456 = arith.muli %add3A_437, %mul3A_455 : i32
        %get3A_457 = arith.index_cast %mul3A_456 : i32 to index
        %get3A_458 = tpu.vector_load %arg20[%get3A_457] {strides = array<i32>} : memref<2048xf32, #tpu.memory_space<vmem>>, vector<16xf32>,
        %gt3A_459 = arith.constant 0.000000e+00 : f32
        %gt3A_460 = vector.broadcast %gt3A_459 : f32 to vector<16xf32>
        %gt3A_461 = arith.cmpf ogt, %gather3A_450, %gt3A_460 : vector<16xf32>
        %select_n3A_462 = arith.select %gt3A_461, %gather3A_442, %broadcast_in_dim3A_6 : vector<16xi1>, vector<16xf32>
        %mul3A_463 = arith.constant 16 : i32
        %mul3A_464 = arith.muli %add3A_437, %mul3A_463 : i32
        %swap3A_465 = arith.constant 0 : i32
        %swap3A_466 = arith.index_cast %swap3A_465 : i32 to index
        %swap3A_467 = arith.index_cast %mul3A_464 : i32 to index
        %swap3A_468 = tpu.vector_load %arg14[%swap3A_466, %swap3A_467] {strides = array<i32>} : memref<5x2048xf32, #tpu.memory_space<vmem>>, vector<16xf32>,
        tpu.vector_store %arg14[%swap3A_466, %swap3A_467], %select_n3A_462 {strides = array<i32>} : memref<5x2048xf32, #tpu.memory_space<vmem>>, vector<16xf32>,
        %select_n3A_469 = arith.select %gt3A_461, %gather3A_446, %broadcast_in_dim3A_6 : vector<16xi1>, vector<16xf32>
        %mul3A_470 = arith.constant 16 : i32
        %mul3A_471 = arith.muli %add3A_437, %mul3A_470 : i32
        %swap3A_472 = arith.constant 1 : i32
        %swap3A_473 = arith.index_cast %swap3A_472 : i32 to index
        %swap3A_474 = arith.index_cast %mul3A_471 : i32 to index
        %swap3A_475 = tpu.vector_load %arg14[%swap3A_473, %swap3A_474] {strides = array<i32>} : memref<5x2048xf32, #tpu.memory_space<vmem>>, vector<16xf32>,
        tpu.vector_store %arg14[%swap3A_473, %swap3A_474], %select_n3A_469 {strides = array<i32>} : memref<5x2048xf32, #tpu.memory_space<vmem>>, vector<16xf32>,
        %select_n3A_476 = arith.select %gt3A_461, %gather3A_450, %broadcast_in_dim3A_6 : vector<16xi1>, vector<16xf32>
        %mul3A_477 = arith.constant 16 : i32
        %mul3A_478 = arith.muli %add3A_437, %mul3A_477 : i32
        %swap3A_479 = arith.constant 2 : i32
        %swap3A_480 = arith.index_cast %swap3A_479 : i32 to index
        %swap3A_481 = arith.index_cast %mul3A_478 : i32 to index
        %swap3A_482 = tpu.vector_load %arg14[%swap3A_480, %swap3A_481] {strides = array<i32>} : memref<5x2048xf32, #tpu.memory_space<vmem>>, vector<16xf32>,
        tpu.vector_store %arg14[%swap3A_480, %swap3A_481], %select_n3A_476 {strides = array<i32>} : memref<5x2048xf32, #tpu.memory_space<vmem>>, vector<16xf32>,
        %select_n3A_483 = arith.select %gt3A_461, %get3A_454, %broadcast_in_dim3A_6 : vector<16xi1>, vector<16xf32>
        %mul3A_484 = arith.constant 16 : i32
        %mul3A_485 = arith.muli %add3A_437, %mul3A_484 : i32
        %swap3A_486 = arith.constant 3 : i32
        %swap3A_487 = arith.index_cast %swap3A_486 : i32 to index
        %swap3A_488 = arith.index_cast %mul3A_485 : i32 to index
        %swap3A_489 = tpu.vector_load %arg14[%swap3A_487, %swap3A_488] {strides = array<i32>} : memref<5x2048xf32, #tpu.memory_space<vmem>>, vector<16xf32>,
        tpu.vector_store %arg14[%swap3A_487, %swap3A_488], %select_n3A_483 {strides = array<i32>} : memref<5x2048xf32, #tpu.memory_space<vmem>>, vector<16xf32>,
        %select_n3A_490 = arith.select %gt3A_461, %get3A_458, %broadcast_in_dim3A_6 : vector<16xi1>, vector<16xf32>
        %mul3A_491 = arith.constant 16 : i32
        %mul3A_492 = arith.muli %add3A_437, %mul3A_491 : i32
        %swap3A_493 = arith.constant 4 : i32
        %swap3A_494 = arith.index_cast %swap3A_493 : i32 to index
        %swap3A_495 = arith.index_cast %mul3A_492 : i32 to index
        %swap3A_496 = tpu.vector_load %arg14[%swap3A_494, %swap3A_495] {strides = array<i32>} : memref<5x2048xf32, #tpu.memory_space<vmem>>, vector<16xf32>,
        tpu.vector_store %arg14[%swap3A_494, %swap3A_495], %select_n3A_490 {strides = array<i32>} : memref<5x2048xf32, #tpu.memory_space<vmem>>, vector<16xf32>,
        %jit3A_497 = arith.constant 1 : i32
        %jit3A_498 = arith.constant 0 : i32
        %broadcast_in_dim3A_499 = vector.broadcast %jit3A_497 : i32 to vector<16xi32>
        %broadcast_in_dim3A_500 = vector.broadcast %jit3A_498 : i32 to vector<16xi32>
        %select_n3A_501 = arith.select %gt3A_461, %broadcast_in_dim3A_499, %broadcast_in_dim3A_500 : vector<16xi1>, vector<16xi32>
        %mul3A_502 = arith.constant 16 : i32
        %mul3A_503 = arith.muli %add3A_437, %mul3A_502 : i32
        %swap3A_504 = arith.index_cast %mul3A_503 : i32 to index
        %swap3A_505 = tpu.vector_load %arg18[%swap3A_504] {strides = array<i32>} : memref<2048xi32, #tpu.memory_space<vmem>>, vector<16xi32>,
        tpu.vector_store %arg18[%swap3A_504], %select_n3A_501 {strides = array<i32>} : memref<2048xi32, #tpu.memory_space<vmem>>, vector<16xi32>,
        %mul3A_506 = arith.constant 8 : i32
        %mul3A_507 = arith.muli %scan3A_294, %mul3A_506 : i32
        %add3A_508 = arith.constant 3 : i32
        %add3A_509 = arith.addi %mul3A_507, %add3A_508 : i32
        %mul3A_510 = arith.constant 48 : i32
        %mul3A_511 = arith.muli %add3A_509, %mul3A_510 : i32
        %add3A_512 = vector.broadcast %mul3A_511 : i32 to vector<16xi32>
        %add3A_513 = arith.addi %mul3A_5, %add3A_512 : vector<16xi32>
        %gather3A_514 = tpu.vector_load_idx %arg10[%add3A_513] : memref<6144xf32, #tpu.memory_space<vmem>>[vector<16xi32>], vector<16xf32>,
        %add3A_515 = arith.constant 1 : i32
        %add3A_516 = vector.broadcast %add3A_515 : i32 to vector<16xi32>
        %add3A_517 = arith.addi %add3A_513, %add3A_516 : vector<16xi32>
        %gather3A_518 = tpu.vector_load_idx %arg10[%add3A_517] : memref<6144xf32, #tpu.memory_space<vmem>>[vector<16xi32>], vector<16xf32>,
        %add3A_519 = arith.constant 2 : i32
        %add3A_520 = vector.broadcast %add3A_519 : i32 to vector<16xi32>
        %add3A_521 = arith.addi %add3A_513, %add3A_520 : vector<16xi32>
        %gather3A_522 = tpu.vector_load_idx %arg10[%add3A_521] : memref<6144xf32, #tpu.memory_space<vmem>>[vector<16xi32>], vector<16xf32>,
        %mul3A_523 = arith.constant 16 : i32
        %mul3A_524 = arith.muli %add3A_509, %mul3A_523 : i32
        %get3A_525 = arith.index_cast %mul3A_524 : i32 to index
        %get3A_526 = tpu.vector_load %arg19[%get3A_525] {strides = array<i32>} : memref<2048xf32, #tpu.memory_space<vmem>>, vector<16xf32>,
        %mul3A_527 = arith.constant 16 : i32
        %mul3A_528 = arith.muli %add3A_509, %mul3A_527 : i32
        %get3A_529 = arith.index_cast %mul3A_528 : i32 to index
        %get3A_530 = tpu.vector_load %arg20[%get3A_529] {strides = array<i32>} : memref<2048xf32, #tpu.memory_space<vmem>>, vector<16xf32>,
        %gt3A_531 = arith.constant 0.000000e+00 : f32
        %gt3A_532 = vector.broadcast %gt3A_531 : f32 to vector<16xf32>
        %gt3A_533 = arith.cmpf ogt, %gather3A_522, %gt3A_532 : vector<16xf32>
        %select_n3A_534 = arith.select %gt3A_533, %gather3A_514, %broadcast_in_dim3A_6 : vector<16xi1>, vector<16xf32>
        %mul3A_535 = arith.constant 16 : i32
        %mul3A_536 = arith.muli %add3A_509, %mul3A_535 : i32
        %swap3A_537 = arith.constant 0 : i32
        %swap3A_538 = arith.index_cast %swap3A_537 : i32 to index
        %swap3A_539 = arith.index_cast %mul3A_536 : i32 to index
        %swap3A_540 = tpu.vector_load %arg14[%swap3A_538, %swap3A_539] {strides = array<i32>} : memref<5x2048xf32, #tpu.memory_space<vmem>>, vector<16xf32>,
        tpu.vector_store %arg14[%swap3A_538, %swap3A_539], %select_n3A_534 {strides = array<i32>} : memref<5x2048xf32, #tpu.memory_space<vmem>>, vector<16xf32>,
        %select_n3A_541 = arith.select %gt3A_533, %gather3A_518, %broadcast_in_dim3A_6 : vector<16xi1>, vector<16xf32>
        %mul3A_542 = arith.constant 16 : i32
        %mul3A_543 = arith.muli %add3A_509, %mul3A_542 : i32
        %swap3A_544 = arith.constant 1 : i32
        %swap3A_545 = arith.index_cast %swap3A_544 : i32 to index
        %swap3A_546 = arith.index_cast %mul3A_543 : i32 to index
        %swap3A_547 = tpu.vector_load %arg14[%swap3A_545, %swap3A_546] {strides = array<i32>} : memref<5x2048xf32, #tpu.memory_space<vmem>>, vector<16xf32>,
        tpu.vector_store %arg14[%swap3A_545, %swap3A_546], %select_n3A_541 {strides = array<i32>} : memref<5x2048xf32, #tpu.memory_space<vmem>>, vector<16xf32>,
        %select_n3A_548 = arith.select %gt3A_533, %gather3A_522, %broadcast_in_dim3A_6 : vector<16xi1>, vector<16xf32>
        %mul3A_549 = arith.constant 16 : i32
        %mul3A_550 = arith.muli %add3A_509, %mul3A_549 : i32
        %swap3A_551 = arith.constant 2 : i32
        %swap3A_552 = arith.index_cast %swap3A_551 : i32 to index
        %swap3A_553 = arith.index_cast %mul3A_550 : i32 to index
        %swap3A_554 = tpu.vector_load %arg14[%swap3A_552, %swap3A_553] {strides = array<i32>} : memref<5x2048xf32, #tpu.memory_space<vmem>>, vector<16xf32>,
        tpu.vector_store %arg14[%swap3A_552, %swap3A_553], %select_n3A_548 {strides = array<i32>} : memref<5x2048xf32, #tpu.memory_space<vmem>>, vector<16xf32>,
        %select_n3A_555 = arith.select %gt3A_533, %get3A_526, %broadcast_in_dim3A_6 : vector<16xi1>, vector<16xf32>
        %mul3A_556 = arith.constant 16 : i32
        %mul3A_557 = arith.muli %add3A_509, %mul3A_556 : i32
        %swap3A_558 = arith.constant 3 : i32
        %swap3A_559 = arith.index_cast %swap3A_558 : i32 to index
        %swap3A_560 = arith.index_cast %mul3A_557 : i32 to index
        %swap3A_561 = tpu.vector_load %arg14[%swap3A_559, %swap3A_560] {strides = array<i32>} : memref<5x2048xf32, #tpu.memory_space<vmem>>, vector<16xf32>,
        tpu.vector_store %arg14[%swap3A_559, %swap3A_560], %select_n3A_555 {strides = array<i32>} : memref<5x2048xf32, #tpu.memory_space<vmem>>, vector<16xf32>,
        %select_n3A_562 = arith.select %gt3A_533, %get3A_530, %broadcast_in_dim3A_6 : vector<16xi1>, vector<16xf32>
        %mul3A_563 = arith.constant 16 : i32
        %mul3A_564 = arith.muli %add3A_509, %mul3A_563 : i32
        %swap3A_565 = arith.constant 4 : i32
        %swap3A_566 = arith.index_cast %swap3A_565 : i32 to index
        %swap3A_567 = arith.index_cast %mul3A_564 : i32 to index
        %swap3A_568 = tpu.vector_load %arg14[%swap3A_566, %swap3A_567] {strides = array<i32>} : memref<5x2048xf32, #tpu.memory_space<vmem>>, vector<16xf32>,
        tpu.vector_store %arg14[%swap3A_566, %swap3A_567], %select_n3A_562 {strides = array<i32>} : memref<5x2048xf32, #tpu.memory_space<vmem>>, vector<16xf32>,
        %jit3A_569 = arith.constant 1 : i32
        %jit3A_570 = arith.constant 0 : i32
        %broadcast_in_dim3A_571 = vector.broadcast %jit3A_569 : i32 to vector<16xi32>
        %broadcast_in_dim3A_572 = vector.broadcast %jit3A_570 : i32 to vector<16xi32>
        %select_n3A_573 = arith.select %gt3A_533, %broadcast_in_dim3A_571, %broadcast_in_dim3A_572 : vector<16xi1>, vector<16xi32>
        %mul3A_574 = arith.constant 16 : i32
        %mul3A_575 = arith.muli %add3A_509, %mul3A_574 : i32
        %swap3A_576 = arith.index_cast %mul3A_575 : i32 to index
        %swap3A_577 = tpu.vector_load %arg18[%swap3A_576] {strides = array<i32>} : memref<2048xi32, #tpu.memory_space<vmem>>, vector<16xi32>,
        tpu.vector_store %arg18[%swap3A_576], %select_n3A_573 {strides = array<i32>} : memref<2048xi32, #tpu.memory_space<vmem>>, vector<16xi32>,
        %mul3A_578 = arith.constant 8 : i32
        %mul3A_579 = arith.muli %scan3A_294, %mul3A_578 : i32
        %add3A_580 = arith.constant 4 : i32
        %add3A_581 = arith.addi %mul3A_579, %add3A_580 : i32
        %mul3A_582 = arith.constant 48 : i32
        %mul3A_583 = arith.muli %add3A_581, %mul3A_582 : i32
        %add3A_584 = vector.broadcast %mul3A_583 : i32 to vector<16xi32>
        %add3A_585 = arith.addi %mul3A_5, %add3A_584 : vector<16xi32>
        %gather3A_586 = tpu.vector_load_idx %arg10[%add3A_585] : memref<6144xf32, #tpu.memory_space<vmem>>[vector<16xi32>], vector<16xf32>,
        %add3A_587 = arith.constant 1 : i32
        %add3A_588 = vector.broadcast %add3A_587 : i32 to vector<16xi32>
        %add3A_589 = arith.addi %add3A_585, %add3A_588 : vector<16xi32>
        %gather3A_590 = tpu.vector_load_idx %arg10[%add3A_589] : memref<6144xf32, #tpu.memory_space<vmem>>[vector<16xi32>], vector<16xf32>,
        %add3A_591 = arith.constant 2 : i32
        %add3A_592 = vector.broadcast %add3A_591 : i32 to vector<16xi32>
        %add3A_593 = arith.addi %add3A_585, %add3A_592 : vector<16xi32>
        %gather3A_594 = tpu.vector_load_idx %arg10[%add3A_593] : memref<6144xf32, #tpu.memory_space<vmem>>[vector<16xi32>], vector<16xf32>,
        %mul3A_595 = arith.constant 16 : i32
        %mul3A_596 = arith.muli %add3A_581, %mul3A_595 : i32
        %get3A_597 = arith.index_cast %mul3A_596 : i32 to index
        %get3A_598 = tpu.vector_load %arg19[%get3A_597] {strides = array<i32>} : memref<2048xf32, #tpu.memory_space<vmem>>, vector<16xf32>,
        %mul3A_599 = arith.constant 16 : i32
        %mul3A_600 = arith.muli %add3A_581, %mul3A_599 : i32
        %get3A_601 = arith.index_cast %mul3A_600 : i32 to index
        %get3A_602 = tpu.vector_load %arg20[%get3A_601] {strides = array<i32>} : memref<2048xf32, #tpu.memory_space<vmem>>, vector<16xf32>,
        %gt3A_603 = arith.constant 0.000000e+00 : f32
        %gt3A_604 = vector.broadcast %gt3A_603 : f32 to vector<16xf32>
        %gt3A_605 = arith.cmpf ogt, %gather3A_594, %gt3A_604 : vector<16xf32>
        %select_n3A_606 = arith.select %gt3A_605, %gather3A_586, %broadcast_in_dim3A_6 : vector<16xi1>, vector<16xf32>
        %mul3A_607 = arith.constant 16 : i32
        %mul3A_608 = arith.muli %add3A_581, %mul3A_607 : i32
        %swap3A_609 = arith.constant 0 : i32
        %swap3A_610 = arith.index_cast %swap3A_609 : i32 to index
        %swap3A_611 = arith.index_cast %mul3A_608 : i32 to index
        %swap3A_612 = tpu.vector_load %arg14[%swap3A_610, %swap3A_611] {strides = array<i32>} : memref<5x2048xf32, #tpu.memory_space<vmem>>, vector<16xf32>,
        tpu.vector_store %arg14[%swap3A_610, %swap3A_611], %select_n3A_606 {strides = array<i32>} : memref<5x2048xf32, #tpu.memory_space<vmem>>, vector<16xf32>,
        %select_n3A_613 = arith.select %gt3A_605, %gather3A_590, %broadcast_in_dim3A_6 : vector<16xi1>, vector<16xf32>
        %mul3A_614 = arith.constant 16 : i32
        %mul3A_615 = arith.muli %add3A_581, %mul3A_614 : i32
        %swap3A_616 = arith.constant 1 : i32
        %swap3A_617 = arith.index_cast %swap3A_616 : i32 to index
        %swap3A_618 = arith.index_cast %mul3A_615 : i32 to index
        %swap3A_619 = tpu.vector_load %arg14[%swap3A_617, %swap3A_618] {strides = array<i32>} : memref<5x2048xf32, #tpu.memory_space<vmem>>, vector<16xf32>,
        tpu.vector_store %arg14[%swap3A_617, %swap3A_618], %select_n3A_613 {strides = array<i32>} : memref<5x2048xf32, #tpu.memory_space<vmem>>, vector<16xf32>,
        %select_n3A_620 = arith.select %gt3A_605, %gather3A_594, %broadcast_in_dim3A_6 : vector<16xi1>, vector<16xf32>
        %mul3A_621 = arith.constant 16 : i32
        %mul3A_622 = arith.muli %add3A_581, %mul3A_621 : i32
        %swap3A_623 = arith.constant 2 : i32
        %swap3A_624 = arith.index_cast %swap3A_623 : i32 to index
        %swap3A_625 = arith.index_cast %mul3A_622 : i32 to index
        %swap3A_626 = tpu.vector_load %arg14[%swap3A_624, %swap3A_625] {strides = array<i32>} : memref<5x2048xf32, #tpu.memory_space<vmem>>, vector<16xf32>,
        tpu.vector_store %arg14[%swap3A_624, %swap3A_625], %select_n3A_620 {strides = array<i32>} : memref<5x2048xf32, #tpu.memory_space<vmem>>, vector<16xf32>,
        %select_n3A_627 = arith.select %gt3A_605, %get3A_598, %broadcast_in_dim3A_6 : vector<16xi1>, vector<16xf32>
        %mul3A_628 = arith.constant 16 : i32
        %mul3A_629 = arith.muli %add3A_581, %mul3A_628 : i32
        %swap3A_630 = arith.constant 3 : i32
        %swap3A_631 = arith.index_cast %swap3A_630 : i32 to index
        %swap3A_632 = arith.index_cast %mul3A_629 : i32 to index
        %swap3A_633 = tpu.vector_load %arg14[%swap3A_631, %swap3A_632] {strides = array<i32>} : memref<5x2048xf32, #tpu.memory_space<vmem>>, vector<16xf32>,
        tpu.vector_store %arg14[%swap3A_631, %swap3A_632], %select_n3A_627 {strides = array<i32>} : memref<5x2048xf32, #tpu.memory_space<vmem>>, vector<16xf32>,
        %select_n3A_634 = arith.select %gt3A_605, %get3A_602, %broadcast_in_dim3A_6 : vector<16xi1>, vector<16xf32>
        %mul3A_635 = arith.constant 16 : i32
        %mul3A_636 = arith.muli %add3A_581, %mul3A_635 : i32
        %swap3A_637 = arith.constant 4 : i32
        %swap3A_638 = arith.index_cast %swap3A_637 : i32 to index
        %swap3A_639 = arith.index_cast %mul3A_636 : i32 to index
        %swap3A_640 = tpu.vector_load %arg14[%swap3A_638, %swap3A_639] {strides = array<i32>} : memref<5x2048xf32, #tpu.memory_space<vmem>>, vector<16xf32>,
        tpu.vector_store %arg14[%swap3A_638, %swap3A_639], %select_n3A_634 {strides = array<i32>} : memref<5x2048xf32, #tpu.memory_space<vmem>>, vector<16xf32>,
        %jit3A_641 = arith.constant 1 : i32
        %jit3A_642 = arith.constant 0 : i32
        %broadcast_in_dim3A_643 = vector.broadcast %jit3A_641 : i32 to vector<16xi32>
        %broadcast_in_dim3A_644 = vector.broadcast %jit3A_642 : i32 to vector<16xi32>
        %select_n3A_645 = arith.select %gt3A_605, %broadcast_in_dim3A_643, %broadcast_in_dim3A_644 : vector<16xi1>, vector<16xi32>
        %mul3A_646 = arith.constant 16 : i32
        %mul3A_647 = arith.muli %add3A_581, %mul3A_646 : i32
        %swap3A_648 = arith.index_cast %mul3A_647 : i32 to index
        %swap3A_649 = tpu.vector_load %arg18[%swap3A_648] {strides = array<i32>} : memref<2048xi32, #tpu.memory_space<vmem>>, vector<16xi32>,
        tpu.vector_store %arg18[%swap3A_648], %select_n3A_645 {strides = array<i32>} : memref<2048xi32, #tpu.memory_space<vmem>>, vector<16xi32>,
        %mul3A_650 = arith.constant 8 : i32
        %mul3A_651 = arith.muli %scan3A_294, %mul3A_650 : i32
        %add3A_652 = arith.constant 5 : i32
        %add3A_653 = arith.addi %mul3A_651, %add3A_652 : i32
        %mul3A_654 = arith.constant 48 : i32
        %mul3A_655 = arith.muli %add3A_653, %mul3A_654 : i32
        %add3A_656 = vector.broadcast %mul3A_655 : i32 to vector<16xi32>
        %add3A_657 = arith.addi %mul3A_5, %add3A_656 : vector<16xi32>
        %gather3A_658 = tpu.vector_load_idx %arg10[%add3A_657] : memref<6144xf32, #tpu.memory_space<vmem>>[vector<16xi32>], vector<16xf32>,
        %add3A_659 = arith.constant 1 : i32
        %add3A_660 = vector.broadcast %add3A_659 : i32 to vector<16xi32>
        %add3A_661 = arith.addi %add3A_657, %add3A_660 : vector<16xi32>
        %gather3A_662 = tpu.vector_load_idx %arg10[%add3A_661] : memref<6144xf32, #tpu.memory_space<vmem>>[vector<16xi32>], vector<16xf32>,
        %add3A_663 = arith.constant 2 : i32
        %add3A_664 = vector.broadcast %add3A_663 : i32 to vector<16xi32>
        %add3A_665 = arith.addi %add3A_657, %add3A_664 : vector<16xi32>
        %gather3A_666 = tpu.vector_load_idx %arg10[%add3A_665] : memref<6144xf32, #tpu.memory_space<vmem>>[vector<16xi32>], vector<16xf32>,
        %mul3A_667 = arith.constant 16 : i32
        %mul3A_668 = arith.muli %add3A_653, %mul3A_667 : i32
        %get3A_669 = arith.index_cast %mul3A_668 : i32 to index
        %get3A_670 = tpu.vector_load %arg19[%get3A_669] {strides = array<i32>} : memref<2048xf32, #tpu.memory_space<vmem>>, vector<16xf32>,
        %mul3A_671 = arith.constant 16 : i32
        %mul3A_672 = arith.muli %add3A_653, %mul3A_671 : i32
        %get3A_673 = arith.index_cast %mul3A_672 : i32 to index
        %get3A_674 = tpu.vector_load %arg20[%get3A_673] {strides = array<i32>} : memref<2048xf32, #tpu.memory_space<vmem>>, vector<16xf32>,
        %gt3A_675 = arith.constant 0.000000e+00 : f32
        %gt3A_676 = vector.broadcast %gt3A_675 : f32 to vector<16xf32>
        %gt3A_677 = arith.cmpf ogt, %gather3A_666, %gt3A_676 : vector<16xf32>
        %select_n3A_678 = arith.select %gt3A_677, %gather3A_658, %broadcast_in_dim3A_6 : vector<16xi1>, vector<16xf32>
        %mul3A_679 = arith.constant 16 : i32
        %mul3A_680 = arith.muli %add3A_653, %mul3A_679 : i32
        %swap3A_681 = arith.constant 0 : i32
        %swap3A_682 = arith.index_cast %swap3A_681 : i32 to index
        %swap3A_683 = arith.index_cast %mul3A_680 : i32 to index
        %swap3A_684 = tpu.vector_load %arg14[%swap3A_682, %swap3A_683] {strides = array<i32>} : memref<5x2048xf32, #tpu.memory_space<vmem>>, vector<16xf32>,
        tpu.vector_store %arg14[%swap3A_682, %swap3A_683], %select_n3A_678 {strides = array<i32>} : memref<5x2048xf32, #tpu.memory_space<vmem>>, vector<16xf32>,
        %select_n3A_685 = arith.select %gt3A_677, %gather3A_662, %broadcast_in_dim3A_6 : vector<16xi1>, vector<16xf32>
        %mul3A_686 = arith.constant 16 : i32
        %mul3A_687 = arith.muli %add3A_653, %mul3A_686 : i32
        %swap3A_688 = arith.constant 1 : i32
        %swap3A_689 = arith.index_cast %swap3A_688 : i32 to index
        %swap3A_690 = arith.index_cast %mul3A_687 : i32 to index
        %swap3A_691 = tpu.vector_load %arg14[%swap3A_689, %swap3A_690] {strides = array<i32>} : memref<5x2048xf32, #tpu.memory_space<vmem>>, vector<16xf32>,
        tpu.vector_store %arg14[%swap3A_689, %swap3A_690], %select_n3A_685 {strides = array<i32>} : memref<5x2048xf32, #tpu.memory_space<vmem>>, vector<16xf32>,
        %select_n3A_692 = arith.select %gt3A_677, %gather3A_666, %broadcast_in_dim3A_6 : vector<16xi1>, vector<16xf32>
        %mul3A_693 = arith.constant 16 : i32
        %mul3A_694 = arith.muli %add3A_653, %mul3A_693 : i32
        %swap3A_695 = arith.constant 2 : i32
        %swap3A_696 = arith.index_cast %swap3A_695 : i32 to index
        %swap3A_697 = arith.index_cast %mul3A_694 : i32 to index
        %swap3A_698 = tpu.vector_load %arg14[%swap3A_696, %swap3A_697] {strides = array<i32>} : memref<5x2048xf32, #tpu.memory_space<vmem>>, vector<16xf32>,
        tpu.vector_store %arg14[%swap3A_696, %swap3A_697], %select_n3A_692 {strides = array<i32>} : memref<5x2048xf32, #tpu.memory_space<vmem>>, vector<16xf32>,
        %select_n3A_699 = arith.select %gt3A_677, %get3A_670, %broadcast_in_dim3A_6 : vector<16xi1>, vector<16xf32>
        %mul3A_700 = arith.constant 16 : i32
        %mul3A_701 = arith.muli %add3A_653, %mul3A_700 : i32
        %swap3A_702 = arith.constant 3 : i32
        %swap3A_703 = arith.index_cast %swap3A_702 : i32 to index
        %swap3A_704 = arith.index_cast %mul3A_701 : i32 to index
        %swap3A_705 = tpu.vector_load %arg14[%swap3A_703, %swap3A_704] {strides = array<i32>} : memref<5x2048xf32, #tpu.memory_space<vmem>>, vector<16xf32>,
        tpu.vector_store %arg14[%swap3A_703, %swap3A_704], %select_n3A_699 {strides = array<i32>} : memref<5x2048xf32, #tpu.memory_space<vmem>>, vector<16xf32>,
        %select_n3A_706 = arith.select %gt3A_677, %get3A_674, %broadcast_in_dim3A_6 : vector<16xi1>, vector<16xf32>
        %mul3A_707 = arith.constant 16 : i32
        %mul3A_708 = arith.muli %add3A_653, %mul3A_707 : i32
        %swap3A_709 = arith.constant 4 : i32
        %swap3A_710 = arith.index_cast %swap3A_709 : i32 to index
        %swap3A_711 = arith.index_cast %mul3A_708 : i32 to index
        %swap3A_712 = tpu.vector_load %arg14[%swap3A_710, %swap3A_711] {strides = array<i32>} : memref<5x2048xf32, #tpu.memory_space<vmem>>, vector<16xf32>,
        tpu.vector_store %arg14[%swap3A_710, %swap3A_711], %select_n3A_706 {strides = array<i32>} : memref<5x2048xf32, #tpu.memory_space<vmem>>, vector<16xf32>,
        %jit3A_713 = arith.constant 1 : i32
        %jit3A_714 = arith.constant 0 : i32
        %broadcast_in_dim3A_715 = vector.broadcast %jit3A_713 : i32 to vector<16xi32>
        %broadcast_in_dim3A_716 = vector.broadcast %jit3A_714 : i32 to vector<16xi32>
        %select_n3A_717 = arith.select %gt3A_677, %broadcast_in_dim3A_715, %broadcast_in_dim3A_716 : vector<16xi1>, vector<16xi32>
        %mul3A_718 = arith.constant 16 : i32
        %mul3A_719 = arith.muli %add3A_653, %mul3A_718 : i32
        %swap3A_720 = arith.index_cast %mul3A_719 : i32 to index
        %swap3A_721 = tpu.vector_load %arg18[%swap3A_720] {strides = array<i32>} : memref<2048xi32, #tpu.memory_space<vmem>>, vector<16xi32>,
        tpu.vector_store %arg18[%swap3A_720], %select_n3A_717 {strides = array<i32>} : memref<2048xi32, #tpu.memory_space<vmem>>, vector<16xi32>,
        %mul3A_722 = arith.constant 8 : i32
        %mul3A_723 = arith.muli %scan3A_294, %mul3A_722 : i32
        %add3A_724 = arith.constant 6 : i32
        %add3A_725 = arith.addi %mul3A_723, %add3A_724 : i32
        %mul3A_726 = arith.constant 48 : i32
        %mul3A_727 = arith.muli %add3A_725, %mul3A_726 : i32
        %add3A_728 = vector.broadcast %mul3A_727 : i32 to vector<16xi32>
        %add3A_729 = arith.addi %mul3A_5, %add3A_728 : vector<16xi32>
        %gather3A_730 = tpu.vector_load_idx %arg10[%add3A_729] : memref<6144xf32, #tpu.memory_space<vmem>>[vector<16xi32>], vector<16xf32>,
        %add3A_731 = arith.constant 1 : i32
        %add3A_732 = vector.broadcast %add3A_731 : i32 to vector<16xi32>
        %add3A_733 = arith.addi %add3A_729, %add3A_732 : vector<16xi32>
        %gather3A_734 = tpu.vector_load_idx %arg10[%add3A_733] : memref<6144xf32, #tpu.memory_space<vmem>>[vector<16xi32>], vector<16xf32>,
        %add3A_735 = arith.constant 2 : i32
        %add3A_736 = vector.broadcast %add3A_735 : i32 to vector<16xi32>
        %add3A_737 = arith.addi %add3A_729, %add3A_736 : vector<16xi32>
        %gather3A_738 = tpu.vector_load_idx %arg10[%add3A_737] : memref<6144xf32, #tpu.memory_space<vmem>>[vector<16xi32>], vector<16xf32>,
        %mul3A_739 = arith.constant 16 : i32
        %mul3A_740 = arith.muli %add3A_725, %mul3A_739 : i32
        %get3A_741 = arith.index_cast %mul3A_740 : i32 to index
        %get3A_742 = tpu.vector_load %arg19[%get3A_741] {strides = array<i32>} : memref<2048xf32, #tpu.memory_space<vmem>>, vector<16xf32>,
        %mul3A_743 = arith.constant 16 : i32
        %mul3A_744 = arith.muli %add3A_725, %mul3A_743 : i32
        %get3A_745 = arith.index_cast %mul3A_744 : i32 to index
        %get3A_746 = tpu.vector_load %arg20[%get3A_745] {strides = array<i32>} : memref<2048xf32, #tpu.memory_space<vmem>>, vector<16xf32>,
        %gt3A_747 = arith.constant 0.000000e+00 : f32
        %gt3A_748 = vector.broadcast %gt3A_747 : f32 to vector<16xf32>
        %gt3A_749 = arith.cmpf ogt, %gather3A_738, %gt3A_748 : vector<16xf32>
        %select_n3A_750 = arith.select %gt3A_749, %gather3A_730, %broadcast_in_dim3A_6 : vector<16xi1>, vector<16xf32>
        %mul3A_751 = arith.constant 16 : i32
        %mul3A_752 = arith.muli %add3A_725, %mul3A_751 : i32
        %swap3A_753 = arith.constant 0 : i32
        %swap3A_754 = arith.index_cast %swap3A_753 : i32 to index
        %swap3A_755 = arith.index_cast %mul3A_752 : i32 to index
        %swap3A_756 = tpu.vector_load %arg14[%swap3A_754, %swap3A_755] {strides = array<i32>} : memref<5x2048xf32, #tpu.memory_space<vmem>>, vector<16xf32>,
        tpu.vector_store %arg14[%swap3A_754, %swap3A_755], %select_n3A_750 {strides = array<i32>} : memref<5x2048xf32, #tpu.memory_space<vmem>>, vector<16xf32>,
        %select_n3A_757 = arith.select %gt3A_749, %gather3A_734, %broadcast_in_dim3A_6 : vector<16xi1>, vector<16xf32>
        %mul3A_758 = arith.constant 16 : i32
        %mul3A_759 = arith.muli %add3A_725, %mul3A_758 : i32
        %swap3A_760 = arith.constant 1 : i32
        %swap3A_761 = arith.index_cast %swap3A_760 : i32 to index
        %swap3A_762 = arith.index_cast %mul3A_759 : i32 to index
        %swap3A_763 = tpu.vector_load %arg14[%swap3A_761, %swap3A_762] {strides = array<i32>} : memref<5x2048xf32, #tpu.memory_space<vmem>>, vector<16xf32>,
        tpu.vector_store %arg14[%swap3A_761, %swap3A_762], %select_n3A_757 {strides = array<i32>} : memref<5x2048xf32, #tpu.memory_space<vmem>>, vector<16xf32>,
        %select_n3A_764 = arith.select %gt3A_749, %gather3A_738, %broadcast_in_dim3A_6 : vector<16xi1>, vector<16xf32>
        %mul3A_765 = arith.constant 16 : i32
        %mul3A_766 = arith.muli %add3A_725, %mul3A_765 : i32
        %swap3A_767 = arith.constant 2 : i32
        %swap3A_768 = arith.index_cast %swap3A_767 : i32 to index
        %swap3A_769 = arith.index_cast %mul3A_766 : i32 to index
        %swap3A_770 = tpu.vector_load %arg14[%swap3A_768, %swap3A_769] {strides = array<i32>} : memref<5x2048xf32, #tpu.memory_space<vmem>>, vector<16xf32>,
        tpu.vector_store %arg14[%swap3A_768, %swap3A_769], %select_n3A_764 {strides = array<i32>} : memref<5x2048xf32, #tpu.memory_space<vmem>>, vector<16xf32>,
        %select_n3A_771 = arith.select %gt3A_749, %get3A_742, %broadcast_in_dim3A_6 : vector<16xi1>, vector<16xf32>
        %mul3A_772 = arith.constant 16 : i32
        %mul3A_773 = arith.muli %add3A_725, %mul3A_772 : i32
        %swap3A_774 = arith.constant 3 : i32
        %swap3A_775 = arith.index_cast %swap3A_774 : i32 to index
        %swap3A_776 = arith.index_cast %mul3A_773 : i32 to index
        %swap3A_777 = tpu.vector_load %arg14[%swap3A_775, %swap3A_776] {strides = array<i32>} : memref<5x2048xf32, #tpu.memory_space<vmem>>, vector<16xf32>,
        tpu.vector_store %arg14[%swap3A_775, %swap3A_776], %select_n3A_771 {strides = array<i32>} : memref<5x2048xf32, #tpu.memory_space<vmem>>, vector<16xf32>,
        %select_n3A_778 = arith.select %gt3A_749, %get3A_746, %broadcast_in_dim3A_6 : vector<16xi1>, vector<16xf32>
        %mul3A_779 = arith.constant 16 : i32
        %mul3A_780 = arith.muli %add3A_725, %mul3A_779 : i32
        %swap3A_781 = arith.constant 4 : i32
        %swap3A_782 = arith.index_cast %swap3A_781 : i32 to index
        %swap3A_783 = arith.index_cast %mul3A_780 : i32 to index
        %swap3A_784 = tpu.vector_load %arg14[%swap3A_782, %swap3A_783] {strides = array<i32>} : memref<5x2048xf32, #tpu.memory_space<vmem>>, vector<16xf32>,
        tpu.vector_store %arg14[%swap3A_782, %swap3A_783], %select_n3A_778 {strides = array<i32>} : memref<5x2048xf32, #tpu.memory_space<vmem>>, vector<16xf32>,
        %jit3A_785 = arith.constant 1 : i32
        %jit3A_786 = arith.constant 0 : i32
        %broadcast_in_dim3A_787 = vector.broadcast %jit3A_785 : i32 to vector<16xi32>
        %broadcast_in_dim3A_788 = vector.broadcast %jit3A_786 : i32 to vector<16xi32>
        %select_n3A_789 = arith.select %gt3A_749, %broadcast_in_dim3A_787, %broadcast_in_dim3A_788 : vector<16xi1>, vector<16xi32>
        %mul3A_790 = arith.constant 16 : i32
        %mul3A_791 = arith.muli %add3A_725, %mul3A_790 : i32
        %swap3A_792 = arith.index_cast %mul3A_791 : i32 to index
        %swap3A_793 = tpu.vector_load %arg18[%swap3A_792] {strides = array<i32>} : memref<2048xi32, #tpu.memory_space<vmem>>, vector<16xi32>,
        tpu.vector_store %arg18[%swap3A_792], %select_n3A_789 {strides = array<i32>} : memref<2048xi32, #tpu.memory_space<vmem>>, vector<16xi32>,
        %mul3A_794 = arith.constant 8 : i32
        %mul3A_795 = arith.muli %scan3A_294, %mul3A_794 : i32
        %add3A_796 = arith.constant 7 : i32
        %add3A_797 = arith.addi %mul3A_795, %add3A_796 : i32
        %mul3A_798 = arith.constant 48 : i32
        %mul3A_799 = arith.muli %add3A_797, %mul3A_798 : i32
        %add3A_800 = vector.broadcast %mul3A_799 : i32 to vector<16xi32>
        %add3A_801 = arith.addi %mul3A_5, %add3A_800 : vector<16xi32>
        %gather3A_802 = tpu.vector_load_idx %arg10[%add3A_801] : memref<6144xf32, #tpu.memory_space<vmem>>[vector<16xi32>], vector<16xf32>,
        %add3A_803 = arith.constant 1 : i32
        %add3A_804 = vector.broadcast %add3A_803 : i32 to vector<16xi32>
        %add3A_805 = arith.addi %add3A_801, %add3A_804 : vector<16xi32>
        %gather3A_806 = tpu.vector_load_idx %arg10[%add3A_805] : memref<6144xf32, #tpu.memory_space<vmem>>[vector<16xi32>], vector<16xf32>,
        %add3A_807 = arith.constant 2 : i32
        %add3A_808 = vector.broadcast %add3A_807 : i32 to vector<16xi32>
        %add3A_809 = arith.addi %add3A_801, %add3A_808 : vector<16xi32>
        %gather3A_810 = tpu.vector_load_idx %arg10[%add3A_809] : memref<6144xf32, #tpu.memory_space<vmem>>[vector<16xi32>], vector<16xf32>,
        %mul3A_811 = arith.constant 16 : i32
        %mul3A_812 = arith.muli %add3A_797, %mul3A_811 : i32
        %get3A_813 = arith.index_cast %mul3A_812 : i32 to index
        %get3A_814 = tpu.vector_load %arg19[%get3A_813] {strides = array<i32>} : memref<2048xf32, #tpu.memory_space<vmem>>, vector<16xf32>,
        %mul3A_815 = arith.constant 16 : i32
        %mul3A_816 = arith.muli %add3A_797, %mul3A_815 : i32
        %get3A_817 = arith.index_cast %mul3A_816 : i32 to index
        %get3A_818 = tpu.vector_load %arg20[%get3A_817] {strides = array<i32>} : memref<2048xf32, #tpu.memory_space<vmem>>, vector<16xf32>,
        %gt3A_819 = arith.constant 0.000000e+00 : f32
        %gt3A_820 = vector.broadcast %gt3A_819 : f32 to vector<16xf32>
        %gt3A_821 = arith.cmpf ogt, %gather3A_810, %gt3A_820 : vector<16xf32>
        %select_n3A_822 = arith.select %gt3A_821, %gather3A_802, %broadcast_in_dim3A_6 : vector<16xi1>, vector<16xf32>
        %mul3A_823 = arith.constant 16 : i32
        %mul3A_824 = arith.muli %add3A_797, %mul3A_823 : i32
        %swap3A_825 = arith.constant 0 : i32
        %swap3A_826 = arith.index_cast %swap3A_825 : i32 to index
        %swap3A_827 = arith.index_cast %mul3A_824 : i32 to index
        %swap3A_828 = tpu.vector_load %arg14[%swap3A_826, %swap3A_827] {strides = array<i32>} : memref<5x2048xf32, #tpu.memory_space<vmem>>, vector<16xf32>,
        tpu.vector_store %arg14[%swap3A_826, %swap3A_827], %select_n3A_822 {strides = array<i32>} : memref<5x2048xf32, #tpu.memory_space<vmem>>, vector<16xf32>,
        %select_n3A_829 = arith.select %gt3A_821, %gather3A_806, %broadcast_in_dim3A_6 : vector<16xi1>, vector<16xf32>
        %mul3A_830 = arith.constant 16 : i32
        %mul3A_831 = arith.muli %add3A_797, %mul3A_830 : i32
        %swap3A_832 = arith.constant 1 : i32
        %swap3A_833 = arith.index_cast %swap3A_832 : i32 to index
        %swap3A_834 = arith.index_cast %mul3A_831 : i32 to index
        %swap3A_835 = tpu.vector_load %arg14[%swap3A_833, %swap3A_834] {strides = array<i32>} : memref<5x2048xf32, #tpu.memory_space<vmem>>, vector<16xf32>,
        tpu.vector_store %arg14[%swap3A_833, %swap3A_834], %select_n3A_829 {strides = array<i32>} : memref<5x2048xf32, #tpu.memory_space<vmem>>, vector<16xf32>,
        %select_n3A_836 = arith.select %gt3A_821, %gather3A_810, %broadcast_in_dim3A_6 : vector<16xi1>, vector<16xf32>
        %mul3A_837 = arith.constant 16 : i32
        %mul3A_838 = arith.muli %add3A_797, %mul3A_837 : i32
        %swap3A_839 = arith.constant 2 : i32
        %swap3A_840 = arith.index_cast %swap3A_839 : i32 to index
        %swap3A_841 = arith.index_cast %mul3A_838 : i32 to index
        %swap3A_842 = tpu.vector_load %arg14[%swap3A_840, %swap3A_841] {strides = array<i32>} : memref<5x2048xf32, #tpu.memory_space<vmem>>, vector<16xf32>,
        tpu.vector_store %arg14[%swap3A_840, %swap3A_841], %select_n3A_836 {strides = array<i32>} : memref<5x2048xf32, #tpu.memory_space<vmem>>, vector<16xf32>,
        %select_n3A_843 = arith.select %gt3A_821, %get3A_814, %broadcast_in_dim3A_6 : vector<16xi1>, vector<16xf32>
        %mul3A_844 = arith.constant 16 : i32
        %mul3A_845 = arith.muli %add3A_797, %mul3A_844 : i32
        %swap3A_846 = arith.constant 3 : i32
        %swap3A_847 = arith.index_cast %swap3A_846 : i32 to index
        %swap3A_848 = arith.index_cast %mul3A_845 : i32 to index
        %swap3A_849 = tpu.vector_load %arg14[%swap3A_847, %swap3A_848] {strides = array<i32>} : memref<5x2048xf32, #tpu.memory_space<vmem>>, vector<16xf32>,
        tpu.vector_store %arg14[%swap3A_847, %swap3A_848], %select_n3A_843 {strides = array<i32>} : memref<5x2048xf32, #tpu.memory_space<vmem>>, vector<16xf32>,
        %select_n3A_850 = arith.select %gt3A_821, %get3A_818, %broadcast_in_dim3A_6 : vector<16xi1>, vector<16xf32>
        %mul3A_851 = arith.constant 16 : i32
        %mul3A_852 = arith.muli %add3A_797, %mul3A_851 : i32
        %swap3A_853 = arith.constant 4 : i32
        %swap3A_854 = arith.index_cast %swap3A_853 : i32 to index
        %swap3A_855 = arith.index_cast %mul3A_852 : i32 to index
        %swap3A_856 = tpu.vector_load %arg14[%swap3A_854, %swap3A_855] {strides = array<i32>} : memref<5x2048xf32, #tpu.memory_space<vmem>>, vector<16xf32>,
        tpu.vector_store %arg14[%swap3A_854, %swap3A_855], %select_n3A_850 {strides = array<i32>} : memref<5x2048xf32, #tpu.memory_space<vmem>>, vector<16xf32>,
        %jit3A_857 = arith.constant 1 : i32
        %jit3A_858 = arith.constant 0 : i32
        %broadcast_in_dim3A_859 = vector.broadcast %jit3A_857 : i32 to vector<16xi32>
        %broadcast_in_dim3A_860 = vector.broadcast %jit3A_858 : i32 to vector<16xi32>
        %select_n3A_861 = arith.select %gt3A_821, %broadcast_in_dim3A_859, %broadcast_in_dim3A_860 : vector<16xi1>, vector<16xi32>
        %mul3A_862 = arith.constant 16 : i32
        %mul3A_863 = arith.muli %add3A_797, %mul3A_862 : i32
        %swap3A_864 = arith.index_cast %mul3A_863 : i32 to index
        %swap3A_865 = tpu.vector_load %arg18[%swap3A_864] {strides = array<i32>} : memref<2048xi32, #tpu.memory_space<vmem>>, vector<16xi32>,
        tpu.vector_store %arg18[%swap3A_864], %select_n3A_861 {strides = array<i32>} : memref<2048xi32, #tpu.memory_space<vmem>>, vector<16xi32>,
      }
      %scan3A_272 = arith.constant 16 : i32
      %dma_start3A_273 = arith.constant 0 : i32
      %dma_start3A_274 = arith.constant 0 : i32
      %dma_start3A_275 = tpu.memref_slice %arg5[%dma_start3A_273, %add3A_254, %dma_start3A_274] : memref<5x4096x2048xf32, #tpu.memory_space<hbm>> -> memref<5x1x2048xf32, #tpu.memory_space<hbm>>
      %dma_start3A_276 = tpu.memref_squeeze %dma_start3A_275 : memref<5x1x2048xf32, #tpu.memory_space<hbm>> -> memref<5x2048xf32, #tpu.memory_space<hbm>>
      %dma_start3A_277 = arith.constant 0 : i32
      %dma_start3A_278 = arith.constant 0 : i32
      %dma_start3A_279 = tpu.memref_slice %arg5[%dma_start3A_277, %add3A_254, %dma_start3A_278] : memref<5x4096x2048xf32, #tpu.memory_space<hbm>> -> memref<5x1x2048xf32, #tpu.memory_space<hbm>>
      %dma_start3A_280 = tpu.memref_squeeze %dma_start3A_279 : memref<5x1x2048xf32, #tpu.memory_space<hbm>> -> memref<5x2048xf32, #tpu.memory_space<hbm>>
      tpu.enqueue_dma source(%arg14 : memref<5x2048xf32, #tpu.memory_space<vmem>>) target(%dma_start3A_280 : memref<5x2048xf32, #tpu.memory_space<hbm>>) target_semaphore(%arg28 : memref<!tpu.dma_semaphore, #tpu.memory_space<semaphore_mem>>)
      %dma_start3A_281 = arith.constant 0 : i32
      %dma_start3A_282 = tpu.memref_slice %arg6[%add3A_254, %dma_start3A_281] : memref<4096x2048xi32, #tpu.memory_space<hbm>> -> memref<1x2048xi32, #tpu.memory_space<hbm>>
      %dma_start3A_283 = tpu.memref_squeeze %dma_start3A_282 : memref<1x2048xi32, #tpu.memory_space<hbm>> -> memref<2048xi32, #tpu.memory_space<hbm>>
      %dma_start3A_284 = arith.constant 0 : i32
      %dma_start3A_285 = tpu.memref_slice %arg6[%add3A_254, %dma_start3A_284] : memref<4096x2048xi32, #tpu.memory_space<hbm>> -> memref<1x2048xi32, #tpu.memory_space<hbm>>
      %dma_start3A_286 = tpu.memref_squeeze %dma_start3A_285 : memref<1x2048xi32, #tpu.memory_space<hbm>> -> memref<2048xi32, #tpu.memory_space<hbm>>
      tpu.enqueue_dma source(%arg18 : memref<2048xi32, #tpu.memory_space<vmem>>) target(%dma_start3A_286 : memref<2048xi32, #tpu.memory_space<hbm>>) target_semaphore(%arg28 : memref<!tpu.dma_semaphore, #tpu.memory_space<semaphore_mem>>)
      %add3A_287 = arith.constant 4 : i32
      %add3A_288 = arith.addi %add3A_253, %add3A_287 : i32
      %lt3A_289 = arith.constant 128 : i32
      %lt3A_290 = arith.cmpi slt, %add3A_288, %lt3A_289 : i32
      %convert_element_type3A_291 = arith.extui %lt3A_290 : i1 to i32
      %cond3A_292 = arith.constant 0 : i32
      %cond3A_293 = arith.cmpi ne, %convert_element_type3A_291, %cond3A_292 : i32
      scf.if %cond3A_293 {
        %add3A_294 = arith.constant 4 : i32
        %add3A_295 = arith.addi %add3A_254, %add3A_294 : i32
        %dma_start3A_296 = arith.constant 0 : i32
        %dma_start3A_297 = tpu.memref_slice %arg2[%add3A_295, %dma_start3A_296] : memref<4096x6144xf32, #tpu.memory_space<hbm>> -> memref<1x6144xf32, #tpu.memory_space<hbm>>
        %dma_start3A_298 = tpu.memref_squeeze %dma_start3A_297 : memref<1x6144xf32, #tpu.memory_space<hbm>> -> memref<6144xf32, #tpu.memory_space<hbm>>
        %dma_start3A_299 = arith.constant 0 : i32
        %dma_start3A_300 = tpu.memref_slice %arg2[%add3A_295, %dma_start3A_299] : memref<4096x6144xf32, #tpu.memory_space<hbm>> -> memref<1x6144xf32, #tpu.memory_space<hbm>>
        %dma_start3A_301 = tpu.memref_squeeze %dma_start3A_300 : memref<1x6144xf32, #tpu.memory_space<hbm>> -> memref<6144xf32, #tpu.memory_space<hbm>>
        tpu.enqueue_dma source(%dma_start3A_301 : memref<6144xf32, #tpu.memory_space<hbm>>) target(%arg10 : memref<6144xf32, #tpu.memory_space<vmem>>) target_semaphore(%arg24 : memref<!tpu.dma_semaphore, #tpu.memory_space<semaphore_mem>>)
      } else {
      }
    }
    %scan3A_42 = arith.constant 32 : i32
    %add3A_43 = arith.constant 128 : i32
    %add3A_44 = arith.addi %mul3A_2, %add3A_43 : i32
    %sub3A = arith.constant 4 : i32
    %sub3A_45 = arith.subi %add3A_44, %sub3A : i32
    %add3A_46 = arith.constant 0 : i32
    %add3A_47 = arith.addi %sub3A_45, %add3A_46 : i32
    %dma_wait3A = arith.constant 0 : i32
    %dma_wait3A_48 = arith.constant 0 : i32
    %dma_wait3A_49 = tpu.memref_slice %arg5[%dma_wait3A, %add3A_47, %dma_wait3A_48] : memref<5x4096x2048xf32, #tpu.memory_space<hbm>> -> memref<5x1x2048xf32, #tpu.memory_space<hbm>>
    %dma_wait3A_50 = tpu.memref_squeeze %dma_wait3A_49 : memref<5x1x2048xf32, #tpu.memory_space<hbm>> -> memref<5x2048xf32, #tpu.memory_space<hbm>>
    %dma_wait3A_51 = arith.constant 0 : i32
    %dma_wait3A_52 = arith.constant 0 : i32
    %dma_wait3A_53 = tpu.memref_slice %arg5[%dma_wait3A_51, %add3A_47, %dma_wait3A_52] : memref<5x4096x2048xf32, #tpu.memory_space<hbm>> -> memref<5x1x2048xf32, #tpu.memory_space<hbm>>
    %dma_wait3A_54 = tpu.memref_squeeze %dma_wait3A_53 : memref<5x1x2048xf32, #tpu.memory_space<hbm>> -> memref<5x2048xf32, #tpu.memory_space<hbm>>
    tpu.wait_dma2 semaphore(%arg25 : memref<!tpu.dma_semaphore, #tpu.memory_space<semaphore_mem>>) src(%arg11 : memref<5x2048xf32, #tpu.memory_space<vmem>>) dst(%dma_wait3A_54 : memref<5x2048xf32, #tpu.memory_space<hbm>>)
    %dma_wait3A_55 = arith.constant 0 : i32
    %dma_wait3A_56 = tpu.memref_slice %arg6[%add3A_47, %dma_wait3A_55] : memref<4096x2048xi32, #tpu.memory_space<hbm>> -> memref<1x2048xi32, #tpu.memory_space<hbm>>
    %dma_wait3A_57 = tpu.memref_squeeze %dma_wait3A_56 : memref<1x2048xi32, #tpu.memory_space<hbm>> -> memref<2048xi32, #tpu.memory_space<hbm>>
    %dma_wait3A_58 = arith.constant 0 : i32
    %dma_wait3A_59 = tpu.memref_slice %arg6[%add3A_47, %dma_wait3A_58] : memref<4096x2048xi32, #tpu.memory_space<hbm>> -> memref<1x2048xi32, #tpu.memory_space<hbm>>
    %dma_wait3A_60 = tpu.memref_squeeze %dma_wait3A_59 : memref<1x2048xi32, #tpu.memory_space<hbm>> -> memref<2048xi32, #tpu.memory_space<hbm>>
    tpu.wait_dma2 semaphore(%arg25 : memref<!tpu.dma_semaphore, #tpu.memory_space<semaphore_mem>>) src(%arg15 : memref<2048xi32, #tpu.memory_space<vmem>>) dst(%dma_wait3A_60 : memref<2048xi32, #tpu.memory_space<hbm>>)
    %add3A_61 = arith.constant 128 : i32
    %add3A_62 = arith.addi %mul3A_2, %add3A_61 : i32
    %sub3A_63 = arith.constant 4 : i32
    %sub3A_64 = arith.subi %add3A_62, %sub3A_63 : i32
    %add3A_65 = arith.constant 1 : i32
    %add3A_66 = arith.addi %sub3A_64, %add3A_65 : i32
    %dma_wait3A_67 = arith.constant 0 : i32
    %dma_wait3A_68 = arith.constant 0 : i32
    %dma_wait3A_69 = tpu.memref_slice %arg5[%dma_wait3A_67, %add3A_66, %dma_wait3A_68] : memref<5x4096x2048xf32, #tpu.memory_space<hbm>> -> memref<5x1x2048xf32, #tpu.memory_space<hbm>>
    %dma_wait3A_70 = tpu.memref_squeeze %dma_wait3A_69 : memref<5x1x2048xf32, #tpu.memory_space<hbm>> -> memref<5x2048xf32, #tpu.memory_space<hbm>>
    %dma_wait3A_71 = arith.constant 0 : i32
    %dma_wait3A_72 = arith.constant 0 : i32
    %dma_wait3A_73 = tpu.memref_slice %arg5[%dma_wait3A_71, %add3A_66, %dma_wait3A_72] : memref<5x4096x2048xf32, #tpu.memory_space<hbm>> -> memref<5x1x2048xf32, #tpu.memory_space<hbm>>
    %dma_wait3A_74 = tpu.memref_squeeze %dma_wait3A_73 : memref<5x1x2048xf32, #tpu.memory_space<hbm>> -> memref<5x2048xf32, #tpu.memory_space<hbm>>
    tpu.wait_dma2 semaphore(%arg26 : memref<!tpu.dma_semaphore, #tpu.memory_space<semaphore_mem>>) src(%arg12 : memref<5x2048xf32, #tpu.memory_space<vmem>>) dst(%dma_wait3A_74 : memref<5x2048xf32, #tpu.memory_space<hbm>>)
    %dma_wait3A_75 = arith.constant 0 : i32
    %dma_wait3A_76 = tpu.memref_slice %arg6[%add3A_66, %dma_wait3A_75] : memref<4096x2048xi32, #tpu.memory_space<hbm>> -> memref<1x2048xi32, #tpu.memory_space<hbm>>
    %dma_wait3A_77 = tpu.memref_squeeze %dma_wait3A_76 : memref<1x2048xi32, #tpu.memory_space<hbm>> -> memref<2048xi32, #tpu.memory_space<hbm>>
    %dma_wait3A_78 = arith.constant 0 : i32
    %dma_wait3A_79 = tpu.memref_slice %arg6[%add3A_66, %dma_wait3A_78] : memref<4096x2048xi32, #tpu.memory_space<hbm>> -> memref<1x2048xi32, #tpu.memory_space<hbm>>
    %dma_wait3A_80 = tpu.memref_squeeze %dma_wait3A_79 : memref<1x2048xi32, #tpu.memory_space<hbm>> -> memref<2048xi32, #tpu.memory_space<hbm>>
    tpu.wait_dma2 semaphore(%arg26 : memref<!tpu.dma_semaphore, #tpu.memory_space<semaphore_mem>>) src(%arg16 : memref<2048xi32, #tpu.memory_space<vmem>>) dst(%dma_wait3A_80 : memref<2048xi32, #tpu.memory_space<hbm>>)
    %add3A_81 = arith.constant 128 : i32
    %add3A_82 = arith.addi %mul3A_2, %add3A_81 : i32
    %sub3A_83 = arith.constant 4 : i32
    %sub3A_84 = arith.subi %add3A_82, %sub3A_83 : i32
    %add3A_85 = arith.constant 2 : i32
    %add3A_86 = arith.addi %sub3A_84, %add3A_85 : i32
    %dma_wait3A_87 = arith.constant 0 : i32
    %dma_wait3A_88 = arith.constant 0 : i32
    %dma_wait3A_89 = tpu.memref_slice %arg5[%dma_wait3A_87, %add3A_86, %dma_wait3A_88] : memref<5x4096x2048xf32, #tpu.memory_space<hbm>> -> memref<5x1x2048xf32, #tpu.memory_space<hbm>>
    %dma_wait3A_90 = tpu.memref_squeeze %dma_wait3A_89 : memref<5x1x2048xf32, #tpu.memory_space<hbm>> -> memref<5x2048xf32, #tpu.memory_space<hbm>>
    %dma_wait3A_91 = arith.constant 0 : i32
    %dma_wait3A_92 = arith.constant 0 : i32
    %dma_wait3A_93 = tpu.memref_slice %arg5[%dma_wait3A_91, %add3A_86, %dma_wait3A_92] : memref<5x4096x2048xf32, #tpu.memory_space<hbm>> -> memref<5x1x2048xf32, #tpu.memory_space<hbm>>
    %dma_wait3A_94 = tpu.memref_squeeze %dma_wait3A_93 : memref<5x1x2048xf32, #tpu.memory_space<hbm>> -> memref<5x2048xf32, #tpu.memory_space<hbm>>
    tpu.wait_dma2 semaphore(%arg27 : memref<!tpu.dma_semaphore, #tpu.memory_space<semaphore_mem>>) src(%arg13 : memref<5x2048xf32, #tpu.memory_space<vmem>>) dst(%dma_wait3A_94 : memref<5x2048xf32, #tpu.memory_space<hbm>>)
    %dma_wait3A_95 = arith.constant 0 : i32
    %dma_wait3A_96 = tpu.memref_slice %arg6[%add3A_86, %dma_wait3A_95] : memref<4096x2048xi32, #tpu.memory_space<hbm>> -> memref<1x2048xi32, #tpu.memory_space<hbm>>
    %dma_wait3A_97 = tpu.memref_squeeze %dma_wait3A_96 : memref<1x2048xi32, #tpu.memory_space<hbm>> -> memref<2048xi32, #tpu.memory_space<hbm>>
    %dma_wait3A_98 = arith.constant 0 : i32
    %dma_wait3A_99 = tpu.memref_slice %arg6[%add3A_86, %dma_wait3A_98] : memref<4096x2048xi32, #tpu.memory_space<hbm>> -> memref<1x2048xi32, #tpu.memory_space<hbm>>
    %dma_wait3A_100 = tpu.memref_squeeze %dma_wait3A_99 : memref<1x2048xi32, #tpu.memory_space<hbm>> -> memref<2048xi32, #tpu.memory_space<hbm>>
    tpu.wait_dma2 semaphore(%arg27 : memref<!tpu.dma_semaphore, #tpu.memory_space<semaphore_mem>>) src(%arg17 : memref<2048xi32, #tpu.memory_space<vmem>>) dst(%dma_wait3A_100 : memref<2048xi32, #tpu.memory_space<hbm>>)
    %add3A_101 = arith.constant 128 : i32
    %add3A_102 = arith.addi %mul3A_2, %add3A_101 : i32
    %sub3A_103 = arith.constant 4 : i32
    %sub3A_104 = arith.subi %add3A_102, %sub3A_103 : i32
    %add3A_105 = arith.constant 3 : i32
    %add3A_106 = arith.addi %sub3A_104, %add3A_105 : i32
    %dma_wait3A_107 = arith.constant 0 : i32
    %dma_wait3A_108 = arith.constant 0 : i32
    %dma_wait3A_109 = tpu.memref_slice %arg5[%dma_wait3A_107, %add3A_106, %dma_wait3A_108] : memref<5x4096x2048xf32, #tpu.memory_space<hbm>> -> memref<5x1x2048xf32, #tpu.memory_space<hbm>>
    %dma_wait3A_110 = tpu.memref_squeeze %dma_wait3A_109 : memref<5x1x2048xf32, #tpu.memory_space<hbm>> -> memref<5x2048xf32, #tpu.memory_space<hbm>>
    %dma_wait3A_111 = arith.constant 0 : i32
    %dma_wait3A_112 = arith.constant 0 : i32
    %dma_wait3A_113 = tpu.memref_slice %arg5[%dma_wait3A_111, %add3A_106, %dma_wait3A_112] : memref<5x4096x2048xf32, #tpu.memory_space<hbm>> -> memref<5x1x2048xf32, #tpu.memory_space<hbm>>
    %dma_wait3A_114 = tpu.memref_squeeze %dma_wait3A_113 : memref<5x1x2048xf32, #tpu.memory_space<hbm>> -> memref<5x2048xf32, #tpu.memory_space<hbm>>
    tpu.wait_dma2 semaphore(%arg28 : memref<!tpu.dma_semaphore, #tpu.memory_space<semaphore_mem>>) src(%arg14 : memref<5x2048xf32, #tpu.memory_space<vmem>>) dst(%dma_wait3A_114 : memref<5x2048xf32, #tpu.memory_space<hbm>>)
    %dma_wait3A_115 = arith.constant 0 : i32
    %dma_wait3A_116 = tpu.memref_slice %arg6[%add3A_106, %dma_wait3A_115] : memref<4096x2048xi32, #tpu.memory_space<hbm>> -> memref<1x2048xi32, #tpu.memory_space<hbm>>
    %dma_wait3A_117 = tpu.memref_squeeze %dma_wait3A_116 : memref<1x2048xi32, #tpu.memory_space<hbm>> -> memref<2048xi32, #tpu.memory_space<hbm>>
    %dma_wait3A_118 = arith.constant 0 : i32
    %dma_wait3A_119 = tpu.memref_slice %arg6[%add3A_106, %dma_wait3A_118] : memref<4096x2048xi32, #tpu.memory_space<hbm>> -> memref<1x2048xi32, #tpu.memory_space<hbm>>
    %dma_wait3A_120 = tpu.memref_squeeze %dma_wait3A_119 : memref<1x2048xi32, #tpu.memory_space<hbm>> -> memref<2048xi32, #tpu.memory_space<hbm>>
    tpu.wait_dma2 semaphore(%arg28 : memref<!tpu.dma_semaphore, #tpu.memory_space<semaphore_mem>>) src(%arg18 : memref<2048xi32, #tpu.memory_space<vmem>>) dst(%dma_wait3A_120 : memref<2048xi32, #tpu.memory_space<hbm>>)
    return
  }
}

</mosaic_0001>

<sc_bundles>
// kernel: kernel.3.cloned.1.call-start
scs
__scs_entry_jumppad:
0x0: {  	(pc) =	sbr.rel $0x88, $3  }
0x1: {  	(tag) =	ssettag $0x0;
	lr =	simm.s32 $0x1  }
0x2: {  	[smem:$0x3F9F] =	sst lr;
	_ =	strace $0xD0000000  }
0x3: {  	_ = 	snop  }
0x4: {  	_ = 	snop  }
0x5: {  	_ = 	snop  }
0x6: {  	_ = 	snop  }
0x7: {  	_ = 	snop  }
__scs_overlays_trampoline_lowered:
0x8: {  	[smem:$0x3FAE] =	sst s0  }
0x9: {  	[smem:$0x3FAF] =	sst s1  }
0xa: {  	[smem:$0x3FB0] =	sst s2  }
0xb: {  	[smem:$0x3FB1] =	sst s3  }
0xc: {  	[smem:$0x3FB2] =	sst s4  }
0xd: {  	[smem:$0x3FB3] =	sst s5  }
0xe: {  	[smem:$0x3FB4] =	sst s6  }
0xf: {  	[smem:$0x3FB5] =	sst s7  }
0x10: {  	[smem:$0x3FB6] =	sst s8  }
0x11: {  	[smem:$0x3FB7] =	sst s9;
	s0 =	simm.s32 @!p0 $0x0  }
0x12: {  	s1 =	sld [smem:$0x3F9D];
	s0 =	simm.s32 @p0 $0x1  }
0x13: {  	[smem:$0x3FB8] =	sst s0;
	s0 =	simm.s32 @!p1 $0x0  }
0x14: {  	s2 =	sld [smem:$0x3F9C];
	s0 =	simm.s32 @p1 $0x1  }
0x15: {  	[smem:$0x3FB9] =	sst s0;
	s0 =	simm.s32 @!p2 $0x0  }
0x16: {  	s3 =	sld [smem:$0x3FDB];
	s0 =	simm.s32 @p2 $0x1  }
0x17: {  	s4 =	simm.s32 $0x1BF5;
	[smem:$0x3FBB] =	sst s0  }
0x18: {  	s0 =	sld [smem:$0x3F9E];
	_ =	swait.ge [sflag:s4], $0x0  }
0x19: {  	s7 =	sld [smem:$0x3F9F]  }
0x1a: {  	s8 =	sadd.s32 $0xFFFFE003, lr  }
0x1b: {  	s9 =	sadd.s32 $0xFFFFFEF7, lr;
	s5 =	simm.s32 $0xFFFFFFFF;
	p2 =	slt.u32 s8, $0xFFFFF086  }
0x1c: {  	p1 =	slt.u32 s9, $0xF7A;
	s5 =	simm.s32 @!p2 $0x0  }
0x1d: {  	s5 =	simm.s32 @p1 $0x1;
	p0 =	seq.s32 s7, s2  }
0x1e: {  	s7 =	smul.u32 @!p0 $0xF7A, s2;
	p2 =	seq.s32 @!p0 s5, $0x0  }
0x1f: {  	s9 =	smul.u32 $0xF7A, s1;
	s8 =	simm.s32 @!p0 $0x1BF5;
	p2 =	por !p2, p0  }
0x20: {  	[sflag:s8] =	ssyncset.s32 @!p0 $0xFFFFF086;
	s6 =	sadd.s32 @!p0 s3, s7;
	s7 =	simm.s32 @!p0 $0x108  }
0x21: {  	s3 =	sadd.s32 s3, s9;
	s6 =	sadd.s32 @!p0 $0x88, s6;
	s7 =	simm.s32 @p2 $0x1082  }
0x22: {  	[simem:s7], [sflag:s8] =	dma.local @!p0 [hbm:s6], $0xF7A  }
0x23: {  	s9 =	sor.u32 $0xD0000000, s2;
	s6 =	simm.s32 $0x108;
	_ =	swait.ge @!p0 [sflag:s8], $0x0  }
0x24: {  	s3 =	sadd.s32 $0x88, s3;
	s6 =	simm.s32 @!p1 $0x1082;
	[sflag:s4] =	ssyncset.s32 $0xFFFFF086  }
0x25: {  	[simem:s6], [sflag:s4] =	dma.local [hbm:s3], $0xF7A  }
0x26: {  	[smem:$0x3F9F] =	sst s1;
	(tag) =	ssettag s2;
	_ =	strace s9  }
0x27: {  	s1 =	sld [smem:$0x3FAF]  }
0x28: {  	s2 =	sld [smem:$0x3FB0]  }
0x29: {  	s4 =	sld [smem:$0x3FB2]  }
0x2a: {  	p0 =	seq.s32 s5, $0x0;
	s5 =	sld [smem:$0x3FB3]  }
0x2b: {  	s6 =	sld [smem:$0x3FB4]  }
0x2c: {  	s7 =	sld [smem:$0x3FB5]  }
0x2d: {  	s3 =	simm.s32 $0x108;
	s8 =	sld [smem:$0x3FB6]  }
0x2e: {  	s3 =	simm.s32 @!p0 $0x1082;
	s9 =	sld [smem:$0x3FB7]  }
0x2f: {  	lr =	sadd.s32 s0, s3;
	s0 =	sld [smem:$0x3FAE]  }
0x30: {  	s3 =	sld [smem:$0x3FB1]  }
0x31: {  	[smem:$0x3FBA] =	sst s10  }
0x32: {  	s10 =	sld [smem:$0x3FB8];
	_ =	sdelay $0x3  }
0x33: {  	p0 =	seq.s32 s10, $0x1;
	s10 =	sld [smem:$0x3FBA];
	_ =	sdelay $0x3  }
0x34: {  	[smem:$0x3FBA] =	sst s10  }
0x35: {  	s10 =	sld [smem:$0x3FB9];
	_ =	sdelay $0x3  }
0x36: {  	p1 =	seq.s32 s10, $0x1;
	s10 =	sld [smem:$0x3FBA];
	_ =	sdelay $0x3  }
0x37: {  	[smem:$0x3FBA] =	sst s10  }
0x38: {  	s10 =	sld [smem:$0x3FBB]  }
0x39: {  	_ = 	snop;
	(pc) =	sbr.ind lr, $3  }
0x3a: {  	_ = 	snop  }
0x3b: {  	_ = 	snop  }
0x3c: {  	p2 =	seq.s32 s10, $0x1;
	s10 =	sld [smem:$0x3FBA]  }
0x3d: {  	_ =	shalt  }
0x3e: {  	_ =	shalt  }
0x3f: {  	_ =	shalt  }
0x40: {  	_ =	shalt  }
0x41: {  	_ =	shalt  }
0x42: {  	_ =	shalt  }
0x43: {  	_ =	shalt  }
0x44: {  	_ =	shalt  }
0x45: {  	_ =	shalt  }
0x46: {  	_ =	shalt  }
0x47: {  	_ =	shalt  }
0x48: {  	_ =	shalt  }
0x49: {  	_ =	shalt  }
0x4a: {  	_ =	shalt  }
0x4b: {  	_ =	shalt  }
0x4c: {  	_ =	shalt  }
0x4d: {  	_ =	shalt  }
0x4e: {  	_ =	shalt  }
0x4f: {  	_ =	shalt  }
0x50: {  	_ =	shalt  }
0x51: {  	_ =	shalt  }
0x52: {  	_ =	shalt  }
0x53: {  	_ =	shalt  }
0x54: {  	_ =	shalt  }
0x55: {  	_ =	shalt  }
0x56: {  	_ =	shalt  }
0x57: {  	_ =	shalt  }
0x58: {  	_ =	shalt  }
0x59: {  	_ =	shalt  }
0x5a: {  	_ =	shalt  }
0x5b: {  	_ =	shalt  }
0x5c: {  	_ =	shalt  }
0x5d: {  	_ =	shalt  }
0x5e: {  	_ =	shalt  }
0x5f: {  	_ =	shalt  }
0x60: {  	_ =	shalt  }
0x61: {  	_ =	shalt  }
0x62: {  	_ =	shalt  }
0x63: {  	_ =	shalt  }
0x64: {  	_ =	shalt  }
0x65: {  	_ =	shalt  }
0x66: {  	_ =	shalt  }
0x67: {  	_ =	shalt  }
0x68: {  	_ =	shalt  }
0x69: {  	_ =	shalt  }
0x6a: {  	_ =	shalt  }
0x6b: {  	_ =	shalt  }
0x6c: {  	_ =	shalt  }
0x6d: {  	_ =	shalt  }
0x6e: {  	_ =	shalt  }
0x6f: {  	_ =	shalt  }
0x70: {  	_ =	shalt  }
0x71: {  	_ =	shalt  }
0x72: {  	_ =	shalt  }
0x73: {  	_ =	shalt  }
0x74: {  	_ =	shalt  }
0x75: {  	_ =	shalt  }
0x76: {  	_ =	shalt  }
0x77: {  	_ =	shalt  }
0x78: {  	_ =	shalt  }
0x79: {  	_ =	shalt  }
0x7a: {  	_ =	shalt  }
0x7b: {  	_ =	shalt  }
0x7c: {  	_ =	shalt  }
0x7d: {  	_ =	shalt  }
0x7e: {  	_ =	shalt  }
0x7f: {  	_ =	shalt  }
0x80: {  	_ =	shalt  }
0x81: {  	_ =	shalt  }
0x82: {  	_ =	shalt  }
0x83: {  	_ =	shalt  }
0x84: {  	_ =	shalt  }
0x85: {  	_ =	shalt  }
0x86: {  	_ =	shalt  }
0x87: {  	_ =	shalt  }
.Lfunc_end0:
.L_simem_size_0:
called_computation_lowered:
.L_overlay_start_0:
0x88: {  	s2 =	sld [smem:$0x3FD9]  }
0x89: {  	s3 =	sld [smem:$0x3FFE];
	_ =	sdelay $0x1  }
0x8a: {  	s1 =	srdreg.scid  }
0x8b: {  	s0 =	sand.u32 $0x1, s1  }
0x8c: {  	s14 =	sshll.u32 s0, $0xA;
	s2 =	sadd.s32 s3, s2  }
0x8d: {  	s2 =	sadd.s32 s2, s14  }
0x8e: {  	[smem:$0x3FC6] =	sst s2  }
0x8f: {  	_ = 	snop  }
0x90: {  	s2 =	sld [smem:$0x3FD0];
	_ =	sdelay $0x2  }
0x91: {  	s4 =	simm.s32 $0xA;
	s5 =	simm.s32 $0x10;
	s15 =	sld [smem:$0x3FC9]  }
0x92: {  	[smem:s5], [sflag:s4] =	dma.local [hbm:s2], $0x1  }
0x93: {  	_ =	swait.eq [sflag:s4], $0x1  }
0x94: {  	[sflag:s4] =	ssyncset.done $0x0  }
0x95: {  	s16 =	sld [smem:$0x10];
	[sflag:s4] =	ssyncadd.s32 $0xFFFFFFFF  }
0x96: {  	s17 =	sld [smem:$0x11];
	(tm) =	ssettm $0x1  }
0x97: {  	s18 =	sld [smem:$0x3FFB];
	_ =	sdelay $0x3  }
0x98: {  	_ =	strace s18  }
0x99: {  	s5 =	sld [smem:$0x3FFC];
	_ =	sdelay $0x3  }
0x9a: {  	_ =	strace s5  }
0x9b: {  	s5 =	sld [smem:$0x3FFD];
	_ =	sdelay $0x3  }
0x9c: {  	_ =	strace s5  }
0x9d: {  	_ =	strace $0x8FFFFFFF  }
0x9e: {  	s19 =	sld [smem:$0x3FDB];
	_ =	sdelay $0x1  }
0x9f: {  	s6 =	simm.s32 $_scs_section_size  }
0xa0: {  	s7 =	simm.s32 $_size__tile_overlayer_lowered;
	s8 =	simm.s32 $_tile_overlayer_lowered  }
0xa1: {  	s22 =	simm.s32 $0x1BFF;
	s21 =	sshll.u32 s8, $0x1;
	s5 =	sadd.s32 s6, s19  }
0xa2: {  	s9 =	simm.s32 $0x0;
	s20 =	sshll.u32 s7, $0x1;
	s7 =	sadd.s32 s21, s5  }
0xa3: {  	[timem:s9], [sflag:s22] =	dma.local [hbm:s7], s20  }
0xa4: {  	_ =	swait.ge [sflag:s22], s20  }
0xa5: {  	s6 =	ssub.s32 $0x0, s20;
	[sflag:s22] =	ssyncset.done $0x0  }
0xa6: {  	[sflag:s22] =	ssyncadd.s32 s6;
	_ =	sdelay $0x1  }
0xa7: {  	s23 =	simm.s32 $0x1B8B  }
0xa8: {  	_ =	swait.ge [sflag:s23], $0x1  }
0xa9: {  	[sflag:s23] =	ssyncset.done $0x0  }
0xaa: {  	s25 =	simm.s32 $0x1B8E;
	s24 =	sld [smem:$0x3FFE];
	[sflag:s23] =	ssyncadd.s32 $0xFFFFFFFF  }
0xab: {  	s26 =	simm.s32 $execute0_lowered;
	[smem:$0x3FD2] =	sst s25  }
0xac: {  	s7 =	sshll.u32 s26, $0x1;
	_ =	strace $0x80000046;
	[dreg:$0x1] =	wrdreg $0xFFFFFFFF  }
0xad: {  	s28 =	simm.s32 $_size_execute0_lowered;
	s5 =	sadd.s32 s5, s7;
	[dreg:$0x0] =	wrdreg $0x0  }
0xae: {  	s7 =	sshll.u32 s28, $0x1;
	[dreg:$0x2] =	wrdreg s5  }
0xaf: {  	[dreg:$0x3] =	wrdreg s7  }
0xb0: {  	[dreg:$0x4] =	wrdreg $0xC0  }
0xb1: {  	_ =	task [dreg:s9], $0x5FFFF  }
0xb2: {  	[dreg:$0x1] =	wrdreg $0xFFFFFFFF  }
0xb3: {  	[dreg:$0x0] =	wrdreg $0x60  }
0xb4: {  	[dreg:$0x2] =	wrdreg s15  }
0xb5: {  	[dreg:$0x3] =	wrdreg s24  }
0xb6: {  	[dreg:$0x4] =	wrdreg s17  }
0xb7: {  	[dreg:$0x5] =	wrdreg s16  }
0xb8: {  	[dreg:$0x6] =	wrdreg $0x9  }
0xb9: {  	_ =	task.clear_ibuf [dreg:s9], $0x7FFFF;
	_ =	strace $0x90000046  }
0xba: {  	s29 =	simm.s32 $0x9;
	_ =	strace $0x80000048  }
0xbb: {  	_ =	swait.ge [sflag:s29], $0x1  }
0xbc: {  	[sflag:s29] =	ssyncadd.s32 $0xFFFFFFFF  }
0xbd: {  	_ =	strace $0x90000048  }
0xbe: {  	_ =	sfence  }
0xbf: {  	s30 =	sld [smem:$0x0];
	_ =	sdelay $0x2  }
0xc0: {  	s31 =	sshll.u32 s1, $0xD;
	s1 =	sshrl.u32 s1, $0x2  }
0xc1: {  	s3 =	sand.u32 $0x4000, s31;
	s1 =	sadd.s32 s1, s30  }
0xc2: {  	s0 =	sor.u32 s3, s0;
	s1 =	sshll.u32 s1, $0x11  }
0xc3: {  	s0 =	sor.u32 s1, s0  }
0xc4: {  	s0 =	sadd.s32 $0x8F2B, s0  }
0xc5: {  	[sflag:s0] =	ssyncadd.remote.s32 $0x1  }
0xc6: {  	_ =	sfence.sel $0xFFFF  }
0xc7: {  	[dreg:$0x0] =	wrdreg $0xFFFFFFFF;
	(pc) =	sbr.abs _section_cstart, $3  }
0xc8: {  	[dreg:$0x1] =	wrdreg $0xFFFFFFFF  }
0xc9: {  	_ =	task.clear_ibuf [dreg:s9], $0x2FFFF;
	_ =	strace $0x9FFFFFFF  }
0xca: {  	(tm) =	ssettm $0x7FFFFFFF  }
0xcb: {  	_ =	shalt  }
tec
execute0_lowered:
.L_overlay_start_1:
0x0: {  	(tag) =	ssettag $0x1  }
0x1: {  	s1 =	rddreg [dreg:$0x0]  }
0x2: {  	s0 =	srdreg.scid;
	s2 =	rddreg [dreg:$0x1]  }
0x3: {  	s3 =	stileid.u32;
	s4 =	rddreg [dreg:$0x3];
	s6 =	simm.s32 $0x0  }
0x4: {  	s17 =	simm.s32 $0x80;
	s18 =	simm.s32 $0x400;
	s19 =	simm.s32 $0x1800  }
0x5: {  	s20 =	simm.s32 $0x3000;
	s21 =	simm.s32 $0x4800;
	s22 =	simm.s32 $0x1  }
0x6: {  	s23 =	simm.s32 $0x800000;
	s9 =	simm.s32 $0x2;
	s13 =	simm.s32 $0x3  }
0x7: {  	s15 =	simm.s32 $0x4;
	s16 =	simm.s32 $0x14C00;
	s0 =	sand.u32 $0x1, s0  }
0x8: {  	s10 =	simm.s32 $0x15400;
	s3 =	sshll.u32 s3, $0x8;
	s5 =	sshll.u32 s0, $0x7  }
0x9: {  	s11 =	simm.s32 $0x15800;
	s0 =	ssub.s32 $0x2, s0;
	s5 =	sor.u32 s5, s3  }
0xa: {  	[smem:$0x7FF] =	sst s6;
	s29 =	sshrl.u32 s0, $0x1;
	s3 =	sshrl.u32 s5, $0x3  }
0xb: {  	s7 =	sadd.s32 $0xA00, s2;
	s0 =	ssub.s32 s0, s29;
	s3 =	smul.u32 $0x1800, s3  }
0xc: {  	_ =	strace $0x80000047;
	[dreg:$0x5] =	wrdreg s7;
	s0 =	smax.u32 s0, $0x1  }
.Ltmp0:
0xd: {  	v0 =	vlaneseq.u32;
	[dreg:$0xa] =	wrdreg s0;
	s30 =	sadd.s32 s1, s3;
	(pc) =	sbr.rel .LBB2_1-.Ltmp0, $4  }
0xe: {  	s12 =	simm.s32 $0x15C00;
	v0 =	vmul.u32 $0x3, v0;
	s3 =	sadd.s32 $0x10, s30;
	[dreg:$0x6] =	wrdreg s30  }
0xf: {  	s24 =	simm.s32 $0x17800;
	s31 =	sadd.s32 $0x20, s30;
	[dreg:$0x7] =	wrdreg s3  }
0x10: {  	v3 =	vimm.s32 $0x0;
	s8 =	sadd.s32 $0xC00, s2;
	v1 =	vadd.s32 $0x1, v0;
	s2 =	sadd.s32 $0x30, s30;
	[dreg:$0x8] =	wrdreg s31  }
0x11: {  	s7 =	simm.s32 $0x15000;
	v2 =	vadd.s32 $0x2, v0;
	v4 =	vadd.s32 $0x41, v0;
	v5 =	vadd.s32 $0x42, v0;
	[dreg:$0x9] =	wrdreg s2;
	s3 =	simm.s32 $0x0  }
.LBB2_12:
0x12: {  	s0 =	simm.s32 $0x5  }
0x13: {  	_ =	swait.ge [sflag:s0], $0x2800  }
0x14: {  	[sflag:s0] =	ssyncset.done $0x0  }
0x15: {  	[sflag:s0] =	ssyncadd.s32 $0xFFFFD800  }
0x16: {  	_ =	swait.ge [sflag:s0], $0x800  }
0x17: {  	[sflag:s0] =	ssyncset.done $0x0  }
0x18: {  	s29 =	simm.s32 $0x6;
	[sflag:s0] =	ssyncadd.s32 $0xFFFFF800  }
0x19: {  	_ =	swait.ge [sflag:s29], $0x2800  }
0x1a: {  	[sflag:s29] =	ssyncset.done $0x0  }
0x1b: {  	[sflag:s29] =	ssyncadd.s32 $0xFFFFD800  }
0x1c: {  	_ =	swait.ge [sflag:s29], $0x800  }
0x1d: {  	[sflag:s29] =	ssyncset.done $0x0  }
0x1e: {  	s30 =	simm.s32 $0x7;
	[sflag:s29] =	ssyncadd.s32 $0xFFFFF800  }
0x1f: {  	_ =	swait.ge [sflag:s30], $0x2800  }
0x20: {  	[sflag:s30] =	ssyncset.done $0x0  }
0x21: {  	[sflag:s30] =	ssyncadd.s32 $0xFFFFD800  }
0x22: {  	_ =	swait.ge [sflag:s30], $0x800  }
0x23: {  	[sflag:s30] =	ssyncset.done $0x0  }
0x24: {  	s2 =	simm.s32 $0x8;
	[sflag:s30] =	ssyncadd.s32 $0xFFFFF800  }
0x25: {  	_ =	swait.ge [sflag:s2], $0x2800  }
0x26: {  	[sflag:s2] =	ssyncset.done $0x0  }
0x27: {  	[sflag:s2] =	ssyncadd.s32 $0xFFFFD800  }
0x28: {  	_ =	swait.ge [sflag:s2], $0x800  }
0x29: {  	s3 =	rddreg [dreg:$0xb]  }
0x2a: {  	s31 =	rddreg [dreg:$0xa];
	s3 =	sadd.s32 $0x1, s3  }
0x2b: {  	p0 =	sne.s32 s3, s31  }
.Ltmp1:
0x2c: {  	_ = 	snop;
	(pc) =	sbr.rel @!p0 .LBB2_13-.Ltmp1, $3  }
0x2d: {  	_ =	sdelay $0x1  }
0x2e: {  	[sflag:s2] =	ssyncset.done $0x0  }
0x2f: {  	[sflag:s2] =	ssyncadd.s32 $0xFFFFF800  }
.LBB2_1:
0x30: {  	[dreg:$0xb] =	wrdreg s3  }
0x31: {  	s0 =	rddreg [dreg:$0x5];
	s2 =	simm.s32 $0x18000;
	s14 =	simm.s32 $0x9  }
0x32: {  	[tilespmem:s2], [sflag:$0x9] =	stream.linear.gather [hbm4b:s0+s6], $0x800, $0x38;
	[tilespmem:$0x19000] =	vst v63  }
0x33: {  	_ =	swait.ge [sflag:s14], $0x800  }
0x34: {  	[sflag:s14] =	ssyncset.done $0x0  }
0x35: {  	[sflag:s14] =	ssyncadd.s32 $0xFFFFF800  }
0x36: {  	s26 =	simm.s32 $0x18800;
	s25 =	rddreg [dreg:$0x2]  }
0x37: {  	[tilespmem:s26], [sflag:$0x9] =	stream.linear.gather [hbm4b:s25+s6], $0x800, $0x38;
	[tilespmem:$0x19000] =	vst v63  }
0x38: {  	_ =	swait.ge [sflag:s14], $0x800  }
0x39: {  	[sflag:s14] =	ssyncset.done $0x0  }
0x3a: {  	s28 =	rddreg [dreg:$0x6];
	[sflag:s14] =	ssyncadd.s32 $0xFFFFF800  }
0x3b: {  	[tilespmem:s6], [sflag:$0x1] =	stream.strided.gather [hbm4b:s28+s17], $0x1800, s18, s17, $0x38;
	[tilespmem:$0x19000] =	vst v63  }
0x3c: {  	s29 =	rddreg [dreg:$0x7]  }
0x3d: {  	[tilespmem:s19], [sflag:$0x2] =	stream.strided.gather [hbm4b:s29+s17], $0x1800, s18, s17, $0x38;
	[tilespmem:$0x19000] =	vst v63  }
0x3e: {  	s30 =	rddreg [dreg:$0x8]  }
0x3f: {  	[tilespmem:s20], [sflag:$0x3] =	stream.strided.gather [hbm4b:s30+s17], $0x1800, s18, s17, $0x38;
	[tilespmem:$0x19000] =	vst v63  }
0x40: {  	s25 =	simm.s32 $0x0;
	s31 =	rddreg [dreg:$0x9]  }
0x41: {  	[tilespmem:s21], [sflag:$0x4] =	stream.strided.gather [hbm4b:s31+s17], $0x1800, s18, s17, $0x38;
	[tilespmem:$0x19000] =	vst v63  }
.LBB2_2:
0x42: {  	_ =	swait.ge [sflag:s22], $0x1800  }
0x43: {  	p0 =	seq.s32 s25, $0x0;
	[sflag:s22] =	ssyncset.done $0x0  }
0x44: {  	s0 =	simm.s32 @!p0 $0x5;
	[sflag:s22] =	ssyncadd.s32 $0xFFFFE800  }
0x45: {  	_ =	swait.ge @!p0 [sflag:s0], $0x2800  }
0x46: {  	[sflag:s0] =	ssyncset.done @!p0 $0x0  }
0x47: {  	s26 =	sshll.u32 s25, $0x2;
	[sflag:s0] =	ssyncadd.s32 @!p0 $0xFFFFD800  }
0x48: {  	s29 =	simm.s32 $0x150;
	s30 =	simm.s32 $0x6140;
	_ =	swait.ge @!p0 [sflag:s0], $0x800  }
0x49: {  	s31 =	simm.s32 $0x18040;
	s2 =	simm.s32 $0x18840;
	[sflag:s0] =	ssyncset.done @!p0 $0x0  }
0x4a: {  	s28 =	sor.u32 s5, s26;
	[sflag:s0] =	ssyncadd.s32 @!p0 $0xFFFFF800;
	s0 =	simm.s32 $0x16040  }
.LBB2_3:
0x4b: {  	s3 =	sadd.s32 $0xFFFFFEB0, s29  }
0x4c: {  	v6 =	vor.u32 s3, v2  }
0x4d: {  	v7 =	vor.u32 s3, v0  }
0x4e: {  	v8 =	vor.u32 s3, v1;
	_ =	sdelay $0x2  }
0x4f: {  	v6 =	vld.idx.msk [tilespmem:v6+s6+$0x0], $0xffff  }
0x50: {  	v7 =	vld.idx.msk [tilespmem:v7+s6+$0x0], $0xffff  }
0x51: {  	v8 =	vld.idx.msk [tilespmem:v8+s6+$0x0], $0xffff;
	_ =	sdelay $0x1  }
0x52: {  	v9 =	vld [tilespmem:s31+$0xFFFFFFC0]  }
0x53: {  	v10 =	vld [tilespmem:s2+$0xFFFFFFC0];
	vm0 =	vgt.f32 v6, $0.0e+00  }
0x54: {  	v7 =	vnsel vm0, $0x0, v7  }
0x55: {  	s14 =	sadd.s32 $0xFFFFFEE0, s29;
	[tilespmem:s30+$0xFFFFFEC0] =	vst v7;
	v7 =	vnsel vm0, $0x0, v8  }
0x56: {  	v6 =	vnsel vm0, $0x0, v6;
	[tilespmem:s30+$0xFFFFFF40] =	vst v7;
	v7 =	vadd.s32 s14, v2  }
0x57: {  	v29 =	vadd.s32 s14, v0;
	[tilespmem:s30+$0xFFFFFFC0] =	vst v6;
	v6 =	vnsel vm0, $0x0, v9  }
0x58: {  	v30 =	vadd.s32 s14, v1;
	[tilespmem:s30+$0x40] =	vst v6;
	v6 =	vnsel vm0, $0x0, v10  }
0x59: {  	[tilespmem:s30+$0xC0] =	vst v6;
	v6 =	vsel vm0, $0x1, v3  }
0x5a: {  	[tilespmem:s0+$0xFFFFFFC0] =	vst v6  }
0x5b: {  	v6 =	vld.idx.msk [tilespmem:v7+s6+$0x0], $0xffff  }
0x5c: {  	v7 =	vld.idx.msk [tilespmem:v29+s6+$0x0], $0xffff  }
0x5d: {  	v31 =	vld.idx.msk [tilespmem:v30+s6+$0x0], $0xffff;
	_ =	sdelay $0x1  }
0x5e: {  	v32 =	vld [tilespmem:s31+$0xFFFFFFD0]  }
0x5f: {  	v33 =	vld [tilespmem:s2+$0xFFFFFFD0];
	vm9 =	vgt.f32 v6, $0.0e+00  }
0x60: {  	v7 =	vnsel vm9, $0x0, v7  }
0x61: {  	s14 =	sadd.s32 $0xFFFFFF10, s29;
	[tilespmem:s30+$0xFFFFFED0] =	vst v7;
	v7 =	vnsel vm9, $0x0, v31  }
0x62: {  	v6 =	vnsel vm9, $0x0, v6;
	[tilespmem:s30+$0xFFFFFF50] =	vst v7;
	v7 =	vadd.s32 s14, v2  }
0x63: {  	v34 =	vadd.s32 s14, v0;
	[tilespmem:s30+$0xFFFFFFD0] =	vst v6;
	v6 =	vnsel vm9, $0x0, v32  }
0x64: {  	v35 =	vadd.s32 s14, v1;
	[tilespmem:s30+$0x50] =	vst v6;
	v6 =	vnsel vm9, $0x0, v33  }
0x65: {  	[tilespmem:s30+$0xD0] =	vst v6;
	v6 =	vsel vm9, $0x1, v3  }
0x66: {  	[tilespmem:s0+$0xFFFFFFD0] =	vst v6  }
0x67: {  	v6 =	vld.idx.msk [tilespmem:v7+s6+$0x0], $0xffff  }
0x68: {  	v7 =	vld.idx.msk [tilespmem:v34+s6+$0x0], $0xffff  }
0x69: {  	v36 =	vld.idx.msk [tilespmem:v35+s6+$0x0], $0xffff;
	_ =	sdelay $0x1  }
0x6a: {  	v37 =	vld [tilespmem:s31+$0xFFFFFFE0]  }
0x6b: {  	v38 =	vld [tilespmem:s2+$0xFFFFFFE0];
	vm10 =	vgt.f32 v6, $0.0e+00  }
0x6c: {  	v7 =	vnsel vm10, $0x0, v7  }
0x6d: {  	s14 =	sadd.s32 $0xFFFFFF40, s29;
	[tilespmem:s30+$0xFFFFFEE0] =	vst v7;
	v7 =	vnsel vm10, $0x0, v36  }
0x6e: {  	v6 =	vnsel vm10, $0x0, v6;
	[tilespmem:s30+$0xFFFFFF60] =	vst v7;
	v7 =	vadd.s32 s14, v2  }
0x6f: {  	v39 =	vadd.s32 s14, v0;
	[tilespmem:s30+$0xFFFFFFE0] =	vst v6;
	v6 =	vnsel vm10, $0x0, v37  }
0x70: {  	v40 =	vadd.s32 s14, v1;
	[tilespmem:s30+$0x60] =	vst v6;
	v6 =	vnsel vm10, $0x0, v38  }
0x71: {  	[tilespmem:s30+$0xE0] =	vst v6;
	v6 =	vsel vm10, $0x1, v3  }
0x72: {  	[tilespmem:s0+$0xFFFFFFE0] =	vst v6  }
0x73: {  	v6 =	vld.idx.msk [tilespmem:v7+s6+$0x0], $0xffff  }
0x74: {  	v7 =	vld.idx.msk [tilespmem:v39+s6+$0x0], $0xffff  }
0x75: {  	v41 =	vld.idx.msk [tilespmem:v40+s6+$0x0], $0xffff;
	_ =	sdelay $0x1  }
0x76: {  	v42 =	vld [tilespmem:s31+$0xFFFFFFF0]  }
0x77: {  	v43 =	vld [tilespmem:s2+$0xFFFFFFF0];
	vm11 =	vgt.f32 v6, $0.0e+00  }
0x78: {  	v7 =	vnsel vm11, $0x0, v7  }
0x79: {  	s14 =	sadd.s32 $0xFFFFFF70, s29;
	[tilespmem:s30+$0xFFFFFEF0] =	vst v7;
	v7 =	vnsel vm11, $0x0, v41  }
0x7a: {  	v6 =	vnsel vm11, $0x0, v6;
	[tilespmem:s30+$0xFFFFFF70] =	vst v7;
	v7 =	vor.u32 s14, v5  }
0x7b: {  	v44 =	vor.u32 s14, v0;
	[tilespmem:s30+$0xFFFFFFF0] =	vst v6;
	v6 =	vnsel vm11, $0x0, v42  }
0x7c: {  	v45 =	vor.u32 s14, v4;
	[tilespmem:s30+$0x70] =	vst v6;
	v6 =	vnsel vm11, $0x0, v43  }
0x7d: {  	[tilespmem:s30+$0xF0] =	vst v6;
	v6 =	vsel vm11, $0x1, v3  }
0x7e: {  	[tilespmem:s0+$0xFFFFFFF0] =	vst v6  }
0x7f: {  	v6 =	vld.idx.msk [tilespmem:v7+s6+$0x0], $0xffff  }
0x80: {  	v7 =	vld.idx.msk [tilespmem:v44+s6+$0x0], $0xffff  }
0x81: {  	v46 =	vld.idx.msk [tilespmem:v45+s6+$0x0], $0xffff;
	_ =	sdelay $0x1  }
0x82: {  	v47 =	vld [tilespmem:s31+$0x0]  }
0x83: {  	v48 =	vld [tilespmem:s2+$0x0];
	vm12 =	vgt.f32 v6, $0.0e+00  }
0x84: {  	v7 =	vnsel vm12, $0x0, v7  }
0x85: {  	s14 =	sadd.s32 $0xFFFFFFA0, s29;
	[tilespmem:s30+$0xFFFFFF00] =	vst v7;
	v7 =	vnsel vm12, $0x0, v46  }
0x86: {  	v6 =	vnsel vm12, $0x0, v6;
	[tilespmem:s30+$0xFFFFFF80] =	vst v7;
	v7 =	vadd.s32 s14, v2  }
0x87: {  	v49 =	vadd.s32 s14, v0;
	[tilespmem:s30+$0x0] =	vst v6;
	v6 =	vnsel vm12, $0x0, v47  }
0x88: {  	v50 =	vadd.s32 s14, v1;
	[tilespmem:s30+$0x80] =	vst v6;
	v6 =	vnsel vm12, $0x0, v48  }
0x89: {  	[tilespmem:s30+$0x100] =	vst v6;
	v6 =	vsel vm12, $0x1, v3  }
0x8a: {  	[tilespmem:s0+$0x0] =	vst v6  }
0x8b: {  	v6 =	vld.idx.msk [tilespmem:v7+s6+$0x0], $0xffff  }
0x8c: {  	v7 =	vld.idx.msk [tilespmem:v49+s6+$0x0], $0xffff  }
0x8d: {  	v51 =	vld.idx.msk [tilespmem:v50+s6+$0x0], $0xffff;
	_ =	sdelay $0x1  }
0x8e: {  	v52 =	vld [tilespmem:s31+$0x10]  }
0x8f: {  	v53 =	vld [tilespmem:s2+$0x10];
	vm13 =	vgt.f32 v6, $0.0e+00  }
0x90: {  	v7 =	vnsel vm13, $0x0, v7  }
0x91: {  	s14 =	sadd.s32 $0xFFFFFFD0, s29;
	[tilespmem:s30+$0xFFFFFF10] =	vst v7;
	v7 =	vnsel vm13, $0x0, v51  }
0x92: {  	v6 =	vnsel vm13, $0x0, v6;
	[tilespmem:s30+$0xFFFFFF90] =	vst v7;
	v7 =	vadd.s32 s14, v2  }
0x93: {  	v54 =	vadd.s32 s14, v0;
	[tilespmem:s30+$0x10] =	vst v6;
	v6 =	vnsel vm13, $0x0, v52  }
0x94: {  	v55 =	vadd.s32 s14, v1;
	[tilespmem:s30+$0x90] =	vst v6;
	v6 =	vnsel vm13, $0x0, v53  }
0x95: {  	[tilespmem:s30+$0x110] =	vst v6;
	v6 =	vsel vm13, $0x1, v3  }
0x96: {  	[tilespmem:s0+$0x10] =	vst v6  }
0x97: {  	v6 =	vld.idx.msk [tilespmem:v7+s6+$0x0], $0xffff  }
0x98: {  	v7 =	vld.idx.msk [tilespmem:v54+s6+$0x0], $0xffff  }
0x99: {  	v56 =	vld.idx.msk [tilespmem:v55+s6+$0x0], $0xffff;
	_ =	sdelay $0x1  }
0x9a: {  	v57 =	vld [tilespmem:s31+$0x20]  }
0x9b: {  	v58 =	vld [tilespmem:s2+$0x20];
	vm14 =	vgt.f32 v6, $0.0e+00  }
0x9c: {  	v7 =	vnsel vm14, $0x0, v7  }
0x9d: {  	[tilespmem:s30+$0xFFFFFF20] =	vst v7;
	v7 =	vnsel vm14, $0x0, v56  }
0x9e: {  	v6 =	vnsel vm14, $0x0, v6;
	[tilespmem:s30+$0xFFFFFFA0] =	vst v7;
	v7 =	vadd.s32 s29, v2  }
0x9f: {  	v59 =	vadd.s32 s29, v0;
	[tilespmem:s30+$0x20] =	vst v6;
	v6 =	vnsel vm14, $0x0, v57  }
0xa0: {  	[tilespmem:s30+$0xA0] =	vst v6;
	v6 =	vnsel vm14, $0x0, v58  }
0xa1: {  	v60 =	vadd.s32 s29, v1;
	[tilespmem:s30+$0x120] =	vst v6;
	v6 =	vsel vm14, $0x1, v3  }
0xa2: {  	[tilespmem:s0+$0x20] =	vst v6  }
0xa3: {  	v6 =	vld.idx.msk [tilespmem:v7+s6+$0x0], $0xffff  }
0xa4: {  	v7 =	vld.idx.msk [tilespmem:v59+s6+$0x0], $0xffff;
	_ =	sdelay $0x1  }
0xa5: {  	v61 =	vld.idx.msk [tilespmem:v60+s6+$0x0], $0xffff  }
0xa6: {  	v62 =	vld [tilespmem:s31+$0x30]  }
0xa7: {  	v63 =	vld [tilespmem:s2+$0x30];
	vm15 =	vgt.f32 v6, $0.0e+00  }
0xa8: {  	v7 =	vnsel vm15, $0x0, v7  }
0xa9: {  	p1 =	sne.s32 s29, $0x17D0;
	v6 =	vnsel vm15, $0x0, v6;
	[tilespmem:s30+$0xFFFFFF30] =	vst v7  }
.Ltmp2:
0xaa: {  	v7 =	vnsel vm15, $0x0, v61;
	[tilespmem:s30+$0x30] =	vst v6;
	(pc) =	sbr.rel @p1 .LBB2_3-.Ltmp2, $4  }
0xab: {  	v6 =	vnsel vm15, $0x0, v62;
	[tilespmem:s30+$0xFFFFFFB0] =	vst v7  }
0xac: {  	[tilespmem:s30+$0xB0] =	vst v6;
	v6 =	vnsel vm15, $0x0, v63  }
0xad: {  	s29 =	sadd.s32 $0x180, s29;
	s31 =	sadd.s32 $0x80, s31;
	[tilespmem:s30+$0x130] =	vst v6;
	v6 =	vsel vm15, $0x1, v3  }
0xae: {  	s2 =	sadd.s32 $0x80, s2;
	s30 =	sadd.s32 $0x400, s30;
	[tilespmem:s0+$0x30] =	vst v6;
	s0 =	sadd.s32 $0x80, s0  }
0xaf: {  	s0 =	sshll.u32 s28, $0x8;
	s2 =	sshll.u32 s25, $0x6  }
0xb0: {  	s0 =	sand.u32 $0xFF800, s0;
	s2 =	sand.u32 $0x40, s2  }
0xb1: {  	s0 =	sor.u32 s2, s0  }
0xb2: {  	s3 =	simm.s32 $0x6000;
	s2 =	sadd.s32 s4, s0  }
0xb3: {  	[hbm4b:s2+s17] =	stream.strided.scatter [tilespmem:s3], [sflag:$0x5], $0x280, s23, s17, $0x38;
	[tilespmem:$0x19000] =	vst v63  }
0xb4: {  	s14 =	simm.s32 $0x6400;
	s3 =	sadd.s32 $0x80, s2  }
0xb5: {  	[hbm4b:s3+s17] =	stream.strided.scatter [tilespmem:s14], [sflag:$0x5], $0x280, s23, s17, $0x38;
	[tilespmem:$0x19000] =	vst v63  }
0xb6: {  	s3 =	sadd.s32 $0x100, s2;
	s14 =	simm.s32 $0x6800  }
0xb7: {  	[hbm4b:s3+s17] =	stream.strided.scatter [tilespmem:s14], [sflag:$0x5], $0x280, s23, s17, $0x38;
	[tilespmem:$0x19000] =	vst v63  }
0xb8: {  	s3 =	sadd.s32 $0x180, s2;
	s14 =	simm.s32 $0x6C00  }
0xb9: {  	[hbm4b:s3+s17] =	stream.strided.scatter [tilespmem:s14], [sflag:$0x5], $0x280, s23, s17, $0x38;
	[tilespmem:$0x19000] =	vst v63  }
0xba: {  	s3 =	sadd.s32 $0x200, s2;
	s14 =	simm.s32 $0x7000  }
0xbb: {  	[hbm4b:s3+s17] =	stream.strided.scatter [tilespmem:s14], [sflag:$0x5], $0x280, s23, s17, $0x38;
	[tilespmem:$0x19000] =	vst v63  }
0xbc: {  	s3 =	sadd.s32 $0x280, s2;
	s14 =	simm.s32 $0x7400  }
0xbd: {  	[hbm4b:s3+s17] =	stream.strided.scatter [tilespmem:s14], [sflag:$0x5], $0x280, s23, s17, $0x38;
	[tilespmem:$0x19000] =	vst v63  }
0xbe: {  	s3 =	sadd.s32 $0x300, s2;
	s14 =	simm.s32 $0x7800  }
0xbf: {  	[hbm4b:s3+s17] =	stream.strided.scatter [tilespmem:s14], [sflag:$0x5], $0x280, s23, s17, $0x38;
	[tilespmem:$0x19000] =	vst v63  }
0xc0: {  	s3 =	sadd.s32 $0x380, s2;
	s14 =	simm.s32 $0x7C00  }
0xc1: {  	[hbm4b:s3+s17] =	stream.strided.scatter [tilespmem:s14], [sflag:$0x5], $0x280, s23, s17, $0x38;
	[tilespmem:$0x19000] =	vst v63  }
0xc2: {  	s3 =	sadd.s32 $0x400, s2;
	s14 =	simm.s32 $0x8000  }
0xc3: {  	[hbm4b:s3+s17] =	stream.strided.scatter [tilespmem:s14], [sflag:$0x5], $0x280, s23, s17, $0x38;
	[tilespmem:$0x19000] =	vst v63  }
0xc4: {  	s3 =	sadd.s32 $0x480, s2;
	s14 =	simm.s32 $0x8400  }
0xc5: {  	[hbm4b:s3+s17] =	stream.strided.scatter [tilespmem:s14], [sflag:$0x5], $0x280, s23, s17, $0x38;
	[tilespmem:$0x19000] =	vst v63  }
0xc6: {  	s3 =	sadd.s32 $0x500, s2;
	s14 =	simm.s32 $0x8800  }
0xc7: {  	[hbm4b:s3+s17] =	stream.strided.scatter [tilespmem:s14], [sflag:$0x5], $0x280, s23, s17, $0x38;
	[tilespmem:$0x19000] =	vst v63  }
0xc8: {  	s3 =	sadd.s32 $0x580, s2;
	s14 =	simm.s32 $0x8C00  }
0xc9: {  	[hbm4b:s3+s17] =	stream.strided.scatter [tilespmem:s14], [sflag:$0x5], $0x280, s23, s17, $0x38;
	[tilespmem:$0x19000] =	vst v63  }
0xca: {  	s3 =	sadd.s32 $0x600, s2;
	s14 =	simm.s32 $0x9000  }
0xcb: {  	[hbm4b:s3+s17] =	stream.strided.scatter [tilespmem:s14], [sflag:$0x5], $0x280, s23, s17, $0x38;
	[tilespmem:$0x19000] =	vst v63  }
0xcc: {  	s3 =	sadd.s32 $0x680, s2;
	s14 =	simm.s32 $0x9400  }
0xcd: {  	[hbm4b:s3+s17] =	stream.strided.scatter [tilespmem:s14], [sflag:$0x5], $0x280, s23, s17, $0x38;
	[tilespmem:$0x19000] =	vst v63  }
0xce: {  	s3 =	sadd.s32 $0x700, s2;
	s14 =	simm.s32 $0x9800  }
0xcf: {  	[hbm4b:s3+s17] =	stream.strided.scatter [tilespmem:s14], [sflag:$0x5], $0x280, s23, s17, $0x38;
	[tilespmem:$0x19000] =	vst v63  }
0xd0: {  	s2 =	sadd.s32 $0x780, s2;
	s14 =	simm.s32 $0x9C00  }
0xd1: {  	[hbm4b:s2+s17] =	stream.strided.scatter [tilespmem:s14], [sflag:$0x5], $0x280, s23, s17, $0x38;
	[tilespmem:$0x19000] =	vst v63  }
0xd2: {  	p1 =	seq.s32 s25, $0x1F;
	s0 =	sadd.s32 s8, s0;
	s14 =	simm.s32 $0x16000  }
0xd3: {  	[hbm4b:s0+s17] =	stream.strided.scatter [tilespmem:s14], [sflag:$0x5], $0x800, s18, s17, $0x38;
	[tilespmem:$0x19000] =	vst v63  }
0xd4: {  	s0 =	sadd.s32 @!p1 $0x4, s28  }
0xd5: {  	s2 =	sshrl.u32 @!p1 s0, $0x3  }
0xd6: {  	s0 =	sshll.u32 @!p1 s0, $0x7;
	s2 =	smul.u32 @!p1 $0xC000, s2  }
0xd7: {  	s0 =	sand.u32 @!p1 $0x200, s0  }
0xd8: {  	s0 =	sor.u32 @!p1 s0, s2  }
0xd9: {  	s3 =	simm.s32 @!p1 $0x400;
	s0 =	sshrl.u32 @!p1 s0, $0x3  }
0xda: {  	s28 =	simm.s32 @!p1 $0x0;
	s2 =	simm.s32 @!p1 $0x80;
	s0 =	sadd.s32 @!p1 s1, s0  }
0xdb: {  	[tilespmem:s28], [sflag:$0x1] =	stream.strided.gather @!p1 [hbm4b:s0+s2], $0x1800, s3, s2, $0x38;
	[tilespmem:$0x19000] =	vst v63  }
0xdc: {  	_ =	swait.ge [sflag:s9], $0x1800  }
0xdd: {  	[sflag:s9] =	ssyncset.done $0x0  }
0xde: {  	s0 =	simm.s32 @!p0 $0x6;
	[sflag:s9] =	ssyncadd.s32 $0xFFFFE800  }
0xdf: {  	_ =	swait.ge @!p0 [sflag:s0], $0x2800  }
0xe0: {  	[sflag:s0] =	ssyncset.done @!p0 $0x0  }
0xe1: {  	s29 =	sor.u32 $0x1, s26;
	[sflag:s0] =	ssyncadd.s32 @!p0 $0xFFFFD800  }
0xe2: {  	s30 =	simm.s32 $0x150;
	s31 =	simm.s32 $0xA140;
	_ =	swait.ge @!p0 [sflag:s0], $0x800  }
0xe3: {  	s28 =	sor.u32 s5, s29;
	s2 =	simm.s32 $0x18040;
	[sflag:s0] =	ssyncset.done @!p0 $0x0  }
0xe4: {  	s3 =	simm.s32 $0x16840;
	[sflag:s0] =	ssyncadd.s32 @!p0 $0xFFFFF800;
	s0 =	simm.s32 $0x18840  }
.LBB2_5:
0xe5: {  	s14 =	sadd.s32 $0xFFFFFEB0, s30  }
0xe6: {  	v6 =	vor.u32 s14, v2  }
0xe7: {  	v7 =	vor.u32 s14, v0  }
0xe8: {  	v8 =	vor.u32 s14, v1;
	_ =	sdelay $0x2  }
0xe9: {  	v6 =	vld.idx.msk [tilespmem:v6+s19+$0x0], $0xffff  }
0xea: {  	v7 =	vld.idx.msk [tilespmem:v7+s19+$0x0], $0xffff  }
0xeb: {  	v8 =	vld.idx.msk [tilespmem:v8+s19+$0x0], $0xffff;
	_ =	sdelay $0x1  }
0xec: {  	v9 =	vld [tilespmem:s2+$0xFFFFFFC0]  }
0xed: {  	v10 =	vld [tilespmem:s0+$0xFFFFFFC0];
	vm0 =	vgt.f32 v6, $0.0e+00  }
0xee: {  	v7 =	vnsel vm0, $0x0, v7  }
0xef: {  	s14 =	sadd.s32 $0xFFFFFEE0, s30;
	[tilespmem:s31+$0xFFFFFEC0] =	vst v7;
	v7 =	vnsel vm0, $0x0, v8  }
0xf0: {  	v6 =	vnsel vm0, $0x0, v6;
	[tilespmem:s31+$0xFFFFFF40] =	vst v7;
	v7 =	vadd.s32 s14, v2  }
0xf1: {  	v29 =	vadd.s32 s14, v0;
	[tilespmem:s31+$0xFFFFFFC0] =	vst v6;
	v6 =	vnsel vm0, $0x0, v9  }
0xf2: {  	v30 =	vadd.s32 s14, v1;
	[tilespmem:s31+$0x40] =	vst v6;
	v6 =	vnsel vm0, $0x0, v10  }
0xf3: {  	[tilespmem:s31+$0xC0] =	vst v6;
	v6 =	vsel vm0, $0x1, v3  }
0xf4: {  	[tilespmem:s3+$0xFFFFFFC0] =	vst v6  }
0xf5: {  	v6 =	vld.idx.msk [tilespmem:v7+s19+$0x0], $0xffff  }
0xf6: {  	v7 =	vld.idx.msk [tilespmem:v29+s19+$0x0], $0xffff  }
0xf7: {  	v31 =	vld.idx.msk [tilespmem:v30+s19+$0x0], $0xffff;
	_ =	sdelay $0x1  }
0xf8: {  	v32 =	vld [tilespmem:s2+$0xFFFFFFD0]  }
0xf9: {  	v33 =	vld [tilespmem:s0+$0xFFFFFFD0];
	vm9 =	vgt.f32 v6, $0.0e+00  }
0xfa: {  	v7 =	vnsel vm9, $0x0, v7  }
0xfb: {  	s14 =	sadd.s32 $0xFFFFFF10, s30;
	[tilespmem:s31+$0xFFFFFED0] =	vst v7;
	v7 =	vnsel vm9, $0x0, v31  }
0xfc: {  	v6 =	vnsel vm9, $0x0, v6;
	[tilespmem:s31+$0xFFFFFF50] =	vst v7;
	v7 =	vadd.s32 s14, v2  }
0xfd: {  	v34 =	vadd.s32 s14, v0;
	[tilespmem:s31+$0xFFFFFFD0] =	vst v6;
	v6 =	vnsel vm9, $0x0, v32  }
0xfe: {  	v35 =	vadd.s32 s14, v1;
	[tilespmem:s31+$0x50] =	vst v6;
	v6 =	vnsel vm9, $0x0, v33  }
0xff: {  	[tilespmem:s31+$0xD0] =	vst v6;
	v6 =	vsel vm9, $0x1, v3  }
0x100: {  	[tilespmem:s3+$0xFFFFFFD0] =	vst v6  }
0x101: {  	v6 =	vld.idx.msk [tilespmem:v7+s19+$0x0], $0xffff  }
0x102: {  	v7 =	vld.idx.msk [tilespmem:v34+s19+$0x0], $0xffff  }
0x103: {  	v36 =	vld.idx.msk [tilespmem:v35+s19+$0x0], $0xffff;
	_ =	sdelay $0x1  }
0x104: {  	v37 =	vld [tilespmem:s2+$0xFFFFFFE0]  }
0x105: {  	v38 =	vld [tilespmem:s0+$0xFFFFFFE0];
	vm10 =	vgt.f32 v6, $0.0e+00  }
0x106: {  	v7 =	vnsel vm10, $0x0, v7  }
0x107: {  	s14 =	sadd.s32 $0xFFFFFF40, s30;
	[tilespmem:s31+$0xFFFFFEE0] =	vst v7;
	v7 =	vnsel vm10, $0x0, v36  }
0x108: {  	v6 =	vnsel vm10, $0x0, v6;
	[tilespmem:s31+$0xFFFFFF60] =	vst v7;
	v7 =	vadd.s32 s14, v2  }
0x109: {  	v39 =	vadd.s32 s14, v0;
	[tilespmem:s31+$0xFFFFFFE0] =	vst v6;
	v6 =	vnsel vm10, $0x0, v37  }
0x10a: {  	v40 =	vadd.s32 s14, v1;
	[tilespmem:s31+$0x60] =	vst v6;
	v6 =	vnsel vm10, $0x0, v38  }
0x10b: {  	[tilespmem:s31+$0xE0] =	vst v6;
	v6 =	vsel vm10, $0x1, v3  }
0x10c: {  	[tilespmem:s3+$0xFFFFFFE0] =	vst v6  }
0x10d: {  	v6 =	vld.idx.msk [tilespmem:v7+s19+$0x0], $0xffff  }
0x10e: {  	v7 =	vld.idx.msk [tilespmem:v39+s19+$0x0], $0xffff  }
0x10f: {  	v41 =	vld.idx.msk [tilespmem:v40+s19+$0x0], $0xffff;
	_ =	sdelay $0x1  }
0x110: {  	v42 =	vld [tilespmem:s2+$0xFFFFFFF0]  }
0x111: {  	v43 =	vld [tilespmem:s0+$0xFFFFFFF0];
	vm11 =	vgt.f32 v6, $0.0e+00  }
0x112: {  	v7 =	vnsel vm11, $0x0, v7  }
0x113: {  	s14 =	sadd.s32 $0xFFFFFF70, s30;
	[tilespmem:s31+$0xFFFFFEF0] =	vst v7;
	v7 =	vnsel vm11, $0x0, v41  }
0x114: {  	v6 =	vnsel vm11, $0x0, v6;
	[tilespmem:s31+$0xFFFFFF70] =	vst v7;
	v7 =	vor.u32 s14, v5  }
0x115: {  	v44 =	vor.u32 s14, v0;
	[tilespmem:s31+$0xFFFFFFF0] =	vst v6;
	v6 =	vnsel vm11, $0x0, v42  }
0x116: {  	v45 =	vor.u32 s14, v4;
	[tilespmem:s31+$0x70] =	vst v6;
	v6 =	vnsel vm11, $0x0, v43  }
0x117: {  	[tilespmem:s31+$0xF0] =	vst v6;
	v6 =	vsel vm11, $0x1, v3  }
0x118: {  	[tilespmem:s3+$0xFFFFFFF0] =	vst v6  }
0x119: {  	v6 =	vld.idx.msk [tilespmem:v7+s19+$0x0], $0xffff  }
0x11a: {  	v7 =	vld.idx.msk [tilespmem:v44+s19+$0x0], $0xffff  }
0x11b: {  	v46 =	vld.idx.msk [tilespmem:v45+s19+$0x0], $0xffff;
	_ =	sdelay $0x1  }
0x11c: {  	v47 =	vld [tilespmem:s2+$0x0]  }
0x11d: {  	v48 =	vld [tilespmem:s0+$0x0];
	vm12 =	vgt.f32 v6, $0.0e+00  }
0x11e: {  	v7 =	vnsel vm12, $0x0, v7  }
0x11f: {  	s14 =	sadd.s32 $0xFFFFFFA0, s30;
	[tilespmem:s31+$0xFFFFFF00] =	vst v7;
	v7 =	vnsel vm12, $0x0, v46  }
0x120: {  	v6 =	vnsel vm12, $0x0, v6;
	[tilespmem:s31+$0xFFFFFF80] =	vst v7;
	v7 =	vadd.s32 s14, v2  }
0x121: {  	v49 =	vadd.s32 s14, v0;
	[tilespmem:s31+$0x0] =	vst v6;
	v6 =	vnsel vm12, $0x0, v47  }
0x122: {  	v50 =	vadd.s32 s14, v1;
	[tilespmem:s31+$0x80] =	vst v6;
	v6 =	vnsel vm12, $0x0, v48  }
0x123: {  	[tilespmem:s31+$0x100] =	vst v6;
	v6 =	vsel vm12, $0x1, v3  }
0x124: {  	[tilespmem:s3+$0x0] =	vst v6  }
0x125: {  	v6 =	vld.idx.msk [tilespmem:v7+s19+$0x0], $0xffff  }
0x126: {  	v7 =	vld.idx.msk [tilespmem:v49+s19+$0x0], $0xffff  }
0x127: {  	v51 =	vld.idx.msk [tilespmem:v50+s19+$0x0], $0xffff;
	_ =	sdelay $0x1  }
0x128: {  	v52 =	vld [tilespmem:s2+$0x10]  }
0x129: {  	v53 =	vld [tilespmem:s0+$0x10];
	vm13 =	vgt.f32 v6, $0.0e+00  }
0x12a: {  	v7 =	vnsel vm13, $0x0, v7  }
0x12b: {  	s14 =	sadd.s32 $0xFFFFFFD0, s30;
	[tilespmem:s31+$0xFFFFFF10] =	vst v7;
	v7 =	vnsel vm13, $0x0, v51  }
0x12c: {  	v6 =	vnsel vm13, $0x0, v6;
	[tilespmem:s31+$0xFFFFFF90] =	vst v7;
	v7 =	vadd.s32 s14, v2  }
0x12d: {  	v54 =	vadd.s32 s14, v0;
	[tilespmem:s31+$0x10] =	vst v6;
	v6 =	vnsel vm13, $0x0, v52  }
0x12e: {  	v55 =	vadd.s32 s14, v1;
	[tilespmem:s31+$0x90] =	vst v6;
	v6 =	vnsel vm13, $0x0, v53  }
0x12f: {  	[tilespmem:s31+$0x110] =	vst v6;
	v6 =	vsel vm13, $0x1, v3  }
0x130: {  	[tilespmem:s3+$0x10] =	vst v6  }
0x131: {  	v6 =	vld.idx.msk [tilespmem:v7+s19+$0x0], $0xffff  }
0x132: {  	v7 =	vld.idx.msk [tilespmem:v54+s19+$0x0], $0xffff  }
0x133: {  	v56 =	vld.idx.msk [tilespmem:v55+s19+$0x0], $0xffff;
	_ =	sdelay $0x1  }
0x134: {  	v57 =	vld [tilespmem:s2+$0x20]  }
0x135: {  	v58 =	vld [tilespmem:s0+$0x20];
	vm14 =	vgt.f32 v6, $0.0e+00  }
0x136: {  	v7 =	vnsel vm14, $0x0, v7  }
0x137: {  	[tilespmem:s31+$0xFFFFFF20] =	vst v7;
	v7 =	vnsel vm14, $0x0, v56  }
0x138: {  	v6 =	vnsel vm14, $0x0, v6;
	[tilespmem:s31+$0xFFFFFFA0] =	vst v7;
	v7 =	vadd.s32 s30, v2  }
0x139: {  	v59 =	vadd.s32 s30, v0;
	[tilespmem:s31+$0x20] =	vst v6;
	v6 =	vnsel vm14, $0x0, v57  }
0x13a: {  	[tilespmem:s31+$0xA0] =	vst v6;
	v6 =	vnsel vm14, $0x0, v58  }
0x13b: {  	v60 =	vadd.s32 s30, v1;
	[tilespmem:s31+$0x120] =	vst v6;
	v6 =	vsel vm14, $0x1, v3  }
0x13c: {  	[tilespmem:s3+$0x20] =	vst v6  }
0x13d: {  	v6 =	vld.idx.msk [tilespmem:v7+s19+$0x0], $0xffff  }
0x13e: {  	v7 =	vld.idx.msk [tilespmem:v59+s19+$0x0], $0xffff;
	_ =	sdelay $0x1  }
0x13f: {  	v61 =	vld.idx.msk [tilespmem:v60+s19+$0x0], $0xffff  }
0x140: {  	v62 =	vld [tilespmem:s2+$0x30]  }
0x141: {  	v63 =	vld [tilespmem:s0+$0x30];
	vm15 =	vgt.f32 v6, $0.0e+00  }
0x142: {  	v7 =	vnsel vm15, $0x0, v7  }
0x143: {  	p2 =	sne.s32 s30, $0x17D0;
	v6 =	vnsel vm15, $0x0, v6;
	[tilespmem:s31+$0xFFFFFF30] =	vst v7  }
.Ltmp3:
0x144: {  	v7 =	vnsel vm15, $0x0, v61;
	[tilespmem:s31+$0x30] =	vst v6;
	(pc) =	sbr.rel @p2 .LBB2_5-.Ltmp3, $4  }
0x145: {  	v6 =	vnsel vm15, $0x0, v62;
	[tilespmem:s31+$0xFFFFFFB0] =	vst v7  }
0x146: {  	[tilespmem:s31+$0xB0] =	vst v6;
	v6 =	vnsel vm15, $0x0, v63  }
0x147: {  	s30 =	sadd.s32 $0x180, s30;
	s2 =	sadd.s32 $0x80, s2;
	[tilespmem:s31+$0x130] =	vst v6;
	v6 =	vsel vm15, $0x1, v3  }
0x148: {  	s0 =	sadd.s32 $0x80, s0;
	s31 =	sadd.s32 $0x400, s31;
	[tilespmem:s3+$0x30] =	vst v6;
	s3 =	sadd.s32 $0x80, s3  }
0x149: {  	s0 =	sshll.u32 s28, $0x8;
	s2 =	sshll.u32 s29, $0x4  }
0x14a: {  	s0 =	sand.u32 $0xFF800, s0;
	s2 =	sand.u32 $0x50, s2  }
0x14b: {  	s0 =	sor.u32 s2, s0  }
0x14c: {  	s3 =	simm.s32 $0xA000;
	s2 =	sadd.s32 s4, s0  }
0x14d: {  	[hbm4b:s2+s17] =	stream.strided.scatter [tilespmem:s3], [sflag:$0x6], $0x280, s23, s17, $0x38;
	[tilespmem:$0x19000] =	vst v63  }
0x14e: {  	s14 =	simm.s32 $0xA400;
	s3 =	sadd.s32 $0x80, s2  }
0x14f: {  	[hbm4b:s3+s17] =	stream.strided.scatter [tilespmem:s14], [sflag:$0x6], $0x280, s23, s17, $0x38;
	[tilespmem:$0x19000] =	vst v63  }
0x150: {  	s3 =	sadd.s32 $0x100, s2;
	s14 =	simm.s32 $0xA800  }
0x151: {  	[hbm4b:s3+s17] =	stream.strided.scatter [tilespmem:s14], [sflag:$0x6], $0x280, s23, s17, $0x38;
	[tilespmem:$0x19000] =	vst v63  }
0x152: {  	s3 =	sadd.s32 $0x180, s2;
	s14 =	simm.s32 $0xAC00  }
0x153: {  	[hbm4b:s3+s17] =	stream.strided.scatter [tilespmem:s14], [sflag:$0x6], $0x280, s23, s17, $0x38;
	[tilespmem:$0x19000] =	vst v63  }
0x154: {  	s3 =	sadd.s32 $0x200, s2;
	s14 =	simm.s32 $0xB000  }
0x155: {  	[hbm4b:s3+s17] =	stream.strided.scatter [tilespmem:s14], [sflag:$0x6], $0x280, s23, s17, $0x38;
	[tilespmem:$0x19000] =	vst v63  }
0x156: {  	s3 =	sadd.s32 $0x280, s2;
	s14 =	simm.s32 $0xB400  }
0x157: {  	[hbm4b:s3+s17] =	stream.strided.scatter [tilespmem:s14], [sflag:$0x6], $0x280, s23, s17, $0x38;
	[tilespmem:$0x19000] =	vst v63  }
0x158: {  	s3 =	sadd.s32 $0x300, s2;
	s14 =	simm.s32 $0xB800  }
0x159: {  	[hbm4b:s3+s17] =	stream.strided.scatter [tilespmem:s14], [sflag:$0x6], $0x280, s23, s17, $0x38;
	[tilespmem:$0x19000] =	vst v63  }
0x15a: {  	s3 =	sadd.s32 $0x380, s2;
	s14 =	simm.s32 $0xBC00  }
0x15b: {  	[hbm4b:s3+s17] =	stream.strided.scatter [tilespmem:s14], [sflag:$0x6], $0x280, s23, s17, $0x38;
	[tilespmem:$0x19000] =	vst v63  }
0x15c: {  	s3 =	sadd.s32 $0x400, s2;
	s14 =	simm.s32 $0xC000  }
0x15d: {  	[hbm4b:s3+s17] =	stream.strided.scatter [tilespmem:s14], [sflag:$0x6], $0x280, s23, s17, $0x38;
	[tilespmem:$0x19000] =	vst v63  }
0x15e: {  	s3 =	sadd.s32 $0x480, s2;
	s14 =	simm.s32 $0xC400  }
0x15f: {  	[hbm4b:s3+s17] =	stream.strided.scatter [tilespmem:s14], [sflag:$0x6], $0x280, s23, s17, $0x38;
	[tilespmem:$0x19000] =	vst v63  }
0x160: {  	s3 =	sadd.s32 $0x500, s2;
	s14 =	simm.s32 $0xC800  }
0x161: {  	[hbm4b:s3+s17] =	stream.strided.scatter [tilespmem:s14], [sflag:$0x6], $0x280, s23, s17, $0x38;
	[tilespmem:$0x19000] =	vst v63  }
0x162: {  	s3 =	sadd.s32 $0x580, s2;
	s14 =	simm.s32 $0xCC00  }
0x163: {  	[hbm4b:s3+s17] =	stream.strided.scatter [tilespmem:s14], [sflag:$0x6], $0x280, s23, s17, $0x38;
	[tilespmem:$0x19000] =	vst v63  }
0x164: {  	s3 =	sadd.s32 $0x600, s2;
	s14 =	simm.s32 $0xD000  }
0x165: {  	[hbm4b:s3+s17] =	stream.strided.scatter [tilespmem:s14], [sflag:$0x6], $0x280, s23, s17, $0x38;
	[tilespmem:$0x19000] =	vst v63  }
0x166: {  	s3 =	sadd.s32 $0x680, s2;
	s14 =	simm.s32 $0xD400  }
0x167: {  	[hbm4b:s3+s17] =	stream.strided.scatter [tilespmem:s14], [sflag:$0x6], $0x280, s23, s17, $0x38;
	[tilespmem:$0x19000] =	vst v63  }
0x168: {  	s3 =	sadd.s32 $0x700, s2;
	s14 =	simm.s32 $0xD800  }
0x169: {  	[hbm4b:s3+s17] =	stream.strided.scatter [tilespmem:s14], [sflag:$0x6], $0x280, s23, s17, $0x38;
	[tilespmem:$0x19000] =	vst v63  }
0x16a: {  	s2 =	sadd.s32 $0x780, s2;
	s14 =	simm.s32 $0xDC00  }
0x16b: {  	[hbm4b:s2+s17] =	stream.strided.scatter [tilespmem:s14], [sflag:$0x6], $0x280, s23, s17, $0x38;
	[tilespmem:$0x19000] =	vst v63  }
0x16c: {  	s0 =	sadd.s32 s8, s0;
	s14 =	simm.s32 $0x16800  }
0x16d: {  	[hbm4b:s0+s17] =	stream.strided.scatter [tilespmem:s14], [sflag:$0x6], $0x800, s18, s17, $0x38;
	[tilespmem:$0x19000] =	vst v63  }
0x16e: {  	s0 =	sadd.s32 @!p1 $0x4, s28  }
0x16f: {  	s2 =	sshrl.u32 @!p1 s0, $0x3  }
0x170: {  	s0 =	sshll.u32 @!p1 s0, $0x7;
	s2 =	smul.u32 @!p1 $0xC000, s2  }
0x171: {  	s0 =	sand.u32 @!p1 $0x280, s0  }
0x172: {  	s0 =	sor.u32 @!p1 s0, s2  }
0x173: {  	s3 =	simm.s32 @!p1 $0x400;
	s0 =	sshrl.u32 @!p1 s0, $0x3  }
0x174: {  	s14 =	simm.s32 @!p1 $0x1800;
	s2 =	simm.s32 @!p1 $0x80;
	s0 =	sadd.s32 @!p1 s1, s0  }
0x175: {  	[tilespmem:s14], [sflag:$0x2] =	stream.strided.gather @!p1 [hbm4b:s0+s2], $0x1800, s3, s2, $0x38;
	[tilespmem:$0x19000] =	vst v63  }
0x176: {  	_ =	swait.ge [sflag:s13], $0x1800  }
0x177: {  	[sflag:s13] =	ssyncset.done $0x0  }
0x178: {  	s0 =	simm.s32 @!p0 $0x7;
	[sflag:s13] =	ssyncadd.s32 $0xFFFFE800  }
0x179: {  	_ =	swait.ge @!p0 [sflag:s0], $0x2800  }
0x17a: {  	[sflag:s0] =	ssyncset.done @!p0 $0x0  }
0x17b: {  	s29 =	sor.u32 $0x2, s26;
	[sflag:s0] =	ssyncadd.s32 @!p0 $0xFFFFD800  }
0x17c: {  	s30 =	simm.s32 $0x150;
	s31 =	simm.s32 $0xE140;
	_ =	swait.ge @!p0 [sflag:s0], $0x800  }
0x17d: {  	s28 =	sor.u32 s5, s29;
	s2 =	simm.s32 $0x18040;
	[sflag:s0] =	ssyncset.done @!p0 $0x0  }
0x17e: {  	s3 =	simm.s32 $0x17040;
	[sflag:s0] =	ssyncadd.s32 @!p0 $0xFFFFF800;
	s0 =	simm.s32 $0x18840  }
.LBB2_7:
0x17f: {  	s14 =	sadd.s32 $0xFFFFFEB0, s30  }
0x180: {  	v6 =	vor.u32 s14, v2  }
0x181: {  	v7 =	vor.u32 s14, v0  }
0x182: {  	v8 =	vor.u32 s14, v1;
	_ =	sdelay $0x2  }
0x183: {  	v6 =	vld.idx.msk [tilespmem:v6+s20+$0x0], $0xffff  }
0x184: {  	v7 =	vld.idx.msk [tilespmem:v7+s20+$0x0], $0xffff  }
0x185: {  	v8 =	vld.idx.msk [tilespmem:v8+s20+$0x0], $0xffff;
	_ =	sdelay $0x1  }
0x186: {  	v9 =	vld [tilespmem:s2+$0xFFFFFFC0]  }
0x187: {  	v10 =	vld [tilespmem:s0+$0xFFFFFFC0];
	vm0 =	vgt.f32 v6, $0.0e+00  }
0x188: {  	v7 =	vnsel vm0, $0x0, v7  }
0x189: {  	s14 =	sadd.s32 $0xFFFFFEE0, s30;
	[tilespmem:s31+$0xFFFFFEC0] =	vst v7;
	v7 =	vnsel vm0, $0x0, v8  }
0x18a: {  	v6 =	vnsel vm0, $0x0, v6;
	[tilespmem:s31+$0xFFFFFF40] =	vst v7;
	v7 =	vadd.s32 s14, v2  }
0x18b: {  	v29 =	vadd.s32 s14, v0;
	[tilespmem:s31+$0xFFFFFFC0] =	vst v6;
	v6 =	vnsel vm0, $0x0, v9  }
0x18c: {  	v30 =	vadd.s32 s14, v1;
	[tilespmem:s31+$0x40] =	vst v6;
	v6 =	vnsel vm0, $0x0, v10  }
0x18d: {  	[tilespmem:s31+$0xC0] =	vst v6;
	v6 =	vsel vm0, $0x1, v3  }
0x18e: {  	[tilespmem:s3+$0xFFFFFFC0] =	vst v6  }
0x18f: {  	v6 =	vld.idx.msk [tilespmem:v7+s20+$0x0], $0xffff  }
0x190: {  	v7 =	vld.idx.msk [tilespmem:v29+s20+$0x0], $0xffff  }
0x191: {  	v31 =	vld.idx.msk [tilespmem:v30+s20+$0x0], $0xffff;
	_ =	sdelay $0x1  }
0x192: {  	v32 =	vld [tilespmem:s2+$0xFFFFFFD0]  }
0x193: {  	v33 =	vld [tilespmem:s0+$0xFFFFFFD0];
	vm9 =	vgt.f32 v6, $0.0e+00  }
0x194: {  	v7 =	vnsel vm9, $0x0, v7  }
0x195: {  	s14 =	sadd.s32 $0xFFFFFF10, s30;
	[tilespmem:s31+$0xFFFFFED0] =	vst v7;
	v7 =	vnsel vm9, $0x0, v31  }
0x196: {  	v6 =	vnsel vm9, $0x0, v6;
	[tilespmem:s31+$0xFFFFFF50] =	vst v7;
	v7 =	vadd.s32 s14, v2  }
0x197: {  	v34 =	vadd.s32 s14, v0;
	[tilespmem:s31+$0xFFFFFFD0] =	vst v6;
	v6 =	vnsel vm9, $0x0, v32  }
0x198: {  	v35 =	vadd.s32 s14, v1;
	[tilespmem:s31+$0x50] =	vst v6;
	v6 =	vnsel vm9, $0x0, v33  }
0x199: {  	[tilespmem:s31+$0xD0] =	vst v6;
	v6 =	vsel vm9, $0x1, v3  }
0x19a: {  	[tilespmem:s3+$0xFFFFFFD0] =	vst v6  }
0x19b: {  	v6 =	vld.idx.msk [tilespmem:v7+s20+$0x0], $0xffff  }
0x19c: {  	v7 =	vld.idx.msk [tilespmem:v34+s20+$0x0], $0xffff  }
0x19d: {  	v36 =	vld.idx.msk [tilespmem:v35+s20+$0x0], $0xffff;
	_ =	sdelay $0x1  }
0x19e: {  	v37 =	vld [tilespmem:s2+$0xFFFFFFE0]  }
0x19f: {  	v38 =	vld [tilespmem:s0+$0xFFFFFFE0];
	vm10 =	vgt.f32 v6, $0.0e+00  }
0x1a0: {  	v7 =	vnsel vm10, $0x0, v7  }
0x1a1: {  	s14 =	sadd.s32 $0xFFFFFF40, s30;
	[tilespmem:s31+$0xFFFFFEE0] =	vst v7;
	v7 =	vnsel vm10, $0x0, v36  }
0x1a2: {  	v6 =	vnsel vm10, $0x0, v6;
	[tilespmem:s31+$0xFFFFFF60] =	vst v7;
	v7 =	vadd.s32 s14, v2  }
0x1a3: {  	v39 =	vadd.s32 s14, v0;
	[tilespmem:s31+$0xFFFFFFE0] =	vst v6;
	v6 =	vnsel vm10, $0x0, v37  }
0x1a4: {  	v40 =	vadd.s32 s14, v1;
	[tilespmem:s31+$0x60] =	vst v6;
	v6 =	vnsel vm10, $0x0, v38  }
0x1a5: {  	[tilespmem:s31+$0xE0] =	vst v6;
	v6 =	vsel vm10, $0x1, v3  }
0x1a6: {  	[tilespmem:s3+$0xFFFFFFE0] =	vst v6  }
0x1a7: {  	v6 =	vld.idx.msk [tilespmem:v7+s20+$0x0], $0xffff  }
0x1a8: {  	v7 =	vld.idx.msk [tilespmem:v39+s20+$0x0], $0xffff  }
0x1a9: {  	v41 =	vld.idx.msk [tilespmem:v40+s20+$0x0], $0xffff;
	_ =	sdelay $0x1  }
0x1aa: {  	v42 =	vld [tilespmem:s2+$0xFFFFFFF0]  }
0x1ab: {  	v43 =	vld [tilespmem:s0+$0xFFFFFFF0];
	vm11 =	vgt.f32 v6, $0.0e+00  }
0x1ac: {  	v7 =	vnsel vm11, $0x0, v7  }
0x1ad: {  	s14 =	sadd.s32 $0xFFFFFF70, s30;
	[tilespmem:s31+$0xFFFFFEF0] =	vst v7;
	v7 =	vnsel vm11, $0x0, v41  }
0x1ae: {  	v6 =	vnsel vm11, $0x0, v6;
	[tilespmem:s31+$0xFFFFFF70] =	vst v7;
	v7 =	vor.u32 s14, v5  }
0x1af: {  	v44 =	vor.u32 s14, v0;
	[tilespmem:s31+$0xFFFFFFF0] =	vst v6;
	v6 =	vnsel vm11, $0x0, v42  }
0x1b0: {  	v45 =	vor.u32 s14, v4;
	[tilespmem:s31+$0x70] =	vst v6;
	v6 =	vnsel vm11, $0x0, v43  }
0x1b1: {  	[tilespmem:s31+$0xF0] =	vst v6;
	v6 =	vsel vm11, $0x1, v3  }
0x1b2: {  	[tilespmem:s3+$0xFFFFFFF0] =	vst v6  }
0x1b3: {  	v6 =	vld.idx.msk [tilespmem:v7+s20+$0x0], $0xffff  }
0x1b4: {  	v7 =	vld.idx.msk [tilespmem:v44+s20+$0x0], $0xffff  }
0x1b5: {  	v46 =	vld.idx.msk [tilespmem:v45+s20+$0x0], $0xffff;
	_ =	sdelay $0x1  }
0x1b6: {  	v47 =	vld [tilespmem:s2+$0x0]  }
0x1b7: {  	v48 =	vld [tilespmem:s0+$0x0];
	vm12 =	vgt.f32 v6, $0.0e+00  }
0x1b8: {  	v7 =	vnsel vm12, $0x0, v7  }
0x1b9: {  	s14 =	sadd.s32 $0xFFFFFFA0, s30;
	[tilespmem:s31+$0xFFFFFF00] =	vst v7;
	v7 =	vnsel vm12, $0x0, v46  }
0x1ba: {  	v6 =	vnsel vm12, $0x0, v6;
	[tilespmem:s31+$0xFFFFFF80] =	vst v7;
	v7 =	vadd.s32 s14, v2  }
0x1bb: {  	v49 =	vadd.s32 s14, v0;
	[tilespmem:s31+$0x0] =	vst v6;
	v6 =	vnsel vm12, $0x0, v47  }
0x1bc: {  	v50 =	vadd.s32 s14, v1;
	[tilespmem:s31+$0x80] =	vst v6;
	v6 =	vnsel vm12, $0x0, v48  }
0x1bd: {  	[tilespmem:s31+$0x100] =	vst v6;
	v6 =	vsel vm12, $0x1, v3  }
0x1be: {  	[tilespmem:s3+$0x0] =	vst v6  }
0x1bf: {  	v6 =	vld.idx.msk [tilespmem:v7+s20+$0x0], $0xffff  }
0x1c0: {  	v7 =	vld.idx.msk [tilespmem:v49+s20+$0x0], $0xffff  }
0x1c1: {  	v51 =	vld.idx.msk [tilespmem:v50+s20+$0x0], $0xffff;
	_ =	sdelay $0x1  }
0x1c2: {  	v52 =	vld [tilespmem:s2+$0x10]  }
0x1c3: {  	v53 =	vld [tilespmem:s0+$0x10];
	vm13 =	vgt.f32 v6, $0.0e+00  }
0x1c4: {  	v7 =	vnsel vm13, $0x0, v7  }
0x1c5: {  	s14 =	sadd.s32 $0xFFFFFFD0, s30;
	[tilespmem:s31+$0xFFFFFF10] =	vst v7;
	v7 =	vnsel vm13, $0x0, v51  }
0x1c6: {  	v6 =	vnsel vm13, $0x0, v6;
	[tilespmem:s31+$0xFFFFFF90] =	vst v7;
	v7 =	vadd.s32 s14, v2  }
0x1c7: {  	v54 =	vadd.s32 s14, v0;
	[tilespmem:s31+$0x10] =	vst v6;
	v6 =	vnsel vm13, $0x0, v52  }
0x1c8: {  	v55 =	vadd.s32 s14, v1;
	[tilespmem:s31+$0x90] =	vst v6;
	v6 =	vnsel vm13, $0x0, v53  }
0x1c9: {  	[tilespmem:s31+$0x110] =	vst v6;
	v6 =	vsel vm13, $0x1, v3  }
0x1ca: {  	[tilespmem:s3+$0x10] =	vst v6  }
0x1cb: {  	v6 =	vld.idx.msk [tilespmem:v7+s20+$0x0], $0xffff  }
0x1cc: {  	v7 =	vld.idx.msk [tilespmem:v54+s20+$0x0], $0xffff  }
0x1cd: {  	v56 =	vld.idx.msk [tilespmem:v55+s20+$0x0], $0xffff;
	_ =	sdelay $0x1  }
0x1ce: {  	v57 =	vld [tilespmem:s2+$0x20]  }
0x1cf: {  	v58 =	vld [tilespmem:s0+$0x20];
	vm14 =	vgt.f32 v6, $0.0e+00  }
0x1d0: {  	v7 =	vnsel vm14, $0x0, v7  }
0x1d1: {  	[tilespmem:s31+$0xFFFFFF20] =	vst v7;
	v7 =	vnsel vm14, $0x0, v56  }
0x1d2: {  	v6 =	vnsel vm14, $0x0, v6;
	[tilespmem:s31+$0xFFFFFFA0] =	vst v7;
	v7 =	vadd.s32 s30, v2  }
0x1d3: {  	v59 =	vadd.s32 s30, v0;
	[tilespmem:s31+$0x20] =	vst v6;
	v6 =	vnsel vm14, $0x0, v57  }
0x1d4: {  	[tilespmem:s31+$0xA0] =	vst v6;
	v6 =	vnsel vm14, $0x0, v58  }
0x1d5: {  	v60 =	vadd.s32 s30, v1;
	[tilespmem:s31+$0x120] =	vst v6;
	v6 =	vsel vm14, $0x1, v3  }
0x1d6: {  	[tilespmem:s3+$0x20] =	vst v6  }
0x1d7: {  	v6 =	vld.idx.msk [tilespmem:v7+s20+$0x0], $0xffff  }
0x1d8: {  	v7 =	vld.idx.msk [tilespmem:v59+s20+$0x0], $0xffff;
	_ =	sdelay $0x1  }
0x1d9: {  	v61 =	vld.idx.msk [tilespmem:v60+s20+$0x0], $0xffff  }
0x1da: {  	v62 =	vld [tilespmem:s2+$0x30]  }
0x1db: {  	v63 =	vld [tilespmem:s0+$0x30];
	vm15 =	vgt.f32 v6, $0.0e+00  }
0x1dc: {  	v7 =	vnsel vm15, $0x0, v7  }
0x1dd: {  	p2 =	sne.s32 s30, $0x17D0;
	v6 =	vnsel vm15, $0x0, v6;
	[tilespmem:s31+$0xFFFFFF30] =	vst v7  }
.Ltmp4:
0x1de: {  	v7 =	vnsel vm15, $0x0, v61;
	[tilespmem:s31+$0x30] =	vst v6;
	(pc) =	sbr.rel @p2 .LBB2_7-.Ltmp4, $4  }
0x1df: {  	v6 =	vnsel vm15, $0x0, v62;
	[tilespmem:s31+$0xFFFFFFB0] =	vst v7  }
0x1e0: {  	[tilespmem:s31+$0xB0] =	vst v6;
	v6 =	vnsel vm15, $0x0, v63  }
0x1e1: {  	s30 =	sadd.s32 $0x180, s30;
	s2 =	sadd.s32 $0x80, s2;
	[tilespmem:s31+$0x130] =	vst v6;
	v6 =	vsel vm15, $0x1, v3  }
0x1e2: {  	s0 =	sadd.s32 $0x80, s0;
	s31 =	sadd.s32 $0x400, s31;
	[tilespmem:s3+$0x30] =	vst v6;
	s3 =	sadd.s32 $0x80, s3  }
0x1e3: {  	s0 =	sshll.u32 s28, $0x8;
	s2 =	sshll.u32 s29, $0x4  }
0x1e4: {  	s0 =	sand.u32 $0xFF800, s0;
	s2 =	sand.u32 $0x60, s2  }
0x1e5: {  	s0 =	sor.u32 s2, s0  }
0x1e6: {  	s3 =	simm.s32 $0xE000;
	s2 =	sadd.s32 s4, s0  }
0x1e7: {  	[hbm4b:s2+s17] =	stream.strided.scatter [tilespmem:s3], [sflag:$0x7], $0x280, s23, s17, $0x38;
	[tilespmem:$0x19000] =	vst v63  }
0x1e8: {  	s14 =	simm.s32 $0xE400;
	s31 =	sadd.s32 $0x80, s2  }
0x1e9: {  	[hbm4b:s31+s17] =	stream.strided.scatter [tilespmem:s14], [sflag:$0x7], $0x280, s23, s17, $0x38;
	[tilespmem:$0x19000] =	vst v63  }
0x1ea: {  	s14 =	sadd.s32 $0x100, s2;
	s31 =	simm.s32 $0xE800  }
0x1eb: {  	[hbm4b:s14+s17] =	stream.strided.scatter [tilespmem:s31], [sflag:$0x7], $0x280, s23, s17, $0x38;
	[tilespmem:$0x19000] =	vst v63  }
0x1ec: {  	s14 =	sadd.s32 $0x180, s2;
	s31 =	simm.s32 $0xEC00  }
0x1ed: {  	[hbm4b:s14+s17] =	stream.strided.scatter [tilespmem:s31], [sflag:$0x7], $0x280, s23, s17, $0x38;
	[tilespmem:$0x19000] =	vst v63  }
0x1ee: {  	s14 =	sadd.s32 $0x200, s2;
	s31 =	simm.s32 $0xF000  }
0x1ef: {  	[hbm4b:s14+s17] =	stream.strided.scatter [tilespmem:s31], [sflag:$0x7], $0x280, s23, s17, $0x38;
	[tilespmem:$0x19000] =	vst v63  }
0x1f0: {  	s14 =	sadd.s32 $0x280, s2;
	s31 =	simm.s32 $0xF400  }
0x1f1: {  	[hbm4b:s14+s17] =	stream.strided.scatter [tilespmem:s31], [sflag:$0x7], $0x280, s23, s17, $0x38;
	[tilespmem:$0x19000] =	vst v63  }
0x1f2: {  	s14 =	sadd.s32 $0x300, s2;
	s31 =	simm.s32 $0xF800  }
0x1f3: {  	[hbm4b:s14+s17] =	stream.strided.scatter [tilespmem:s31], [sflag:$0x7], $0x280, s23, s17, $0x38;
	[tilespmem:$0x19000] =	vst v63  }
0x1f4: {  	s14 =	sadd.s32 $0x380, s2;
	s31 =	simm.s32 $0xFC00  }
0x1f5: {  	[hbm4b:s14+s17] =	stream.strided.scatter [tilespmem:s31], [sflag:$0x7], $0x280, s23, s17, $0x38;
	[tilespmem:$0x19000] =	vst v63  }
0x1f6: {  	s14 =	sadd.s32 $0x400, s2;
	s31 =	simm.s32 $0x10000  }
0x1f7: {  	[hbm4b:s14+s17] =	stream.strided.scatter [tilespmem:s31], [sflag:$0x7], $0x280, s23, s17, $0x38;
	[tilespmem:$0x19000] =	vst v63  }
0x1f8: {  	s14 =	sadd.s32 $0x480, s2;
	s31 =	simm.s32 $0x10400  }
0x1f9: {  	[hbm4b:s14+s17] =	stream.strided.scatter [tilespmem:s31], [sflag:$0x7], $0x280, s23, s17, $0x38;
	[tilespmem:$0x19000] =	vst v63  }
0x1fa: {  	s14 =	sadd.s32 $0x500, s2;
	s31 =	simm.s32 $0x10800  }
0x1fb: {  	[hbm4b:s14+s17] =	stream.strided.scatter [tilespmem:s31], [sflag:$0x7], $0x280, s23, s17, $0x38;
	[tilespmem:$0x19000] =	vst v63  }
0x1fc: {  	s14 =	sadd.s32 $0x580, s2;
	s31 =	simm.s32 $0x10C00  }
0x1fd: {  	[hbm4b:s14+s17] =	stream.strided.scatter [tilespmem:s31], [sflag:$0x7], $0x280, s23, s17, $0x38;
	[tilespmem:$0x19000] =	vst v63  }
0x1fe: {  	s14 =	sadd.s32 $0x600, s2;
	s31 =	simm.s32 $0x11000  }
0x1ff: {  	[hbm4b:s14+s17] =	stream.strided.scatter [tilespmem:s31], [sflag:$0x7], $0x280, s23, s17, $0x38;
	[tilespmem:$0x19000] =	vst v63  }
0x200: {  	s14 =	sadd.s32 $0x680, s2;
	s31 =	simm.s32 $0x11400  }
0x201: {  	[hbm4b:s14+s17] =	stream.strided.scatter [tilespmem:s31], [sflag:$0x7], $0x280, s23, s17, $0x38;
	[tilespmem:$0x19000] =	vst v63  }
0x202: {  	s14 =	sadd.s32 $0x700, s2;
	s31 =	simm.s32 $0x11800  }
0x203: {  	[hbm4b:s14+s17] =	stream.strided.scatter [tilespmem:s31], [sflag:$0x7], $0x280, s23, s17, $0x38;
	[tilespmem:$0x19000] =	vst v63  }
0x204: {  	s2 =	sadd.s32 $0x780, s2;
	s14 =	simm.s32 $0x11C00  }
0x205: {  	[hbm4b:s2+s17] =	stream.strided.scatter [tilespmem:s14], [sflag:$0x7], $0x280, s23, s17, $0x38;
	[tilespmem:$0x19000] =	vst v63  }
0x206: {  	s0 =	sadd.s32 s8, s0;
	s31 =	simm.s32 $0x17000  }
0x207: {  	[hbm4b:s0+s17] =	stream.strided.scatter [tilespmem:s31], [sflag:$0x7], $0x800, s18, s17, $0x38;
	[tilespmem:$0x19000] =	vst v63  }
0x208: {  	s0 =	sadd.s32 @!p1 $0x4, s28  }
0x209: {  	s2 =	sshrl.u32 @!p1 s0, $0x3  }
0x20a: {  	s0 =	sshll.u32 @!p1 s0, $0x7;
	s2 =	smul.u32 @!p1 $0xC000, s2  }
0x20b: {  	s0 =	sand.u32 @!p1 $0x300, s0  }
0x20c: {  	s0 =	sor.u32 @!p1 s0, s2  }
0x20d: {  	s3 =	simm.s32 @!p1 $0x400;
	s0 =	sshrl.u32 @!p1 s0, $0x3  }
0x20e: {  	s14 =	simm.s32 @!p1 $0x3000;
	s2 =	simm.s32 @!p1 $0x80;
	s0 =	sadd.s32 @!p1 s1, s0  }
0x20f: {  	[tilespmem:s14], [sflag:$0x3] =	stream.strided.gather @!p1 [hbm4b:s0+s2], $0x1800, s3, s2, $0x38;
	[tilespmem:$0x19000] =	vst v63  }
0x210: {  	_ =	swait.ge [sflag:s15], $0x1800  }
0x211: {  	[sflag:s15] =	ssyncset.done $0x0  }
0x212: {  	s0 =	simm.s32 @!p0 $0x8;
	[sflag:s15] =	ssyncadd.s32 $0xFFFFE800  }
0x213: {  	_ =	swait.ge @!p0 [sflag:s0], $0x2800  }
0x214: {  	[sflag:s0] =	ssyncset.done @!p0 $0x0  }
0x215: {  	s29 =	simm.s32 $0x150;
	[sflag:s0] =	ssyncadd.s32 @!p0 $0xFFFFD800  }
0x216: {  	s30 =	simm.s32 $0x12140;
	s28 =	sor.u32 $0x3, s26;
	_ =	swait.ge @!p0 [sflag:s0], $0x800  }
0x217: {  	s26 =	sor.u32 s5, s28;
	s2 =	simm.s32 $0x18040;
	[sflag:s0] =	ssyncset.done @!p0 $0x0  }
0x218: {  	s3 =	simm.s32 $0x17840;
	[sflag:s0] =	ssyncadd.s32 @!p0 $0xFFFFF800;
	s0 =	simm.s32 $0x18840  }
.LBB2_9:
0x219: {  	s14 =	sadd.s32 $0xFFFFFEB0, s29  }
0x21a: {  	v6 =	vor.u32 s14, v2  }
0x21b: {  	v7 =	vor.u32 s14, v0  }
0x21c: {  	v8 =	vor.u32 s14, v1;
	_ =	sdelay $0x2  }
0x21d: {  	v6 =	vld.idx.msk [tilespmem:v6+s21+$0x0], $0xffff  }
0x21e: {  	v7 =	vld.idx.msk [tilespmem:v7+s21+$0x0], $0xffff  }
0x21f: {  	v8 =	vld.idx.msk [tilespmem:v8+s21+$0x0], $0xffff;
	_ =	sdelay $0x1  }
0x220: {  	v9 =	vld [tilespmem:s2+$0xFFFFFFC0]  }
0x221: {  	v10 =	vld [tilespmem:s0+$0xFFFFFFC0];
	vm0 =	vgt.f32 v6, $0.0e+00  }
0x222: {  	v7 =	vnsel vm0, $0x0, v7  }
0x223: {  	s31 =	sadd.s32 $0xFFFFFEE0, s29;
	[tilespmem:s30+$0xFFFFFEC0] =	vst v7;
	v7 =	vnsel vm0, $0x0, v8  }
0x224: {  	v6 =	vnsel vm0, $0x0, v6;
	[tilespmem:s30+$0xFFFFFF40] =	vst v7;
	v7 =	vadd.s32 s31, v2  }
0x225: {  	v29 =	vadd.s32 s31, v0;
	[tilespmem:s30+$0xFFFFFFC0] =	vst v6;
	v6 =	vnsel vm0, $0x0, v9  }
0x226: {  	v30 =	vadd.s32 s31, v1;
	[tilespmem:s30+$0x40] =	vst v6;
	v6 =	vnsel vm0, $0x0, v10  }
0x227: {  	[tilespmem:s30+$0xC0] =	vst v6;
	v6 =	vsel vm0, $0x1, v3  }
0x228: {  	[tilespmem:s3+$0xFFFFFFC0] =	vst v6  }
0x229: {  	v6 =	vld.idx.msk [tilespmem:v7+s21+$0x0], $0xffff  }
0x22a: {  	v7 =	vld.idx.msk [tilespmem:v29+s21+$0x0], $0xffff  }
0x22b: {  	v31 =	vld.idx.msk [tilespmem:v30+s21+$0x0], $0xffff;
	_ =	sdelay $0x1  }
0x22c: {  	v32 =	vld [tilespmem:s2+$0xFFFFFFD0]  }
0x22d: {  	v33 =	vld [tilespmem:s0+$0xFFFFFFD0];
	vm9 =	vgt.f32 v6, $0.0e+00  }
0x22e: {  	v7 =	vnsel vm9, $0x0, v7  }
0x22f: {  	s31 =	sadd.s32 $0xFFFFFF10, s29;
	[tilespmem:s30+$0xFFFFFED0] =	vst v7;
	v7 =	vnsel vm9, $0x0, v31  }
0x230: {  	v6 =	vnsel vm9, $0x0, v6;
	[tilespmem:s30+$0xFFFFFF50] =	vst v7;
	v7 =	vadd.s32 s31, v2  }
0x231: {  	v34 =	vadd.s32 s31, v0;
	[tilespmem:s30+$0xFFFFFFD0] =	vst v6;
	v6 =	vnsel vm9, $0x0, v32  }
0x232: {  	v35 =	vadd.s32 s31, v1;
	[tilespmem:s30+$0x50] =	vst v6;
	v6 =	vnsel vm9, $0x0, v33  }
0x233: {  	[tilespmem:s30+$0xD0] =	vst v6;
	v6 =	vsel vm9, $0x1, v3  }
0x234: {  	[tilespmem:s3+$0xFFFFFFD0] =	vst v6  }
0x235: {  	v6 =	vld.idx.msk [tilespmem:v7+s21+$0x0], $0xffff  }
0x236: {  	v7 =	vld.idx.msk [tilespmem:v34+s21+$0x0], $0xffff  }
0x237: {  	v36 =	vld.idx.msk [tilespmem:v35+s21+$0x0], $0xffff;
	_ =	sdelay $0x1  }
0x238: {  	v37 =	vld [tilespmem:s2+$0xFFFFFFE0]  }
0x239: {  	v38 =	vld [tilespmem:s0+$0xFFFFFFE0];
	vm10 =	vgt.f32 v6, $0.0e+00  }
0x23a: {  	v7 =	vnsel vm10, $0x0, v7  }
0x23b: {  	s31 =	sadd.s32 $0xFFFFFF40, s29;
	[tilespmem:s30+$0xFFFFFEE0] =	vst v7;
	v7 =	vnsel vm10, $0x0, v36  }
0x23c: {  	v6 =	vnsel vm10, $0x0, v6;
	[tilespmem:s30+$0xFFFFFF60] =	vst v7;
	v7 =	vadd.s32 s31, v2  }
0x23d: {  	v39 =	vadd.s32 s31, v0;
	[tilespmem:s30+$0xFFFFFFE0] =	vst v6;
	v6 =	vnsel vm10, $0x0, v37  }
0x23e: {  	v40 =	vadd.s32 s31, v1;
	[tilespmem:s30+$0x60] =	vst v6;
	v6 =	vnsel vm10, $0x0, v38  }
0x23f: {  	[tilespmem:s30+$0xE0] =	vst v6;
	v6 =	vsel vm10, $0x1, v3  }
0x240: {  	[tilespmem:s3+$0xFFFFFFE0] =	vst v6  }
0x241: {  	v6 =	vld.idx.msk [tilespmem:v7+s21+$0x0], $0xffff  }
0x242: {  	v7 =	vld.idx.msk [tilespmem:v39+s21+$0x0], $0xffff  }
0x243: {  	v41 =	vld.idx.msk [tilespmem:v40+s21+$0x0], $0xffff;
	_ =	sdelay $0x1  }
0x244: {  	v42 =	vld [tilespmem:s2+$0xFFFFFFF0]  }
0x245: {  	v43 =	vld [tilespmem:s0+$0xFFFFFFF0];
	vm11 =	vgt.f32 v6, $0.0e+00  }
0x246: {  	v7 =	vnsel vm11, $0x0, v7  }
0x247: {  	s31 =	sadd.s32 $0xFFFFFF70, s29;
	[tilespmem:s30+$0xFFFFFEF0] =	vst v7;
	v7 =	vnsel vm11, $0x0, v41  }
0x248: {  	v6 =	vnsel vm11, $0x0, v6;
	[tilespmem:s30+$0xFFFFFF70] =	vst v7;
	v7 =	vor.u32 s31, v5  }
0x249: {  	v44 =	vor.u32 s31, v0;
	[tilespmem:s30+$0xFFFFFFF0] =	vst v6;
	v6 =	vnsel vm11, $0x0, v42  }
0x24a: {  	v45 =	vor.u32 s31, v4;
	[tilespmem:s30+$0x70] =	vst v6;
	v6 =	vnsel vm11, $0x0, v43  }
0x24b: {  	[tilespmem:s30+$0xF0] =	vst v6;
	v6 =	vsel vm11, $0x1, v3  }
0x24c: {  	[tilespmem:s3+$0xFFFFFFF0] =	vst v6  }
0x24d: {  	v6 =	vld.idx.msk [tilespmem:v7+s21+$0x0], $0xffff  }
0x24e: {  	v7 =	vld.idx.msk [tilespmem:v44+s21+$0x0], $0xffff  }
0x24f: {  	v46 =	vld.idx.msk [tilespmem:v45+s21+$0x0], $0xffff;
	_ =	sdelay $0x1  }
0x250: {  	v47 =	vld [tilespmem:s2+$0x0]  }
0x251: {  	v48 =	vld [tilespmem:s0+$0x0];
	vm12 =	vgt.f32 v6, $0.0e+00  }
0x252: {  	v7 =	vnsel vm12, $0x0, v7  }
0x253: {  	s31 =	sadd.s32 $0xFFFFFFA0, s29;
	[tilespmem:s30+$0xFFFFFF00] =	vst v7;
	v7 =	vnsel vm12, $0x0, v46  }
0x254: {  	v6 =	vnsel vm12, $0x0, v6;
	[tilespmem:s30+$0xFFFFFF80] =	vst v7;
	v7 =	vadd.s32 s31, v2  }
0x255: {  	v49 =	vadd.s32 s31, v0;
	[tilespmem:s30+$0x0] =	vst v6;
	v6 =	vnsel vm12, $0x0, v47  }
0x256: {  	v50 =	vadd.s32 s31, v1;
	[tilespmem:s30+$0x80] =	vst v6;
	v6 =	vnsel vm12, $0x0, v48  }
0x257: {  	[tilespmem:s30+$0x100] =	vst v6;
	v6 =	vsel vm12, $0x1, v3  }
0x258: {  	[tilespmem:s3+$0x0] =	vst v6  }
0x259: {  	v6 =	vld.idx.msk [tilespmem:v7+s21+$0x0], $0xffff  }
0x25a: {  	v7 =	vld.idx.msk [tilespmem:v49+s21+$0x0], $0xffff  }
0x25b: {  	v51 =	vld.idx.msk [tilespmem:v50+s21+$0x0], $0xffff;
	_ =	sdelay $0x1  }
0x25c: {  	v52 =	vld [tilespmem:s2+$0x10]  }
0x25d: {  	v53 =	vld [tilespmem:s0+$0x10];
	vm13 =	vgt.f32 v6, $0.0e+00  }
0x25e: {  	v7 =	vnsel vm13, $0x0, v7  }
0x25f: {  	s31 =	sadd.s32 $0xFFFFFFD0, s29;
	[tilespmem:s30+$0xFFFFFF10] =	vst v7;
	v7 =	vnsel vm13, $0x0, v51  }
0x260: {  	v6 =	vnsel vm13, $0x0, v6;
	[tilespmem:s30+$0xFFFFFF90] =	vst v7;
	v7 =	vadd.s32 s31, v2  }
0x261: {  	v54 =	vadd.s32 s31, v0;
	[tilespmem:s30+$0x10] =	vst v6;
	v6 =	vnsel vm13, $0x0, v52  }
0x262: {  	v55 =	vadd.s32 s31, v1;
	[tilespmem:s30+$0x90] =	vst v6;
	v6 =	vnsel vm13, $0x0, v53  }
0x263: {  	[tilespmem:s30+$0x110] =	vst v6;
	v6 =	vsel vm13, $0x1, v3  }
0x264: {  	[tilespmem:s3+$0x10] =	vst v6  }
0x265: {  	v6 =	vld.idx.msk [tilespmem:v7+s21+$0x0], $0xffff  }
0x266: {  	v7 =	vld.idx.msk [tilespmem:v54+s21+$0x0], $0xffff  }
0x267: {  	v56 =	vld.idx.msk [tilespmem:v55+s21+$0x0], $0xffff;
	_ =	sdelay $0x1  }
0x268: {  	v57 =	vld [tilespmem:s2+$0x20]  }
0x269: {  	v58 =	vld [tilespmem:s0+$0x20];
	vm14 =	vgt.f32 v6, $0.0e+00  }
0x26a: {  	v7 =	vnsel vm14, $0x0, v7  }
0x26b: {  	[tilespmem:s30+$0xFFFFFF20] =	vst v7;
	v7 =	vnsel vm14, $0x0, v56  }
0x26c: {  	v6 =	vnsel vm14, $0x0, v6;
	[tilespmem:s30+$0xFFFFFFA0] =	vst v7;
	v7 =	vadd.s32 s29, v2  }
0x26d: {  	v59 =	vadd.s32 s29, v0;
	[tilespmem:s30+$0x20] =	vst v6;
	v6 =	vnsel vm14, $0x0, v57  }
0x26e: {  	[tilespmem:s30+$0xA0] =	vst v6;
	v6 =	vnsel vm14, $0x0, v58  }
0x26f: {  	v60 =	vadd.s32 s29, v1;
	[tilespmem:s30+$0x120] =	vst v6;
	v6 =	vsel vm14, $0x1, v3  }
0x270: {  	[tilespmem:s3+$0x20] =	vst v6  }
0x271: {  	v6 =	vld.idx.msk [tilespmem:v7+s21+$0x0], $0xffff  }
0x272: {  	v7 =	vld.idx.msk [tilespmem:v59+s21+$0x0], $0xffff;
	_ =	sdelay $0x1  }
0x273: {  	v61 =	vld.idx.msk [tilespmem:v60+s21+$0x0], $0xffff  }
0x274: {  	v62 =	vld [tilespmem:s2+$0x30]  }
0x275: {  	v63 =	vld [tilespmem:s0+$0x30];
	vm15 =	vgt.f32 v6, $0.0e+00  }
0x276: {  	v7 =	vnsel vm15, $0x0, v7  }
0x277: {  	p0 =	sne.s32 s29, $0x17D0;
	v6 =	vnsel vm15, $0x0, v6;
	[tilespmem:s30+$0xFFFFFF30] =	vst v7  }
.Ltmp5:
0x278: {  	v7 =	vnsel vm15, $0x0, v61;
	[tilespmem:s30+$0x30] =	vst v6;
	(pc) =	sbr.rel @p0 .LBB2_9-.Ltmp5, $4  }
0x279: {  	v6 =	vnsel vm15, $0x0, v62;
	[tilespmem:s30+$0xFFFFFFB0] =	vst v7  }
0x27a: {  	[tilespmem:s30+$0xB0] =	vst v6;
	v6 =	vnsel vm15, $0x0, v63  }
0x27b: {  	s29 =	sadd.s32 $0x180, s29;
	s2 =	sadd.s32 $0x80, s2;
	[tilespmem:s30+$0x130] =	vst v6;
	v6 =	vsel vm15, $0x1, v3  }
0x27c: {  	s0 =	sadd.s32 $0x80, s0;
	s30 =	sadd.s32 $0x400, s30;
	[tilespmem:s3+$0x30] =	vst v6;
	s3 =	sadd.s32 $0x80, s3  }
0x27d: {  	s0 =	sshll.u32 s26, $0x8;
	s2 =	sshll.u32 s28, $0x4  }
0x27e: {  	s0 =	sand.u32 $0xFF800, s0;
	s2 =	sand.u32 $0x70, s2  }
0x27f: {  	s0 =	sor.u32 s2, s0  }
0x280: {  	s3 =	simm.s32 $0x12000;
	s2 =	sadd.s32 s4, s0  }
0x281: {  	[hbm4b:s2+s17] =	stream.strided.scatter [tilespmem:s3], [sflag:$0x8], $0x280, s23, s17, $0x38;
	[tilespmem:$0x19000] =	vst v63  }
0x282: {  	s14 =	simm.s32 $0x12400;
	s29 =	sadd.s32 $0x80, s2  }
0x283: {  	[hbm4b:s29+s17] =	stream.strided.scatter [tilespmem:s14], [sflag:$0x8], $0x280, s23, s17, $0x38;
	[tilespmem:$0x19000] =	vst v63  }
0x284: {  	s31 =	simm.s32 $0x12800;
	s30 =	sadd.s32 $0x100, s2  }
0x285: {  	[hbm4b:s30+s17] =	stream.strided.scatter [tilespmem:s31], [sflag:$0x8], $0x280, s23, s17, $0x38;
	[tilespmem:$0x19000] =	vst v63  }
0x286: {  	s28 =	sadd.s32 $0x180, s2;
	s29 =	simm.s32 $0x12C00  }
0x287: {  	[hbm4b:s28+s17] =	stream.strided.scatter [tilespmem:s29], [sflag:$0x8], $0x280, s23, s17, $0x38;
	[tilespmem:$0x19000] =	vst v63  }
0x288: {  	s30 =	sadd.s32 $0x200, s2;
	s31 =	simm.s32 $0x13000  }
0x289: {  	[hbm4b:s30+s17] =	stream.strided.scatter [tilespmem:s31], [sflag:$0x8], $0x280, s23, s17, $0x38;
	[tilespmem:$0x19000] =	vst v63  }
0x28a: {  	s28 =	sadd.s32 $0x280, s2;
	s29 =	simm.s32 $0x13400  }
0x28b: {  	[hbm4b:s28+s17] =	stream.strided.scatter [tilespmem:s29], [sflag:$0x8], $0x280, s23, s17, $0x38;
	[tilespmem:$0x19000] =	vst v63  }
0x28c: {  	s30 =	sadd.s32 $0x300, s2;
	s31 =	simm.s32 $0x13800  }
0x28d: {  	[hbm4b:s30+s17] =	stream.strided.scatter [tilespmem:s31], [sflag:$0x8], $0x280, s23, s17, $0x38;
	[tilespmem:$0x19000] =	vst v63  }
0x28e: {  	s28 =	sadd.s32 $0x380, s2;
	s29 =	simm.s32 $0x13C00  }
0x28f: {  	[hbm4b:s28+s17] =	stream.strided.scatter [tilespmem:s29], [sflag:$0x8], $0x280, s23, s17, $0x38;
	[tilespmem:$0x19000] =	vst v63  }
0x290: {  	s30 =	sadd.s32 $0x400, s2;
	s31 =	simm.s32 $0x14000  }
0x291: {  	[hbm4b:s30+s17] =	stream.strided.scatter [tilespmem:s31], [sflag:$0x8], $0x280, s23, s17, $0x38;
	[tilespmem:$0x19000] =	vst v63  }
0x292: {  	s28 =	sadd.s32 $0x480, s2;
	s29 =	simm.s32 $0x14400  }
0x293: {  	[hbm4b:s28+s17] =	stream.strided.scatter [tilespmem:s29], [sflag:$0x8], $0x280, s23, s17, $0x38;
	[tilespmem:$0x19000] =	vst v63  }
0x294: {  	s30 =	sadd.s32 $0x500, s2;
	s31 =	simm.s32 $0x14800  }
0x295: {  	[hbm4b:s30+s17] =	stream.strided.scatter [tilespmem:s31], [sflag:$0x8], $0x280, s23, s17, $0x38;
	[tilespmem:$0x19000] =	vst v63  }
0x296: {  	s28 =	sadd.s32 $0x580, s2  }
0x297: {  	[hbm4b:s28+s17] =	stream.strided.scatter [tilespmem:s16], [sflag:$0x8], $0x280, s23, s17, $0x38;
	[tilespmem:$0x19000] =	vst v63  }
0x298: {  	s29 =	sadd.s32 $0x600, s2  }
0x299: {  	[hbm4b:s29+s17] =	stream.strided.scatter [tilespmem:s7], [sflag:$0x8], $0x280, s23, s17, $0x38;
	[tilespmem:$0x19000] =	vst v63  }
0x29a: {  	s30 =	sadd.s32 $0x680, s2  }
0x29b: {  	[hbm4b:s30+s17] =	stream.strided.scatter [tilespmem:s10], [sflag:$0x8], $0x280, s23, s17, $0x38;
	[tilespmem:$0x19000] =	vst v63  }
0x29c: {  	s31 =	sadd.s32 $0x700, s2  }
0x29d: {  	[hbm4b:s31+s17] =	stream.strided.scatter [tilespmem:s11], [sflag:$0x8], $0x280, s23, s17, $0x38;
	[tilespmem:$0x19000] =	vst v63  }
.Ltmp6:
0x29e: {  	_ = 	snop;
	(pc) =	sbr.rel @p1 .LBB2_12-.Ltmp6, $4  }
0x29f: {  	s2 =	sadd.s32 $0x780, s2  }
0x2a0: {  	[hbm4b:s2+s17] =	stream.strided.scatter [tilespmem:s12], [sflag:$0x8], $0x280, s23, s17, $0x38;
	[tilespmem:$0x19000] =	vst v63  }
0x2a1: {  	s0 =	sadd.s32 s8, s0  }
0x2a2: {  	[hbm4b:s0+s17] =	stream.strided.scatter [tilespmem:s24], [sflag:$0x8], $0x800, s18, s17, $0x38;
	[tilespmem:$0x19000] =	vst v63  }
0x2a3: {  	s0 =	sadd.s32 $0x4, s26  }
0x2a4: {  	s2 =	sshrl.u32 s0, $0x3  }
0x2a5: {  	s0 =	sshll.u32 s0, $0x7;
	s2 =	smul.u32 $0xC000, s2  }
.Ltmp7:
0x2a6: {  	s0 =	sand.u32 $0x380, s0;
	(pc) =	sbr.rel .LBB2_2-.Ltmp7, $4  }
0x2a7: {  	s0 =	sor.u32 s0, s2  }
0x2a8: {  	s0 =	sshrl.u32 s0, $0x3  }
0x2a9: {  	s25 =	sadd.s32 $0x1, s25;
	s0 =	sadd.s32 s1, s0  }
0x2aa: {  	[tilespmem:s21], [sflag:$0x4] =	stream.strided.gather [hbm4b:s0+s17], $0x1800, s18, s17, $0x38;
	[tilespmem:$0x19000] =	vst v63  }
.LBB2_13:
0x2ab: {  	_ =	sfence.sel $0x180000  }
0x2ac: {  	[bflag:$0x0] =	sbarrier.arrive $0xFFFF  }
0x2ad: {  	_ =	strace $0x90000047  }
0x2ae: {  	s0 =	stileid.u32;
	[bflag:$0x2] =	sbarrier.arrive $0xFFFF  }
0x2af: {  	p0 =	sne.s32 s0, $0x0;
	s0 =	rddreg [dreg:$0x4]  }
0x2b0: {  	s0 =	sadd.s32 @!p0 $0x100000, s0  }
0x2b1: {  	[sflag:s0] =	ssyncadd.tile.s32 @!p0 $0x1;
	_ =	shalt  }
.Lfunc_end2:
_tile_overlayer_lowered:
.L_overlay_start_2:
0x2b2: {  	(tag) =	ssettag $0x2  }
0x2b3: {  	s0 =	rddreg [dreg:$0x0];
	s2 =	stileid.u32  }
0x2b4: {  	s1 =	rddreg [dreg:$0x1];
	p0 =	sne.s32 s2, $0x0  }
0x2b5: {  	s3 =	rddreg [dreg:$0x2];
	[bflag:$0x3] =	sbarrier.arrive $0xFFFF;
	s2 =	simm.s32 @!p0 $0x1C09  }
0x2b6: {  	[timem:s3], [sflag:s2] =	dma.local @!p0 [hbm:s0], s1  }
0x2b7: {  	s0 =	simm.s32 @!p0 $0x9  }
0x2b8: {  	_ =	swait.ge @!p0 [sflag:s0], s1  }
0x2b9: {  	s1 =	ssub.s32 @!p0 $0x0, s1;
	[sflag:s0] =	ssyncset.done @!p0 $0x0  }
0x2ba: {  	[sflag:s0] =	ssyncadd.s32 @!p0 s1  }
0x2bb: {  	[bflag:$0x3] =	sbarrier.arrive $0xFFFF  }
0x2bc: {  	_ =	shalt  }

</sc_bundles>
